<compile_context>
chip_gen: v7x
topology: tpu7x:2x2x1
jax: 0.10.2.dev20260603
libtpu: 0.0.44.dev20260713+nightly
codegen_flags: <defaults>
</compile_context>

<pallas_src>
import functools

import jax
import jax.numpy as jnp
from jax import lax
from jax.experimental import pallas as pl
from jax.experimental.pallas import tpu as pltpu
from jax.experimental.pallas import tpu_sc as plsc

_COVALENT_RADII = [
    0.2, 0.31, 0.28, 1.28, 0.96, 0.84, 0.76, 0.71, 0.66, 0.57, 0.58, 1.66,
    1.41, 1.21, 1.11, 1.07, 1.05, 1.02, 1.06, 2.03, 1.76, 1.70, 1.60, 1.53,
    1.39, 1.39, 1.32, 1.26, 1.24, 1.32, 1.22, 1.22, 1.20, 1.19, 1.20, 1.20,
    1.16, 2.20, 1.95, 1.90, 1.75, 1.64, 1.54, 1.47, 1.46, 1.42, 1.39, 1.45,
    1.44, 1.42, 1.39, 1.39, 1.38, 1.39, 1.40, 2.44, 2.15, 2.07, 2.04, 2.03,
    2.01, 1.99, 1.98, 1.98, 1.96, 1.94, 1.92, 1.92, 1.89, 1.90, 1.87, 1.87,
    1.75, 1.70, 1.62, 1.51, 1.44, 1.41, 1.36, 1.36, 1.32, 1.45, 1.46, 1.48,
    1.40, 1.50, 1.50, 2.60, 2.21, 2.15, 2.06, 2.00, 1.96,
]
_C0, _C1, _C2, _C3 = 0.1818, 0.5099, 0.2802, 0.02817

_NC, _NS = 2, 16
_NW = _NC * _NS
_PACKG = 128


def _round_up(v, m):
    return (v + m - 1) // m * m


@functools.partial(jax.jit, static_argnames=("n_real", "np_pad"))
def _zbl_sc(x, edge_index, node_attrs, ainv_tab, zfac_tab, rminv_tab,
            *, n_real, np_pad):
    E = x.shape[0]
    NE = node_attrs.shape[1]
    NP = np_pad
    SLICE = NP // _NW
    PSL = SLICE // 8
    CH = 2048
    NCHT = E // CH
    NCHQ, REM = divmod(NCHT, _NW)
    MAXCH = NCHQ + (1 if REM else 0)
    MAXCH += MAXCH % 2
    RSL = NP // _NS
    RSEG = 1600 if RSL % 1600 == 0 else RSL
    NSEG = RSL // RSEG

    N = node_attrs.shape[0]
    attrs_flat = node_attrs.reshape(N * NE)
    x_flat = x.reshape(E)

    mesh = plsc.VectorSubcoreMesh(core_axis_name="c", subcore_axis_name="s",
                                  num_cores=_NC, num_subcores=_NS)

    def body(x_hbm, ei_hbm, attrs_hbm, ainv_hbm, zfac_hbm, rminv_hbm,
             out_hbm, acc, packed, sr_buf, e_buf, x_buf,
             ainv_t, zfac_t, rminv_t, hbm_packed, hbm_parts, sem0, sem1):
        cid = lax.axis_index("c")
        sid = lax.axis_index("s")
        wid = sid * _NC + cid

        iota = lax.iota(jnp.int32, 16)
        iota8 = iota * 8
        iota10 = iota * 10

        pltpu.sync_copy(ainv_hbm, ainv_t)
        pltpu.sync_copy(zfac_hbm, zfac_t)
        pltpu.sync_copy(rminv_hbm, rminv_t)

        zf16 = jnp.zeros((16,), jnp.float32)

        @pl.loop(0, NP // 16)
        def _(i):
            acc[pl.ds(i * 16, 16)] = zf16

        for soff in (0, _NS):
            S = sid + soff

            @pl.loop(0, SLICE // 640)
            def _(pr, S=S):
                nodebase = S * SLICE + pr * 640
                for q in (0, 1, 2, 3):
                    nb = nodebase + q * 160

                    @pl.when(nb + 160 <= N)
                    def _(nb=nb, q=q):
                        pltpu.sync_copy(attrs_hbm.at[pl.ds(nb * 10, 1600)],
                                        x_buf.at[pl.ds(0, 1600)])

                        @pl.loop(0, 10, unroll=2)
                        def _(g, q=q):
                            off = g * 160
                            best = plsc.load_gather(x_buf, [iota10 + off])
                            eidx = jnp.zeros((16,), jnp.int32)
                            for j in range(1, 10):
                                vj = plsc.load_gather(x_buf, [iota10 + (off + j)])
                                m = vj > best
                                eidx = jnp.where(m, j, eidx)
                                best = jnp.where(m, vj, best)
                            e_buf[pl.ds(q * 160 + g * 16, 16)] = eidx

                @pl.loop(0, 640 // _PACKG)
                def _(it, S=S, pr=pr):
                    nbase = it * _PACKG
                    w = jnp.zeros((16,), jnp.int32)
                    for k in range(8):
                        ek = plsc.load_gather(e_buf, [iota8 + (nbase + k)])
                        w = jnp.bitwise_or(w, jnp.left_shift(ek, 4 * k))
                    packed[pl.ds(S * PSL + pr * 80 + it * 16, 16)] = w

        NPACK = NP // 8
        pbase = cid * NPACK
        for soff in (0, _NS):
            S = sid + soff
            pltpu.sync_copy(packed.at[pl.ds(S * PSL, PSL)],
                            hbm_packed.at[pl.ds(pbase + S * PSL, PSL)])
        plsc.subcore_barrier()
        pltpu.sync_copy(hbm_packed.at[pl.ds(pbase, NPACK)], packed)

        nch = jnp.where(wid < REM, NCHQ + 1, NCHQ)
        c0 = NCHQ * wid + jnp.minimum(wid, REM)

        def start(ci, slot, sem):
            b = (c0 + ci) * CH
            pltpu.async_copy(ei_hbm.at[:, pl.ds(b, CH)],
                             sr_buf.at[pl.ds(2 * slot, 2), :], sem)
            pltpu.async_copy(x_hbm.at[pl.ds(b, CH)],
                             x_buf.at[pl.ds(slot * CH, CH)], sem)

        def wait(ci, slot, sem):
            b = (c0 + ci) * CH
            pltpu.make_async_copy(ei_hbm.at[:, pl.ds(b, CH)],
                                  sr_buf.at[pl.ds(2 * slot, 2), :], sem).wait()
            pltpu.make_async_copy(x_hbm.at[pl.ds(b, CH)],
                                  x_buf.at[pl.ds(slot * CH, CH)], sem).wait()

        start(0, 0, sem0)

        @pl.loop(0, MAXCH, step=2)
        def _(ci):
            for bslot in (0, 1):
                sem = sem0 if bslot == 0 else sem1
                osem = sem1 if bslot == 0 else sem0
                cur = ci + bslot

                @pl.when(cur < nch)
                def _(cur=cur, bslot=bslot, sem=sem, osem=osem):
                    @pl.when(cur + 1 < nch)
                    def _():
                        start(cur + 1, 1 - bslot, osem)

                    wait(cur, bslot, sem)

                @pl.when(cur < nch)
                def _(cur=cur, bslot=bslot):
                    @plsc.parallel_loop(0, CH // 16, unroll=4)
                    def _(i, bslot=bslot):
                        sl = pl.ds(i * 16, 16)
                        s = sr_buf[2 * bslot, sl]
                        r = sr_buf[2 * bslot + 1, sl]
                        xv = x_buf[pl.ds(bslot * CH + i * 16, 16)]
                        ws = plsc.load_gather(packed, [lax.shift_right_logical(s, 3)])
                        wr = plsc.load_gather(packed, [lax.shift_right_logical(r, 3)])
                        shs = jnp.left_shift(jnp.bitwise_and(s, 7), 2)
                        shr = jnp.left_shift(jnp.bitwise_and(r, 7), 2)
                        eu = jnp.bitwise_and(lax.shift_right_logical(ws, shs), 15)
                        ev = jnp.bitwise_and(lax.shift_right_logical(wr, shr), 15)
                        p = jnp.bitwise_or(jnp.left_shift(eu, 4), ev)
                        ainv = plsc.load_gather(ainv_t, [p])
                        zfac = plsc.load_gather(zfac_t, [p])
                        rminv = plsc.load_gather(rminv_t, [p])
                        roa = xv * ainv
                        phi = (_C0 * jnp.exp(roa * -3.2)
                               + _C1 * jnp.exp(roa * -0.9423)
                               + _C2 * jnp.exp(roa * -0.4028)
                               + _C3 * jnp.exp(roa * -0.2016))
                        t = xv * rminv
                        t2 = t * t
                        t6 = t2 * t2 * t2
                        env = 1.0 + t6 * (-28.0 + t * (48.0 - 21.0 * t))
                        env = jnp.maximum(env, 0.0)
                        v = zfac * phi / xv * env
                        plsc.addupdate_scatter(acc, [r], v)

        rbase = sid * RSL
        pltpu.sync_copy(acc,
                        hbm_parts.at[pl.ds((cid * _NS + sid) * NP, NP)])
        plsc.subcore_barrier()

        @pl.loop(0, RSL // 16)
        def _(i):
            acc[pl.ds(rbase + i * 16, 16)] = zf16

        NRR = _NS * NSEG

        def rsrc(j):
            k = j // NSEG
            sg = j % NSEG
            return (cid * _NS + k) * NP + rbase + sg * RSEG, sg

        def rstart(j, slot, sem):
            off, _ = rsrc(j)
            pltpu.async_copy(hbm_parts.at[pl.ds(off, RSEG)],
                             x_buf.at[pl.ds(slot * RSEG, RSEG)], sem)

        def rwait(j, slot, sem):
            off, _ = rsrc(j)
            pltpu.make_async_copy(hbm_parts.at[pl.ds(off, RSEG)],
                                  x_buf.at[pl.ds(slot * RSEG, RSEG)],
                                  sem).wait()

        rstart(0, 0, sem0)

        @pl.loop(0, NRR, step=2)
        def _(j):
            for bslot in (0, 1):
                sem = sem0 if bslot == 0 else sem1
                osem = sem1 if bslot == 0 else sem0
                cur = j + bslot

                @pl.when(cur + 1 < NRR)
                def _(cur=cur, bslot=bslot, osem=osem):
                    rstart(cur + 1, 1 - bslot, osem)

                rwait(cur, bslot, sem)
                _, sg = rsrc(cur)
                segbase = rbase + sg * RSEG

                @pl.loop(0, RSEG // 16, unroll=4)
                def _(i, segbase=segbase, bslot=bslot):
                    d = pl.ds(segbase + i * 16, 16)
                    acc[d] = acc[d] + x_buf[pl.ds(bslot * RSEG + i * 16, 16)]

        pltpu.sync_copy(acc.at[pl.ds(rbase, RSL)],
                        out_hbm.at[pl.ds(cid * NP + rbase, RSL)])

    partials = pl.kernel(
        body,
        out_type=jax.ShapeDtypeStruct((2 * NP,), jnp.float32),
        mesh=mesh,
        compiler_params=pltpu.CompilerParams(needs_layout_passes=False),
        scratch_types=[
            pltpu.VMEM((NP,), jnp.float32),
            pltpu.VMEM((NP // 8,), jnp.int32),
            pltpu.VMEM((4, CH), jnp.int32),
            pltpu.VMEM((640,), jnp.int32),
            pltpu.VMEM((2 * CH,), jnp.float32),
            pltpu.VMEM((160,), jnp.float32),
            pltpu.VMEM((160,), jnp.float32),
            pltpu.VMEM((160,), jnp.float32),
            pltpu.HBM((2 * (NP // 8),), jnp.int32),
            pltpu.HBM((2 * _NS * NP,), jnp.float32),
            pltpu.SemaphoreType.DMA,
            pltpu.SemaphoreType.DMA,
        ],
    )(x_flat, edge_index, attrs_flat, ainv_tab, zfac_tab, rminv_tab)

    pr = partials.reshape(2, NP // 128, 128)
    rows = NP // 128

    def add_body(a_ref, o_ref):
        o_ref[...] = a_ref[0] + a_ref[1]

    blk = 80 if rows % 80 == 0 else 8
    out = pl.pallas_call(
        add_body,
        grid=(rows // blk,),
        in_specs=[pl.BlockSpec((2, blk, 128), lambda i: (0, i, 0))],
        out_specs=pl.BlockSpec((blk, 128), lambda i: (i, 0)),
        out_shape=jax.ShapeDtypeStruct((rows, 128), jnp.float32),
    )(pr)
    return out.reshape(NP)[:n_real]


def kernel(x, node_attrs, edge_index, atomic_numbers):
    N, NE = node_attrs.shape
    E = x.shape[0]

    z = atomic_numbers.astype(jnp.float32)
    pw = jnp.power(z, jnp.float32(0.3))
    radii = jnp.asarray(_COVALENT_RADII, jnp.float32)
    rad = radii[atomic_numbers]
    ii = jnp.minimum(jnp.arange(16), NE - 1)
    pwp = pw[ii]
    zp = z[ii]
    radp = rad[ii]
    ainv_tab = ((pwp[:, None] + pwp[None, :]) / (0.4543 * 0.529)).astype(jnp.float32).reshape(256)[:160]
    zfac_tab = (0.5 * 14.3996 * zp[:, None] * zp[None, :]).astype(jnp.float32).reshape(256)[:160]
    rminv_tab = (1.0 / (radp[:, None] + radp[None, :])).astype(jnp.float32).reshape(256)[:160]

    attrs_in = node_attrs
    if N % 160:
        attrs_in = jnp.pad(node_attrs, ((0, 160 - N % 160), (0, 0)))
    NP = _round_up(N, _NW * 640)

    return _zbl_sc(x, edge_index, attrs_in, ainv_tab,
                   zfac_tab, rminv_tab, n_real=N, np_pad=NP)

# --- scband reference (transcript-rebuilt; emitter-appended) ---
"""Pipeline reference for scband-zblbasis-14035953123660 (READ-ONLY COPY).

The authoritative reference and input builder live on the scoring server;
editing this copy changes nothing except your own understanding.
"""

import jax, jax.numpy as jnp
import numpy as np

COVALENT_RADII = jnp.array([0.2,0.31,0.28,1.28,0.96,0.84,0.76,0.71,0.66,0.57,0.58,1.66,1.41,1.21,1.11,1.07,1.05,1.02,1.06,2.03,1.76,1.70,1.60,1.53,1.39,1.39,1.32,1.26,1.24,1.32,1.22,1.22,1.20,1.19,1.20,1.20,1.16,2.20,1.95,1.90,1.75,1.64,1.54,1.47,1.46,1.42,1.39,1.45,1.44,1.42,1.39,1.39,1.38,1.39,1.40,2.44,2.15,2.07,2.04,2.03,2.01,1.99,1.98,1.98,1.96,1.94,1.92,1.92,1.89,1.90,1.87,1.87,1.75,1.70,1.62,1.51,1.44,1.41,1.36,1.36,1.32,1.45,1.46,1.48,1.40,1.50,1.50,2.60,2.21,2.15,2.06,2.00,1.96], dtype=jnp.float32)
C = jnp.array([0.1818, 0.5099, 0.2802, 0.02817], dtype=jnp.float32)
P = jnp.float32(6.0)
A_EXP = jnp.float32(0.3)
A_PREFACTOR = jnp.float32(0.4543)


def calculate_envelope(x, r_max, p):
    r_over_r_max = x / r_max
    envelope = (1.0 - (p + 1.0) * (p + 2.0) / 2.0 * jnp.power(r_over_r_max, p)
                + p * (p + 2.0) * jnp.power(r_over_r_max, p + 1)
                - p * (p + 1.0) / 2.0 * jnp.power(r_over_r_max, p + 2))
    return envelope * (x < r_max)


def setup_inputs(seed: int = 0) -> dict:
    key = jax.random.key(seed)
    k1, k2, k3, k4 = jax.random.split(key, 4)
    N = 100000
    E = 6400000
    NUM_ELEMENTS = 10
    # edge distances (strictly positive, within typical cutoff range)
    x = jax.random.uniform(k1, (E, 1), dtype=jnp.float32, minval=0.05, maxval=1.0)
    # one-hot-like node attributes (argmax picks element index)
    node_attrs = jax.random.uniform(k2, (N, NUM_ELEMENTS), dtype=jnp.float32)
    edge_index = jax.random.randint(k3, (2, E), 0, N, dtype=jnp.int32)
    atomic_numbers = jax.random.randint(k4, (NUM_ELEMENTS,), 1, 80, dtype=jnp.int32)
    return {"x": x, "node_attrs": node_attrs, "edge_index": edge_index, "atomic_numbers": atomic_numbers}


def reference(x, node_attrs, edge_index, atomic_numbers):
    sender = edge_index[0]
    receiver = edge_index[1]
    node_atomic_numbers = atomic_numbers[jnp.argmax(node_attrs, axis=1)][..., None]  # [N, 1]
    Z_u = node_atomic_numbers[sender].astype(jnp.int32)  # [E, 1]
    Z_v = node_atomic_numbers[receiver].astype(jnp.int32)  # [E, 1]
    a = A_PREFACTOR * 0.529 / (jnp.power(Z_u.astype(jnp.float32), A_EXP) + jnp.power(Z_v.astype(jnp.float32), A_EXP))
    r_over_a = x / a
    phi = (C[0] * jnp.exp(-3.2 * r_over_a)
           + C[1] * jnp.exp(-0.9423 * r_over_a)
           + C[2] * jnp.exp(-0.4028 * r_over_a)
           + C[3] * jnp.exp(-0.2016 * r_over_a))
    v_edges = 14.3996 * Z_u * Z_v / x * phi
    r_max = COVALENT_RADII[Z_u] + COVALENT_RADII[Z_v]  # [E, 1]
    envelope = calculate_envelope(x, r_max, P)
    v_edges = 0.5 * v_edges * envelope
    V_ZBL = jax.ops.segment_sum(v_edges.squeeze(-1), receiver, num_segments=node_attrs.shape[0])
    return V_ZBL

if __name__ == "__main__":
    import jax
    _d = setup_inputs()
    print(jax.jit(kernel)(*tuple(_d.values())))

</pallas_src>

<mosaic_0001>
#map = affine_map<(d0, d1) -> (0)>
#map1 = affine_map<(d0, d1) -> (0, 0)>
module attributes {stable_mosaic.version = 14 : i64} {
  func.func @body(%arg0: i32, %arg1: i32, %arg2: memref<6400000xf32, #tpu.memory_space<hbm>>, %arg3: memref<2x6400000xi32, #tpu.memory_space<hbm>>, %arg4: memref<1000000xf32, #tpu.memory_space<hbm>>, %arg5: memref<160xf32, #tpu.memory_space<hbm>>, %arg6: memref<160xf32, #tpu.memory_space<hbm>>, %arg7: memref<160xf32, #tpu.memory_space<hbm>>, %arg8: memref<204800xf32, #tpu.memory_space<hbm>>, %arg9: memref<102400xf32, #tpu.memory_space<vmem>>, %arg10: memref<12800xi32, #tpu.memory_space<vmem>>, %arg11: memref<4x2048xi32, #tpu.memory_space<vmem>>, %arg12: memref<640xi32, #tpu.memory_space<vmem>>, %arg13: memref<4096xf32, #tpu.memory_space<vmem>>, %arg14: memref<160xf32, #tpu.memory_space<vmem>>, %arg15: memref<160xf32, #tpu.memory_space<vmem>>, %arg16: memref<160xf32, #tpu.memory_space<vmem>>, %arg17: memref<25600xi32, #tpu.memory_space<hbm>>, %arg18: memref<3276800xf32, #tpu.memory_space<hbm>>, %arg19: memref<!tpu.dma_semaphore, #tpu.memory_space<semaphore_mem>>, %arg20: memref<!tpu.dma_semaphore, #tpu.memory_space<semaphore_mem>>) attributes {dimension_semantics = [#tpu.dimension_semantics<core_parallel>, #tpu.dimension_semantics<subcore_parallel>], iteration_bounds = array<i64: 2, 16>, scalar_prefetch = 0 : i64, scratch_operands = 12 : i64, tpu.core_type = #tpu.core_type<sc_vector_subcore>, window_params = [{transform_indices = #map}, {transform_indices = #map1}, {transform_indices = #map}, {transform_indices = #map}, {transform_indices = #map}, {transform_indices = #map}, {transform_indices = #map}]} {
    %mul3A = arith.constant 2 : i32
    %mul3A_0 = arith.muli %arg1, %mul3A : i32
    %add3A = arith.addi %mul3A_0, %arg0 : i32
    %iota3A = tpu.iota {dimensions = array<i32: 0>} : vector<16xi32>
    %mul3A_1 = arith.constant 8 : i32
    %mul3A_2 = vector.broadcast %mul3A_1 : i32 to vector<16xi32>
    %mul3A_3 = arith.muli %iota3A, %mul3A_2 : vector<16xi32>
    %mul3A_4 = arith.constant 10 : i32
    %mul3A_5 = vector.broadcast %mul3A_4 : i32 to vector<16xi32>
    %mul3A_6 = arith.muli %iota3A, %mul3A_5 : vector<16xi32>
    "tpu.region"() ({
      %run_scoped3A = tpu.sem_alloc : memref<!tpu.dma_semaphore, #tpu.memory_space<semaphore_mem>>
      tpu.enqueue_dma source(%arg5 : memref<160xf32, #tpu.memory_space<hbm>>) target(%arg14 : memref<160xf32, #tpu.memory_space<vmem>>) target_semaphore(%run_scoped3A : memref<!tpu.dma_semaphore, #tpu.memory_space<semaphore_mem>>)
      tpu.wait_dma2 semaphore(%run_scoped3A : memref<!tpu.dma_semaphore, #tpu.memory_space<semaphore_mem>>) src(%arg5 : memref<160xf32, #tpu.memory_space<hbm>>) dst(%arg14 : memref<160xf32, #tpu.memory_space<vmem>>)
      tpu.yield
    }) : () -> ()
    "tpu.region"() ({
      %run_scoped3A = tpu.sem_alloc : memref<!tpu.dma_semaphore, #tpu.memory_space<semaphore_mem>>
      tpu.enqueue_dma source(%arg6 : memref<160xf32, #tpu.memory_space<hbm>>) target(%arg15 : memref<160xf32, #tpu.memory_space<vmem>>) target_semaphore(%run_scoped3A : memref<!tpu.dma_semaphore, #tpu.memory_space<semaphore_mem>>)
      tpu.wait_dma2 semaphore(%run_scoped3A : memref<!tpu.dma_semaphore, #tpu.memory_space<semaphore_mem>>) src(%arg6 : memref<160xf32, #tpu.memory_space<hbm>>) dst(%arg15 : memref<160xf32, #tpu.memory_space<vmem>>)
      tpu.yield
    }) : () -> ()
    "tpu.region"() ({
      %run_scoped3A = tpu.sem_alloc : memref<!tpu.dma_semaphore, #tpu.memory_space<semaphore_mem>>
      tpu.enqueue_dma source(%arg7 : memref<160xf32, #tpu.memory_space<hbm>>) target(%arg16 : memref<160xf32, #tpu.memory_space<vmem>>) target_semaphore(%run_scoped3A : memref<!tpu.dma_semaphore, #tpu.memory_space<semaphore_mem>>)
      tpu.wait_dma2 semaphore(%run_scoped3A : memref<!tpu.dma_semaphore, #tpu.memory_space<semaphore_mem>>) src(%arg7 : memref<160xf32, #tpu.memory_space<hbm>>) dst(%arg16 : memref<160xf32, #tpu.memory_space<vmem>>)
      tpu.yield
    }) : () -> ()
    %broadcast_in_dim3A = arith.constant 0.000000e+00 : f32
    %broadcast_in_dim3A_7 = vector.broadcast %broadcast_in_dim3A : f32 to vector<16xf32>
    %scan3A = arith.constant 0 : i32
    %scan3A_8 = arith.constant 6400 : i32
    %scan3A_9 = arith.addi %scan3A, %scan3A_8 : i32
    %scan3A_10 = arith.constant 1 : i32
    scf.for %scan3A_108 = %scan3A to %scan3A_9 step %scan3A_10  : i32 {
      %mul3A_109 = arith.constant 1 : i32
      %mul3A_110 = arith.muli %scan3A_108, %mul3A_109 : i32
      %add3A_111 = arith.constant 0 : i32
      %add3A_112 = arith.addi %add3A_111, %mul3A_110 : i32
      %mul3A_113 = arith.constant 16 : i32
      %mul3A_114 = arith.muli %add3A_112, %mul3A_113 : i32
      %swap3A = arith.index_cast %mul3A_114 : i32 to index
      %swap3A_115 = tpu.vector_load %arg9[%swap3A] {strides = array<i32>} : memref<102400xf32, #tpu.memory_space<vmem>>, vector<16xf32>,
      tpu.vector_store %arg9[%swap3A], %broadcast_in_dim3A_7 {strides = array<i32>} : memref<102400xf32, #tpu.memory_space<vmem>>, vector<16xf32>,
    }
    %scan3A_11 = arith.constant 6400 : i32
    %add3A_12 = arith.constant 0 : i32
    %add3A_13 = arith.addi %arg1, %add3A_12 : i32
    %scan3A_14 = arith.constant 0 : i32
    %scan3A_15 = arith.constant 5 : i32
    %scan3A_16 = arith.addi %scan3A_14, %scan3A_15 : i32
    %scan3A_17 = arith.constant 1 : i32
    scf.for %scan3A_108 = %scan3A_14 to %scan3A_16 step %scan3A_17  : i32 {
      %mul3A_109 = arith.constant 1 : i32
      %mul3A_110 = arith.muli %scan3A_108, %mul3A_109 : i32
      %add3A_111 = arith.constant 0 : i32
      %add3A_112 = arith.addi %add3A_111, %mul3A_110 : i32
      %mul3A_113 = arith.constant 3200 : i32
      %mul3A_114 = arith.muli %add3A_13, %mul3A_113 : i32
      %mul3A_115 = arith.constant 640 : i32
      %mul3A_116 = arith.muli %add3A_112, %mul3A_115 : i32
      %add3A_117 = arith.addi %mul3A_114, %mul3A_116 : i32
      %add3A_118 = arith.constant 0 : i32
      %add3A_119 = arith.addi %add3A_117, %add3A_118 : i32
      %add3A_120 = arith.constant 160 : i32
      %add3A_121 = arith.addi %add3A_119, %add3A_120 : i32
      %le3A = arith.constant 100000 : i32
      %le3A_122 = arith.cmpi sle, %add3A_121, %le3A : i32
      %convert_element_type3A = arith.extui %le3A_122 : i1 to i32
      %cond3A = arith.constant 0 : i32
      %cond3A_123 = arith.cmpi ne, %convert_element_type3A, %cond3A : i32
      scf.if %cond3A_123 {
        %mul3A_156 = arith.constant 10 : i32
        %mul3A_157 = arith.muli %add3A_119, %mul3A_156 : i32
        "tpu.region"() ({
          %run_scoped3A = tpu.sem_alloc : memref<!tpu.dma_semaphore, #tpu.memory_space<semaphore_mem>>
          %dma_start3A_163 = arith.constant 0 : i32
          %dma_start3A_164 = tpu.memref_slice %arg13[%dma_start3A_163] : memref<4096xf32, #tpu.memory_space<vmem>> -> memref<1600xf32, #tpu.memory_space<vmem>>
          %dma_start3A_165 = tpu.memref_slice %arg4[%mul3A_157] : memref<1000000xf32, #tpu.memory_space<hbm>> -> memref<1600xf32, #tpu.memory_space<hbm>>
          %dma_start3A_166 = arith.constant 0 : i32
          %dma_start3A_167 = tpu.memref_slice %arg13[%dma_start3A_166] : memref<4096xf32, #tpu.memory_space<vmem>> -> memref<1600xf32, #tpu.memory_space<vmem>>
          %dma_start3A_168 = tpu.memref_slice %arg4[%mul3A_157] : memref<1000000xf32, #tpu.memory_space<hbm>> -> memref<1600xf32, #tpu.memory_space<hbm>>
          tpu.enqueue_dma source(%dma_start3A_168 : memref<1600xf32, #tpu.memory_space<hbm>>) target(%dma_start3A_167 : memref<1600xf32, #tpu.memory_space<vmem>>) target_semaphore(%run_scoped3A : memref<!tpu.dma_semaphore, #tpu.memory_space<semaphore_mem>>)
          %dma_wait3A = arith.constant 0 : i32
          %dma_wait3A_169 = tpu.memref_slice %arg13[%dma_wait3A] : memref<4096xf32, #tpu.memory_space<vmem>> -> memref<1600xf32, #tpu.memory_space<vmem>>
          %dma_wait3A_170 = tpu.memref_slice %arg4[%mul3A_157] : memref<1000000xf32, #tpu.memory_space<hbm>> -> memref<1600xf32, #tpu.memory_space<hbm>>
          %dma_wait3A_171 = arith.constant 0 : i32
          %dma_wait3A_172 = tpu.memref_slice %arg13[%dma_wait3A_171] : memref<4096xf32, #tpu.memory_space<vmem>> -> memref<1600xf32, #tpu.memory_space<vmem>>
          %dma_wait3A_173 = tpu.memref_slice %arg4[%mul3A_157] : memref<1000000xf32, #tpu.memory_space<hbm>> -> memref<1600xf32, #tpu.memory_space<hbm>>
          tpu.wait_dma2 semaphore(%run_scoped3A : memref<!tpu.dma_semaphore, #tpu.memory_space<semaphore_mem>>) src(%dma_wait3A_173 : memref<1600xf32, #tpu.memory_space<hbm>>) dst(%dma_wait3A_172 : memref<1600xf32, #tpu.memory_space<vmem>>)
          tpu.yield
        }) : () -> ()
        %scan3A_158 = arith.constant 0 : i32
        %scan3A_159 = arith.constant 10 : i32
        %scan3A_160 = arith.addi %scan3A_158, %scan3A_159 : i32
        %scan3A_161 = arith.constant 2 : i32
        scf.for %scan3A_163 = %scan3A_158 to %scan3A_160 step %scan3A_161  : i32 {
          %mul3A_164 = arith.constant 1 : i32
          %mul3A_165 = arith.muli %scan3A_163, %mul3A_164 : i32
          %add3A_166 = arith.constant 0 : i32
          %add3A_167 = arith.addi %add3A_166, %mul3A_165 : i32
          %mul3A_168 = arith.constant 160 : i32
          %mul3A_169 = arith.muli %add3A_167, %mul3A_168 : i32
          %add3A_170 = vector.broadcast %mul3A_169 : i32 to vector<16xi32>
          %add3A_171 = arith.addi %mul3A_6, %add3A_170 : vector<16xi32>
          %gather3A = tpu.vector_load_idx %arg13[%add3A_171] : memref<4096xf32, #tpu.memory_space<vmem>>[vector<16xi32>], vector<16xf32>,
          %broadcast_in_dim3A_172 = arith.constant 0 : i32
          %broadcast_in_dim3A_173 = vector.broadcast %broadcast_in_dim3A_172 : i32 to vector<16xi32>
          %add3A_174 = arith.constant 1 : i32
          %add3A_175 = arith.addi %mul3A_169, %add3A_174 : i32
          %add3A_176 = vector.broadcast %add3A_175 : i32 to vector<16xi32>
          %add3A_177 = arith.addi %mul3A_6, %add3A_176 : vector<16xi32>
          %gather3A_178 = tpu.vector_load_idx %arg13[%add3A_177] : memref<4096xf32, #tpu.memory_space<vmem>>[vector<16xi32>], vector<16xf32>,
          %gt3A = arith.cmpf ogt, %gather3A_178, %gather3A : vector<16xf32>
          %jit3A_179 = arith.constant 1 : i32
          %broadcast_in_dim3A_180 = vector.broadcast %jit3A_179 : i32 to vector<16xi32>
          %select_n3A_181 = arith.select %gt3A, %broadcast_in_dim3A_180, %broadcast_in_dim3A_173 : vector<16xi1>, vector<16xi32>
          %select_n3A_182 = arith.select %gt3A, %gather3A_178, %gather3A : vector<16xi1>, vector<16xf32>
          %add3A_183 = arith.constant 2 : i32
          %add3A_184 = arith.addi %mul3A_169, %add3A_183 : i32
          %add3A_185 = vector.broadcast %add3A_184 : i32 to vector<16xi32>
          %add3A_186 = arith.addi %mul3A_6, %add3A_185 : vector<16xi32>
          %gather3A_187 = tpu.vector_load_idx %arg13[%add3A_186] : memref<4096xf32, #tpu.memory_space<vmem>>[vector<16xi32>], vector<16xf32>,
          %gt3A_188 = arith.cmpf ogt, %gather3A_187, %select_n3A_182 : vector<16xf32>
          %jit3A_189 = arith.constant 2 : i32
          %broadcast_in_dim3A_190 = vector.broadcast %jit3A_189 : i32 to vector<16xi32>
          %select_n3A_191 = arith.select %gt3A_188, %broadcast_in_dim3A_190, %select_n3A_181 : vector<16xi1>, vector<16xi32>
          %select_n3A_192 = arith.select %gt3A_188, %gather3A_187, %select_n3A_182 : vector<16xi1>, vector<16xf32>
          %add3A_193 = arith.constant 3 : i32
          %add3A_194 = arith.addi %mul3A_169, %add3A_193 : i32
          %add3A_195 = vector.broadcast %add3A_194 : i32 to vector<16xi32>
          %add3A_196 = arith.addi %mul3A_6, %add3A_195 : vector<16xi32>
          %gather3A_197 = tpu.vector_load_idx %arg13[%add3A_196] : memref<4096xf32, #tpu.memory_space<vmem>>[vector<16xi32>], vector<16xf32>,
          %gt3A_198 = arith.cmpf ogt, %gather3A_197, %select_n3A_192 : vector<16xf32>
          %jit3A_199 = arith.constant 3 : i32
          %broadcast_in_dim3A_200 = vector.broadcast %jit3A_199 : i32 to vector<16xi32>
          %select_n3A_201 = arith.select %gt3A_198, %broadcast_in_dim3A_200, %select_n3A_191 : vector<16xi1>, vector<16xi32>
          %select_n3A_202 = arith.select %gt3A_198, %gather3A_197, %select_n3A_192 : vector<16xi1>, vector<16xf32>
          %add3A_203 = arith.constant 4 : i32
          %add3A_204 = arith.addi %mul3A_169, %add3A_203 : i32
          %add3A_205 = vector.broadcast %add3A_204 : i32 to vector<16xi32>
          %add3A_206 = arith.addi %mul3A_6, %add3A_205 : vector<16xi32>
          %gather3A_207 = tpu.vector_load_idx %arg13[%add3A_206] : memref<4096xf32, #tpu.memory_space<vmem>>[vector<16xi32>], vector<16xf32>,
          %gt3A_208 = arith.cmpf ogt, %gather3A_207, %select_n3A_202 : vector<16xf32>
          %jit3A_209 = arith.constant 4 : i32
          %broadcast_in_dim3A_210 = vector.broadcast %jit3A_209 : i32 to vector<16xi32>
          %select_n3A_211 = arith.select %gt3A_208, %broadcast_in_dim3A_210, %select_n3A_201 : vector<16xi1>, vector<16xi32>
          %select_n3A_212 = arith.select %gt3A_208, %gather3A_207, %select_n3A_202 : vector<16xi1>, vector<16xf32>
          %add3A_213 = arith.constant 5 : i32
          %add3A_214 = arith.addi %mul3A_169, %add3A_213 : i32
          %add3A_215 = vector.broadcast %add3A_214 : i32 to vector<16xi32>
          %add3A_216 = arith.addi %mul3A_6, %add3A_215 : vector<16xi32>
          %gather3A_217 = tpu.vector_load_idx %arg13[%add3A_216] : memref<4096xf32, #tpu.memory_space<vmem>>[vector<16xi32>], vector<16xf32>,
          %gt3A_218 = arith.cmpf ogt, %gather3A_217, %select_n3A_212 : vector<16xf32>
          %jit3A_219 = arith.constant 5 : i32
          %broadcast_in_dim3A_220 = vector.broadcast %jit3A_219 : i32 to vector<16xi32>
          %select_n3A_221 = arith.select %gt3A_218, %broadcast_in_dim3A_220, %select_n3A_211 : vector<16xi1>, vector<16xi32>
          %select_n3A_222 = arith.select %gt3A_218, %gather3A_217, %select_n3A_212 : vector<16xi1>, vector<16xf32>
          %add3A_223 = arith.constant 6 : i32
          %add3A_224 = arith.addi %mul3A_169, %add3A_223 : i32
          %add3A_225 = vector.broadcast %add3A_224 : i32 to vector<16xi32>
          %add3A_226 = arith.addi %mul3A_6, %add3A_225 : vector<16xi32>
          %gather3A_227 = tpu.vector_load_idx %arg13[%add3A_226] : memref<4096xf32, #tpu.memory_space<vmem>>[vector<16xi32>], vector<16xf32>,
          %gt3A_228 = arith.cmpf ogt, %gather3A_227, %select_n3A_222 : vector<16xf32>
          %jit3A_229 = arith.constant 6 : i32
          %broadcast_in_dim3A_230 = vector.broadcast %jit3A_229 : i32 to vector<16xi32>
          %select_n3A_231 = arith.select %gt3A_228, %broadcast_in_dim3A_230, %select_n3A_221 : vector<16xi1>, vector<16xi32>
          %select_n3A_232 = arith.select %gt3A_228, %gather3A_227, %select_n3A_222 : vector<16xi1>, vector<16xf32>
          %add3A_233 = arith.constant 7 : i32
          %add3A_234 = arith.addi %mul3A_169, %add3A_233 : i32
          %add3A_235 = vector.broadcast %add3A_234 : i32 to vector<16xi32>
          %add3A_236 = arith.addi %mul3A_6, %add3A_235 : vector<16xi32>
          %gather3A_237 = tpu.vector_load_idx %arg13[%add3A_236] : memref<4096xf32, #tpu.memory_space<vmem>>[vector<16xi32>], vector<16xf32>,
          %gt3A_238 = arith.cmpf ogt, %gather3A_237, %select_n3A_232 : vector<16xf32>
          %jit3A_239 = arith.constant 7 : i32
          %broadcast_in_dim3A_240 = vector.broadcast %jit3A_239 : i32 to vector<16xi32>
          %select_n3A_241 = arith.select %gt3A_238, %broadcast_in_dim3A_240, %select_n3A_231 : vector<16xi1>, vector<16xi32>
          %select_n3A_242 = arith.select %gt3A_238, %gather3A_237, %select_n3A_232 : vector<16xi1>, vector<16xf32>
          %add3A_243 = arith.constant 8 : i32
          %add3A_244 = arith.addi %mul3A_169, %add3A_243 : i32
          %add3A_245 = vector.broadcast %add3A_244 : i32 to vector<16xi32>
          %add3A_246 = arith.addi %mul3A_6, %add3A_245 : vector<16xi32>
          %gather3A_247 = tpu.vector_load_idx %arg13[%add3A_246] : memref<4096xf32, #tpu.memory_space<vmem>>[vector<16xi32>], vector<16xf32>,
          %gt3A_248 = arith.cmpf ogt, %gather3A_247, %select_n3A_242 : vector<16xf32>
          %jit3A_249 = arith.constant 8 : i32
          %broadcast_in_dim3A_250 = vector.broadcast %jit3A_249 : i32 to vector<16xi32>
          %select_n3A_251 = arith.select %gt3A_248, %broadcast_in_dim3A_250, %select_n3A_241 : vector<16xi1>, vector<16xi32>
          %select_n3A_252 = arith.select %gt3A_248, %gather3A_247, %select_n3A_242 : vector<16xi1>, vector<16xf32>
          %add3A_253 = arith.constant 9 : i32
          %add3A_254 = arith.addi %mul3A_169, %add3A_253 : i32
          %add3A_255 = vector.broadcast %add3A_254 : i32 to vector<16xi32>
          %add3A_256 = arith.addi %mul3A_6, %add3A_255 : vector<16xi32>
          %gather3A_257 = tpu.vector_load_idx %arg13[%add3A_256] : memref<4096xf32, #tpu.memory_space<vmem>>[vector<16xi32>], vector<16xf32>,
          %gt3A_258 = arith.cmpf ogt, %gather3A_257, %select_n3A_252 : vector<16xf32>
          %jit3A_259 = arith.constant 9 : i32
          %broadcast_in_dim3A_260 = vector.broadcast %jit3A_259 : i32 to vector<16xi32>
          %select_n3A_261 = arith.select %gt3A_258, %broadcast_in_dim3A_260, %select_n3A_251 : vector<16xi1>, vector<16xi32>
          %select_n3A_262 = arith.select %gt3A_258, %gather3A_257, %select_n3A_252 : vector<16xi1>, vector<16xf32>
          %mul3A_263 = arith.constant 16 : i32
          %mul3A_264 = arith.muli %add3A_167, %mul3A_263 : i32
          %add3A_265 = arith.constant 0 : i32
          %add3A_266 = arith.addi %add3A_265, %mul3A_264 : i32
          %swap3A = arith.index_cast %add3A_266 : i32 to index
          %swap3A_267 = tpu.vector_load %arg12[%swap3A] {strides = array<i32>} : memref<640xi32, #tpu.memory_space<vmem>>, vector<16xi32>,
          tpu.vector_store %arg12[%swap3A], %select_n3A_261 {strides = array<i32>} : memref<640xi32, #tpu.memory_space<vmem>>, vector<16xi32>,
          %scan3A_268 = arith.constant 1 : i32
          %scan3A_269 = arith.addi %scan3A_163, %scan3A_268 : i32
          %mul3A_270 = arith.constant 1 : i32
          %mul3A_271 = arith.muli %scan3A_269, %mul3A_270 : i32
          %add3A_272 = arith.constant 0 : i32
          %add3A_273 = arith.addi %add3A_272, %mul3A_271 : i32
          %mul3A_274 = arith.constant 160 : i32
          %mul3A_275 = arith.muli %add3A_273, %mul3A_274 : i32
          %add3A_276 = vector.broadcast %mul3A_275 : i32 to vector<16xi32>
          %add3A_277 = arith.addi %mul3A_6, %add3A_276 : vector<16xi32>
          %gather3A_278 = tpu.vector_load_idx %arg13[%add3A_277] : memref<4096xf32, #tpu.memory_space<vmem>>[vector<16xi32>], vector<16xf32>,
          %broadcast_in_dim3A_279 = arith.constant 0 : i32
          %broadcast_in_dim3A_280 = vector.broadcast %broadcast_in_dim3A_279 : i32 to vector<16xi32>
          %add3A_281 = arith.constant 1 : i32
          %add3A_282 = arith.addi %mul3A_275, %add3A_281 : i32
          %add3A_283 = vector.broadcast %add3A_282 : i32 to vector<16xi32>
          %add3A_284 = arith.addi %mul3A_6, %add3A_283 : vector<16xi32>
          %gather3A_285 = tpu.vector_load_idx %arg13[%add3A_284] : memref<4096xf32, #tpu.memory_space<vmem>>[vector<16xi32>], vector<16xf32>,
          %gt3A_286 = arith.cmpf ogt, %gather3A_285, %gather3A_278 : vector<16xf32>
          %jit3A_287 = arith.constant 1 : i32
          %broadcast_in_dim3A_288 = vector.broadcast %jit3A_287 : i32 to vector<16xi32>
          %select_n3A_289 = arith.select %gt3A_286, %broadcast_in_dim3A_288, %broadcast_in_dim3A_280 : vector<16xi1>, vector<16xi32>
          %select_n3A_290 = arith.select %gt3A_286, %gather3A_285, %gather3A_278 : vector<16xi1>, vector<16xf32>
          %add3A_291 = arith.constant 2 : i32
          %add3A_292 = arith.addi %mul3A_275, %add3A_291 : i32
          %add3A_293 = vector.broadcast %add3A_292 : i32 to vector<16xi32>
          %add3A_294 = arith.addi %mul3A_6, %add3A_293 : vector<16xi32>
          %gather3A_295 = tpu.vector_load_idx %arg13[%add3A_294] : memref<4096xf32, #tpu.memory_space<vmem>>[vector<16xi32>], vector<16xf32>,
          %gt3A_296 = arith.cmpf ogt, %gather3A_295, %select_n3A_290 : vector<16xf32>
          %jit3A_297 = arith.constant 2 : i32
          %broadcast_in_dim3A_298 = vector.broadcast %jit3A_297 : i32 to vector<16xi32>
          %select_n3A_299 = arith.select %gt3A_296, %broadcast_in_dim3A_298, %select_n3A_289 : vector<16xi1>, vector<16xi32>
          %select_n3A_300 = arith.select %gt3A_296, %gather3A_295, %select_n3A_290 : vector<16xi1>, vector<16xf32>
          %add3A_301 = arith.constant 3 : i32
          %add3A_302 = arith.addi %mul3A_275, %add3A_301 : i32
          %add3A_303 = vector.broadcast %add3A_302 : i32 to vector<16xi32>
          %add3A_304 = arith.addi %mul3A_6, %add3A_303 : vector<16xi32>
          %gather3A_305 = tpu.vector_load_idx %arg13[%add3A_304] : memref<4096xf32, #tpu.memory_space<vmem>>[vector<16xi32>], vector<16xf32>,
          %gt3A_306 = arith.cmpf ogt, %gather3A_305, %select_n3A_300 : vector<16xf32>
          %jit3A_307 = arith.constant 3 : i32
          %broadcast_in_dim3A_308 = vector.broadcast %jit3A_307 : i32 to vector<16xi32>
          %select_n3A_309 = arith.select %gt3A_306, %broadcast_in_dim3A_308, %select_n3A_299 : vector<16xi1>, vector<16xi32>
          %select_n3A_310 = arith.select %gt3A_306, %gather3A_305, %select_n3A_300 : vector<16xi1>, vector<16xf32>
          %add3A_311 = arith.constant 4 : i32
          %add3A_312 = arith.addi %mul3A_275, %add3A_311 : i32
          %add3A_313 = vector.broadcast %add3A_312 : i32 to vector<16xi32>
          %add3A_314 = arith.addi %mul3A_6, %add3A_313 : vector<16xi32>
          %gather3A_315 = tpu.vector_load_idx %arg13[%add3A_314] : memref<4096xf32, #tpu.memory_space<vmem>>[vector<16xi32>], vector<16xf32>,
          %gt3A_316 = arith.cmpf ogt, %gather3A_315, %select_n3A_310 : vector<16xf32>
          %jit3A_317 = arith.constant 4 : i32
          %broadcast_in_dim3A_318 = vector.broadcast %jit3A_317 : i32 to vector<16xi32>
          %select_n3A_319 = arith.select %gt3A_316, %broadcast_in_dim3A_318, %select_n3A_309 : vector<16xi1>, vector<16xi32>
          %select_n3A_320 = arith.select %gt3A_316, %gather3A_315, %select_n3A_310 : vector<16xi1>, vector<16xf32>
          %add3A_321 = arith.constant 5 : i32
          %add3A_322 = arith.addi %mul3A_275, %add3A_321 : i32
          %add3A_323 = vector.broadcast %add3A_322 : i32 to vector<16xi32>
          %add3A_324 = arith.addi %mul3A_6, %add3A_323 : vector<16xi32>
          %gather3A_325 = tpu.vector_load_idx %arg13[%add3A_324] : memref<4096xf32, #tpu.memory_space<vmem>>[vector<16xi32>], vector<16xf32>,
          %gt3A_326 = arith.cmpf ogt, %gather3A_325, %select_n3A_320 : vector<16xf32>
          %jit3A_327 = arith.constant 5 : i32
          %broadcast_in_dim3A_328 = vector.broadcast %jit3A_327 : i32 to vector<16xi32>
          %select_n3A_329 = arith.select %gt3A_326, %broadcast_in_dim3A_328, %select_n3A_319 : vector<16xi1>, vector<16xi32>
          %select_n3A_330 = arith.select %gt3A_326, %gather3A_325, %select_n3A_320 : vector<16xi1>, vector<16xf32>
          %add3A_331 = arith.constant 6 : i32
          %add3A_332 = arith.addi %mul3A_275, %add3A_331 : i32
          %add3A_333 = vector.broadcast %add3A_332 : i32 to vector<16xi32>
          %add3A_334 = arith.addi %mul3A_6, %add3A_333 : vector<16xi32>
          %gather3A_335 = tpu.vector_load_idx %arg13[%add3A_334] : memref<4096xf32, #tpu.memory_space<vmem>>[vector<16xi32>], vector<16xf32>,
          %gt3A_336 = arith.cmpf ogt, %gather3A_335, %select_n3A_330 : vector<16xf32>
          %jit3A_337 = arith.constant 6 : i32
          %broadcast_in_dim3A_338 = vector.broadcast %jit3A_337 : i32 to vector<16xi32>
          %select_n3A_339 = arith.select %gt3A_336, %broadcast_in_dim3A_338, %select_n3A_329 : vector<16xi1>, vector<16xi32>
          %select_n3A_340 = arith.select %gt3A_336, %gather3A_335, %select_n3A_330 : vector<16xi1>, vector<16xf32>
          %add3A_341 = arith.constant 7 : i32
          %add3A_342 = arith.addi %mul3A_275, %add3A_341 : i32
          %add3A_343 = vector.broadcast %add3A_342 : i32 to vector<16xi32>
          %add3A_344 = arith.addi %mul3A_6, %add3A_343 : vector<16xi32>
          %gather3A_345 = tpu.vector_load_idx %arg13[%add3A_344] : memref<4096xf32, #tpu.memory_space<vmem>>[vector<16xi32>], vector<16xf32>,
          %gt3A_346 = arith.cmpf ogt, %gather3A_345, %select_n3A_340 : vector<16xf32>
          %jit3A_347 = arith.constant 7 : i32
          %broadcast_in_dim3A_348 = vector.broadcast %jit3A_347 : i32 to vector<16xi32>
          %select_n3A_349 = arith.select %gt3A_346, %broadcast_in_dim3A_348, %select_n3A_339 : vector<16xi1>, vector<16xi32>
          %select_n3A_350 = arith.select %gt3A_346, %gather3A_345, %select_n3A_340 : vector<16xi1>, vector<16xf32>
          %add3A_351 = arith.constant 8 : i32
          %add3A_352 = arith.addi %mul3A_275, %add3A_351 : i32
          %add3A_353 = vector.broadcast %add3A_352 : i32 to vector<16xi32>
          %add3A_354 = arith.addi %mul3A_6, %add3A_353 : vector<16xi32>
          %gather3A_355 = tpu.vector_load_idx %arg13[%add3A_354] : memref<4096xf32, #tpu.memory_space<vmem>>[vector<16xi32>], vector<16xf32>,
          %gt3A_356 = arith.cmpf ogt, %gather3A_355, %select_n3A_350 : vector<16xf32>
          %jit3A_357 = arith.constant 8 : i32
          %broadcast_in_dim3A_358 = vector.broadcast %jit3A_357 : i32 to vector<16xi32>
          %select_n3A_359 = arith.select %gt3A_356, %broadcast_in_dim3A_358, %select_n3A_349 : vector<16xi1>, vector<16xi32>
          %select_n3A_360 = arith.select %gt3A_356, %gather3A_355, %select_n3A_350 : vector<16xi1>, vector<16xf32>
          %add3A_361 = arith.constant 9 : i32
          %add3A_362 = arith.addi %mul3A_275, %add3A_361 : i32
          %add3A_363 = vector.broadcast %add3A_362 : i32 to vector<16xi32>
          %add3A_364 = arith.addi %mul3A_6, %add3A_363 : vector<16xi32>
          %gather3A_365 = tpu.vector_load_idx %arg13[%add3A_364] : memref<4096xf32, #tpu.memory_space<vmem>>[vector<16xi32>], vector<16xf32>,
          %gt3A_366 = arith.cmpf ogt, %gather3A_365, %select_n3A_360 : vector<16xf32>
          %jit3A_367 = arith.constant 9 : i32
          %broadcast_in_dim3A_368 = vector.broadcast %jit3A_367 : i32 to vector<16xi32>
          %select_n3A_369 = arith.select %gt3A_366, %broadcast_in_dim3A_368, %select_n3A_359 : vector<16xi1>, vector<16xi32>
          %select_n3A_370 = arith.select %gt3A_366, %gather3A_365, %select_n3A_360 : vector<16xi1>, vector<16xf32>
          %mul3A_371 = arith.constant 16 : i32
          %mul3A_372 = arith.muli %add3A_273, %mul3A_371 : i32
          %add3A_373 = arith.constant 0 : i32
          %add3A_374 = arith.addi %add3A_373, %mul3A_372 : i32
          %swap3A_375 = arith.index_cast %add3A_374 : i32 to index
          %swap3A_376 = tpu.vector_load %arg12[%swap3A_375] {strides = array<i32>} : memref<640xi32, #tpu.memory_space<vmem>>, vector<16xi32>,
          tpu.vector_store %arg12[%swap3A_375], %select_n3A_369 {strides = array<i32>} : memref<640xi32, #tpu.memory_space<vmem>>, vector<16xi32>,
        }
        %scan3A_162 = arith.constant 10 : i32
      } else {
      }
      %add3A_124 = arith.constant 160 : i32
      %add3A_125 = arith.addi %add3A_117, %add3A_124 : i32
      %add3A_126 = arith.constant 160 : i32
      %add3A_127 = arith.addi %add3A_125, %add3A_126 : i32
      %le3A_128 = arith.constant 100000 : i32
      %le3A_129 = arith.cmpi sle, %add3A_127, %le3A_128 : i32
      %convert_element_type3A_130 = arith.extui %le3A_129 : i1 to i32
      %cond3A_131 = arith.constant 0 : i32
      %cond3A_132 = arith.cmpi ne, %convert_element_type3A_130, %cond3A_131 : i32
      scf.if %cond3A_132 {
        %mul3A_156 = arith.constant 10 : i32
        %mul3A_157 = arith.muli %add3A_125, %mul3A_156 : i32
        "tpu.region"() ({
          %run_scoped3A = tpu.sem_alloc : memref<!tpu.dma_semaphore, #tpu.memory_space<semaphore_mem>>
          %dma_start3A_163 = arith.constant 0 : i32
          %dma_start3A_164 = tpu.memref_slice %arg13[%dma_start3A_163] : memref<4096xf32, #tpu.memory_space<vmem>> -> memref<1600xf32, #tpu.memory_space<vmem>>
          %dma_start3A_165 = tpu.memref_slice %arg4[%mul3A_157] : memref<1000000xf32, #tpu.memory_space<hbm>> -> memref<1600xf32, #tpu.memory_space<hbm>>
          %dma_start3A_166 = arith.constant 0 : i32
          %dma_start3A_167 = tpu.memref_slice %arg13[%dma_start3A_166] : memref<4096xf32, #tpu.memory_space<vmem>> -> memref<1600xf32, #tpu.memory_space<vmem>>
          %dma_start3A_168 = tpu.memref_slice %arg4[%mul3A_157] : memref<1000000xf32, #tpu.memory_space<hbm>> -> memref<1600xf32, #tpu.memory_space<hbm>>
          tpu.enqueue_dma source(%dma_start3A_168 : memref<1600xf32, #tpu.memory_space<hbm>>) target(%dma_start3A_167 : memref<1600xf32, #tpu.memory_space<vmem>>) target_semaphore(%run_scoped3A : memref<!tpu.dma_semaphore, #tpu.memory_space<semaphore_mem>>)
          %dma_wait3A = arith.constant 0 : i32
          %dma_wait3A_169 = tpu.memref_slice %arg13[%dma_wait3A] : memref<4096xf32, #tpu.memory_space<vmem>> -> memref<1600xf32, #tpu.memory_space<vmem>>
          %dma_wait3A_170 = tpu.memref_slice %arg4[%mul3A_157] : memref<1000000xf32, #tpu.memory_space<hbm>> -> memref<1600xf32, #tpu.memory_space<hbm>>
          %dma_wait3A_171 = arith.constant 0 : i32
          %dma_wait3A_172 = tpu.memref_slice %arg13[%dma_wait3A_171] : memref<4096xf32, #tpu.memory_space<vmem>> -> memref<1600xf32, #tpu.memory_space<vmem>>
          %dma_wait3A_173 = tpu.memref_slice %arg4[%mul3A_157] : memref<1000000xf32, #tpu.memory_space<hbm>> -> memref<1600xf32, #tpu.memory_space<hbm>>
          tpu.wait_dma2 semaphore(%run_scoped3A : memref<!tpu.dma_semaphore, #tpu.memory_space<semaphore_mem>>) src(%dma_wait3A_173 : memref<1600xf32, #tpu.memory_space<hbm>>) dst(%dma_wait3A_172 : memref<1600xf32, #tpu.memory_space<vmem>>)
          tpu.yield
        }) : () -> ()
        %scan3A_158 = arith.constant 0 : i32
        %scan3A_159 = arith.constant 10 : i32
        %scan3A_160 = arith.addi %scan3A_158, %scan3A_159 : i32
        %scan3A_161 = arith.constant 2 : i32
        scf.for %scan3A_163 = %scan3A_158 to %scan3A_160 step %scan3A_161  : i32 {
          %mul3A_164 = arith.constant 1 : i32
          %mul3A_165 = arith.muli %scan3A_163, %mul3A_164 : i32
          %add3A_166 = arith.constant 0 : i32
          %add3A_167 = arith.addi %add3A_166, %mul3A_165 : i32
          %mul3A_168 = arith.constant 160 : i32
          %mul3A_169 = arith.muli %add3A_167, %mul3A_168 : i32
          %add3A_170 = vector.broadcast %mul3A_169 : i32 to vector<16xi32>
          %add3A_171 = arith.addi %mul3A_6, %add3A_170 : vector<16xi32>
          %gather3A = tpu.vector_load_idx %arg13[%add3A_171] : memref<4096xf32, #tpu.memory_space<vmem>>[vector<16xi32>], vector<16xf32>,
          %broadcast_in_dim3A_172 = arith.constant 0 : i32
          %broadcast_in_dim3A_173 = vector.broadcast %broadcast_in_dim3A_172 : i32 to vector<16xi32>
          %add3A_174 = arith.constant 1 : i32
          %add3A_175 = arith.addi %mul3A_169, %add3A_174 : i32
          %add3A_176 = vector.broadcast %add3A_175 : i32 to vector<16xi32>
          %add3A_177 = arith.addi %mul3A_6, %add3A_176 : vector<16xi32>
          %gather3A_178 = tpu.vector_load_idx %arg13[%add3A_177] : memref<4096xf32, #tpu.memory_space<vmem>>[vector<16xi32>], vector<16xf32>,
          %gt3A = arith.cmpf ogt, %gather3A_178, %gather3A : vector<16xf32>
          %jit3A_179 = arith.constant 1 : i32
          %broadcast_in_dim3A_180 = vector.broadcast %jit3A_179 : i32 to vector<16xi32>
          %select_n3A_181 = arith.select %gt3A, %broadcast_in_dim3A_180, %broadcast_in_dim3A_173 : vector<16xi1>, vector<16xi32>
          %select_n3A_182 = arith.select %gt3A, %gather3A_178, %gather3A : vector<16xi1>, vector<16xf32>
          %add3A_183 = arith.constant 2 : i32
          %add3A_184 = arith.addi %mul3A_169, %add3A_183 : i32
          %add3A_185 = vector.broadcast %add3A_184 : i32 to vector<16xi32>
          %add3A_186 = arith.addi %mul3A_6, %add3A_185 : vector<16xi32>
          %gather3A_187 = tpu.vector_load_idx %arg13[%add3A_186] : memref<4096xf32, #tpu.memory_space<vmem>>[vector<16xi32>], vector<16xf32>,
          %gt3A_188 = arith.cmpf ogt, %gather3A_187, %select_n3A_182 : vector<16xf32>
          %jit3A_189 = arith.constant 2 : i32
          %broadcast_in_dim3A_190 = vector.broadcast %jit3A_189 : i32 to vector<16xi32>
          %select_n3A_191 = arith.select %gt3A_188, %broadcast_in_dim3A_190, %select_n3A_181 : vector<16xi1>, vector<16xi32>
          %select_n3A_192 = arith.select %gt3A_188, %gather3A_187, %select_n3A_182 : vector<16xi1>, vector<16xf32>
          %add3A_193 = arith.constant 3 : i32
          %add3A_194 = arith.addi %mul3A_169, %add3A_193 : i32
          %add3A_195 = vector.broadcast %add3A_194 : i32 to vector<16xi32>
          %add3A_196 = arith.addi %mul3A_6, %add3A_195 : vector<16xi32>
          %gather3A_197 = tpu.vector_load_idx %arg13[%add3A_196] : memref<4096xf32, #tpu.memory_space<vmem>>[vector<16xi32>], vector<16xf32>,
          %gt3A_198 = arith.cmpf ogt, %gather3A_197, %select_n3A_192 : vector<16xf32>
          %jit3A_199 = arith.constant 3 : i32
          %broadcast_in_dim3A_200 = vector.broadcast %jit3A_199 : i32 to vector<16xi32>
          %select_n3A_201 = arith.select %gt3A_198, %broadcast_in_dim3A_200, %select_n3A_191 : vector<16xi1>, vector<16xi32>
          %select_n3A_202 = arith.select %gt3A_198, %gather3A_197, %select_n3A_192 : vector<16xi1>, vector<16xf32>
          %add3A_203 = arith.constant 4 : i32
          %add3A_204 = arith.addi %mul3A_169, %add3A_203 : i32
          %add3A_205 = vector.broadcast %add3A_204 : i32 to vector<16xi32>
          %add3A_206 = arith.addi %mul3A_6, %add3A_205 : vector<16xi32>
          %gather3A_207 = tpu.vector_load_idx %arg13[%add3A_206] : memref<4096xf32, #tpu.memory_space<vmem>>[vector<16xi32>], vector<16xf32>,
          %gt3A_208 = arith.cmpf ogt, %gather3A_207, %select_n3A_202 : vector<16xf32>
          %jit3A_209 = arith.constant 4 : i32
          %broadcast_in_dim3A_210 = vector.broadcast %jit3A_209 : i32 to vector<16xi32>
          %select_n3A_211 = arith.select %gt3A_208, %broadcast_in_dim3A_210, %select_n3A_201 : vector<16xi1>, vector<16xi32>
          %select_n3A_212 = arith.select %gt3A_208, %gather3A_207, %select_n3A_202 : vector<16xi1>, vector<16xf32>
          %add3A_213 = arith.constant 5 : i32
          %add3A_214 = arith.addi %mul3A_169, %add3A_213 : i32
          %add3A_215 = vector.broadcast %add3A_214 : i32 to vector<16xi32>
          %add3A_216 = arith.addi %mul3A_6, %add3A_215 : vector<16xi32>
          %gather3A_217 = tpu.vector_load_idx %arg13[%add3A_216] : memref<4096xf32, #tpu.memory_space<vmem>>[vector<16xi32>], vector<16xf32>,
          %gt3A_218 = arith.cmpf ogt, %gather3A_217, %select_n3A_212 : vector<16xf32>
          %jit3A_219 = arith.constant 5 : i32
          %broadcast_in_dim3A_220 = vector.broadcast %jit3A_219 : i32 to vector<16xi32>
          %select_n3A_221 = arith.select %gt3A_218, %broadcast_in_dim3A_220, %select_n3A_211 : vector<16xi1>, vector<16xi32>
          %select_n3A_222 = arith.select %gt3A_218, %gather3A_217, %select_n3A_212 : vector<16xi1>, vector<16xf32>
          %add3A_223 = arith.constant 6 : i32
          %add3A_224 = arith.addi %mul3A_169, %add3A_223 : i32
          %add3A_225 = vector.broadcast %add3A_224 : i32 to vector<16xi32>
          %add3A_226 = arith.addi %mul3A_6, %add3A_225 : vector<16xi32>
          %gather3A_227 = tpu.vector_load_idx %arg13[%add3A_226] : memref<4096xf32, #tpu.memory_space<vmem>>[vector<16xi32>], vector<16xf32>,
          %gt3A_228 = arith.cmpf ogt, %gather3A_227, %select_n3A_222 : vector<16xf32>
          %jit3A_229 = arith.constant 6 : i32
          %broadcast_in_dim3A_230 = vector.broadcast %jit3A_229 : i32 to vector<16xi32>
          %select_n3A_231 = arith.select %gt3A_228, %broadcast_in_dim3A_230, %select_n3A_221 : vector<16xi1>, vector<16xi32>
          %select_n3A_232 = arith.select %gt3A_228, %gather3A_227, %select_n3A_222 : vector<16xi1>, vector<16xf32>
          %add3A_233 = arith.constant 7 : i32
          %add3A_234 = arith.addi %mul3A_169, %add3A_233 : i32
          %add3A_235 = vector.broadcast %add3A_234 : i32 to vector<16xi32>
          %add3A_236 = arith.addi %mul3A_6, %add3A_235 : vector<16xi32>
          %gather3A_237 = tpu.vector_load_idx %arg13[%add3A_236] : memref<4096xf32, #tpu.memory_space<vmem>>[vector<16xi32>], vector<16xf32>,
          %gt3A_238 = arith.cmpf ogt, %gather3A_237, %select_n3A_232 : vector<16xf32>
          %jit3A_239 = arith.constant 7 : i32
          %broadcast_in_dim3A_240 = vector.broadcast %jit3A_239 : i32 to vector<16xi32>
          %select_n3A_241 = arith.select %gt3A_238, %broadcast_in_dim3A_240, %select_n3A_231 : vector<16xi1>, vector<16xi32>
          %select_n3A_242 = arith.select %gt3A_238, %gather3A_237, %select_n3A_232 : vector<16xi1>, vector<16xf32>
          %add3A_243 = arith.constant 8 : i32
          %add3A_244 = arith.addi %mul3A_169, %add3A_243 : i32
          %add3A_245 = vector.broadcast %add3A_244 : i32 to vector<16xi32>
          %add3A_246 = arith.addi %mul3A_6, %add3A_245 : vector<16xi32>
          %gather3A_247 = tpu.vector_load_idx %arg13[%add3A_246] : memref<4096xf32, #tpu.memory_space<vmem>>[vector<16xi32>], vector<16xf32>,
          %gt3A_248 = arith.cmpf ogt, %gather3A_247, %select_n3A_242 : vector<16xf32>
          %jit3A_249 = arith.constant 8 : i32
          %broadcast_in_dim3A_250 = vector.broadcast %jit3A_249 : i32 to vector<16xi32>
          %select_n3A_251 = arith.select %gt3A_248, %broadcast_in_dim3A_250, %select_n3A_241 : vector<16xi1>, vector<16xi32>
          %select_n3A_252 = arith.select %gt3A_248, %gather3A_247, %select_n3A_242 : vector<16xi1>, vector<16xf32>
          %add3A_253 = arith.constant 9 : i32
          %add3A_254 = arith.addi %mul3A_169, %add3A_253 : i32
          %add3A_255 = vector.broadcast %add3A_254 : i32 to vector<16xi32>
          %add3A_256 = arith.addi %mul3A_6, %add3A_255 : vector<16xi32>
          %gather3A_257 = tpu.vector_load_idx %arg13[%add3A_256] : memref<4096xf32, #tpu.memory_space<vmem>>[vector<16xi32>], vector<16xf32>,
          %gt3A_258 = arith.cmpf ogt, %gather3A_257, %select_n3A_252 : vector<16xf32>
          %jit3A_259 = arith.constant 9 : i32
          %broadcast_in_dim3A_260 = vector.broadcast %jit3A_259 : i32 to vector<16xi32>
          %select_n3A_261 = arith.select %gt3A_258, %broadcast_in_dim3A_260, %select_n3A_251 : vector<16xi1>, vector<16xi32>
          %select_n3A_262 = arith.select %gt3A_258, %gather3A_257, %select_n3A_252 : vector<16xi1>, vector<16xf32>
          %mul3A_263 = arith.constant 16 : i32
          %mul3A_264 = arith.muli %add3A_167, %mul3A_263 : i32
          %add3A_265 = arith.constant 160 : i32
          %add3A_266 = arith.addi %add3A_265, %mul3A_264 : i32
          %swap3A = arith.index_cast %add3A_266 : i32 to index
          %swap3A_267 = tpu.vector_load %arg12[%swap3A] {strides = array<i32>} : memref<640xi32, #tpu.memory_space<vmem>>, vector<16xi32>,
          tpu.vector_store %arg12[%swap3A], %select_n3A_261 {strides = array<i32>} : memref<640xi32, #tpu.memory_space<vmem>>, vector<16xi32>,
          %scan3A_268 = arith.constant 1 : i32
          %scan3A_269 = arith.addi %scan3A_163, %scan3A_268 : i32
          %mul3A_270 = arith.constant 1 : i32
          %mul3A_271 = arith.muli %scan3A_269, %mul3A_270 : i32
          %add3A_272 = arith.constant 0 : i32
          %add3A_273 = arith.addi %add3A_272, %mul3A_271 : i32
          %mul3A_274 = arith.constant 160 : i32
          %mul3A_275 = arith.muli %add3A_273, %mul3A_274 : i32
          %add3A_276 = vector.broadcast %mul3A_275 : i32 to vector<16xi32>
          %add3A_277 = arith.addi %mul3A_6, %add3A_276 : vector<16xi32>
          %gather3A_278 = tpu.vector_load_idx %arg13[%add3A_277] : memref<4096xf32, #tpu.memory_space<vmem>>[vector<16xi32>], vector<16xf32>,
          %broadcast_in_dim3A_279 = arith.constant 0 : i32
          %broadcast_in_dim3A_280 = vector.broadcast %broadcast_in_dim3A_279 : i32 to vector<16xi32>
          %add3A_281 = arith.constant 1 : i32
          %add3A_282 = arith.addi %mul3A_275, %add3A_281 : i32
          %add3A_283 = vector.broadcast %add3A_282 : i32 to vector<16xi32>
          %add3A_284 = arith.addi %mul3A_6, %add3A_283 : vector<16xi32>
          %gather3A_285 = tpu.vector_load_idx %arg13[%add3A_284] : memref<4096xf32, #tpu.memory_space<vmem>>[vector<16xi32>], vector<16xf32>,
          %gt3A_286 = arith.cmpf ogt, %gather3A_285, %gather3A_278 : vector<16xf32>
          %jit3A_287 = arith.constant 1 : i32
          %broadcast_in_dim3A_288 = vector.broadcast %jit3A_287 : i32 to vector<16xi32>
          %select_n3A_289 = arith.select %gt3A_286, %broadcast_in_dim3A_288, %broadcast_in_dim3A_280 : vector<16xi1>, vector<16xi32>
          %select_n3A_290 = arith.select %gt3A_286, %gather3A_285, %gather3A_278 : vector<16xi1>, vector<16xf32>
          %add3A_291 = arith.constant 2 : i32
          %add3A_292 = arith.addi %mul3A_275, %add3A_291 : i32
          %add3A_293 = vector.broadcast %add3A_292 : i32 to vector<16xi32>
          %add3A_294 = arith.addi %mul3A_6, %add3A_293 : vector<16xi32>
          %gather3A_295 = tpu.vector_load_idx %arg13[%add3A_294] : memref<4096xf32, #tpu.memory_space<vmem>>[vector<16xi32>], vector<16xf32>,
          %gt3A_296 = arith.cmpf ogt, %gather3A_295, %select_n3A_290 : vector<16xf32>
          %jit3A_297 = arith.constant 2 : i32
          %broadcast_in_dim3A_298 = vector.broadcast %jit3A_297 : i32 to vector<16xi32>
          %select_n3A_299 = arith.select %gt3A_296, %broadcast_in_dim3A_298, %select_n3A_289 : vector<16xi1>, vector<16xi32>
          %select_n3A_300 = arith.select %gt3A_296, %gather3A_295, %select_n3A_290 : vector<16xi1>, vector<16xf32>
          %add3A_301 = arith.constant 3 : i32
          %add3A_302 = arith.addi %mul3A_275, %add3A_301 : i32
          %add3A_303 = vector.broadcast %add3A_302 : i32 to vector<16xi32>
          %add3A_304 = arith.addi %mul3A_6, %add3A_303 : vector<16xi32>
          %gather3A_305 = tpu.vector_load_idx %arg13[%add3A_304] : memref<4096xf32, #tpu.memory_space<vmem>>[vector<16xi32>], vector<16xf32>,
          %gt3A_306 = arith.cmpf ogt, %gather3A_305, %select_n3A_300 : vector<16xf32>
          %jit3A_307 = arith.constant 3 : i32
          %broadcast_in_dim3A_308 = vector.broadcast %jit3A_307 : i32 to vector<16xi32>
          %select_n3A_309 = arith.select %gt3A_306, %broadcast_in_dim3A_308, %select_n3A_299 : vector<16xi1>, vector<16xi32>
          %select_n3A_310 = arith.select %gt3A_306, %gather3A_305, %select_n3A_300 : vector<16xi1>, vector<16xf32>
          %add3A_311 = arith.constant 4 : i32
          %add3A_312 = arith.addi %mul3A_275, %add3A_311 : i32
          %add3A_313 = vector.broadcast %add3A_312 : i32 to vector<16xi32>
          %add3A_314 = arith.addi %mul3A_6, %add3A_313 : vector<16xi32>
          %gather3A_315 = tpu.vector_load_idx %arg13[%add3A_314] : memref<4096xf32, #tpu.memory_space<vmem>>[vector<16xi32>], vector<16xf32>,
          %gt3A_316 = arith.cmpf ogt, %gather3A_315, %select_n3A_310 : vector<16xf32>
          %jit3A_317 = arith.constant 4 : i32
          %broadcast_in_dim3A_318 = vector.broadcast %jit3A_317 : i32 to vector<16xi32>
          %select_n3A_319 = arith.select %gt3A_316, %broadcast_in_dim3A_318, %select_n3A_309 : vector<16xi1>, vector<16xi32>
          %select_n3A_320 = arith.select %gt3A_316, %gather3A_315, %select_n3A_310 : vector<16xi1>, vector<16xf32>
          %add3A_321 = arith.constant 5 : i32
          %add3A_322 = arith.addi %mul3A_275, %add3A_321 : i32
          %add3A_323 = vector.broadcast %add3A_322 : i32 to vector<16xi32>
          %add3A_324 = arith.addi %mul3A_6, %add3A_323 : vector<16xi32>
          %gather3A_325 = tpu.vector_load_idx %arg13[%add3A_324] : memref<4096xf32, #tpu.memory_space<vmem>>[vector<16xi32>], vector<16xf32>,
          %gt3A_326 = arith.cmpf ogt, %gather3A_325, %select_n3A_320 : vector<16xf32>
          %jit3A_327 = arith.constant 5 : i32
          %broadcast_in_dim3A_328 = vector.broadcast %jit3A_327 : i32 to vector<16xi32>
          %select_n3A_329 = arith.select %gt3A_326, %broadcast_in_dim3A_328, %select_n3A_319 : vector<16xi1>, vector<16xi32>
          %select_n3A_330 = arith.select %gt3A_326, %gather3A_325, %select_n3A_320 : vector<16xi1>, vector<16xf32>
          %add3A_331 = arith.constant 6 : i32
          %add3A_332 = arith.addi %mul3A_275, %add3A_331 : i32
          %add3A_333 = vector.broadcast %add3A_332 : i32 to vector<16xi32>
          %add3A_334 = arith.addi %mul3A_6, %add3A_333 : vector<16xi32>
          %gather3A_335 = tpu.vector_load_idx %arg13[%add3A_334] : memref<4096xf32, #tpu.memory_space<vmem>>[vector<16xi32>], vector<16xf32>,
          %gt3A_336 = arith.cmpf ogt, %gather3A_335, %select_n3A_330 : vector<16xf32>
          %jit3A_337 = arith.constant 6 : i32
          %broadcast_in_dim3A_338 = vector.broadcast %jit3A_337 : i32 to vector<16xi32>
          %select_n3A_339 = arith.select %gt3A_336, %broadcast_in_dim3A_338, %select_n3A_329 : vector<16xi1>, vector<16xi32>
          %select_n3A_340 = arith.select %gt3A_336, %gather3A_335, %select_n3A_330 : vector<16xi1>, vector<16xf32>
          %add3A_341 = arith.constant 7 : i32
          %add3A_342 = arith.addi %mul3A_275, %add3A_341 : i32
          %add3A_343 = vector.broadcast %add3A_342 : i32 to vector<16xi32>
          %add3A_344 = arith.addi %mul3A_6, %add3A_343 : vector<16xi32>
          %gather3A_345 = tpu.vector_load_idx %arg13[%add3A_344] : memref<4096xf32, #tpu.memory_space<vmem>>[vector<16xi32>], vector<16xf32>,
          %gt3A_346 = arith.cmpf ogt, %gather3A_345, %select_n3A_340 : vector<16xf32>
          %jit3A_347 = arith.constant 7 : i32
          %broadcast_in_dim3A_348 = vector.broadcast %jit3A_347 : i32 to vector<16xi32>
          %select_n3A_349 = arith.select %gt3A_346, %broadcast_in_dim3A_348, %select_n3A_339 : vector<16xi1>, vector<16xi32>
          %select_n3A_350 = arith.select %gt3A_346, %gather3A_345, %select_n3A_340 : vector<16xi1>, vector<16xf32>
          %add3A_351 = arith.constant 8 : i32
          %add3A_352 = arith.addi %mul3A_275, %add3A_351 : i32
          %add3A_353 = vector.broadcast %add3A_352 : i32 to vector<16xi32>
          %add3A_354 = arith.addi %mul3A_6, %add3A_353 : vector<16xi32>
          %gather3A_355 = tpu.vector_load_idx %arg13[%add3A_354] : memref<4096xf32, #tpu.memory_space<vmem>>[vector<16xi32>], vector<16xf32>,
          %gt3A_356 = arith.cmpf ogt, %gather3A_355, %select_n3A_350 : vector<16xf32>
          %jit3A_357 = arith.constant 8 : i32
          %broadcast_in_dim3A_358 = vector.broadcast %jit3A_357 : i32 to vector<16xi32>
          %select_n3A_359 = arith.select %gt3A_356, %broadcast_in_dim3A_358, %select_n3A_349 : vector<16xi1>, vector<16xi32>
          %select_n3A_360 = arith.select %gt3A_356, %gather3A_355, %select_n3A_350 : vector<16xi1>, vector<16xf32>
          %add3A_361 = arith.constant 9 : i32
          %add3A_362 = arith.addi %mul3A_275, %add3A_361 : i32
          %add3A_363 = vector.broadcast %add3A_362 : i32 to vector<16xi32>
          %add3A_364 = arith.addi %mul3A_6, %add3A_363 : vector<16xi32>
          %gather3A_365 = tpu.vector_load_idx %arg13[%add3A_364] : memref<4096xf32, #tpu.memory_space<vmem>>[vector<16xi32>], vector<16xf32>,
          %gt3A_366 = arith.cmpf ogt, %gather3A_365, %select_n3A_360 : vector<16xf32>
          %jit3A_367 = arith.constant 9 : i32
          %broadcast_in_dim3A_368 = vector.broadcast %jit3A_367 : i32 to vector<16xi32>
          %select_n3A_369 = arith.select %gt3A_366, %broadcast_in_dim3A_368, %select_n3A_359 : vector<16xi1>, vector<16xi32>
          %select_n3A_370 = arith.select %gt3A_366, %gather3A_365, %select_n3A_360 : vector<16xi1>, vector<16xf32>
          %mul3A_371 = arith.constant 16 : i32
          %mul3A_372 = arith.muli %add3A_273, %mul3A_371 : i32
          %add3A_373 = arith.constant 160 : i32
          %add3A_374 = arith.addi %add3A_373, %mul3A_372 : i32
          %swap3A_375 = arith.index_cast %add3A_374 : i32 to index
          %swap3A_376 = tpu.vector_load %arg12[%swap3A_375] {strides = array<i32>} : memref<640xi32, #tpu.memory_space<vmem>>, vector<16xi32>,
          tpu.vector_store %arg12[%swap3A_375], %select_n3A_369 {strides = array<i32>} : memref<640xi32, #tpu.memory_space<vmem>>, vector<16xi32>,
        }
        %scan3A_162 = arith.constant 10 : i32
      } else {
      }
      %add3A_133 = arith.constant 320 : i32
      %add3A_134 = arith.addi %add3A_117, %add3A_133 : i32
      %add3A_135 = arith.constant 160 : i32
      %add3A_136 = arith.addi %add3A_134, %add3A_135 : i32
      %le3A_137 = arith.constant 100000 : i32
      %le3A_138 = arith.cmpi sle, %add3A_136, %le3A_137 : i32
      %convert_element_type3A_139 = arith.extui %le3A_138 : i1 to i32
      %cond3A_140 = arith.constant 0 : i32
      %cond3A_141 = arith.cmpi ne, %convert_element_type3A_139, %cond3A_140 : i32
      scf.if %cond3A_141 {
        %mul3A_156 = arith.constant 10 : i32
        %mul3A_157 = arith.muli %add3A_134, %mul3A_156 : i32
        "tpu.region"() ({
          %run_scoped3A = tpu.sem_alloc : memref<!tpu.dma_semaphore, #tpu.memory_space<semaphore_mem>>
          %dma_start3A_163 = arith.constant 0 : i32
          %dma_start3A_164 = tpu.memref_slice %arg13[%dma_start3A_163] : memref<4096xf32, #tpu.memory_space<vmem>> -> memref<1600xf32, #tpu.memory_space<vmem>>
          %dma_start3A_165 = tpu.memref_slice %arg4[%mul3A_157] : memref<1000000xf32, #tpu.memory_space<hbm>> -> memref<1600xf32, #tpu.memory_space<hbm>>
          %dma_start3A_166 = arith.constant 0 : i32
          %dma_start3A_167 = tpu.memref_slice %arg13[%dma_start3A_166] : memref<4096xf32, #tpu.memory_space<vmem>> -> memref<1600xf32, #tpu.memory_space<vmem>>
          %dma_start3A_168 = tpu.memref_slice %arg4[%mul3A_157] : memref<1000000xf32, #tpu.memory_space<hbm>> -> memref<1600xf32, #tpu.memory_space<hbm>>
          tpu.enqueue_dma source(%dma_start3A_168 : memref<1600xf32, #tpu.memory_space<hbm>>) target(%dma_start3A_167 : memref<1600xf32, #tpu.memory_space<vmem>>) target_semaphore(%run_scoped3A : memref<!tpu.dma_semaphore, #tpu.memory_space<semaphore_mem>>)
          %dma_wait3A = arith.constant 0 : i32
          %dma_wait3A_169 = tpu.memref_slice %arg13[%dma_wait3A] : memref<4096xf32, #tpu.memory_space<vmem>> -> memref<1600xf32, #tpu.memory_space<vmem>>
          %dma_wait3A_170 = tpu.memref_slice %arg4[%mul3A_157] : memref<1000000xf32, #tpu.memory_space<hbm>> -> memref<1600xf32, #tpu.memory_space<hbm>>
          %dma_wait3A_171 = arith.constant 0 : i32
          %dma_wait3A_172 = tpu.memref_slice %arg13[%dma_wait3A_171] : memref<4096xf32, #tpu.memory_space<vmem>> -> memref<1600xf32, #tpu.memory_space<vmem>>
          %dma_wait3A_173 = tpu.memref_slice %arg4[%mul3A_157] : memref<1000000xf32, #tpu.memory_space<hbm>> -> memref<1600xf32, #tpu.memory_space<hbm>>
          tpu.wait_dma2 semaphore(%run_scoped3A : memref<!tpu.dma_semaphore, #tpu.memory_space<semaphore_mem>>) src(%dma_wait3A_173 : memref<1600xf32, #tpu.memory_space<hbm>>) dst(%dma_wait3A_172 : memref<1600xf32, #tpu.memory_space<vmem>>)
          tpu.yield
        }) : () -> ()
        %scan3A_158 = arith.constant 0 : i32
        %scan3A_159 = arith.constant 10 : i32
        %scan3A_160 = arith.addi %scan3A_158, %scan3A_159 : i32
        %scan3A_161 = arith.constant 2 : i32
        scf.for %scan3A_163 = %scan3A_158 to %scan3A_160 step %scan3A_161  : i32 {
          %mul3A_164 = arith.constant 1 : i32
          %mul3A_165 = arith.muli %scan3A_163, %mul3A_164 : i32
          %add3A_166 = arith.constant 0 : i32
          %add3A_167 = arith.addi %add3A_166, %mul3A_165 : i32
          %mul3A_168 = arith.constant 160 : i32
          %mul3A_169 = arith.muli %add3A_167, %mul3A_168 : i32
          %add3A_170 = vector.broadcast %mul3A_169 : i32 to vector<16xi32>
          %add3A_171 = arith.addi %mul3A_6, %add3A_170 : vector<16xi32>
          %gather3A = tpu.vector_load_idx %arg13[%add3A_171] : memref<4096xf32, #tpu.memory_space<vmem>>[vector<16xi32>], vector<16xf32>,
          %broadcast_in_dim3A_172 = arith.constant 0 : i32
          %broadcast_in_dim3A_173 = vector.broadcast %broadcast_in_dim3A_172 : i32 to vector<16xi32>
          %add3A_174 = arith.constant 1 : i32
          %add3A_175 = arith.addi %mul3A_169, %add3A_174 : i32
          %add3A_176 = vector.broadcast %add3A_175 : i32 to vector<16xi32>
          %add3A_177 = arith.addi %mul3A_6, %add3A_176 : vector<16xi32>
          %gather3A_178 = tpu.vector_load_idx %arg13[%add3A_177] : memref<4096xf32, #tpu.memory_space<vmem>>[vector<16xi32>], vector<16xf32>,
          %gt3A = arith.cmpf ogt, %gather3A_178, %gather3A : vector<16xf32>
          %jit3A_179 = arith.constant 1 : i32
          %broadcast_in_dim3A_180 = vector.broadcast %jit3A_179 : i32 to vector<16xi32>
          %select_n3A_181 = arith.select %gt3A, %broadcast_in_dim3A_180, %broadcast_in_dim3A_173 : vector<16xi1>, vector<16xi32>
          %select_n3A_182 = arith.select %gt3A, %gather3A_178, %gather3A : vector<16xi1>, vector<16xf32>
          %add3A_183 = arith.constant 2 : i32
          %add3A_184 = arith.addi %mul3A_169, %add3A_183 : i32
          %add3A_185 = vector.broadcast %add3A_184 : i32 to vector<16xi32>
          %add3A_186 = arith.addi %mul3A_6, %add3A_185 : vector<16xi32>
          %gather3A_187 = tpu.vector_load_idx %arg13[%add3A_186] : memref<4096xf32, #tpu.memory_space<vmem>>[vector<16xi32>], vector<16xf32>,
          %gt3A_188 = arith.cmpf ogt, %gather3A_187, %select_n3A_182 : vector<16xf32>
          %jit3A_189 = arith.constant 2 : i32
          %broadcast_in_dim3A_190 = vector.broadcast %jit3A_189 : i32 to vector<16xi32>
          %select_n3A_191 = arith.select %gt3A_188, %broadcast_in_dim3A_190, %select_n3A_181 : vector<16xi1>, vector<16xi32>
          %select_n3A_192 = arith.select %gt3A_188, %gather3A_187, %select_n3A_182 : vector<16xi1>, vector<16xf32>
          %add3A_193 = arith.constant 3 : i32
          %add3A_194 = arith.addi %mul3A_169, %add3A_193 : i32
          %add3A_195 = vector.broadcast %add3A_194 : i32 to vector<16xi32>
          %add3A_196 = arith.addi %mul3A_6, %add3A_195 : vector<16xi32>
          %gather3A_197 = tpu.vector_load_idx %arg13[%add3A_196] : memref<4096xf32, #tpu.memory_space<vmem>>[vector<16xi32>], vector<16xf32>,
          %gt3A_198 = arith.cmpf ogt, %gather3A_197, %select_n3A_192 : vector<16xf32>
          %jit3A_199 = arith.constant 3 : i32
          %broadcast_in_dim3A_200 = vector.broadcast %jit3A_199 : i32 to vector<16xi32>
          %select_n3A_201 = arith.select %gt3A_198, %broadcast_in_dim3A_200, %select_n3A_191 : vector<16xi1>, vector<16xi32>
          %select_n3A_202 = arith.select %gt3A_198, %gather3A_197, %select_n3A_192 : vector<16xi1>, vector<16xf32>
          %add3A_203 = arith.constant 4 : i32
          %add3A_204 = arith.addi %mul3A_169, %add3A_203 : i32
          %add3A_205 = vector.broadcast %add3A_204 : i32 to vector<16xi32>
          %add3A_206 = arith.addi %mul3A_6, %add3A_205 : vector<16xi32>
          %gather3A_207 = tpu.vector_load_idx %arg13[%add3A_206] : memref<4096xf32, #tpu.memory_space<vmem>>[vector<16xi32>], vector<16xf32>,
          %gt3A_208 = arith.cmpf ogt, %gather3A_207, %select_n3A_202 : vector<16xf32>
          %jit3A_209 = arith.constant 4 : i32
          %broadcast_in_dim3A_210 = vector.broadcast %jit3A_209 : i32 to vector<16xi32>
          %select_n3A_211 = arith.select %gt3A_208, %broadcast_in_dim3A_210, %select_n3A_201 : vector<16xi1>, vector<16xi32>
          %select_n3A_212 = arith.select %gt3A_208, %gather3A_207, %select_n3A_202 : vector<16xi1>, vector<16xf32>
          %add3A_213 = arith.constant 5 : i32
          %add3A_214 = arith.addi %mul3A_169, %add3A_213 : i32
          %add3A_215 = vector.broadcast %add3A_214 : i32 to vector<16xi32>
          %add3A_216 = arith.addi %mul3A_6, %add3A_215 : vector<16xi32>
          %gather3A_217 = tpu.vector_load_idx %arg13[%add3A_216] : memref<4096xf32, #tpu.memory_space<vmem>>[vector<16xi32>], vector<16xf32>,
          %gt3A_218 = arith.cmpf ogt, %gather3A_217, %select_n3A_212 : vector<16xf32>
          %jit3A_219 = arith.constant 5 : i32
          %broadcast_in_dim3A_220 = vector.broadcast %jit3A_219 : i32 to vector<16xi32>
          %select_n3A_221 = arith.select %gt3A_218, %broadcast_in_dim3A_220, %select_n3A_211 : vector<16xi1>, vector<16xi32>
          %select_n3A_222 = arith.select %gt3A_218, %gather3A_217, %select_n3A_212 : vector<16xi1>, vector<16xf32>
          %add3A_223 = arith.constant 6 : i32
          %add3A_224 = arith.addi %mul3A_169, %add3A_223 : i32
          %add3A_225 = vector.broadcast %add3A_224 : i32 to vector<16xi32>
          %add3A_226 = arith.addi %mul3A_6, %add3A_225 : vector<16xi32>
          %gather3A_227 = tpu.vector_load_idx %arg13[%add3A_226] : memref<4096xf32, #tpu.memory_space<vmem>>[vector<16xi32>], vector<16xf32>,
          %gt3A_228 = arith.cmpf ogt, %gather3A_227, %select_n3A_222 : vector<16xf32>
          %jit3A_229 = arith.constant 6 : i32
          %broadcast_in_dim3A_230 = vector.broadcast %jit3A_229 : i32 to vector<16xi32>
          %select_n3A_231 = arith.select %gt3A_228, %broadcast_in_dim3A_230, %select_n3A_221 : vector<16xi1>, vector<16xi32>
          %select_n3A_232 = arith.select %gt3A_228, %gather3A_227, %select_n3A_222 : vector<16xi1>, vector<16xf32>
          %add3A_233 = arith.constant 7 : i32
          %add3A_234 = arith.addi %mul3A_169, %add3A_233 : i32
          %add3A_235 = vector.broadcast %add3A_234 : i32 to vector<16xi32>
          %add3A_236 = arith.addi %mul3A_6, %add3A_235 : vector<16xi32>
          %gather3A_237 = tpu.vector_load_idx %arg13[%add3A_236] : memref<4096xf32, #tpu.memory_space<vmem>>[vector<16xi32>], vector<16xf32>,
          %gt3A_238 = arith.cmpf ogt, %gather3A_237, %select_n3A_232 : vector<16xf32>
          %jit3A_239 = arith.constant 7 : i32
          %broadcast_in_dim3A_240 = vector.broadcast %jit3A_239 : i32 to vector<16xi32>
          %select_n3A_241 = arith.select %gt3A_238, %broadcast_in_dim3A_240, %select_n3A_231 : vector<16xi1>, vector<16xi32>
          %select_n3A_242 = arith.select %gt3A_238, %gather3A_237, %select_n3A_232 : vector<16xi1>, vector<16xf32>
          %add3A_243 = arith.constant 8 : i32
          %add3A_244 = arith.addi %mul3A_169, %add3A_243 : i32
          %add3A_245 = vector.broadcast %add3A_244 : i32 to vector<16xi32>
          %add3A_246 = arith.addi %mul3A_6, %add3A_245 : vector<16xi32>
          %gather3A_247 = tpu.vector_load_idx %arg13[%add3A_246] : memref<4096xf32, #tpu.memory_space<vmem>>[vector<16xi32>], vector<16xf32>,
          %gt3A_248 = arith.cmpf ogt, %gather3A_247, %select_n3A_242 : vector<16xf32>
          %jit3A_249 = arith.constant 8 : i32
          %broadcast_in_dim3A_250 = vector.broadcast %jit3A_249 : i32 to vector<16xi32>
          %select_n3A_251 = arith.select %gt3A_248, %broadcast_in_dim3A_250, %select_n3A_241 : vector<16xi1>, vector<16xi32>
          %select_n3A_252 = arith.select %gt3A_248, %gather3A_247, %select_n3A_242 : vector<16xi1>, vector<16xf32>
          %add3A_253 = arith.constant 9 : i32
          %add3A_254 = arith.addi %mul3A_169, %add3A_253 : i32
          %add3A_255 = vector.broadcast %add3A_254 : i32 to vector<16xi32>
          %add3A_256 = arith.addi %mul3A_6, %add3A_255 : vector<16xi32>
          %gather3A_257 = tpu.vector_load_idx %arg13[%add3A_256] : memref<4096xf32, #tpu.memory_space<vmem>>[vector<16xi32>], vector<16xf32>,
          %gt3A_258 = arith.cmpf ogt, %gather3A_257, %select_n3A_252 : vector<16xf32>
          %jit3A_259 = arith.constant 9 : i32
          %broadcast_in_dim3A_260 = vector.broadcast %jit3A_259 : i32 to vector<16xi32>
          %select_n3A_261 = arith.select %gt3A_258, %broadcast_in_dim3A_260, %select_n3A_251 : vector<16xi1>, vector<16xi32>
          %select_n3A_262 = arith.select %gt3A_258, %gather3A_257, %select_n3A_252 : vector<16xi1>, vector<16xf32>
          %mul3A_263 = arith.constant 16 : i32
          %mul3A_264 = arith.muli %add3A_167, %mul3A_263 : i32
          %add3A_265 = arith.constant 320 : i32
          %add3A_266 = arith.addi %add3A_265, %mul3A_264 : i32
          %swap3A = arith.index_cast %add3A_266 : i32 to index
          %swap3A_267 = tpu.vector_load %arg12[%swap3A] {strides = array<i32>} : memref<640xi32, #tpu.memory_space<vmem>>, vector<16xi32>,
          tpu.vector_store %arg12[%swap3A], %select_n3A_261 {strides = array<i32>} : memref<640xi32, #tpu.memory_space<vmem>>, vector<16xi32>,
          %scan3A_268 = arith.constant 1 : i32
          %scan3A_269 = arith.addi %scan3A_163, %scan3A_268 : i32
          %mul3A_270 = arith.constant 1 : i32
          %mul3A_271 = arith.muli %scan3A_269, %mul3A_270 : i32
          %add3A_272 = arith.constant 0 : i32
          %add3A_273 = arith.addi %add3A_272, %mul3A_271 : i32
          %mul3A_274 = arith.constant 160 : i32
          %mul3A_275 = arith.muli %add3A_273, %mul3A_274 : i32
          %add3A_276 = vector.broadcast %mul3A_275 : i32 to vector<16xi32>
          %add3A_277 = arith.addi %mul3A_6, %add3A_276 : vector<16xi32>
          %gather3A_278 = tpu.vector_load_idx %arg13[%add3A_277] : memref<4096xf32, #tpu.memory_space<vmem>>[vector<16xi32>], vector<16xf32>,
          %broadcast_in_dim3A_279 = arith.constant 0 : i32
          %broadcast_in_dim3A_280 = vector.broadcast %broadcast_in_dim3A_279 : i32 to vector<16xi32>
          %add3A_281 = arith.constant 1 : i32
          %add3A_282 = arith.addi %mul3A_275, %add3A_281 : i32
          %add3A_283 = vector.broadcast %add3A_282 : i32 to vector<16xi32>
          %add3A_284 = arith.addi %mul3A_6, %add3A_283 : vector<16xi32>
          %gather3A_285 = tpu.vector_load_idx %arg13[%add3A_284] : memref<4096xf32, #tpu.memory_space<vmem>>[vector<16xi32>], vector<16xf32>,
          %gt3A_286 = arith.cmpf ogt, %gather3A_285, %gather3A_278 : vector<16xf32>
          %jit3A_287 = arith.constant 1 : i32
          %broadcast_in_dim3A_288 = vector.broadcast %jit3A_287 : i32 to vector<16xi32>
          %select_n3A_289 = arith.select %gt3A_286, %broadcast_in_dim3A_288, %broadcast_in_dim3A_280 : vector<16xi1>, vector<16xi32>
          %select_n3A_290 = arith.select %gt3A_286, %gather3A_285, %gather3A_278 : vector<16xi1>, vector<16xf32>
          %add3A_291 = arith.constant 2 : i32
          %add3A_292 = arith.addi %mul3A_275, %add3A_291 : i32
          %add3A_293 = vector.broadcast %add3A_292 : i32 to vector<16xi32>
          %add3A_294 = arith.addi %mul3A_6, %add3A_293 : vector<16xi32>
          %gather3A_295 = tpu.vector_load_idx %arg13[%add3A_294] : memref<4096xf32, #tpu.memory_space<vmem>>[vector<16xi32>], vector<16xf32>,
          %gt3A_296 = arith.cmpf ogt, %gather3A_295, %select_n3A_290 : vector<16xf32>
          %jit3A_297 = arith.constant 2 : i32
          %broadcast_in_dim3A_298 = vector.broadcast %jit3A_297 : i32 to vector<16xi32>
          %select_n3A_299 = arith.select %gt3A_296, %broadcast_in_dim3A_298, %select_n3A_289 : vector<16xi1>, vector<16xi32>
          %select_n3A_300 = arith.select %gt3A_296, %gather3A_295, %select_n3A_290 : vector<16xi1>, vector<16xf32>
          %add3A_301 = arith.constant 3 : i32
          %add3A_302 = arith.addi %mul3A_275, %add3A_301 : i32
          %add3A_303 = vector.broadcast %add3A_302 : i32 to vector<16xi32>
          %add3A_304 = arith.addi %mul3A_6, %add3A_303 : vector<16xi32>
          %gather3A_305 = tpu.vector_load_idx %arg13[%add3A_304] : memref<4096xf32, #tpu.memory_space<vmem>>[vector<16xi32>], vector<16xf32>,
          %gt3A_306 = arith.cmpf ogt, %gather3A_305, %select_n3A_300 : vector<16xf32>
          %jit3A_307 = arith.constant 3 : i32
          %broadcast_in_dim3A_308 = vector.broadcast %jit3A_307 : i32 to vector<16xi32>
          %select_n3A_309 = arith.select %gt3A_306, %broadcast_in_dim3A_308, %select_n3A_299 : vector<16xi1>, vector<16xi32>
          %select_n3A_310 = arith.select %gt3A_306, %gather3A_305, %select_n3A_300 : vector<16xi1>, vector<16xf32>
          %add3A_311 = arith.constant 4 : i32
          %add3A_312 = arith.addi %mul3A_275, %add3A_311 : i32
          %add3A_313 = vector.broadcast %add3A_312 : i32 to vector<16xi32>
          %add3A_314 = arith.addi %mul3A_6, %add3A_313 : vector<16xi32>
          %gather3A_315 = tpu.vector_load_idx %arg13[%add3A_314] : memref<4096xf32, #tpu.memory_space<vmem>>[vector<16xi32>], vector<16xf32>,
          %gt3A_316 = arith.cmpf ogt, %gather3A_315, %select_n3A_310 : vector<16xf32>
          %jit3A_317 = arith.constant 4 : i32
          %broadcast_in_dim3A_318 = vector.broadcast %jit3A_317 : i32 to vector<16xi32>
          %select_n3A_319 = arith.select %gt3A_316, %broadcast_in_dim3A_318, %select_n3A_309 : vector<16xi1>, vector<16xi32>
          %select_n3A_320 = arith.select %gt3A_316, %gather3A_315, %select_n3A_310 : vector<16xi1>, vector<16xf32>
          %add3A_321 = arith.constant 5 : i32
          %add3A_322 = arith.addi %mul3A_275, %add3A_321 : i32
          %add3A_323 = vector.broadcast %add3A_322 : i32 to vector<16xi32>
          %add3A_324 = arith.addi %mul3A_6, %add3A_323 : vector<16xi32>
          %gather3A_325 = tpu.vector_load_idx %arg13[%add3A_324] : memref<4096xf32, #tpu.memory_space<vmem>>[vector<16xi32>], vector<16xf32>,
          %gt3A_326 = arith.cmpf ogt, %gather3A_325, %select_n3A_320 : vector<16xf32>
          %jit3A_327 = arith.constant 5 : i32
          %broadcast_in_dim3A_328 = vector.broadcast %jit3A_327 : i32 to vector<16xi32>
          %select_n3A_329 = arith.select %gt3A_326, %broadcast_in_dim3A_328, %select_n3A_319 : vector<16xi1>, vector<16xi32>
          %select_n3A_330 = arith.select %gt3A_326, %gather3A_325, %select_n3A_320 : vector<16xi1>, vector<16xf32>
          %add3A_331 = arith.constant 6 : i32
          %add3A_332 = arith.addi %mul3A_275, %add3A_331 : i32
          %add3A_333 = vector.broadcast %add3A_332 : i32 to vector<16xi32>
          %add3A_334 = arith.addi %mul3A_6, %add3A_333 : vector<16xi32>
          %gather3A_335 = tpu.vector_load_idx %arg13[%add3A_334] : memref<4096xf32, #tpu.memory_space<vmem>>[vector<16xi32>], vector<16xf32>,
          %gt3A_336 = arith.cmpf ogt, %gather3A_335, %select_n3A_330 : vector<16xf32>
          %jit3A_337 = arith.constant 6 : i32
          %broadcast_in_dim3A_338 = vector.broadcast %jit3A_337 : i32 to vector<16xi32>
          %select_n3A_339 = arith.select %gt3A_336, %broadcast_in_dim3A_338, %select_n3A_329 : vector<16xi1>, vector<16xi32>
          %select_n3A_340 = arith.select %gt3A_336, %gather3A_335, %select_n3A_330 : vector<16xi1>, vector<16xf32>
          %add3A_341 = arith.constant 7 : i32
          %add3A_342 = arith.addi %mul3A_275, %add3A_341 : i32
          %add3A_343 = vector.broadcast %add3A_342 : i32 to vector<16xi32>
          %add3A_344 = arith.addi %mul3A_6, %add3A_343 : vector<16xi32>
          %gather3A_345 = tpu.vector_load_idx %arg13[%add3A_344] : memref<4096xf32, #tpu.memory_space<vmem>>[vector<16xi32>], vector<16xf32>,
          %gt3A_346 = arith.cmpf ogt, %gather3A_345, %select_n3A_340 : vector<16xf32>
          %jit3A_347 = arith.constant 7 : i32
          %broadcast_in_dim3A_348 = vector.broadcast %jit3A_347 : i32 to vector<16xi32>
          %select_n3A_349 = arith.select %gt3A_346, %broadcast_in_dim3A_348, %select_n3A_339 : vector<16xi1>, vector<16xi32>
          %select_n3A_350 = arith.select %gt3A_346, %gather3A_345, %select_n3A_340 : vector<16xi1>, vector<16xf32>
          %add3A_351 = arith.constant 8 : i32
          %add3A_352 = arith.addi %mul3A_275, %add3A_351 : i32
          %add3A_353 = vector.broadcast %add3A_352 : i32 to vector<16xi32>
          %add3A_354 = arith.addi %mul3A_6, %add3A_353 : vector<16xi32>
          %gather3A_355 = tpu.vector_load_idx %arg13[%add3A_354] : memref<4096xf32, #tpu.memory_space<vmem>>[vector<16xi32>], vector<16xf32>,
          %gt3A_356 = arith.cmpf ogt, %gather3A_355, %select_n3A_350 : vector<16xf32>
          %jit3A_357 = arith.constant 8 : i32
          %broadcast_in_dim3A_358 = vector.broadcast %jit3A_357 : i32 to vector<16xi32>
          %select_n3A_359 = arith.select %gt3A_356, %broadcast_in_dim3A_358, %select_n3A_349 : vector<16xi1>, vector<16xi32>
          %select_n3A_360 = arith.select %gt3A_356, %gather3A_355, %select_n3A_350 : vector<16xi1>, vector<16xf32>
          %add3A_361 = arith.constant 9 : i32
          %add3A_362 = arith.addi %mul3A_275, %add3A_361 : i32
          %add3A_363 = vector.broadcast %add3A_362 : i32 to vector<16xi32>
          %add3A_364 = arith.addi %mul3A_6, %add3A_363 : vector<16xi32>
          %gather3A_365 = tpu.vector_load_idx %arg13[%add3A_364] : memref<4096xf32, #tpu.memory_space<vmem>>[vector<16xi32>], vector<16xf32>,
          %gt3A_366 = arith.cmpf ogt, %gather3A_365, %select_n3A_360 : vector<16xf32>
          %jit3A_367 = arith.constant 9 : i32
          %broadcast_in_dim3A_368 = vector.broadcast %jit3A_367 : i32 to vector<16xi32>
          %select_n3A_369 = arith.select %gt3A_366, %broadcast_in_dim3A_368, %select_n3A_359 : vector<16xi1>, vector<16xi32>
          %select_n3A_370 = arith.select %gt3A_366, %gather3A_365, %select_n3A_360 : vector<16xi1>, vector<16xf32>
          %mul3A_371 = arith.constant 16 : i32
          %mul3A_372 = arith.muli %add3A_273, %mul3A_371 : i32
          %add3A_373 = arith.constant 320 : i32
          %add3A_374 = arith.addi %add3A_373, %mul3A_372 : i32
          %swap3A_375 = arith.index_cast %add3A_374 : i32 to index
          %swap3A_376 = tpu.vector_load %arg12[%swap3A_375] {strides = array<i32>} : memref<640xi32, #tpu.memory_space<vmem>>, vector<16xi32>,
          tpu.vector_store %arg12[%swap3A_375], %select_n3A_369 {strides = array<i32>} : memref<640xi32, #tpu.memory_space<vmem>>, vector<16xi32>,
        }
        %scan3A_162 = arith.constant 10 : i32
      } else {
      }
      %add3A_142 = arith.constant 480 : i32
      %add3A_143 = arith.addi %add3A_117, %add3A_142 : i32
      %add3A_144 = arith.constant 160 : i32
      %add3A_145 = arith.addi %add3A_143, %add3A_144 : i32
      %le3A_146 = arith.constant 100000 : i32
      %le3A_147 = arith.cmpi sle, %add3A_145, %le3A_146 : i32
      %convert_element_type3A_148 = arith.extui %le3A_147 : i1 to i32
      %cond3A_149 = arith.constant 0 : i32
      %cond3A_150 = arith.cmpi ne, %convert_element_type3A_148, %cond3A_149 : i32
      scf.if %cond3A_150 {
        %mul3A_156 = arith.constant 10 : i32
        %mul3A_157 = arith.muli %add3A_143, %mul3A_156 : i32
        "tpu.region"() ({
          %run_scoped3A = tpu.sem_alloc : memref<!tpu.dma_semaphore, #tpu.memory_space<semaphore_mem>>
          %dma_start3A_163 = arith.constant 0 : i32
          %dma_start3A_164 = tpu.memref_slice %arg13[%dma_start3A_163] : memref<4096xf32, #tpu.memory_space<vmem>> -> memref<1600xf32, #tpu.memory_space<vmem>>
          %dma_start3A_165 = tpu.memref_slice %arg4[%mul3A_157] : memref<1000000xf32, #tpu.memory_space<hbm>> -> memref<1600xf32, #tpu.memory_space<hbm>>
          %dma_start3A_166 = arith.constant 0 : i32
          %dma_start3A_167 = tpu.memref_slice %arg13[%dma_start3A_166] : memref<4096xf32, #tpu.memory_space<vmem>> -> memref<1600xf32, #tpu.memory_space<vmem>>
          %dma_start3A_168 = tpu.memref_slice %arg4[%mul3A_157] : memref<1000000xf32, #tpu.memory_space<hbm>> -> memref<1600xf32, #tpu.memory_space<hbm>>
          tpu.enqueue_dma source(%dma_start3A_168 : memref<1600xf32, #tpu.memory_space<hbm>>) target(%dma_start3A_167 : memref<1600xf32, #tpu.memory_space<vmem>>) target_semaphore(%run_scoped3A : memref<!tpu.dma_semaphore, #tpu.memory_space<semaphore_mem>>)
          %dma_wait3A = arith.constant 0 : i32
          %dma_wait3A_169 = tpu.memref_slice %arg13[%dma_wait3A] : memref<4096xf32, #tpu.memory_space<vmem>> -> memref<1600xf32, #tpu.memory_space<vmem>>
          %dma_wait3A_170 = tpu.memref_slice %arg4[%mul3A_157] : memref<1000000xf32, #tpu.memory_space<hbm>> -> memref<1600xf32, #tpu.memory_space<hbm>>
          %dma_wait3A_171 = arith.constant 0 : i32
          %dma_wait3A_172 = tpu.memref_slice %arg13[%dma_wait3A_171] : memref<4096xf32, #tpu.memory_space<vmem>> -> memref<1600xf32, #tpu.memory_space<vmem>>
          %dma_wait3A_173 = tpu.memref_slice %arg4[%mul3A_157] : memref<1000000xf32, #tpu.memory_space<hbm>> -> memref<1600xf32, #tpu.memory_space<hbm>>
          tpu.wait_dma2 semaphore(%run_scoped3A : memref<!tpu.dma_semaphore, #tpu.memory_space<semaphore_mem>>) src(%dma_wait3A_173 : memref<1600xf32, #tpu.memory_space<hbm>>) dst(%dma_wait3A_172 : memref<1600xf32, #tpu.memory_space<vmem>>)
          tpu.yield
        }) : () -> ()
        %scan3A_158 = arith.constant 0 : i32
        %scan3A_159 = arith.constant 10 : i32
        %scan3A_160 = arith.addi %scan3A_158, %scan3A_159 : i32
        %scan3A_161 = arith.constant 2 : i32
        scf.for %scan3A_163 = %scan3A_158 to %scan3A_160 step %scan3A_161  : i32 {
          %mul3A_164 = arith.constant 1 : i32
          %mul3A_165 = arith.muli %scan3A_163, %mul3A_164 : i32
          %add3A_166 = arith.constant 0 : i32
          %add3A_167 = arith.addi %add3A_166, %mul3A_165 : i32
          %mul3A_168 = arith.constant 160 : i32
          %mul3A_169 = arith.muli %add3A_167, %mul3A_168 : i32
          %add3A_170 = vector.broadcast %mul3A_169 : i32 to vector<16xi32>
          %add3A_171 = arith.addi %mul3A_6, %add3A_170 : vector<16xi32>
          %gather3A = tpu.vector_load_idx %arg13[%add3A_171] : memref<4096xf32, #tpu.memory_space<vmem>>[vector<16xi32>], vector<16xf32>,
          %broadcast_in_dim3A_172 = arith.constant 0 : i32
          %broadcast_in_dim3A_173 = vector.broadcast %broadcast_in_dim3A_172 : i32 to vector<16xi32>
          %add3A_174 = arith.constant 1 : i32
          %add3A_175 = arith.addi %mul3A_169, %add3A_174 : i32
          %add3A_176 = vector.broadcast %add3A_175 : i32 to vector<16xi32>
          %add3A_177 = arith.addi %mul3A_6, %add3A_176 : vector<16xi32>
          %gather3A_178 = tpu.vector_load_idx %arg13[%add3A_177] : memref<4096xf32, #tpu.memory_space<vmem>>[vector<16xi32>], vector<16xf32>,
          %gt3A = arith.cmpf ogt, %gather3A_178, %gather3A : vector<16xf32>
          %jit3A_179 = arith.constant 1 : i32
          %broadcast_in_dim3A_180 = vector.broadcast %jit3A_179 : i32 to vector<16xi32>
          %select_n3A_181 = arith.select %gt3A, %broadcast_in_dim3A_180, %broadcast_in_dim3A_173 : vector<16xi1>, vector<16xi32>
          %select_n3A_182 = arith.select %gt3A, %gather3A_178, %gather3A : vector<16xi1>, vector<16xf32>
          %add3A_183 = arith.constant 2 : i32
          %add3A_184 = arith.addi %mul3A_169, %add3A_183 : i32
          %add3A_185 = vector.broadcast %add3A_184 : i32 to vector<16xi32>
          %add3A_186 = arith.addi %mul3A_6, %add3A_185 : vector<16xi32>
          %gather3A_187 = tpu.vector_load_idx %arg13[%add3A_186] : memref<4096xf32, #tpu.memory_space<vmem>>[vector<16xi32>], vector<16xf32>,
          %gt3A_188 = arith.cmpf ogt, %gather3A_187, %select_n3A_182 : vector<16xf32>
          %jit3A_189 = arith.constant 2 : i32
          %broadcast_in_dim3A_190 = vector.broadcast %jit3A_189 : i32 to vector<16xi32>
          %select_n3A_191 = arith.select %gt3A_188, %broadcast_in_dim3A_190, %select_n3A_181 : vector<16xi1>, vector<16xi32>
          %select_n3A_192 = arith.select %gt3A_188, %gather3A_187, %select_n3A_182 : vector<16xi1>, vector<16xf32>
          %add3A_193 = arith.constant 3 : i32
          %add3A_194 = arith.addi %mul3A_169, %add3A_193 : i32
          %add3A_195 = vector.broadcast %add3A_194 : i32 to vector<16xi32>
          %add3A_196 = arith.addi %mul3A_6, %add3A_195 : vector<16xi32>
          %gather3A_197 = tpu.vector_load_idx %arg13[%add3A_196] : memref<4096xf32, #tpu.memory_space<vmem>>[vector<16xi32>], vector<16xf32>,
          %gt3A_198 = arith.cmpf ogt, %gather3A_197, %select_n3A_192 : vector<16xf32>
          %jit3A_199 = arith.constant 3 : i32
          %broadcast_in_dim3A_200 = vector.broadcast %jit3A_199 : i32 to vector<16xi32>
          %select_n3A_201 = arith.select %gt3A_198, %broadcast_in_dim3A_200, %select_n3A_191 : vector<16xi1>, vector<16xi32>
          %select_n3A_202 = arith.select %gt3A_198, %gather3A_197, %select_n3A_192 : vector<16xi1>, vector<16xf32>
          %add3A_203 = arith.constant 4 : i32
          %add3A_204 = arith.addi %mul3A_169, %add3A_203 : i32
          %add3A_205 = vector.broadcast %add3A_204 : i32 to vector<16xi32>
          %add3A_206 = arith.addi %mul3A_6, %add3A_205 : vector<16xi32>
          %gather3A_207 = tpu.vector_load_idx %arg13[%add3A_206] : memref<4096xf32, #tpu.memory_space<vmem>>[vector<16xi32>], vector<16xf32>,
          %gt3A_208 = arith.cmpf ogt, %gather3A_207, %select_n3A_202 : vector<16xf32>
          %jit3A_209 = arith.constant 4 : i32
          %broadcast_in_dim3A_210 = vector.broadcast %jit3A_209 : i32 to vector<16xi32>
          %select_n3A_211 = arith.select %gt3A_208, %broadcast_in_dim3A_210, %select_n3A_201 : vector<16xi1>, vector<16xi32>
          %select_n3A_212 = arith.select %gt3A_208, %gather3A_207, %select_n3A_202 : vector<16xi1>, vector<16xf32>
          %add3A_213 = arith.constant 5 : i32
          %add3A_214 = arith.addi %mul3A_169, %add3A_213 : i32
          %add3A_215 = vector.broadcast %add3A_214 : i32 to vector<16xi32>
          %add3A_216 = arith.addi %mul3A_6, %add3A_215 : vector<16xi32>
          %gather3A_217 = tpu.vector_load_idx %arg13[%add3A_216] : memref<4096xf32, #tpu.memory_space<vmem>>[vector<16xi32>], vector<16xf32>,
          %gt3A_218 = arith.cmpf ogt, %gather3A_217, %select_n3A_212 : vector<16xf32>
          %jit3A_219 = arith.constant 5 : i32
          %broadcast_in_dim3A_220 = vector.broadcast %jit3A_219 : i32 to vector<16xi32>
          %select_n3A_221 = arith.select %gt3A_218, %broadcast_in_dim3A_220, %select_n3A_211 : vector<16xi1>, vector<16xi32>
          %select_n3A_222 = arith.select %gt3A_218, %gather3A_217, %select_n3A_212 : vector<16xi1>, vector<16xf32>
          %add3A_223 = arith.constant 6 : i32
          %add3A_224 = arith.addi %mul3A_169, %add3A_223 : i32
          %add3A_225 = vector.broadcast %add3A_224 : i32 to vector<16xi32>
          %add3A_226 = arith.addi %mul3A_6, %add3A_225 : vector<16xi32>
          %gather3A_227 = tpu.vector_load_idx %arg13[%add3A_226] : memref<4096xf32, #tpu.memory_space<vmem>>[vector<16xi32>], vector<16xf32>,
          %gt3A_228 = arith.cmpf ogt, %gather3A_227, %select_n3A_222 : vector<16xf32>
          %jit3A_229 = arith.constant 6 : i32
          %broadcast_in_dim3A_230 = vector.broadcast %jit3A_229 : i32 to vector<16xi32>
          %select_n3A_231 = arith.select %gt3A_228, %broadcast_in_dim3A_230, %select_n3A_221 : vector<16xi1>, vector<16xi32>
          %select_n3A_232 = arith.select %gt3A_228, %gather3A_227, %select_n3A_222 : vector<16xi1>, vector<16xf32>
          %add3A_233 = arith.constant 7 : i32
          %add3A_234 = arith.addi %mul3A_169, %add3A_233 : i32
          %add3A_235 = vector.broadcast %add3A_234 : i32 to vector<16xi32>
          %add3A_236 = arith.addi %mul3A_6, %add3A_235 : vector<16xi32>
          %gather3A_237 = tpu.vector_load_idx %arg13[%add3A_236] : memref<4096xf32, #tpu.memory_space<vmem>>[vector<16xi32>], vector<16xf32>,
          %gt3A_238 = arith.cmpf ogt, %gather3A_237, %select_n3A_232 : vector<16xf32>
          %jit3A_239 = arith.constant 7 : i32
          %broadcast_in_dim3A_240 = vector.broadcast %jit3A_239 : i32 to vector<16xi32>
          %select_n3A_241 = arith.select %gt3A_238, %broadcast_in_dim3A_240, %select_n3A_231 : vector<16xi1>, vector<16xi32>
          %select_n3A_242 = arith.select %gt3A_238, %gather3A_237, %select_n3A_232 : vector<16xi1>, vector<16xf32>
          %add3A_243 = arith.constant 8 : i32
          %add3A_244 = arith.addi %mul3A_169, %add3A_243 : i32
          %add3A_245 = vector.broadcast %add3A_244 : i32 to vector<16xi32>
          %add3A_246 = arith.addi %mul3A_6, %add3A_245 : vector<16xi32>
          %gather3A_247 = tpu.vector_load_idx %arg13[%add3A_246] : memref<4096xf32, #tpu.memory_space<vmem>>[vector<16xi32>], vector<16xf32>,
          %gt3A_248 = arith.cmpf ogt, %gather3A_247, %select_n3A_242 : vector<16xf32>
          %jit3A_249 = arith.constant 8 : i32
          %broadcast_in_dim3A_250 = vector.broadcast %jit3A_249 : i32 to vector<16xi32>
          %select_n3A_251 = arith.select %gt3A_248, %broadcast_in_dim3A_250, %select_n3A_241 : vector<16xi1>, vector<16xi32>
          %select_n3A_252 = arith.select %gt3A_248, %gather3A_247, %select_n3A_242 : vector<16xi1>, vector<16xf32>
          %add3A_253 = arith.constant 9 : i32
          %add3A_254 = arith.addi %mul3A_169, %add3A_253 : i32
          %add3A_255 = vector.broadcast %add3A_254 : i32 to vector<16xi32>
          %add3A_256 = arith.addi %mul3A_6, %add3A_255 : vector<16xi32>
          %gather3A_257 = tpu.vector_load_idx %arg13[%add3A_256] : memref<4096xf32, #tpu.memory_space<vmem>>[vector<16xi32>], vector<16xf32>,
          %gt3A_258 = arith.cmpf ogt, %gather3A_257, %select_n3A_252 : vector<16xf32>
          %jit3A_259 = arith.constant 9 : i32
          %broadcast_in_dim3A_260 = vector.broadcast %jit3A_259 : i32 to vector<16xi32>
          %select_n3A_261 = arith.select %gt3A_258, %broadcast_in_dim3A_260, %select_n3A_251 : vector<16xi1>, vector<16xi32>
          %select_n3A_262 = arith.select %gt3A_258, %gather3A_257, %select_n3A_252 : vector<16xi1>, vector<16xf32>
          %mul3A_263 = arith.constant 16 : i32
          %mul3A_264 = arith.muli %add3A_167, %mul3A_263 : i32
          %add3A_265 = arith.constant 480 : i32
          %add3A_266 = arith.addi %add3A_265, %mul3A_264 : i32
          %swap3A = arith.index_cast %add3A_266 : i32 to index
          %swap3A_267 = tpu.vector_load %arg12[%swap3A] {strides = array<i32>} : memref<640xi32, #tpu.memory_space<vmem>>, vector<16xi32>,
          tpu.vector_store %arg12[%swap3A], %select_n3A_261 {strides = array<i32>} : memref<640xi32, #tpu.memory_space<vmem>>, vector<16xi32>,
          %scan3A_268 = arith.constant 1 : i32
          %scan3A_269 = arith.addi %scan3A_163, %scan3A_268 : i32
          %mul3A_270 = arith.constant 1 : i32
          %mul3A_271 = arith.muli %scan3A_269, %mul3A_270 : i32
          %add3A_272 = arith.constant 0 : i32
          %add3A_273 = arith.addi %add3A_272, %mul3A_271 : i32
          %mul3A_274 = arith.constant 160 : i32
          %mul3A_275 = arith.muli %add3A_273, %mul3A_274 : i32
          %add3A_276 = vector.broadcast %mul3A_275 : i32 to vector<16xi32>
          %add3A_277 = arith.addi %mul3A_6, %add3A_276 : vector<16xi32>
          %gather3A_278 = tpu.vector_load_idx %arg13[%add3A_277] : memref<4096xf32, #tpu.memory_space<vmem>>[vector<16xi32>], vector<16xf32>,
          %broadcast_in_dim3A_279 = arith.constant 0 : i32
          %broadcast_in_dim3A_280 = vector.broadcast %broadcast_in_dim3A_279 : i32 to vector<16xi32>
          %add3A_281 = arith.constant 1 : i32
          %add3A_282 = arith.addi %mul3A_275, %add3A_281 : i32
          %add3A_283 = vector.broadcast %add3A_282 : i32 to vector<16xi32>
          %add3A_284 = arith.addi %mul3A_6, %add3A_283 : vector<16xi32>
          %gather3A_285 = tpu.vector_load_idx %arg13[%add3A_284] : memref<4096xf32, #tpu.memory_space<vmem>>[vector<16xi32>], vector<16xf32>,
          %gt3A_286 = arith.cmpf ogt, %gather3A_285, %gather3A_278 : vector<16xf32>
          %jit3A_287 = arith.constant 1 : i32
          %broadcast_in_dim3A_288 = vector.broadcast %jit3A_287 : i32 to vector<16xi32>
          %select_n3A_289 = arith.select %gt3A_286, %broadcast_in_dim3A_288, %broadcast_in_dim3A_280 : vector<16xi1>, vector<16xi32>
          %select_n3A_290 = arith.select %gt3A_286, %gather3A_285, %gather3A_278 : vector<16xi1>, vector<16xf32>
          %add3A_291 = arith.constant 2 : i32
          %add3A_292 = arith.addi %mul3A_275, %add3A_291 : i32
          %add3A_293 = vector.broadcast %add3A_292 : i32 to vector<16xi32>
          %add3A_294 = arith.addi %mul3A_6, %add3A_293 : vector<16xi32>
          %gather3A_295 = tpu.vector_load_idx %arg13[%add3A_294] : memref<4096xf32, #tpu.memory_space<vmem>>[vector<16xi32>], vector<16xf32>,
          %gt3A_296 = arith.cmpf ogt, %gather3A_295, %select_n3A_290 : vector<16xf32>
          %jit3A_297 = arith.constant 2 : i32
          %broadcast_in_dim3A_298 = vector.broadcast %jit3A_297 : i32 to vector<16xi32>
          %select_n3A_299 = arith.select %gt3A_296, %broadcast_in_dim3A_298, %select_n3A_289 : vector<16xi1>, vector<16xi32>
          %select_n3A_300 = arith.select %gt3A_296, %gather3A_295, %select_n3A_290 : vector<16xi1>, vector<16xf32>
          %add3A_301 = arith.constant 3 : i32
          %add3A_302 = arith.addi %mul3A_275, %add3A_301 : i32
          %add3A_303 = vector.broadcast %add3A_302 : i32 to vector<16xi32>
          %add3A_304 = arith.addi %mul3A_6, %add3A_303 : vector<16xi32>
          %gather3A_305 = tpu.vector_load_idx %arg13[%add3A_304] : memref<4096xf32, #tpu.memory_space<vmem>>[vector<16xi32>], vector<16xf32>,
          %gt3A_306 = arith.cmpf ogt, %gather3A_305, %select_n3A_300 : vector<16xf32>
          %jit3A_307 = arith.constant 3 : i32
          %broadcast_in_dim3A_308 = vector.broadcast %jit3A_307 : i32 to vector<16xi32>
          %select_n3A_309 = arith.select %gt3A_306, %broadcast_in_dim3A_308, %select_n3A_299 : vector<16xi1>, vector<16xi32>
          %select_n3A_310 = arith.select %gt3A_306, %gather3A_305, %select_n3A_300 : vector<16xi1>, vector<16xf32>
          %add3A_311 = arith.constant 4 : i32
          %add3A_312 = arith.addi %mul3A_275, %add3A_311 : i32
          %add3A_313 = vector.broadcast %add3A_312 : i32 to vector<16xi32>
          %add3A_314 = arith.addi %mul3A_6, %add3A_313 : vector<16xi32>
          %gather3A_315 = tpu.vector_load_idx %arg13[%add3A_314] : memref<4096xf32, #tpu.memory_space<vmem>>[vector<16xi32>], vector<16xf32>,
          %gt3A_316 = arith.cmpf ogt, %gather3A_315, %select_n3A_310 : vector<16xf32>
          %jit3A_317 = arith.constant 4 : i32
          %broadcast_in_dim3A_318 = vector.broadcast %jit3A_317 : i32 to vector<16xi32>
          %select_n3A_319 = arith.select %gt3A_316, %broadcast_in_dim3A_318, %select_n3A_309 : vector<16xi1>, vector<16xi32>
          %select_n3A_320 = arith.select %gt3A_316, %gather3A_315, %select_n3A_310 : vector<16xi1>, vector<16xf32>
          %add3A_321 = arith.constant 5 : i32
          %add3A_322 = arith.addi %mul3A_275, %add3A_321 : i32
          %add3A_323 = vector.broadcast %add3A_322 : i32 to vector<16xi32>
          %add3A_324 = arith.addi %mul3A_6, %add3A_323 : vector<16xi32>
          %gather3A_325 = tpu.vector_load_idx %arg13[%add3A_324] : memref<4096xf32, #tpu.memory_space<vmem>>[vector<16xi32>], vector<16xf32>,
          %gt3A_326 = arith.cmpf ogt, %gather3A_325, %select_n3A_320 : vector<16xf32>
          %jit3A_327 = arith.constant 5 : i32
          %broadcast_in_dim3A_328 = vector.broadcast %jit3A_327 : i32 to vector<16xi32>
          %select_n3A_329 = arith.select %gt3A_326, %broadcast_in_dim3A_328, %select_n3A_319 : vector<16xi1>, vector<16xi32>
          %select_n3A_330 = arith.select %gt3A_326, %gather3A_325, %select_n3A_320 : vector<16xi1>, vector<16xf32>
          %add3A_331 = arith.constant 6 : i32
          %add3A_332 = arith.addi %mul3A_275, %add3A_331 : i32
          %add3A_333 = vector.broadcast %add3A_332 : i32 to vector<16xi32>
          %add3A_334 = arith.addi %mul3A_6, %add3A_333 : vector<16xi32>
          %gather3A_335 = tpu.vector_load_idx %arg13[%add3A_334] : memref<4096xf32, #tpu.memory_space<vmem>>[vector<16xi32>], vector<16xf32>,
          %gt3A_336 = arith.cmpf ogt, %gather3A_335, %select_n3A_330 : vector<16xf32>
          %jit3A_337 = arith.constant 6 : i32
          %broadcast_in_dim3A_338 = vector.broadcast %jit3A_337 : i32 to vector<16xi32>
          %select_n3A_339 = arith.select %gt3A_336, %broadcast_in_dim3A_338, %select_n3A_329 : vector<16xi1>, vector<16xi32>
          %select_n3A_340 = arith.select %gt3A_336, %gather3A_335, %select_n3A_330 : vector<16xi1>, vector<16xf32>
          %add3A_341 = arith.constant 7 : i32
          %add3A_342 = arith.addi %mul3A_275, %add3A_341 : i32
          %add3A_343 = vector.broadcast %add3A_342 : i32 to vector<16xi32>
          %add3A_344 = arith.addi %mul3A_6, %add3A_343 : vector<16xi32>
          %gather3A_345 = tpu.vector_load_idx %arg13[%add3A_344] : memref<4096xf32, #tpu.memory_space<vmem>>[vector<16xi32>], vector<16xf32>,
          %gt3A_346 = arith.cmpf ogt, %gather3A_345, %select_n3A_340 : vector<16xf32>
          %jit3A_347 = arith.constant 7 : i32
          %broadcast_in_dim3A_348 = vector.broadcast %jit3A_347 : i32 to vector<16xi32>
          %select_n3A_349 = arith.select %gt3A_346, %broadcast_in_dim3A_348, %select_n3A_339 : vector<16xi1>, vector<16xi32>
          %select_n3A_350 = arith.select %gt3A_346, %gather3A_345, %select_n3A_340 : vector<16xi1>, vector<16xf32>
          %add3A_351 = arith.constant 8 : i32
          %add3A_352 = arith.addi %mul3A_275, %add3A_351 : i32
          %add3A_353 = vector.broadcast %add3A_352 : i32 to vector<16xi32>
          %add3A_354 = arith.addi %mul3A_6, %add3A_353 : vector<16xi32>
          %gather3A_355 = tpu.vector_load_idx %arg13[%add3A_354] : memref<4096xf32, #tpu.memory_space<vmem>>[vector<16xi32>], vector<16xf32>,
          %gt3A_356 = arith.cmpf ogt, %gather3A_355, %select_n3A_350 : vector<16xf32>
          %jit3A_357 = arith.constant 8 : i32
          %broadcast_in_dim3A_358 = vector.broadcast %jit3A_357 : i32 to vector<16xi32>
          %select_n3A_359 = arith.select %gt3A_356, %broadcast_in_dim3A_358, %select_n3A_349 : vector<16xi1>, vector<16xi32>
          %select_n3A_360 = arith.select %gt3A_356, %gather3A_355, %select_n3A_350 : vector<16xi1>, vector<16xf32>
          %add3A_361 = arith.constant 9 : i32
          %add3A_362 = arith.addi %mul3A_275, %add3A_361 : i32
          %add3A_363 = vector.broadcast %add3A_362 : i32 to vector<16xi32>
          %add3A_364 = arith.addi %mul3A_6, %add3A_363 : vector<16xi32>
          %gather3A_365 = tpu.vector_load_idx %arg13[%add3A_364] : memref<4096xf32, #tpu.memory_space<vmem>>[vector<16xi32>], vector<16xf32>,
          %gt3A_366 = arith.cmpf ogt, %gather3A_365, %select_n3A_360 : vector<16xf32>
          %jit3A_367 = arith.constant 9 : i32
          %broadcast_in_dim3A_368 = vector.broadcast %jit3A_367 : i32 to vector<16xi32>
          %select_n3A_369 = arith.select %gt3A_366, %broadcast_in_dim3A_368, %select_n3A_359 : vector<16xi1>, vector<16xi32>
          %select_n3A_370 = arith.select %gt3A_366, %gather3A_365, %select_n3A_360 : vector<16xi1>, vector<16xf32>
          %mul3A_371 = arith.constant 16 : i32
          %mul3A_372 = arith.muli %add3A_273, %mul3A_371 : i32
          %add3A_373 = arith.constant 480 : i32
          %add3A_374 = arith.addi %add3A_373, %mul3A_372 : i32
          %swap3A_375 = arith.index_cast %add3A_374 : i32 to index
          %swap3A_376 = tpu.vector_load %arg12[%swap3A_375] {strides = array<i32>} : memref<640xi32, #tpu.memory_space<vmem>>, vector<16xi32>,
          tpu.vector_store %arg12[%swap3A_375], %select_n3A_369 {strides = array<i32>} : memref<640xi32, #tpu.memory_space<vmem>>, vector<16xi32>,
        }
        %scan3A_162 = arith.constant 10 : i32
      } else {
      }
      %scan3A_151 = arith.constant 0 : i32
      %scan3A_152 = arith.constant 5 : i32
      %scan3A_153 = arith.addi %scan3A_151, %scan3A_152 : i32
      %scan3A_154 = arith.constant 1 : i32
      scf.for %scan3A_156 = %scan3A_151 to %scan3A_153 step %scan3A_154  : i32 {
        %mul3A_157 = arith.constant 1 : i32
        %mul3A_158 = arith.muli %scan3A_156, %mul3A_157 : i32
        %add3A_159 = arith.constant 0 : i32
        %add3A_160 = arith.addi %add3A_159, %mul3A_158 : i32
        %mul3A_161 = arith.constant 128 : i32
        %mul3A_162 = arith.muli %add3A_160, %mul3A_161 : i32
        %broadcast_in_dim3A_163 = arith.constant 0 : i32
        %broadcast_in_dim3A_164 = vector.broadcast %broadcast_in_dim3A_163 : i32 to vector<16xi32>
        %add3A_165 = arith.constant 0 : i32
        %add3A_166 = arith.addi %mul3A_162, %add3A_165 : i32
        %add3A_167 = vector.broadcast %add3A_166 : i32 to vector<16xi32>
        %add3A_168 = arith.addi %mul3A_3, %add3A_167 : vector<16xi32>
        %gather3A = tpu.vector_load_idx %arg12[%add3A_168] : memref<640xi32, #tpu.memory_space<vmem>>[vector<16xi32>], vector<16xi32>,
        %shift_left3A = arith.constant 0 : i32
        %shift_left3A_169 = vector.broadcast %shift_left3A : i32 to vector<16xi32>
        %shift_left3A_170 = arith.shli %gather3A, %shift_left3A_169 : vector<16xi32>
        %or3A = arith.ori %broadcast_in_dim3A_164, %shift_left3A_170 : vector<16xi32>
        %add3A_171 = arith.constant 1 : i32
        %add3A_172 = arith.addi %mul3A_162, %add3A_171 : i32
        %add3A_173 = vector.broadcast %add3A_172 : i32 to vector<16xi32>
        %add3A_174 = arith.addi %mul3A_3, %add3A_173 : vector<16xi32>
        %gather3A_175 = tpu.vector_load_idx %arg12[%add3A_174] : memref<640xi32, #tpu.memory_space<vmem>>[vector<16xi32>], vector<16xi32>,
        %shift_left3A_176 = arith.constant 4 : i32
        %shift_left3A_177 = vector.broadcast %shift_left3A_176 : i32 to vector<16xi32>
        %shift_left3A_178 = arith.shli %gather3A_175, %shift_left3A_177 : vector<16xi32>
        %or3A_179 = arith.ori %or3A, %shift_left3A_178 : vector<16xi32>
        %add3A_180 = arith.constant 2 : i32
        %add3A_181 = arith.addi %mul3A_162, %add3A_180 : i32
        %add3A_182 = vector.broadcast %add3A_181 : i32 to vector<16xi32>
        %add3A_183 = arith.addi %mul3A_3, %add3A_182 : vector<16xi32>
        %gather3A_184 = tpu.vector_load_idx %arg12[%add3A_183] : memref<640xi32, #tpu.memory_space<vmem>>[vector<16xi32>], vector<16xi32>,
        %shift_left3A_185 = arith.constant 8 : i32
        %shift_left3A_186 = vector.broadcast %shift_left3A_185 : i32 to vector<16xi32>
        %shift_left3A_187 = arith.shli %gather3A_184, %shift_left3A_186 : vector<16xi32>
        %or3A_188 = arith.ori %or3A_179, %shift_left3A_187 : vector<16xi32>
        %add3A_189 = arith.constant 3 : i32
        %add3A_190 = arith.addi %mul3A_162, %add3A_189 : i32
        %add3A_191 = vector.broadcast %add3A_190 : i32 to vector<16xi32>
        %add3A_192 = arith.addi %mul3A_3, %add3A_191 : vector<16xi32>
        %gather3A_193 = tpu.vector_load_idx %arg12[%add3A_192] : memref<640xi32, #tpu.memory_space<vmem>>[vector<16xi32>], vector<16xi32>,
        %shift_left3A_194 = arith.constant 12 : i32
        %shift_left3A_195 = vector.broadcast %shift_left3A_194 : i32 to vector<16xi32>
        %shift_left3A_196 = arith.shli %gather3A_193, %shift_left3A_195 : vector<16xi32>
        %or3A_197 = arith.ori %or3A_188, %shift_left3A_196 : vector<16xi32>
        %add3A_198 = arith.constant 4 : i32
        %add3A_199 = arith.addi %mul3A_162, %add3A_198 : i32
        %add3A_200 = vector.broadcast %add3A_199 : i32 to vector<16xi32>
        %add3A_201 = arith.addi %mul3A_3, %add3A_200 : vector<16xi32>
        %gather3A_202 = tpu.vector_load_idx %arg12[%add3A_201] : memref<640xi32, #tpu.memory_space<vmem>>[vector<16xi32>], vector<16xi32>,
        %shift_left3A_203 = arith.constant 16 : i32
        %shift_left3A_204 = vector.broadcast %shift_left3A_203 : i32 to vector<16xi32>
        %shift_left3A_205 = arith.shli %gather3A_202, %shift_left3A_204 : vector<16xi32>
        %or3A_206 = arith.ori %or3A_197, %shift_left3A_205 : vector<16xi32>
        %add3A_207 = arith.constant 5 : i32
        %add3A_208 = arith.addi %mul3A_162, %add3A_207 : i32
        %add3A_209 = vector.broadcast %add3A_208 : i32 to vector<16xi32>
        %add3A_210 = arith.addi %mul3A_3, %add3A_209 : vector<16xi32>
        %gather3A_211 = tpu.vector_load_idx %arg12[%add3A_210] : memref<640xi32, #tpu.memory_space<vmem>>[vector<16xi32>], vector<16xi32>,
        %shift_left3A_212 = arith.constant 20 : i32
        %shift_left3A_213 = vector.broadcast %shift_left3A_212 : i32 to vector<16xi32>
        %shift_left3A_214 = arith.shli %gather3A_211, %shift_left3A_213 : vector<16xi32>
        %or3A_215 = arith.ori %or3A_206, %shift_left3A_214 : vector<16xi32>
        %add3A_216 = arith.constant 6 : i32
        %add3A_217 = arith.addi %mul3A_162, %add3A_216 : i32
        %add3A_218 = vector.broadcast %add3A_217 : i32 to vector<16xi32>
        %add3A_219 = arith.addi %mul3A_3, %add3A_218 : vector<16xi32>
        %gather3A_220 = tpu.vector_load_idx %arg12[%add3A_219] : memref<640xi32, #tpu.memory_space<vmem>>[vector<16xi32>], vector<16xi32>,
        %shift_left3A_221 = arith.constant 24 : i32
        %shift_left3A_222 = vector.broadcast %shift_left3A_221 : i32 to vector<16xi32>
        %shift_left3A_223 = arith.shli %gather3A_220, %shift_left3A_222 : vector<16xi32>
        %or3A_224 = arith.ori %or3A_215, %shift_left3A_223 : vector<16xi32>
        %add3A_225 = arith.constant 7 : i32
        %add3A_226 = arith.addi %mul3A_162, %add3A_225 : i32
        %add3A_227 = vector.broadcast %add3A_226 : i32 to vector<16xi32>
        %add3A_228 = arith.addi %mul3A_3, %add3A_227 : vector<16xi32>
        %gather3A_229 = tpu.vector_load_idx %arg12[%add3A_228] : memref<640xi32, #tpu.memory_space<vmem>>[vector<16xi32>], vector<16xi32>,
        %shift_left3A_230 = arith.constant 28 : i32
        %shift_left3A_231 = vector.broadcast %shift_left3A_230 : i32 to vector<16xi32>
        %shift_left3A_232 = arith.shli %gather3A_229, %shift_left3A_231 : vector<16xi32>
        %or3A_233 = arith.ori %or3A_224, %shift_left3A_232 : vector<16xi32>
        %mul3A_234 = arith.constant 400 : i32
        %mul3A_235 = arith.muli %add3A_13, %mul3A_234 : i32
        %mul3A_236 = arith.constant 80 : i32
        %mul3A_237 = arith.muli %add3A_112, %mul3A_236 : i32
        %add3A_238 = arith.addi %mul3A_235, %mul3A_237 : i32
        %mul3A_239 = arith.constant 16 : i32
        %mul3A_240 = arith.muli %add3A_160, %mul3A_239 : i32
        %add3A_241 = arith.addi %add3A_238, %mul3A_240 : i32
        %swap3A = arith.index_cast %add3A_241 : i32 to index
        %swap3A_242 = tpu.vector_load %arg10[%swap3A] {strides = array<i32>} : memref<12800xi32, #tpu.memory_space<vmem>>, vector<16xi32>,
        tpu.vector_store %arg10[%swap3A], %or3A_233 {strides = array<i32>} : memref<12800xi32, #tpu.memory_space<vmem>>, vector<16xi32>,
      }
      %scan3A_155 = arith.constant 5 : i32
    }
    %scan3A_18 = arith.constant 5 : i32
    %add3A_19 = arith.constant 16 : i32
    %add3A_20 = arith.addi %arg1, %add3A_19 : i32
    %scan3A_21 = arith.constant 0 : i32
    %scan3A_22 = arith.constant 5 : i32
    %scan3A_23 = arith.addi %scan3A_21, %scan3A_22 : i32
    %scan3A_24 = arith.constant 1 : i32
    scf.for %scan3A_108 = %scan3A_21 to %scan3A_23 step %scan3A_24  : i32 {
      %mul3A_109 = arith.constant 1 : i32
      %mul3A_110 = arith.muli %scan3A_108, %mul3A_109 : i32
      %add3A_111 = arith.constant 0 : i32
      %add3A_112 = arith.addi %add3A_111, %mul3A_110 : i32
      %mul3A_113 = arith.constant 3200 : i32
      %mul3A_114 = arith.muli %add3A_20, %mul3A_113 : i32
      %mul3A_115 = arith.constant 640 : i32
      %mul3A_116 = arith.muli %add3A_112, %mul3A_115 : i32
      %add3A_117 = arith.addi %mul3A_114, %mul3A_116 : i32
      %add3A_118 = arith.constant 0 : i32
      %add3A_119 = arith.addi %add3A_117, %add3A_118 : i32
      %add3A_120 = arith.constant 160 : i32
      %add3A_121 = arith.addi %add3A_119, %add3A_120 : i32
      %le3A = arith.constant 100000 : i32
      %le3A_122 = arith.cmpi sle, %add3A_121, %le3A : i32
      %convert_element_type3A = arith.extui %le3A_122 : i1 to i32
      %cond3A = arith.constant 0 : i32
      %cond3A_123 = arith.cmpi ne, %convert_element_type3A, %cond3A : i32
      scf.if %cond3A_123 {
        %mul3A_156 = arith.constant 10 : i32
        %mul3A_157 = arith.muli %add3A_119, %mul3A_156 : i32
        "tpu.region"() ({
          %run_scoped3A = tpu.sem_alloc : memref<!tpu.dma_semaphore, #tpu.memory_space<semaphore_mem>>
          %dma_start3A_163 = arith.constant 0 : i32
          %dma_start3A_164 = tpu.memref_slice %arg13[%dma_start3A_163] : memref<4096xf32, #tpu.memory_space<vmem>> -> memref<1600xf32, #tpu.memory_space<vmem>>
          %dma_start3A_165 = tpu.memref_slice %arg4[%mul3A_157] : memref<1000000xf32, #tpu.memory_space<hbm>> -> memref<1600xf32, #tpu.memory_space<hbm>>
          %dma_start3A_166 = arith.constant 0 : i32
          %dma_start3A_167 = tpu.memref_slice %arg13[%dma_start3A_166] : memref<4096xf32, #tpu.memory_space<vmem>> -> memref<1600xf32, #tpu.memory_space<vmem>>
          %dma_start3A_168 = tpu.memref_slice %arg4[%mul3A_157] : memref<1000000xf32, #tpu.memory_space<hbm>> -> memref<1600xf32, #tpu.memory_space<hbm>>
          tpu.enqueue_dma source(%dma_start3A_168 : memref<1600xf32, #tpu.memory_space<hbm>>) target(%dma_start3A_167 : memref<1600xf32, #tpu.memory_space<vmem>>) target_semaphore(%run_scoped3A : memref<!tpu.dma_semaphore, #tpu.memory_space<semaphore_mem>>)
          %dma_wait3A = arith.constant 0 : i32
          %dma_wait3A_169 = tpu.memref_slice %arg13[%dma_wait3A] : memref<4096xf32, #tpu.memory_space<vmem>> -> memref<1600xf32, #tpu.memory_space<vmem>>
          %dma_wait3A_170 = tpu.memref_slice %arg4[%mul3A_157] : memref<1000000xf32, #tpu.memory_space<hbm>> -> memref<1600xf32, #tpu.memory_space<hbm>>
          %dma_wait3A_171 = arith.constant 0 : i32
          %dma_wait3A_172 = tpu.memref_slice %arg13[%dma_wait3A_171] : memref<4096xf32, #tpu.memory_space<vmem>> -> memref<1600xf32, #tpu.memory_space<vmem>>
          %dma_wait3A_173 = tpu.memref_slice %arg4[%mul3A_157] : memref<1000000xf32, #tpu.memory_space<hbm>> -> memref<1600xf32, #tpu.memory_space<hbm>>
          tpu.wait_dma2 semaphore(%run_scoped3A : memref<!tpu.dma_semaphore, #tpu.memory_space<semaphore_mem>>) src(%dma_wait3A_173 : memref<1600xf32, #tpu.memory_space<hbm>>) dst(%dma_wait3A_172 : memref<1600xf32, #tpu.memory_space<vmem>>)
          tpu.yield
        }) : () -> ()
        %scan3A_158 = arith.constant 0 : i32
        %scan3A_159 = arith.constant 10 : i32
        %scan3A_160 = arith.addi %scan3A_158, %scan3A_159 : i32
        %scan3A_161 = arith.constant 2 : i32
        scf.for %scan3A_163 = %scan3A_158 to %scan3A_160 step %scan3A_161  : i32 {
          %mul3A_164 = arith.constant 1 : i32
          %mul3A_165 = arith.muli %scan3A_163, %mul3A_164 : i32
          %add3A_166 = arith.constant 0 : i32
          %add3A_167 = arith.addi %add3A_166, %mul3A_165 : i32
          %mul3A_168 = arith.constant 160 : i32
          %mul3A_169 = arith.muli %add3A_167, %mul3A_168 : i32
          %add3A_170 = vector.broadcast %mul3A_169 : i32 to vector<16xi32>
          %add3A_171 = arith.addi %mul3A_6, %add3A_170 : vector<16xi32>
          %gather3A = tpu.vector_load_idx %arg13[%add3A_171] : memref<4096xf32, #tpu.memory_space<vmem>>[vector<16xi32>], vector<16xf32>,
          %broadcast_in_dim3A_172 = arith.constant 0 : i32
          %broadcast_in_dim3A_173 = vector.broadcast %broadcast_in_dim3A_172 : i32 to vector<16xi32>
          %add3A_174 = arith.constant 1 : i32
          %add3A_175 = arith.addi %mul3A_169, %add3A_174 : i32
          %add3A_176 = vector.broadcast %add3A_175 : i32 to vector<16xi32>
          %add3A_177 = arith.addi %mul3A_6, %add3A_176 : vector<16xi32>
          %gather3A_178 = tpu.vector_load_idx %arg13[%add3A_177] : memref<4096xf32, #tpu.memory_space<vmem>>[vector<16xi32>], vector<16xf32>,
          %gt3A = arith.cmpf ogt, %gather3A_178, %gather3A : vector<16xf32>
          %jit3A_179 = arith.constant 1 : i32
          %broadcast_in_dim3A_180 = vector.broadcast %jit3A_179 : i32 to vector<16xi32>
          %select_n3A_181 = arith.select %gt3A, %broadcast_in_dim3A_180, %broadcast_in_dim3A_173 : vector<16xi1>, vector<16xi32>
          %select_n3A_182 = arith.select %gt3A, %gather3A_178, %gather3A : vector<16xi1>, vector<16xf32>
          %add3A_183 = arith.constant 2 : i32
          %add3A_184 = arith.addi %mul3A_169, %add3A_183 : i32
          %add3A_185 = vector.broadcast %add3A_184 : i32 to vector<16xi32>
          %add3A_186 = arith.addi %mul3A_6, %add3A_185 : vector<16xi32>
          %gather3A_187 = tpu.vector_load_idx %arg13[%add3A_186] : memref<4096xf32, #tpu.memory_space<vmem>>[vector<16xi32>], vector<16xf32>,
          %gt3A_188 = arith.cmpf ogt, %gather3A_187, %select_n3A_182 : vector<16xf32>
          %jit3A_189 = arith.constant 2 : i32
          %broadcast_in_dim3A_190 = vector.broadcast %jit3A_189 : i32 to vector<16xi32>
          %select_n3A_191 = arith.select %gt3A_188, %broadcast_in_dim3A_190, %select_n3A_181 : vector<16xi1>, vector<16xi32>
          %select_n3A_192 = arith.select %gt3A_188, %gather3A_187, %select_n3A_182 : vector<16xi1>, vector<16xf32>
          %add3A_193 = arith.constant 3 : i32
          %add3A_194 = arith.addi %mul3A_169, %add3A_193 : i32
          %add3A_195 = vector.broadcast %add3A_194 : i32 to vector<16xi32>
          %add3A_196 = arith.addi %mul3A_6, %add3A_195 : vector<16xi32>
          %gather3A_197 = tpu.vector_load_idx %arg13[%add3A_196] : memref<4096xf32, #tpu.memory_space<vmem>>[vector<16xi32>], vector<16xf32>,
          %gt3A_198 = arith.cmpf ogt, %gather3A_197, %select_n3A_192 : vector<16xf32>
          %jit3A_199 = arith.constant 3 : i32
          %broadcast_in_dim3A_200 = vector.broadcast %jit3A_199 : i32 to vector<16xi32>
          %select_n3A_201 = arith.select %gt3A_198, %broadcast_in_dim3A_200, %select_n3A_191 : vector<16xi1>, vector<16xi32>
          %select_n3A_202 = arith.select %gt3A_198, %gather3A_197, %select_n3A_192 : vector<16xi1>, vector<16xf32>
          %add3A_203 = arith.constant 4 : i32
          %add3A_204 = arith.addi %mul3A_169, %add3A_203 : i32
          %add3A_205 = vector.broadcast %add3A_204 : i32 to vector<16xi32>
          %add3A_206 = arith.addi %mul3A_6, %add3A_205 : vector<16xi32>
          %gather3A_207 = tpu.vector_load_idx %arg13[%add3A_206] : memref<4096xf32, #tpu.memory_space<vmem>>[vector<16xi32>], vector<16xf32>,
          %gt3A_208 = arith.cmpf ogt, %gather3A_207, %select_n3A_202 : vector<16xf32>
          %jit3A_209 = arith.constant 4 : i32
          %broadcast_in_dim3A_210 = vector.broadcast %jit3A_209 : i32 to vector<16xi32>
          %select_n3A_211 = arith.select %gt3A_208, %broadcast_in_dim3A_210, %select_n3A_201 : vector<16xi1>, vector<16xi32>
          %select_n3A_212 = arith.select %gt3A_208, %gather3A_207, %select_n3A_202 : vector<16xi1>, vector<16xf32>
          %add3A_213 = arith.constant 5 : i32
          %add3A_214 = arith.addi %mul3A_169, %add3A_213 : i32
          %add3A_215 = vector.broadcast %add3A_214 : i32 to vector<16xi32>
          %add3A_216 = arith.addi %mul3A_6, %add3A_215 : vector<16xi32>
          %gather3A_217 = tpu.vector_load_idx %arg13[%add3A_216] : memref<4096xf32, #tpu.memory_space<vmem>>[vector<16xi32>], vector<16xf32>,
          %gt3A_218 = arith.cmpf ogt, %gather3A_217, %select_n3A_212 : vector<16xf32>
          %jit3A_219 = arith.constant 5 : i32
          %broadcast_in_dim3A_220 = vector.broadcast %jit3A_219 : i32 to vector<16xi32>
          %select_n3A_221 = arith.select %gt3A_218, %broadcast_in_dim3A_220, %select_n3A_211 : vector<16xi1>, vector<16xi32>
          %select_n3A_222 = arith.select %gt3A_218, %gather3A_217, %select_n3A_212 : vector<16xi1>, vector<16xf32>
          %add3A_223 = arith.constant 6 : i32
          %add3A_224 = arith.addi %mul3A_169, %add3A_223 : i32
          %add3A_225 = vector.broadcast %add3A_224 : i32 to vector<16xi32>
          %add3A_226 = arith.addi %mul3A_6, %add3A_225 : vector<16xi32>
          %gather3A_227 = tpu.vector_load_idx %arg13[%add3A_226] : memref<4096xf32, #tpu.memory_space<vmem>>[vector<16xi32>], vector<16xf32>,
          %gt3A_228 = arith.cmpf ogt, %gather3A_227, %select_n3A_222 : vector<16xf32>
          %jit3A_229 = arith.constant 6 : i32
          %broadcast_in_dim3A_230 = vector.broadcast %jit3A_229 : i32 to vector<16xi32>
          %select_n3A_231 = arith.select %gt3A_228, %broadcast_in_dim3A_230, %select_n3A_221 : vector<16xi1>, vector<16xi32>
          %select_n3A_232 = arith.select %gt3A_228, %gather3A_227, %select_n3A_222 : vector<16xi1>, vector<16xf32>
          %add3A_233 = arith.constant 7 : i32
          %add3A_234 = arith.addi %mul3A_169, %add3A_233 : i32
          %add3A_235 = vector.broadcast %add3A_234 : i32 to vector<16xi32>
          %add3A_236 = arith.addi %mul3A_6, %add3A_235 : vector<16xi32>
          %gather3A_237 = tpu.vector_load_idx %arg13[%add3A_236] : memref<4096xf32, #tpu.memory_space<vmem>>[vector<16xi32>], vector<16xf32>,
          %gt3A_238 = arith.cmpf ogt, %gather3A_237, %select_n3A_232 : vector<16xf32>
          %jit3A_239 = arith.constant 7 : i32
          %broadcast_in_dim3A_240 = vector.broadcast %jit3A_239 : i32 to vector<16xi32>
          %select_n3A_241 = arith.select %gt3A_238, %broadcast_in_dim3A_240, %select_n3A_231 : vector<16xi1>, vector<16xi32>
          %select_n3A_242 = arith.select %gt3A_238, %gather3A_237, %select_n3A_232 : vector<16xi1>, vector<16xf32>
          %add3A_243 = arith.constant 8 : i32
          %add3A_244 = arith.addi %mul3A_169, %add3A_243 : i32
          %add3A_245 = vector.broadcast %add3A_244 : i32 to vector<16xi32>
          %add3A_246 = arith.addi %mul3A_6, %add3A_245 : vector<16xi32>
          %gather3A_247 = tpu.vector_load_idx %arg13[%add3A_246] : memref<4096xf32, #tpu.memory_space<vmem>>[vector<16xi32>], vector<16xf32>,
          %gt3A_248 = arith.cmpf ogt, %gather3A_247, %select_n3A_242 : vector<16xf32>
          %jit3A_249 = arith.constant 8 : i32
          %broadcast_in_dim3A_250 = vector.broadcast %jit3A_249 : i32 to vector<16xi32>
          %select_n3A_251 = arith.select %gt3A_248, %broadcast_in_dim3A_250, %select_n3A_241 : vector<16xi1>, vector<16xi32>
          %select_n3A_252 = arith.select %gt3A_248, %gather3A_247, %select_n3A_242 : vector<16xi1>, vector<16xf32>
          %add3A_253 = arith.constant 9 : i32
          %add3A_254 = arith.addi %mul3A_169, %add3A_253 : i32
          %add3A_255 = vector.broadcast %add3A_254 : i32 to vector<16xi32>
          %add3A_256 = arith.addi %mul3A_6, %add3A_255 : vector<16xi32>
          %gather3A_257 = tpu.vector_load_idx %arg13[%add3A_256] : memref<4096xf32, #tpu.memory_space<vmem>>[vector<16xi32>], vector<16xf32>,
          %gt3A_258 = arith.cmpf ogt, %gather3A_257, %select_n3A_252 : vector<16xf32>
          %jit3A_259 = arith.constant 9 : i32
          %broadcast_in_dim3A_260 = vector.broadcast %jit3A_259 : i32 to vector<16xi32>
          %select_n3A_261 = arith.select %gt3A_258, %broadcast_in_dim3A_260, %select_n3A_251 : vector<16xi1>, vector<16xi32>
          %select_n3A_262 = arith.select %gt3A_258, %gather3A_257, %select_n3A_252 : vector<16xi1>, vector<16xf32>
          %mul3A_263 = arith.constant 16 : i32
          %mul3A_264 = arith.muli %add3A_167, %mul3A_263 : i32
          %add3A_265 = arith.constant 0 : i32
          %add3A_266 = arith.addi %add3A_265, %mul3A_264 : i32
          %swap3A = arith.index_cast %add3A_266 : i32 to index
          %swap3A_267 = tpu.vector_load %arg12[%swap3A] {strides = array<i32>} : memref<640xi32, #tpu.memory_space<vmem>>, vector<16xi32>,
          tpu.vector_store %arg12[%swap3A], %select_n3A_261 {strides = array<i32>} : memref<640xi32, #tpu.memory_space<vmem>>, vector<16xi32>,
          %scan3A_268 = arith.constant 1 : i32
          %scan3A_269 = arith.addi %scan3A_163, %scan3A_268 : i32
          %mul3A_270 = arith.constant 1 : i32
          %mul3A_271 = arith.muli %scan3A_269, %mul3A_270 : i32
          %add3A_272 = arith.constant 0 : i32
          %add3A_273 = arith.addi %add3A_272, %mul3A_271 : i32
          %mul3A_274 = arith.constant 160 : i32
          %mul3A_275 = arith.muli %add3A_273, %mul3A_274 : i32
          %add3A_276 = vector.broadcast %mul3A_275 : i32 to vector<16xi32>
          %add3A_277 = arith.addi %mul3A_6, %add3A_276 : vector<16xi32>
          %gather3A_278 = tpu.vector_load_idx %arg13[%add3A_277] : memref<4096xf32, #tpu.memory_space<vmem>>[vector<16xi32>], vector<16xf32>,
          %broadcast_in_dim3A_279 = arith.constant 0 : i32
          %broadcast_in_dim3A_280 = vector.broadcast %broadcast_in_dim3A_279 : i32 to vector<16xi32>
          %add3A_281 = arith.constant 1 : i32
          %add3A_282 = arith.addi %mul3A_275, %add3A_281 : i32
          %add3A_283 = vector.broadcast %add3A_282 : i32 to vector<16xi32>
          %add3A_284 = arith.addi %mul3A_6, %add3A_283 : vector<16xi32>
          %gather3A_285 = tpu.vector_load_idx %arg13[%add3A_284] : memref<4096xf32, #tpu.memory_space<vmem>>[vector<16xi32>], vector<16xf32>,
          %gt3A_286 = arith.cmpf ogt, %gather3A_285, %gather3A_278 : vector<16xf32>
          %jit3A_287 = arith.constant 1 : i32
          %broadcast_in_dim3A_288 = vector.broadcast %jit3A_287 : i32 to vector<16xi32>
          %select_n3A_289 = arith.select %gt3A_286, %broadcast_in_dim3A_288, %broadcast_in_dim3A_280 : vector<16xi1>, vector<16xi32>
          %select_n3A_290 = arith.select %gt3A_286, %gather3A_285, %gather3A_278 : vector<16xi1>, vector<16xf32>
          %add3A_291 = arith.constant 2 : i32
          %add3A_292 = arith.addi %mul3A_275, %add3A_291 : i32
          %add3A_293 = vector.broadcast %add3A_292 : i32 to vector<16xi32>
          %add3A_294 = arith.addi %mul3A_6, %add3A_293 : vector<16xi32>
          %gather3A_295 = tpu.vector_load_idx %arg13[%add3A_294] : memref<4096xf32, #tpu.memory_space<vmem>>[vector<16xi32>], vector<16xf32>,
          %gt3A_296 = arith.cmpf ogt, %gather3A_295, %select_n3A_290 : vector<16xf32>
          %jit3A_297 = arith.constant 2 : i32
          %broadcast_in_dim3A_298 = vector.broadcast %jit3A_297 : i32 to vector<16xi32>
          %select_n3A_299 = arith.select %gt3A_296, %broadcast_in_dim3A_298, %select_n3A_289 : vector<16xi1>, vector<16xi32>
          %select_n3A_300 = arith.select %gt3A_296, %gather3A_295, %select_n3A_290 : vector<16xi1>, vector<16xf32>
          %add3A_301 = arith.constant 3 : i32
          %add3A_302 = arith.addi %mul3A_275, %add3A_301 : i32
          %add3A_303 = vector.broadcast %add3A_302 : i32 to vector<16xi32>
          %add3A_304 = arith.addi %mul3A_6, %add3A_303 : vector<16xi32>
          %gather3A_305 = tpu.vector_load_idx %arg13[%add3A_304] : memref<4096xf32, #tpu.memory_space<vmem>>[vector<16xi32>], vector<16xf32>,
          %gt3A_306 = arith.cmpf ogt, %gather3A_305, %select_n3A_300 : vector<16xf32>
          %jit3A_307 = arith.constant 3 : i32
          %broadcast_in_dim3A_308 = vector.broadcast %jit3A_307 : i32 to vector<16xi32>
          %select_n3A_309 = arith.select %gt3A_306, %broadcast_in_dim3A_308, %select_n3A_299 : vector<16xi1>, vector<16xi32>
          %select_n3A_310 = arith.select %gt3A_306, %gather3A_305, %select_n3A_300 : vector<16xi1>, vector<16xf32>
          %add3A_311 = arith.constant 4 : i32
          %add3A_312 = arith.addi %mul3A_275, %add3A_311 : i32
          %add3A_313 = vector.broadcast %add3A_312 : i32 to vector<16xi32>
          %add3A_314 = arith.addi %mul3A_6, %add3A_313 : vector<16xi32>
          %gather3A_315 = tpu.vector_load_idx %arg13[%add3A_314] : memref<4096xf32, #tpu.memory_space<vmem>>[vector<16xi32>], vector<16xf32>,
          %gt3A_316 = arith.cmpf ogt, %gather3A_315, %select_n3A_310 : vector<16xf32>
          %jit3A_317 = arith.constant 4 : i32
          %broadcast_in_dim3A_318 = vector.broadcast %jit3A_317 : i32 to vector<16xi32>
          %select_n3A_319 = arith.select %gt3A_316, %broadcast_in_dim3A_318, %select_n3A_309 : vector<16xi1>, vector<16xi32>
          %select_n3A_320 = arith.select %gt3A_316, %gather3A_315, %select_n3A_310 : vector<16xi1>, vector<16xf32>
          %add3A_321 = arith.constant 5 : i32
          %add3A_322 = arith.addi %mul3A_275, %add3A_321 : i32
          %add3A_323 = vector.broadcast %add3A_322 : i32 to vector<16xi32>
          %add3A_324 = arith.addi %mul3A_6, %add3A_323 : vector<16xi32>
          %gather3A_325 = tpu.vector_load_idx %arg13[%add3A_324] : memref<4096xf32, #tpu.memory_space<vmem>>[vector<16xi32>], vector<16xf32>,
          %gt3A_326 = arith.cmpf ogt, %gather3A_325, %select_n3A_320 : vector<16xf32>
          %jit3A_327 = arith.constant 5 : i32
          %broadcast_in_dim3A_328 = vector.broadcast %jit3A_327 : i32 to vector<16xi32>
          %select_n3A_329 = arith.select %gt3A_326, %broadcast_in_dim3A_328, %select_n3A_319 : vector<16xi1>, vector<16xi32>
          %select_n3A_330 = arith.select %gt3A_326, %gather3A_325, %select_n3A_320 : vector<16xi1>, vector<16xf32>
          %add3A_331 = arith.constant 6 : i32
          %add3A_332 = arith.addi %mul3A_275, %add3A_331 : i32
          %add3A_333 = vector.broadcast %add3A_332 : i32 to vector<16xi32>
          %add3A_334 = arith.addi %mul3A_6, %add3A_333 : vector<16xi32>
          %gather3A_335 = tpu.vector_load_idx %arg13[%add3A_334] : memref<4096xf32, #tpu.memory_space<vmem>>[vector<16xi32>], vector<16xf32>,
          %gt3A_336 = arith.cmpf ogt, %gather3A_335, %select_n3A_330 : vector<16xf32>
          %jit3A_337 = arith.constant 6 : i32
          %broadcast_in_dim3A_338 = vector.broadcast %jit3A_337 : i32 to vector<16xi32>
          %select_n3A_339 = arith.select %gt3A_336, %broadcast_in_dim3A_338, %select_n3A_329 : vector<16xi1>, vector<16xi32>
          %select_n3A_340 = arith.select %gt3A_336, %gather3A_335, %select_n3A_330 : vector<16xi1>, vector<16xf32>
          %add3A_341 = arith.constant 7 : i32
          %add3A_342 = arith.addi %mul3A_275, %add3A_341 : i32
          %add3A_343 = vector.broadcast %add3A_342 : i32 to vector<16xi32>
          %add3A_344 = arith.addi %mul3A_6, %add3A_343 : vector<16xi32>
          %gather3A_345 = tpu.vector_load_idx %arg13[%add3A_344] : memref<4096xf32, #tpu.memory_space<vmem>>[vector<16xi32>], vector<16xf32>,
          %gt3A_346 = arith.cmpf ogt, %gather3A_345, %select_n3A_340 : vector<16xf32>
          %jit3A_347 = arith.constant 7 : i32
          %broadcast_in_dim3A_348 = vector.broadcast %jit3A_347 : i32 to vector<16xi32>
          %select_n3A_349 = arith.select %gt3A_346, %broadcast_in_dim3A_348, %select_n3A_339 : vector<16xi1>, vector<16xi32>
          %select_n3A_350 = arith.select %gt3A_346, %gather3A_345, %select_n3A_340 : vector<16xi1>, vector<16xf32>
          %add3A_351 = arith.constant 8 : i32
          %add3A_352 = arith.addi %mul3A_275, %add3A_351 : i32
          %add3A_353 = vector.broadcast %add3A_352 : i32 to vector<16xi32>
          %add3A_354 = arith.addi %mul3A_6, %add3A_353 : vector<16xi32>
          %gather3A_355 = tpu.vector_load_idx %arg13[%add3A_354] : memref<4096xf32, #tpu.memory_space<vmem>>[vector<16xi32>], vector<16xf32>,
          %gt3A_356 = arith.cmpf ogt, %gather3A_355, %select_n3A_350 : vector<16xf32>
          %jit3A_357 = arith.constant 8 : i32
          %broadcast_in_dim3A_358 = vector.broadcast %jit3A_357 : i32 to vector<16xi32>
          %select_n3A_359 = arith.select %gt3A_356, %broadcast_in_dim3A_358, %select_n3A_349 : vector<16xi1>, vector<16xi32>
          %select_n3A_360 = arith.select %gt3A_356, %gather3A_355, %select_n3A_350 : vector<16xi1>, vector<16xf32>
          %add3A_361 = arith.constant 9 : i32
          %add3A_362 = arith.addi %mul3A_275, %add3A_361 : i32
          %add3A_363 = vector.broadcast %add3A_362 : i32 to vector<16xi32>
          %add3A_364 = arith.addi %mul3A_6, %add3A_363 : vector<16xi32>
          %gather3A_365 = tpu.vector_load_idx %arg13[%add3A_364] : memref<4096xf32, #tpu.memory_space<vmem>>[vector<16xi32>], vector<16xf32>,
          %gt3A_366 = arith.cmpf ogt, %gather3A_365, %select_n3A_360 : vector<16xf32>
          %jit3A_367 = arith.constant 9 : i32
          %broadcast_in_dim3A_368 = vector.broadcast %jit3A_367 : i32 to vector<16xi32>
          %select_n3A_369 = arith.select %gt3A_366, %broadcast_in_dim3A_368, %select_n3A_359 : vector<16xi1>, vector<16xi32>
          %select_n3A_370 = arith.select %gt3A_366, %gather3A_365, %select_n3A_360 : vector<16xi1>, vector<16xf32>
          %mul3A_371 = arith.constant 16 : i32
          %mul3A_372 = arith.muli %add3A_273, %mul3A_371 : i32
          %add3A_373 = arith.constant 0 : i32
          %add3A_374 = arith.addi %add3A_373, %mul3A_372 : i32
          %swap3A_375 = arith.index_cast %add3A_374 : i32 to index
          %swap3A_376 = tpu.vector_load %arg12[%swap3A_375] {strides = array<i32>} : memref<640xi32, #tpu.memory_space<vmem>>, vector<16xi32>,
          tpu.vector_store %arg12[%swap3A_375], %select_n3A_369 {strides = array<i32>} : memref<640xi32, #tpu.memory_space<vmem>>, vector<16xi32>,
        }
        %scan3A_162 = arith.constant 10 : i32
      } else {
      }
      %add3A_124 = arith.constant 160 : i32
      %add3A_125 = arith.addi %add3A_117, %add3A_124 : i32
      %add3A_126 = arith.constant 160 : i32
      %add3A_127 = arith.addi %add3A_125, %add3A_126 : i32
      %le3A_128 = arith.constant 100000 : i32
      %le3A_129 = arith.cmpi sle, %add3A_127, %le3A_128 : i32
      %convert_element_type3A_130 = arith.extui %le3A_129 : i1 to i32
      %cond3A_131 = arith.constant 0 : i32
      %cond3A_132 = arith.cmpi ne, %convert_element_type3A_130, %cond3A_131 : i32
      scf.if %cond3A_132 {
        %mul3A_156 = arith.constant 10 : i32
        %mul3A_157 = arith.muli %add3A_125, %mul3A_156 : i32
        "tpu.region"() ({
          %run_scoped3A = tpu.sem_alloc : memref<!tpu.dma_semaphore, #tpu.memory_space<semaphore_mem>>
          %dma_start3A_163 = arith.constant 0 : i32
          %dma_start3A_164 = tpu.memref_slice %arg13[%dma_start3A_163] : memref<4096xf32, #tpu.memory_space<vmem>> -> memref<1600xf32, #tpu.memory_space<vmem>>
          %dma_start3A_165 = tpu.memref_slice %arg4[%mul3A_157] : memref<1000000xf32, #tpu.memory_space<hbm>> -> memref<1600xf32, #tpu.memory_space<hbm>>
          %dma_start3A_166 = arith.constant 0 : i32
          %dma_start3A_167 = tpu.memref_slice %arg13[%dma_start3A_166] : memref<4096xf32, #tpu.memory_space<vmem>> -> memref<1600xf32, #tpu.memory_space<vmem>>
          %dma_start3A_168 = tpu.memref_slice %arg4[%mul3A_157] : memref<1000000xf32, #tpu.memory_space<hbm>> -> memref<1600xf32, #tpu.memory_space<hbm>>
          tpu.enqueue_dma source(%dma_start3A_168 : memref<1600xf32, #tpu.memory_space<hbm>>) target(%dma_start3A_167 : memref<1600xf32, #tpu.memory_space<vmem>>) target_semaphore(%run_scoped3A : memref<!tpu.dma_semaphore, #tpu.memory_space<semaphore_mem>>)
          %dma_wait3A = arith.constant 0 : i32
          %dma_wait3A_169 = tpu.memref_slice %arg13[%dma_wait3A] : memref<4096xf32, #tpu.memory_space<vmem>> -> memref<1600xf32, #tpu.memory_space<vmem>>
          %dma_wait3A_170 = tpu.memref_slice %arg4[%mul3A_157] : memref<1000000xf32, #tpu.memory_space<hbm>> -> memref<1600xf32, #tpu.memory_space<hbm>>
          %dma_wait3A_171 = arith.constant 0 : i32
          %dma_wait3A_172 = tpu.memref_slice %arg13[%dma_wait3A_171] : memref<4096xf32, #tpu.memory_space<vmem>> -> memref<1600xf32, #tpu.memory_space<vmem>>
          %dma_wait3A_173 = tpu.memref_slice %arg4[%mul3A_157] : memref<1000000xf32, #tpu.memory_space<hbm>> -> memref<1600xf32, #tpu.memory_space<hbm>>
          tpu.wait_dma2 semaphore(%run_scoped3A : memref<!tpu.dma_semaphore, #tpu.memory_space<semaphore_mem>>) src(%dma_wait3A_173 : memref<1600xf32, #tpu.memory_space<hbm>>) dst(%dma_wait3A_172 : memref<1600xf32, #tpu.memory_space<vmem>>)
          tpu.yield
        }) : () -> ()
        %scan3A_158 = arith.constant 0 : i32
        %scan3A_159 = arith.constant 10 : i32
        %scan3A_160 = arith.addi %scan3A_158, %scan3A_159 : i32
        %scan3A_161 = arith.constant 2 : i32
        scf.for %scan3A_163 = %scan3A_158 to %scan3A_160 step %scan3A_161  : i32 {
          %mul3A_164 = arith.constant 1 : i32
          %mul3A_165 = arith.muli %scan3A_163, %mul3A_164 : i32
          %add3A_166 = arith.constant 0 : i32
          %add3A_167 = arith.addi %add3A_166, %mul3A_165 : i32
          %mul3A_168 = arith.constant 160 : i32
          %mul3A_169 = arith.muli %add3A_167, %mul3A_168 : i32
          %add3A_170 = vector.broadcast %mul3A_169 : i32 to vector<16xi32>
          %add3A_171 = arith.addi %mul3A_6, %add3A_170 : vector<16xi32>
          %gather3A = tpu.vector_load_idx %arg13[%add3A_171] : memref<4096xf32, #tpu.memory_space<vmem>>[vector<16xi32>], vector<16xf32>,
          %broadcast_in_dim3A_172 = arith.constant 0 : i32
          %broadcast_in_dim3A_173 = vector.broadcast %broadcast_in_dim3A_172 : i32 to vector<16xi32>
          %add3A_174 = arith.constant 1 : i32
          %add3A_175 = arith.addi %mul3A_169, %add3A_174 : i32
          %add3A_176 = vector.broadcast %add3A_175 : i32 to vector<16xi32>
          %add3A_177 = arith.addi %mul3A_6, %add3A_176 : vector<16xi32>
          %gather3A_178 = tpu.vector_load_idx %arg13[%add3A_177] : memref<4096xf32, #tpu.memory_space<vmem>>[vector<16xi32>], vector<16xf32>,
          %gt3A = arith.cmpf ogt, %gather3A_178, %gather3A : vector<16xf32>
          %jit3A_179 = arith.constant 1 : i32
          %broadcast_in_dim3A_180 = vector.broadcast %jit3A_179 : i32 to vector<16xi32>
          %select_n3A_181 = arith.select %gt3A, %broadcast_in_dim3A_180, %broadcast_in_dim3A_173 : vector<16xi1>, vector<16xi32>
          %select_n3A_182 = arith.select %gt3A, %gather3A_178, %gather3A : vector<16xi1>, vector<16xf32>
          %add3A_183 = arith.constant 2 : i32
          %add3A_184 = arith.addi %mul3A_169, %add3A_183 : i32
          %add3A_185 = vector.broadcast %add3A_184 : i32 to vector<16xi32>
          %add3A_186 = arith.addi %mul3A_6, %add3A_185 : vector<16xi32>
          %gather3A_187 = tpu.vector_load_idx %arg13[%add3A_186] : memref<4096xf32, #tpu.memory_space<vmem>>[vector<16xi32>], vector<16xf32>,
          %gt3A_188 = arith.cmpf ogt, %gather3A_187, %select_n3A_182 : vector<16xf32>
          %jit3A_189 = arith.constant 2 : i32
          %broadcast_in_dim3A_190 = vector.broadcast %jit3A_189 : i32 to vector<16xi32>
          %select_n3A_191 = arith.select %gt3A_188, %broadcast_in_dim3A_190, %select_n3A_181 : vector<16xi1>, vector<16xi32>
          %select_n3A_192 = arith.select %gt3A_188, %gather3A_187, %select_n3A_182 : vector<16xi1>, vector<16xf32>
          %add3A_193 = arith.constant 3 : i32
          %add3A_194 = arith.addi %mul3A_169, %add3A_193 : i32
          %add3A_195 = vector.broadcast %add3A_194 : i32 to vector<16xi32>
          %add3A_196 = arith.addi %mul3A_6, %add3A_195 : vector<16xi32>
          %gather3A_197 = tpu.vector_load_idx %arg13[%add3A_196] : memref<4096xf32, #tpu.memory_space<vmem>>[vector<16xi32>], vector<16xf32>,
          %gt3A_198 = arith.cmpf ogt, %gather3A_197, %select_n3A_192 : vector<16xf32>
          %jit3A_199 = arith.constant 3 : i32
          %broadcast_in_dim3A_200 = vector.broadcast %jit3A_199 : i32 to vector<16xi32>
          %select_n3A_201 = arith.select %gt3A_198, %broadcast_in_dim3A_200, %select_n3A_191 : vector<16xi1>, vector<16xi32>
          %select_n3A_202 = arith.select %gt3A_198, %gather3A_197, %select_n3A_192 : vector<16xi1>, vector<16xf32>
          %add3A_203 = arith.constant 4 : i32
          %add3A_204 = arith.addi %mul3A_169, %add3A_203 : i32
          %add3A_205 = vector.broadcast %add3A_204 : i32 to vector<16xi32>
          %add3A_206 = arith.addi %mul3A_6, %add3A_205 : vector<16xi32>
          %gather3A_207 = tpu.vector_load_idx %arg13[%add3A_206] : memref<4096xf32, #tpu.memory_space<vmem>>[vector<16xi32>], vector<16xf32>,
          %gt3A_208 = arith.cmpf ogt, %gather3A_207, %select_n3A_202 : vector<16xf32>
          %jit3A_209 = arith.constant 4 : i32
          %broadcast_in_dim3A_210 = vector.broadcast %jit3A_209 : i32 to vector<16xi32>
          %select_n3A_211 = arith.select %gt3A_208, %broadcast_in_dim3A_210, %select_n3A_201 : vector<16xi1>, vector<16xi32>
          %select_n3A_212 = arith.select %gt3A_208, %gather3A_207, %select_n3A_202 : vector<16xi1>, vector<16xf32>
          %add3A_213 = arith.constant 5 : i32
          %add3A_214 = arith.addi %mul3A_169, %add3A_213 : i32
          %add3A_215 = vector.broadcast %add3A_214 : i32 to vector<16xi32>
          %add3A_216 = arith.addi %mul3A_6, %add3A_215 : vector<16xi32>
          %gather3A_217 = tpu.vector_load_idx %arg13[%add3A_216] : memref<4096xf32, #tpu.memory_space<vmem>>[vector<16xi32>], vector<16xf32>,
          %gt3A_218 = arith.cmpf ogt, %gather3A_217, %select_n3A_212 : vector<16xf32>
          %jit3A_219 = arith.constant 5 : i32
          %broadcast_in_dim3A_220 = vector.broadcast %jit3A_219 : i32 to vector<16xi32>
          %select_n3A_221 = arith.select %gt3A_218, %broadcast_in_dim3A_220, %select_n3A_211 : vector<16xi1>, vector<16xi32>
          %select_n3A_222 = arith.select %gt3A_218, %gather3A_217, %select_n3A_212 : vector<16xi1>, vector<16xf32>
          %add3A_223 = arith.constant 6 : i32
          %add3A_224 = arith.addi %mul3A_169, %add3A_223 : i32
          %add3A_225 = vector.broadcast %add3A_224 : i32 to vector<16xi32>
          %add3A_226 = arith.addi %mul3A_6, %add3A_225 : vector<16xi32>
          %gather3A_227 = tpu.vector_load_idx %arg13[%add3A_226] : memref<4096xf32, #tpu.memory_space<vmem>>[vector<16xi32>], vector<16xf32>,
          %gt3A_228 = arith.cmpf ogt, %gather3A_227, %select_n3A_222 : vector<16xf32>
          %jit3A_229 = arith.constant 6 : i32
          %broadcast_in_dim3A_230 = vector.broadcast %jit3A_229 : i32 to vector<16xi32>
          %select_n3A_231 = arith.select %gt3A_228, %broadcast_in_dim3A_230, %select_n3A_221 : vector<16xi1>, vector<16xi32>
          %select_n3A_232 = arith.select %gt3A_228, %gather3A_227, %select_n3A_222 : vector<16xi1>, vector<16xf32>
          %add3A_233 = arith.constant 7 : i32
          %add3A_234 = arith.addi %mul3A_169, %add3A_233 : i32
          %add3A_235 = vector.broadcast %add3A_234 : i32 to vector<16xi32>
          %add3A_236 = arith.addi %mul3A_6, %add3A_235 : vector<16xi32>
          %gather3A_237 = tpu.vector_load_idx %arg13[%add3A_236] : memref<4096xf32, #tpu.memory_space<vmem>>[vector<16xi32>], vector<16xf32>,
          %gt3A_238 = arith.cmpf ogt, %gather3A_237, %select_n3A_232 : vector<16xf32>
          %jit3A_239 = arith.constant 7 : i32
          %broadcast_in_dim3A_240 = vector.broadcast %jit3A_239 : i32 to vector<16xi32>
          %select_n3A_241 = arith.select %gt3A_238, %broadcast_in_dim3A_240, %select_n3A_231 : vector<16xi1>, vector<16xi32>
          %select_n3A_242 = arith.select %gt3A_238, %gather3A_237, %select_n3A_232 : vector<16xi1>, vector<16xf32>
          %add3A_243 = arith.constant 8 : i32
          %add3A_244 = arith.addi %mul3A_169, %add3A_243 : i32
          %add3A_245 = vector.broadcast %add3A_244 : i32 to vector<16xi32>
          %add3A_246 = arith.addi %mul3A_6, %add3A_245 : vector<16xi32>
          %gather3A_247 = tpu.vector_load_idx %arg13[%add3A_246] : memref<4096xf32, #tpu.memory_space<vmem>>[vector<16xi32>], vector<16xf32>,
          %gt3A_248 = arith.cmpf ogt, %gather3A_247, %select_n3A_242 : vector<16xf32>
          %jit3A_249 = arith.constant 8 : i32
          %broadcast_in_dim3A_250 = vector.broadcast %jit3A_249 : i32 to vector<16xi32>
          %select_n3A_251 = arith.select %gt3A_248, %broadcast_in_dim3A_250, %select_n3A_241 : vector<16xi1>, vector<16xi32>
          %select_n3A_252 = arith.select %gt3A_248, %gather3A_247, %select_n3A_242 : vector<16xi1>, vector<16xf32>
          %add3A_253 = arith.constant 9 : i32
          %add3A_254 = arith.addi %mul3A_169, %add3A_253 : i32
          %add3A_255 = vector.broadcast %add3A_254 : i32 to vector<16xi32>
          %add3A_256 = arith.addi %mul3A_6, %add3A_255 : vector<16xi32>
          %gather3A_257 = tpu.vector_load_idx %arg13[%add3A_256] : memref<4096xf32, #tpu.memory_space<vmem>>[vector<16xi32>], vector<16xf32>,
          %gt3A_258 = arith.cmpf ogt, %gather3A_257, %select_n3A_252 : vector<16xf32>
          %jit3A_259 = arith.constant 9 : i32
          %broadcast_in_dim3A_260 = vector.broadcast %jit3A_259 : i32 to vector<16xi32>
          %select_n3A_261 = arith.select %gt3A_258, %broadcast_in_dim3A_260, %select_n3A_251 : vector<16xi1>, vector<16xi32>
          %select_n3A_262 = arith.select %gt3A_258, %gather3A_257, %select_n3A_252 : vector<16xi1>, vector<16xf32>
          %mul3A_263 = arith.constant 16 : i32
          %mul3A_264 = arith.muli %add3A_167, %mul3A_263 : i32
          %add3A_265 = arith.constant 160 : i32
          %add3A_266 = arith.addi %add3A_265, %mul3A_264 : i32
          %swap3A = arith.index_cast %add3A_266 : i32 to index
          %swap3A_267 = tpu.vector_load %arg12[%swap3A] {strides = array<i32>} : memref<640xi32, #tpu.memory_space<vmem>>, vector<16xi32>,
          tpu.vector_store %arg12[%swap3A], %select_n3A_261 {strides = array<i32>} : memref<640xi32, #tpu.memory_space<vmem>>, vector<16xi32>,
          %scan3A_268 = arith.constant 1 : i32
          %scan3A_269 = arith.addi %scan3A_163, %scan3A_268 : i32
          %mul3A_270 = arith.constant 1 : i32
          %mul3A_271 = arith.muli %scan3A_269, %mul3A_270 : i32
          %add3A_272 = arith.constant 0 : i32
          %add3A_273 = arith.addi %add3A_272, %mul3A_271 : i32
          %mul3A_274 = arith.constant 160 : i32
          %mul3A_275 = arith.muli %add3A_273, %mul3A_274 : i32
          %add3A_276 = vector.broadcast %mul3A_275 : i32 to vector<16xi32>
          %add3A_277 = arith.addi %mul3A_6, %add3A_276 : vector<16xi32>
          %gather3A_278 = tpu.vector_load_idx %arg13[%add3A_277] : memref<4096xf32, #tpu.memory_space<vmem>>[vector<16xi32>], vector<16xf32>,
          %broadcast_in_dim3A_279 = arith.constant 0 : i32
          %broadcast_in_dim3A_280 = vector.broadcast %broadcast_in_dim3A_279 : i32 to vector<16xi32>
          %add3A_281 = arith.constant 1 : i32
          %add3A_282 = arith.addi %mul3A_275, %add3A_281 : i32
          %add3A_283 = vector.broadcast %add3A_282 : i32 to vector<16xi32>
          %add3A_284 = arith.addi %mul3A_6, %add3A_283 : vector<16xi32>
          %gather3A_285 = tpu.vector_load_idx %arg13[%add3A_284] : memref<4096xf32, #tpu.memory_space<vmem>>[vector<16xi32>], vector<16xf32>,
          %gt3A_286 = arith.cmpf ogt, %gather3A_285, %gather3A_278 : vector<16xf32>
          %jit3A_287 = arith.constant 1 : i32
          %broadcast_in_dim3A_288 = vector.broadcast %jit3A_287 : i32 to vector<16xi32>
          %select_n3A_289 = arith.select %gt3A_286, %broadcast_in_dim3A_288, %broadcast_in_dim3A_280 : vector<16xi1>, vector<16xi32>
          %select_n3A_290 = arith.select %gt3A_286, %gather3A_285, %gather3A_278 : vector<16xi1>, vector<16xf32>
          %add3A_291 = arith.constant 2 : i32
          %add3A_292 = arith.addi %mul3A_275, %add3A_291 : i32
          %add3A_293 = vector.broadcast %add3A_292 : i32 to vector<16xi32>
          %add3A_294 = arith.addi %mul3A_6, %add3A_293 : vector<16xi32>
          %gather3A_295 = tpu.vector_load_idx %arg13[%add3A_294] : memref<4096xf32, #tpu.memory_space<vmem>>[vector<16xi32>], vector<16xf32>,
          %gt3A_296 = arith.cmpf ogt, %gather3A_295, %select_n3A_290 : vector<16xf32>
          %jit3A_297 = arith.constant 2 : i32
          %broadcast_in_dim3A_298 = vector.broadcast %jit3A_297 : i32 to vector<16xi32>
          %select_n3A_299 = arith.select %gt3A_296, %broadcast_in_dim3A_298, %select_n3A_289 : vector<16xi1>, vector<16xi32>
          %select_n3A_300 = arith.select %gt3A_296, %gather3A_295, %select_n3A_290 : vector<16xi1>, vector<16xf32>
          %add3A_301 = arith.constant 3 : i32
          %add3A_302 = arith.addi %mul3A_275, %add3A_301 : i32
          %add3A_303 = vector.broadcast %add3A_302 : i32 to vector<16xi32>
          %add3A_304 = arith.addi %mul3A_6, %add3A_303 : vector<16xi32>
          %gather3A_305 = tpu.vector_load_idx %arg13[%add3A_304] : memref<4096xf32, #tpu.memory_space<vmem>>[vector<16xi32>], vector<16xf32>,
          %gt3A_306 = arith.cmpf ogt, %gather3A_305, %select_n3A_300 : vector<16xf32>
          %jit3A_307 = arith.constant 3 : i32
          %broadcast_in_dim3A_308 = vector.broadcast %jit3A_307 : i32 to vector<16xi32>
          %select_n3A_309 = arith.select %gt3A_306, %broadcast_in_dim3A_308, %select_n3A_299 : vector<16xi1>, vector<16xi32>
          %select_n3A_310 = arith.select %gt3A_306, %gather3A_305, %select_n3A_300 : vector<16xi1>, vector<16xf32>
          %add3A_311 = arith.constant 4 : i32
          %add3A_312 = arith.addi %mul3A_275, %add3A_311 : i32
          %add3A_313 = vector.broadcast %add3A_312 : i32 to vector<16xi32>
          %add3A_314 = arith.addi %mul3A_6, %add3A_313 : vector<16xi32>
          %gather3A_315 = tpu.vector_load_idx %arg13[%add3A_314] : memref<4096xf32, #tpu.memory_space<vmem>>[vector<16xi32>], vector<16xf32>,
          %gt3A_316 = arith.cmpf ogt, %gather3A_315, %select_n3A_310 : vector<16xf32>
          %jit3A_317 = arith.constant 4 : i32
          %broadcast_in_dim3A_318 = vector.broadcast %jit3A_317 : i32 to vector<16xi32>
          %select_n3A_319 = arith.select %gt3A_316, %broadcast_in_dim3A_318, %select_n3A_309 : vector<16xi1>, vector<16xi32>
          %select_n3A_320 = arith.select %gt3A_316, %gather3A_315, %select_n3A_310 : vector<16xi1>, vector<16xf32>
          %add3A_321 = arith.constant 5 : i32
          %add3A_322 = arith.addi %mul3A_275, %add3A_321 : i32
          %add3A_323 = vector.broadcast %add3A_322 : i32 to vector<16xi32>
          %add3A_324 = arith.addi %mul3A_6, %add3A_323 : vector<16xi32>
          %gather3A_325 = tpu.vector_load_idx %arg13[%add3A_324] : memref<4096xf32, #tpu.memory_space<vmem>>[vector<16xi32>], vector<16xf32>,
          %gt3A_326 = arith.cmpf ogt, %gather3A_325, %select_n3A_320 : vector<16xf32>
          %jit3A_327 = arith.constant 5 : i32
          %broadcast_in_dim3A_328 = vector.broadcast %jit3A_327 : i32 to vector<16xi32>
          %select_n3A_329 = arith.select %gt3A_326, %broadcast_in_dim3A_328, %select_n3A_319 : vector<16xi1>, vector<16xi32>
          %select_n3A_330 = arith.select %gt3A_326, %gather3A_325, %select_n3A_320 : vector<16xi1>, vector<16xf32>
          %add3A_331 = arith.constant 6 : i32
          %add3A_332 = arith.addi %mul3A_275, %add3A_331 : i32
          %add3A_333 = vector.broadcast %add3A_332 : i32 to vector<16xi32>
          %add3A_334 = arith.addi %mul3A_6, %add3A_333 : vector<16xi32>
          %gather3A_335 = tpu.vector_load_idx %arg13[%add3A_334] : memref<4096xf32, #tpu.memory_space<vmem>>[vector<16xi32>], vector<16xf32>,
          %gt3A_336 = arith.cmpf ogt, %gather3A_335, %select_n3A_330 : vector<16xf32>
          %jit3A_337 = arith.constant 6 : i32
          %broadcast_in_dim3A_338 = vector.broadcast %jit3A_337 : i32 to vector<16xi32>
          %select_n3A_339 = arith.select %gt3A_336, %broadcast_in_dim3A_338, %select_n3A_329 : vector<16xi1>, vector<16xi32>
          %select_n3A_340 = arith.select %gt3A_336, %gather3A_335, %select_n3A_330 : vector<16xi1>, vector<16xf32>
          %add3A_341 = arith.constant 7 : i32
          %add3A_342 = arith.addi %mul3A_275, %add3A_341 : i32
          %add3A_343 = vector.broadcast %add3A_342 : i32 to vector<16xi32>
          %add3A_344 = arith.addi %mul3A_6, %add3A_343 : vector<16xi32>
          %gather3A_345 = tpu.vector_load_idx %arg13[%add3A_344] : memref<4096xf32, #tpu.memory_space<vmem>>[vector<16xi32>], vector<16xf32>,
          %gt3A_346 = arith.cmpf ogt, %gather3A_345, %select_n3A_340 : vector<16xf32>
          %jit3A_347 = arith.constant 7 : i32
          %broadcast_in_dim3A_348 = vector.broadcast %jit3A_347 : i32 to vector<16xi32>
          %select_n3A_349 = arith.select %gt3A_346, %broadcast_in_dim3A_348, %select_n3A_339 : vector<16xi1>, vector<16xi32>
          %select_n3A_350 = arith.select %gt3A_346, %gather3A_345, %select_n3A_340 : vector<16xi1>, vector<16xf32>
          %add3A_351 = arith.constant 8 : i32
          %add3A_352 = arith.addi %mul3A_275, %add3A_351 : i32
          %add3A_353 = vector.broadcast %add3A_352 : i32 to vector<16xi32>
          %add3A_354 = arith.addi %mul3A_6, %add3A_353 : vector<16xi32>
          %gather3A_355 = tpu.vector_load_idx %arg13[%add3A_354] : memref<4096xf32, #tpu.memory_space<vmem>>[vector<16xi32>], vector<16xf32>,
          %gt3A_356 = arith.cmpf ogt, %gather3A_355, %select_n3A_350 : vector<16xf32>
          %jit3A_357 = arith.constant 8 : i32
          %broadcast_in_dim3A_358 = vector.broadcast %jit3A_357 : i32 to vector<16xi32>
          %select_n3A_359 = arith.select %gt3A_356, %broadcast_in_dim3A_358, %select_n3A_349 : vector<16xi1>, vector<16xi32>
          %select_n3A_360 = arith.select %gt3A_356, %gather3A_355, %select_n3A_350 : vector<16xi1>, vector<16xf32>
          %add3A_361 = arith.constant 9 : i32
          %add3A_362 = arith.addi %mul3A_275, %add3A_361 : i32
          %add3A_363 = vector.broadcast %add3A_362 : i32 to vector<16xi32>
          %add3A_364 = arith.addi %mul3A_6, %add3A_363 : vector<16xi32>
          %gather3A_365 = tpu.vector_load_idx %arg13[%add3A_364] : memref<4096xf32, #tpu.memory_space<vmem>>[vector<16xi32>], vector<16xf32>,
          %gt3A_366 = arith.cmpf ogt, %gather3A_365, %select_n3A_360 : vector<16xf32>
          %jit3A_367 = arith.constant 9 : i32
          %broadcast_in_dim3A_368 = vector.broadcast %jit3A_367 : i32 to vector<16xi32>
          %select_n3A_369 = arith.select %gt3A_366, %broadcast_in_dim3A_368, %select_n3A_359 : vector<16xi1>, vector<16xi32>
          %select_n3A_370 = arith.select %gt3A_366, %gather3A_365, %select_n3A_360 : vector<16xi1>, vector<16xf32>
          %mul3A_371 = arith.constant 16 : i32
          %mul3A_372 = arith.muli %add3A_273, %mul3A_371 : i32
          %add3A_373 = arith.constant 160 : i32
          %add3A_374 = arith.addi %add3A_373, %mul3A_372 : i32
          %swap3A_375 = arith.index_cast %add3A_374 : i32 to index
          %swap3A_376 = tpu.vector_load %arg12[%swap3A_375] {strides = array<i32>} : memref<640xi32, #tpu.memory_space<vmem>>, vector<16xi32>,
          tpu.vector_store %arg12[%swap3A_375], %select_n3A_369 {strides = array<i32>} : memref<640xi32, #tpu.memory_space<vmem>>, vector<16xi32>,
        }
        %scan3A_162 = arith.constant 10 : i32
      } else {
      }
      %add3A_133 = arith.constant 320 : i32
      %add3A_134 = arith.addi %add3A_117, %add3A_133 : i32
      %add3A_135 = arith.constant 160 : i32
      %add3A_136 = arith.addi %add3A_134, %add3A_135 : i32
      %le3A_137 = arith.constant 100000 : i32
      %le3A_138 = arith.cmpi sle, %add3A_136, %le3A_137 : i32
      %convert_element_type3A_139 = arith.extui %le3A_138 : i1 to i32
      %cond3A_140 = arith.constant 0 : i32
      %cond3A_141 = arith.cmpi ne, %convert_element_type3A_139, %cond3A_140 : i32
      scf.if %cond3A_141 {
        %mul3A_156 = arith.constant 10 : i32
        %mul3A_157 = arith.muli %add3A_134, %mul3A_156 : i32
        "tpu.region"() ({
          %run_scoped3A = tpu.sem_alloc : memref<!tpu.dma_semaphore, #tpu.memory_space<semaphore_mem>>
          %dma_start3A_163 = arith.constant 0 : i32
          %dma_start3A_164 = tpu.memref_slice %arg13[%dma_start3A_163] : memref<4096xf32, #tpu.memory_space<vmem>> -> memref<1600xf32, #tpu.memory_space<vmem>>
          %dma_start3A_165 = tpu.memref_slice %arg4[%mul3A_157] : memref<1000000xf32, #tpu.memory_space<hbm>> -> memref<1600xf32, #tpu.memory_space<hbm>>
          %dma_start3A_166 = arith.constant 0 : i32
          %dma_start3A_167 = tpu.memref_slice %arg13[%dma_start3A_166] : memref<4096xf32, #tpu.memory_space<vmem>> -> memref<1600xf32, #tpu.memory_space<vmem>>
          %dma_start3A_168 = tpu.memref_slice %arg4[%mul3A_157] : memref<1000000xf32, #tpu.memory_space<hbm>> -> memref<1600xf32, #tpu.memory_space<hbm>>
          tpu.enqueue_dma source(%dma_start3A_168 : memref<1600xf32, #tpu.memory_space<hbm>>) target(%dma_start3A_167 : memref<1600xf32, #tpu.memory_space<vmem>>) target_semaphore(%run_scoped3A : memref<!tpu.dma_semaphore, #tpu.memory_space<semaphore_mem>>)
          %dma_wait3A = arith.constant 0 : i32
          %dma_wait3A_169 = tpu.memref_slice %arg13[%dma_wait3A] : memref<4096xf32, #tpu.memory_space<vmem>> -> memref<1600xf32, #tpu.memory_space<vmem>>
          %dma_wait3A_170 = tpu.memref_slice %arg4[%mul3A_157] : memref<1000000xf32, #tpu.memory_space<hbm>> -> memref<1600xf32, #tpu.memory_space<hbm>>
          %dma_wait3A_171 = arith.constant 0 : i32
          %dma_wait3A_172 = tpu.memref_slice %arg13[%dma_wait3A_171] : memref<4096xf32, #tpu.memory_space<vmem>> -> memref<1600xf32, #tpu.memory_space<vmem>>
          %dma_wait3A_173 = tpu.memref_slice %arg4[%mul3A_157] : memref<1000000xf32, #tpu.memory_space<hbm>> -> memref<1600xf32, #tpu.memory_space<hbm>>
          tpu.wait_dma2 semaphore(%run_scoped3A : memref<!tpu.dma_semaphore, #tpu.memory_space<semaphore_mem>>) src(%dma_wait3A_173 : memref<1600xf32, #tpu.memory_space<hbm>>) dst(%dma_wait3A_172 : memref<1600xf32, #tpu.memory_space<vmem>>)
          tpu.yield
        }) : () -> ()
        %scan3A_158 = arith.constant 0 : i32
        %scan3A_159 = arith.constant 10 : i32
        %scan3A_160 = arith.addi %scan3A_158, %scan3A_159 : i32
        %scan3A_161 = arith.constant 2 : i32
        scf.for %scan3A_163 = %scan3A_158 to %scan3A_160 step %scan3A_161  : i32 {
          %mul3A_164 = arith.constant 1 : i32
          %mul3A_165 = arith.muli %scan3A_163, %mul3A_164 : i32
          %add3A_166 = arith.constant 0 : i32
          %add3A_167 = arith.addi %add3A_166, %mul3A_165 : i32
          %mul3A_168 = arith.constant 160 : i32
          %mul3A_169 = arith.muli %add3A_167, %mul3A_168 : i32
          %add3A_170 = vector.broadcast %mul3A_169 : i32 to vector<16xi32>
          %add3A_171 = arith.addi %mul3A_6, %add3A_170 : vector<16xi32>
          %gather3A = tpu.vector_load_idx %arg13[%add3A_171] : memref<4096xf32, #tpu.memory_space<vmem>>[vector<16xi32>], vector<16xf32>,
          %broadcast_in_dim3A_172 = arith.constant 0 : i32
          %broadcast_in_dim3A_173 = vector.broadcast %broadcast_in_dim3A_172 : i32 to vector<16xi32>
          %add3A_174 = arith.constant 1 : i32
          %add3A_175 = arith.addi %mul3A_169, %add3A_174 : i32
          %add3A_176 = vector.broadcast %add3A_175 : i32 to vector<16xi32>
          %add3A_177 = arith.addi %mul3A_6, %add3A_176 : vector<16xi32>
          %gather3A_178 = tpu.vector_load_idx %arg13[%add3A_177] : memref<4096xf32, #tpu.memory_space<vmem>>[vector<16xi32>], vector<16xf32>,
          %gt3A = arith.cmpf ogt, %gather3A_178, %gather3A : vector<16xf32>
          %jit3A_179 = arith.constant 1 : i32
          %broadcast_in_dim3A_180 = vector.broadcast %jit3A_179 : i32 to vector<16xi32>
          %select_n3A_181 = arith.select %gt3A, %broadcast_in_dim3A_180, %broadcast_in_dim3A_173 : vector<16xi1>, vector<16xi32>
          %select_n3A_182 = arith.select %gt3A, %gather3A_178, %gather3A : vector<16xi1>, vector<16xf32>
          %add3A_183 = arith.constant 2 : i32
          %add3A_184 = arith.addi %mul3A_169, %add3A_183 : i32
          %add3A_185 = vector.broadcast %add3A_184 : i32 to vector<16xi32>
          %add3A_186 = arith.addi %mul3A_6, %add3A_185 : vector<16xi32>
          %gather3A_187 = tpu.vector_load_idx %arg13[%add3A_186] : memref<4096xf32, #tpu.memory_space<vmem>>[vector<16xi32>], vector<16xf32>,
          %gt3A_188 = arith.cmpf ogt, %gather3A_187, %select_n3A_182 : vector<16xf32>
          %jit3A_189 = arith.constant 2 : i32
          %broadcast_in_dim3A_190 = vector.broadcast %jit3A_189 : i32 to vector<16xi32>
          %select_n3A_191 = arith.select %gt3A_188, %broadcast_in_dim3A_190, %select_n3A_181 : vector<16xi1>, vector<16xi32>
          %select_n3A_192 = arith.select %gt3A_188, %gather3A_187, %select_n3A_182 : vector<16xi1>, vector<16xf32>
          %add3A_193 = arith.constant 3 : i32
          %add3A_194 = arith.addi %mul3A_169, %add3A_193 : i32
          %add3A_195 = vector.broadcast %add3A_194 : i32 to vector<16xi32>
          %add3A_196 = arith.addi %mul3A_6, %add3A_195 : vector<16xi32>
          %gather3A_197 = tpu.vector_load_idx %arg13[%add3A_196] : memref<4096xf32, #tpu.memory_space<vmem>>[vector<16xi32>], vector<16xf32>,
          %gt3A_198 = arith.cmpf ogt, %gather3A_197, %select_n3A_192 : vector<16xf32>
          %jit3A_199 = arith.constant 3 : i32
          %broadcast_in_dim3A_200 = vector.broadcast %jit3A_199 : i32 to vector<16xi32>
          %select_n3A_201 = arith.select %gt3A_198, %broadcast_in_dim3A_200, %select_n3A_191 : vector<16xi1>, vector<16xi32>
          %select_n3A_202 = arith.select %gt3A_198, %gather3A_197, %select_n3A_192 : vector<16xi1>, vector<16xf32>
          %add3A_203 = arith.constant 4 : i32
          %add3A_204 = arith.addi %mul3A_169, %add3A_203 : i32
          %add3A_205 = vector.broadcast %add3A_204 : i32 to vector<16xi32>
          %add3A_206 = arith.addi %mul3A_6, %add3A_205 : vector<16xi32>
          %gather3A_207 = tpu.vector_load_idx %arg13[%add3A_206] : memref<4096xf32, #tpu.memory_space<vmem>>[vector<16xi32>], vector<16xf32>,
          %gt3A_208 = arith.cmpf ogt, %gather3A_207, %select_n3A_202 : vector<16xf32>
          %jit3A_209 = arith.constant 4 : i32
          %broadcast_in_dim3A_210 = vector.broadcast %jit3A_209 : i32 to vector<16xi32>
          %select_n3A_211 = arith.select %gt3A_208, %broadcast_in_dim3A_210, %select_n3A_201 : vector<16xi1>, vector<16xi32>
          %select_n3A_212 = arith.select %gt3A_208, %gather3A_207, %select_n3A_202 : vector<16xi1>, vector<16xf32>
          %add3A_213 = arith.constant 5 : i32
          %add3A_214 = arith.addi %mul3A_169, %add3A_213 : i32
          %add3A_215 = vector.broadcast %add3A_214 : i32 to vector<16xi32>
          %add3A_216 = arith.addi %mul3A_6, %add3A_215 : vector<16xi32>
          %gather3A_217 = tpu.vector_load_idx %arg13[%add3A_216] : memref<4096xf32, #tpu.memory_space<vmem>>[vector<16xi32>], vector<16xf32>,
          %gt3A_218 = arith.cmpf ogt, %gather3A_217, %select_n3A_212 : vector<16xf32>
          %jit3A_219 = arith.constant 5 : i32
          %broadcast_in_dim3A_220 = vector.broadcast %jit3A_219 : i32 to vector<16xi32>
          %select_n3A_221 = arith.select %gt3A_218, %broadcast_in_dim3A_220, %select_n3A_211 : vector<16xi1>, vector<16xi32>
          %select_n3A_222 = arith.select %gt3A_218, %gather3A_217, %select_n3A_212 : vector<16xi1>, vector<16xf32>
          %add3A_223 = arith.constant 6 : i32
          %add3A_224 = arith.addi %mul3A_169, %add3A_223 : i32
          %add3A_225 = vector.broadcast %add3A_224 : i32 to vector<16xi32>
          %add3A_226 = arith.addi %mul3A_6, %add3A_225 : vector<16xi32>
          %gather3A_227 = tpu.vector_load_idx %arg13[%add3A_226] : memref<4096xf32, #tpu.memory_space<vmem>>[vector<16xi32>], vector<16xf32>,
          %gt3A_228 = arith.cmpf ogt, %gather3A_227, %select_n3A_222 : vector<16xf32>
          %jit3A_229 = arith.constant 6 : i32
          %broadcast_in_dim3A_230 = vector.broadcast %jit3A_229 : i32 to vector<16xi32>
          %select_n3A_231 = arith.select %gt3A_228, %broadcast_in_dim3A_230, %select_n3A_221 : vector<16xi1>, vector<16xi32>
          %select_n3A_232 = arith.select %gt3A_228, %gather3A_227, %select_n3A_222 : vector<16xi1>, vector<16xf32>
          %add3A_233 = arith.constant 7 : i32
          %add3A_234 = arith.addi %mul3A_169, %add3A_233 : i32
          %add3A_235 = vector.broadcast %add3A_234 : i32 to vector<16xi32>
          %add3A_236 = arith.addi %mul3A_6, %add3A_235 : vector<16xi32>
          %gather3A_237 = tpu.vector_load_idx %arg13[%add3A_236] : memref<4096xf32, #tpu.memory_space<vmem>>[vector<16xi32>], vector<16xf32>,
          %gt3A_238 = arith.cmpf ogt, %gather3A_237, %select_n3A_232 : vector<16xf32>
          %jit3A_239 = arith.constant 7 : i32
          %broadcast_in_dim3A_240 = vector.broadcast %jit3A_239 : i32 to vector<16xi32>
          %select_n3A_241 = arith.select %gt3A_238, %broadcast_in_dim3A_240, %select_n3A_231 : vector<16xi1>, vector<16xi32>
          %select_n3A_242 = arith.select %gt3A_238, %gather3A_237, %select_n3A_232 : vector<16xi1>, vector<16xf32>
          %add3A_243 = arith.constant 8 : i32
          %add3A_244 = arith.addi %mul3A_169, %add3A_243 : i32
          %add3A_245 = vector.broadcast %add3A_244 : i32 to vector<16xi32>
          %add3A_246 = arith.addi %mul3A_6, %add3A_245 : vector<16xi32>
          %gather3A_247 = tpu.vector_load_idx %arg13[%add3A_246] : memref<4096xf32, #tpu.memory_space<vmem>>[vector<16xi32>], vector<16xf32>,
          %gt3A_248 = arith.cmpf ogt, %gather3A_247, %select_n3A_242 : vector<16xf32>
          %jit3A_249 = arith.constant 8 : i32
          %broadcast_in_dim3A_250 = vector.broadcast %jit3A_249 : i32 to vector<16xi32>
          %select_n3A_251 = arith.select %gt3A_248, %broadcast_in_dim3A_250, %select_n3A_241 : vector<16xi1>, vector<16xi32>
          %select_n3A_252 = arith.select %gt3A_248, %gather3A_247, %select_n3A_242 : vector<16xi1>, vector<16xf32>
          %add3A_253 = arith.constant 9 : i32
          %add3A_254 = arith.addi %mul3A_169, %add3A_253 : i32
          %add3A_255 = vector.broadcast %add3A_254 : i32 to vector<16xi32>
          %add3A_256 = arith.addi %mul3A_6, %add3A_255 : vector<16xi32>
          %gather3A_257 = tpu.vector_load_idx %arg13[%add3A_256] : memref<4096xf32, #tpu.memory_space<vmem>>[vector<16xi32>], vector<16xf32>,
          %gt3A_258 = arith.cmpf ogt, %gather3A_257, %select_n3A_252 : vector<16xf32>
          %jit3A_259 = arith.constant 9 : i32
          %broadcast_in_dim3A_260 = vector.broadcast %jit3A_259 : i32 to vector<16xi32>
          %select_n3A_261 = arith.select %gt3A_258, %broadcast_in_dim3A_260, %select_n3A_251 : vector<16xi1>, vector<16xi32>
          %select_n3A_262 = arith.select %gt3A_258, %gather3A_257, %select_n3A_252 : vector<16xi1>, vector<16xf32>
          %mul3A_263 = arith.constant 16 : i32
          %mul3A_264 = arith.muli %add3A_167, %mul3A_263 : i32
          %add3A_265 = arith.constant 320 : i32
          %add3A_266 = arith.addi %add3A_265, %mul3A_264 : i32
          %swap3A = arith.index_cast %add3A_266 : i32 to index
          %swap3A_267 = tpu.vector_load %arg12[%swap3A] {strides = array<i32>} : memref<640xi32, #tpu.memory_space<vmem>>, vector<16xi32>,
          tpu.vector_store %arg12[%swap3A], %select_n3A_261 {strides = array<i32>} : memref<640xi32, #tpu.memory_space<vmem>>, vector<16xi32>,
          %scan3A_268 = arith.constant 1 : i32
          %scan3A_269 = arith.addi %scan3A_163, %scan3A_268 : i32
          %mul3A_270 = arith.constant 1 : i32
          %mul3A_271 = arith.muli %scan3A_269, %mul3A_270 : i32
          %add3A_272 = arith.constant 0 : i32
          %add3A_273 = arith.addi %add3A_272, %mul3A_271 : i32
          %mul3A_274 = arith.constant 160 : i32
          %mul3A_275 = arith.muli %add3A_273, %mul3A_274 : i32
          %add3A_276 = vector.broadcast %mul3A_275 : i32 to vector<16xi32>
          %add3A_277 = arith.addi %mul3A_6, %add3A_276 : vector<16xi32>
          %gather3A_278 = tpu.vector_load_idx %arg13[%add3A_277] : memref<4096xf32, #tpu.memory_space<vmem>>[vector<16xi32>], vector<16xf32>,
          %broadcast_in_dim3A_279 = arith.constant 0 : i32
          %broadcast_in_dim3A_280 = vector.broadcast %broadcast_in_dim3A_279 : i32 to vector<16xi32>
          %add3A_281 = arith.constant 1 : i32
          %add3A_282 = arith.addi %mul3A_275, %add3A_281 : i32
          %add3A_283 = vector.broadcast %add3A_282 : i32 to vector<16xi32>
          %add3A_284 = arith.addi %mul3A_6, %add3A_283 : vector<16xi32>
          %gather3A_285 = tpu.vector_load_idx %arg13[%add3A_284] : memref<4096xf32, #tpu.memory_space<vmem>>[vector<16xi32>], vector<16xf32>,
          %gt3A_286 = arith.cmpf ogt, %gather3A_285, %gather3A_278 : vector<16xf32>
          %jit3A_287 = arith.constant 1 : i32
          %broadcast_in_dim3A_288 = vector.broadcast %jit3A_287 : i32 to vector<16xi32>
          %select_n3A_289 = arith.select %gt3A_286, %broadcast_in_dim3A_288, %broadcast_in_dim3A_280 : vector<16xi1>, vector<16xi32>
          %select_n3A_290 = arith.select %gt3A_286, %gather3A_285, %gather3A_278 : vector<16xi1>, vector<16xf32>
          %add3A_291 = arith.constant 2 : i32
          %add3A_292 = arith.addi %mul3A_275, %add3A_291 : i32
          %add3A_293 = vector.broadcast %add3A_292 : i32 to vector<16xi32>
          %add3A_294 = arith.addi %mul3A_6, %add3A_293 : vector<16xi32>
          %gather3A_295 = tpu.vector_load_idx %arg13[%add3A_294] : memref<4096xf32, #tpu.memory_space<vmem>>[vector<16xi32>], vector<16xf32>,
          %gt3A_296 = arith.cmpf ogt, %gather3A_295, %select_n3A_290 : vector<16xf32>
          %jit3A_297 = arith.constant 2 : i32
          %broadcast_in_dim3A_298 = vector.broadcast %jit3A_297 : i32 to vector<16xi32>
          %select_n3A_299 = arith.select %gt3A_296, %broadcast_in_dim3A_298, %select_n3A_289 : vector<16xi1>, vector<16xi32>
          %select_n3A_300 = arith.select %gt3A_296, %gather3A_295, %select_n3A_290 : vector<16xi1>, vector<16xf32>
          %add3A_301 = arith.constant 3 : i32
          %add3A_302 = arith.addi %mul3A_275, %add3A_301 : i32
          %add3A_303 = vector.broadcast %add3A_302 : i32 to vector<16xi32>
          %add3A_304 = arith.addi %mul3A_6, %add3A_303 : vector<16xi32>
          %gather3A_305 = tpu.vector_load_idx %arg13[%add3A_304] : memref<4096xf32, #tpu.memory_space<vmem>>[vector<16xi32>], vector<16xf32>,
          %gt3A_306 = arith.cmpf ogt, %gather3A_305, %select_n3A_300 : vector<16xf32>
          %jit3A_307 = arith.constant 3 : i32
          %broadcast_in_dim3A_308 = vector.broadcast %jit3A_307 : i32 to vector<16xi32>
          %select_n3A_309 = arith.select %gt3A_306, %broadcast_in_dim3A_308, %select_n3A_299 : vector<16xi1>, vector<16xi32>
          %select_n3A_310 = arith.select %gt3A_306, %gather3A_305, %select_n3A_300 : vector<16xi1>, vector<16xf32>
          %add3A_311 = arith.constant 4 : i32
          %add3A_312 = arith.addi %mul3A_275, %add3A_311 : i32
          %add3A_313 = vector.broadcast %add3A_312 : i32 to vector<16xi32>
          %add3A_314 = arith.addi %mul3A_6, %add3A_313 : vector<16xi32>
          %gather3A_315 = tpu.vector_load_idx %arg13[%add3A_314] : memref<4096xf32, #tpu.memory_space<vmem>>[vector<16xi32>], vector<16xf32>,
          %gt3A_316 = arith.cmpf ogt, %gather3A_315, %select_n3A_310 : vector<16xf32>
          %jit3A_317 = arith.constant 4 : i32
          %broadcast_in_dim3A_318 = vector.broadcast %jit3A_317 : i32 to vector<16xi32>
          %select_n3A_319 = arith.select %gt3A_316, %broadcast_in_dim3A_318, %select_n3A_309 : vector<16xi1>, vector<16xi32>
          %select_n3A_320 = arith.select %gt3A_316, %gather3A_315, %select_n3A_310 : vector<16xi1>, vector<16xf32>
          %add3A_321 = arith.constant 5 : i32
          %add3A_322 = arith.addi %mul3A_275, %add3A_321 : i32
          %add3A_323 = vector.broadcast %add3A_322 : i32 to vector<16xi32>
          %add3A_324 = arith.addi %mul3A_6, %add3A_323 : vector<16xi32>
          %gather3A_325 = tpu.vector_load_idx %arg13[%add3A_324] : memref<4096xf32, #tpu.memory_space<vmem>>[vector<16xi32>], vector<16xf32>,
          %gt3A_326 = arith.cmpf ogt, %gather3A_325, %select_n3A_320 : vector<16xf32>
          %jit3A_327 = arith.constant 5 : i32
          %broadcast_in_dim3A_328 = vector.broadcast %jit3A_327 : i32 to vector<16xi32>
          %select_n3A_329 = arith.select %gt3A_326, %broadcast_in_dim3A_328, %select_n3A_319 : vector<16xi1>, vector<16xi32>
          %select_n3A_330 = arith.select %gt3A_326, %gather3A_325, %select_n3A_320 : vector<16xi1>, vector<16xf32>
          %add3A_331 = arith.constant 6 : i32
          %add3A_332 = arith.addi %mul3A_275, %add3A_331 : i32
          %add3A_333 = vector.broadcast %add3A_332 : i32 to vector<16xi32>
          %add3A_334 = arith.addi %mul3A_6, %add3A_333 : vector<16xi32>
          %gather3A_335 = tpu.vector_load_idx %arg13[%add3A_334] : memref<4096xf32, #tpu.memory_space<vmem>>[vector<16xi32>], vector<16xf32>,
          %gt3A_336 = arith.cmpf ogt, %gather3A_335, %select_n3A_330 : vector<16xf32>
          %jit3A_337 = arith.constant 6 : i32
          %broadcast_in_dim3A_338 = vector.broadcast %jit3A_337 : i32 to vector<16xi32>
          %select_n3A_339 = arith.select %gt3A_336, %broadcast_in_dim3A_338, %select_n3A_329 : vector<16xi1>, vector<16xi32>
          %select_n3A_340 = arith.select %gt3A_336, %gather3A_335, %select_n3A_330 : vector<16xi1>, vector<16xf32>
          %add3A_341 = arith.constant 7 : i32
          %add3A_342 = arith.addi %mul3A_275, %add3A_341 : i32
          %add3A_343 = vector.broadcast %add3A_342 : i32 to vector<16xi32>
          %add3A_344 = arith.addi %mul3A_6, %add3A_343 : vector<16xi32>
          %gather3A_345 = tpu.vector_load_idx %arg13[%add3A_344] : memref<4096xf32, #tpu.memory_space<vmem>>[vector<16xi32>], vector<16xf32>,
          %gt3A_346 = arith.cmpf ogt, %gather3A_345, %select_n3A_340 : vector<16xf32>
          %jit3A_347 = arith.constant 7 : i32
          %broadcast_in_dim3A_348 = vector.broadcast %jit3A_347 : i32 to vector<16xi32>
          %select_n3A_349 = arith.select %gt3A_346, %broadcast_in_dim3A_348, %select_n3A_339 : vector<16xi1>, vector<16xi32>
          %select_n3A_350 = arith.select %gt3A_346, %gather3A_345, %select_n3A_340 : vector<16xi1>, vector<16xf32>
          %add3A_351 = arith.constant 8 : i32
          %add3A_352 = arith.addi %mul3A_275, %add3A_351 : i32
          %add3A_353 = vector.broadcast %add3A_352 : i32 to vector<16xi32>
          %add3A_354 = arith.addi %mul3A_6, %add3A_353 : vector<16xi32>
          %gather3A_355 = tpu.vector_load_idx %arg13[%add3A_354] : memref<4096xf32, #tpu.memory_space<vmem>>[vector<16xi32>], vector<16xf32>,
          %gt3A_356 = arith.cmpf ogt, %gather3A_355, %select_n3A_350 : vector<16xf32>
          %jit3A_357 = arith.constant 8 : i32
          %broadcast_in_dim3A_358 = vector.broadcast %jit3A_357 : i32 to vector<16xi32>
          %select_n3A_359 = arith.select %gt3A_356, %broadcast_in_dim3A_358, %select_n3A_349 : vector<16xi1>, vector<16xi32>
          %select_n3A_360 = arith.select %gt3A_356, %gather3A_355, %select_n3A_350 : vector<16xi1>, vector<16xf32>
          %add3A_361 = arith.constant 9 : i32
          %add3A_362 = arith.addi %mul3A_275, %add3A_361 : i32
          %add3A_363 = vector.broadcast %add3A_362 : i32 to vector<16xi32>
          %add3A_364 = arith.addi %mul3A_6, %add3A_363 : vector<16xi32>
          %gather3A_365 = tpu.vector_load_idx %arg13[%add3A_364] : memref<4096xf32, #tpu.memory_space<vmem>>[vector<16xi32>], vector<16xf32>,
          %gt3A_366 = arith.cmpf ogt, %gather3A_365, %select_n3A_360 : vector<16xf32>
          %jit3A_367 = arith.constant 9 : i32
          %broadcast_in_dim3A_368 = vector.broadcast %jit3A_367 : i32 to vector<16xi32>
          %select_n3A_369 = arith.select %gt3A_366, %broadcast_in_dim3A_368, %select_n3A_359 : vector<16xi1>, vector<16xi32>
          %select_n3A_370 = arith.select %gt3A_366, %gather3A_365, %select_n3A_360 : vector<16xi1>, vector<16xf32>
          %mul3A_371 = arith.constant 16 : i32
          %mul3A_372 = arith.muli %add3A_273, %mul3A_371 : i32
          %add3A_373 = arith.constant 320 : i32
          %add3A_374 = arith.addi %add3A_373, %mul3A_372 : i32
          %swap3A_375 = arith.index_cast %add3A_374 : i32 to index
          %swap3A_376 = tpu.vector_load %arg12[%swap3A_375] {strides = array<i32>} : memref<640xi32, #tpu.memory_space<vmem>>, vector<16xi32>,
          tpu.vector_store %arg12[%swap3A_375], %select_n3A_369 {strides = array<i32>} : memref<640xi32, #tpu.memory_space<vmem>>, vector<16xi32>,
        }
        %scan3A_162 = arith.constant 10 : i32
      } else {
      }
      %add3A_142 = arith.constant 480 : i32
      %add3A_143 = arith.addi %add3A_117, %add3A_142 : i32
      %add3A_144 = arith.constant 160 : i32
      %add3A_145 = arith.addi %add3A_143, %add3A_144 : i32
      %le3A_146 = arith.constant 100000 : i32
      %le3A_147 = arith.cmpi sle, %add3A_145, %le3A_146 : i32
      %convert_element_type3A_148 = arith.extui %le3A_147 : i1 to i32
      %cond3A_149 = arith.constant 0 : i32
      %cond3A_150 = arith.cmpi ne, %convert_element_type3A_148, %cond3A_149 : i32
      scf.if %cond3A_150 {
        %mul3A_156 = arith.constant 10 : i32
        %mul3A_157 = arith.muli %add3A_143, %mul3A_156 : i32
        "tpu.region"() ({
          %run_scoped3A = tpu.sem_alloc : memref<!tpu.dma_semaphore, #tpu.memory_space<semaphore_mem>>
          %dma_start3A_163 = arith.constant 0 : i32
          %dma_start3A_164 = tpu.memref_slice %arg13[%dma_start3A_163] : memref<4096xf32, #tpu.memory_space<vmem>> -> memref<1600xf32, #tpu.memory_space<vmem>>
          %dma_start3A_165 = tpu.memref_slice %arg4[%mul3A_157] : memref<1000000xf32, #tpu.memory_space<hbm>> -> memref<1600xf32, #tpu.memory_space<hbm>>
          %dma_start3A_166 = arith.constant 0 : i32
          %dma_start3A_167 = tpu.memref_slice %arg13[%dma_start3A_166] : memref<4096xf32, #tpu.memory_space<vmem>> -> memref<1600xf32, #tpu.memory_space<vmem>>
          %dma_start3A_168 = tpu.memref_slice %arg4[%mul3A_157] : memref<1000000xf32, #tpu.memory_space<hbm>> -> memref<1600xf32, #tpu.memory_space<hbm>>
          tpu.enqueue_dma source(%dma_start3A_168 : memref<1600xf32, #tpu.memory_space<hbm>>) target(%dma_start3A_167 : memref<1600xf32, #tpu.memory_space<vmem>>) target_semaphore(%run_scoped3A : memref<!tpu.dma_semaphore, #tpu.memory_space<semaphore_mem>>)
          %dma_wait3A = arith.constant 0 : i32
          %dma_wait3A_169 = tpu.memref_slice %arg13[%dma_wait3A] : memref<4096xf32, #tpu.memory_space<vmem>> -> memref<1600xf32, #tpu.memory_space<vmem>>
          %dma_wait3A_170 = tpu.memref_slice %arg4[%mul3A_157] : memref<1000000xf32, #tpu.memory_space<hbm>> -> memref<1600xf32, #tpu.memory_space<hbm>>
          %dma_wait3A_171 = arith.constant 0 : i32
          %dma_wait3A_172 = tpu.memref_slice %arg13[%dma_wait3A_171] : memref<4096xf32, #tpu.memory_space<vmem>> -> memref<1600xf32, #tpu.memory_space<vmem>>
          %dma_wait3A_173 = tpu.memref_slice %arg4[%mul3A_157] : memref<1000000xf32, #tpu.memory_space<hbm>> -> memref<1600xf32, #tpu.memory_space<hbm>>
          tpu.wait_dma2 semaphore(%run_scoped3A : memref<!tpu.dma_semaphore, #tpu.memory_space<semaphore_mem>>) src(%dma_wait3A_173 : memref<1600xf32, #tpu.memory_space<hbm>>) dst(%dma_wait3A_172 : memref<1600xf32, #tpu.memory_space<vmem>>)
          tpu.yield
        }) : () -> ()
        %scan3A_158 = arith.constant 0 : i32
        %scan3A_159 = arith.constant 10 : i32
        %scan3A_160 = arith.addi %scan3A_158, %scan3A_159 : i32
        %scan3A_161 = arith.constant 2 : i32
        scf.for %scan3A_163 = %scan3A_158 to %scan3A_160 step %scan3A_161  : i32 {
          %mul3A_164 = arith.constant 1 : i32
          %mul3A_165 = arith.muli %scan3A_163, %mul3A_164 : i32
          %add3A_166 = arith.constant 0 : i32
          %add3A_167 = arith.addi %add3A_166, %mul3A_165 : i32
          %mul3A_168 = arith.constant 160 : i32
          %mul3A_169 = arith.muli %add3A_167, %mul3A_168 : i32
          %add3A_170 = vector.broadcast %mul3A_169 : i32 to vector<16xi32>
          %add3A_171 = arith.addi %mul3A_6, %add3A_170 : vector<16xi32>
          %gather3A = tpu.vector_load_idx %arg13[%add3A_171] : memref<4096xf32, #tpu.memory_space<vmem>>[vector<16xi32>], vector<16xf32>,
          %broadcast_in_dim3A_172 = arith.constant 0 : i32
          %broadcast_in_dim3A_173 = vector.broadcast %broadcast_in_dim3A_172 : i32 to vector<16xi32>
          %add3A_174 = arith.constant 1 : i32
          %add3A_175 = arith.addi %mul3A_169, %add3A_174 : i32
          %add3A_176 = vector.broadcast %add3A_175 : i32 to vector<16xi32>
          %add3A_177 = arith.addi %mul3A_6, %add3A_176 : vector<16xi32>
          %gather3A_178 = tpu.vector_load_idx %arg13[%add3A_177] : memref<4096xf32, #tpu.memory_space<vmem>>[vector<16xi32>], vector<16xf32>,
          %gt3A = arith.cmpf ogt, %gather3A_178, %gather3A : vector<16xf32>
          %jit3A_179 = arith.constant 1 : i32
          %broadcast_in_dim3A_180 = vector.broadcast %jit3A_179 : i32 to vector<16xi32>
          %select_n3A_181 = arith.select %gt3A, %broadcast_in_dim3A_180, %broadcast_in_dim3A_173 : vector<16xi1>, vector<16xi32>
          %select_n3A_182 = arith.select %gt3A, %gather3A_178, %gather3A : vector<16xi1>, vector<16xf32>
          %add3A_183 = arith.constant 2 : i32
          %add3A_184 = arith.addi %mul3A_169, %add3A_183 : i32
          %add3A_185 = vector.broadcast %add3A_184 : i32 to vector<16xi32>
          %add3A_186 = arith.addi %mul3A_6, %add3A_185 : vector<16xi32>
          %gather3A_187 = tpu.vector_load_idx %arg13[%add3A_186] : memref<4096xf32, #tpu.memory_space<vmem>>[vector<16xi32>], vector<16xf32>,
          %gt3A_188 = arith.cmpf ogt, %gather3A_187, %select_n3A_182 : vector<16xf32>
          %jit3A_189 = arith.constant 2 : i32
          %broadcast_in_dim3A_190 = vector.broadcast %jit3A_189 : i32 to vector<16xi32>
          %select_n3A_191 = arith.select %gt3A_188, %broadcast_in_dim3A_190, %select_n3A_181 : vector<16xi1>, vector<16xi32>
          %select_n3A_192 = arith.select %gt3A_188, %gather3A_187, %select_n3A_182 : vector<16xi1>, vector<16xf32>
          %add3A_193 = arith.constant 3 : i32
          %add3A_194 = arith.addi %mul3A_169, %add3A_193 : i32
          %add3A_195 = vector.broadcast %add3A_194 : i32 to vector<16xi32>
          %add3A_196 = arith.addi %mul3A_6, %add3A_195 : vector<16xi32>
          %gather3A_197 = tpu.vector_load_idx %arg13[%add3A_196] : memref<4096xf32, #tpu.memory_space<vmem>>[vector<16xi32>], vector<16xf32>,
          %gt3A_198 = arith.cmpf ogt, %gather3A_197, %select_n3A_192 : vector<16xf32>
          %jit3A_199 = arith.constant 3 : i32
          %broadcast_in_dim3A_200 = vector.broadcast %jit3A_199 : i32 to vector<16xi32>
          %select_n3A_201 = arith.select %gt3A_198, %broadcast_in_dim3A_200, %select_n3A_191 : vector<16xi1>, vector<16xi32>
          %select_n3A_202 = arith.select %gt3A_198, %gather3A_197, %select_n3A_192 : vector<16xi1>, vector<16xf32>
          %add3A_203 = arith.constant 4 : i32
          %add3A_204 = arith.addi %mul3A_169, %add3A_203 : i32
          %add3A_205 = vector.broadcast %add3A_204 : i32 to vector<16xi32>
          %add3A_206 = arith.addi %mul3A_6, %add3A_205 : vector<16xi32>
          %gather3A_207 = tpu.vector_load_idx %arg13[%add3A_206] : memref<4096xf32, #tpu.memory_space<vmem>>[vector<16xi32>], vector<16xf32>,
          %gt3A_208 = arith.cmpf ogt, %gather3A_207, %select_n3A_202 : vector<16xf32>
          %jit3A_209 = arith.constant 4 : i32
          %broadcast_in_dim3A_210 = vector.broadcast %jit3A_209 : i32 to vector<16xi32>
          %select_n3A_211 = arith.select %gt3A_208, %broadcast_in_dim3A_210, %select_n3A_201 : vector<16xi1>, vector<16xi32>
          %select_n3A_212 = arith.select %gt3A_208, %gather3A_207, %select_n3A_202 : vector<16xi1>, vector<16xf32>
          %add3A_213 = arith.constant 5 : i32
          %add3A_214 = arith.addi %mul3A_169, %add3A_213 : i32
          %add3A_215 = vector.broadcast %add3A_214 : i32 to vector<16xi32>
          %add3A_216 = arith.addi %mul3A_6, %add3A_215 : vector<16xi32>
          %gather3A_217 = tpu.vector_load_idx %arg13[%add3A_216] : memref<4096xf32, #tpu.memory_space<vmem>>[vector<16xi32>], vector<16xf32>,
          %gt3A_218 = arith.cmpf ogt, %gather3A_217, %select_n3A_212 : vector<16xf32>
          %jit3A_219 = arith.constant 5 : i32
          %broadcast_in_dim3A_220 = vector.broadcast %jit3A_219 : i32 to vector<16xi32>
          %select_n3A_221 = arith.select %gt3A_218, %broadcast_in_dim3A_220, %select_n3A_211 : vector<16xi1>, vector<16xi32>
          %select_n3A_222 = arith.select %gt3A_218, %gather3A_217, %select_n3A_212 : vector<16xi1>, vector<16xf32>
          %add3A_223 = arith.constant 6 : i32
          %add3A_224 = arith.addi %mul3A_169, %add3A_223 : i32
          %add3A_225 = vector.broadcast %add3A_224 : i32 to vector<16xi32>
          %add3A_226 = arith.addi %mul3A_6, %add3A_225 : vector<16xi32>
          %gather3A_227 = tpu.vector_load_idx %arg13[%add3A_226] : memref<4096xf32, #tpu.memory_space<vmem>>[vector<16xi32>], vector<16xf32>,
          %gt3A_228 = arith.cmpf ogt, %gather3A_227, %select_n3A_222 : vector<16xf32>
          %jit3A_229 = arith.constant 6 : i32
          %broadcast_in_dim3A_230 = vector.broadcast %jit3A_229 : i32 to vector<16xi32>
          %select_n3A_231 = arith.select %gt3A_228, %broadcast_in_dim3A_230, %select_n3A_221 : vector<16xi1>, vector<16xi32>
          %select_n3A_232 = arith.select %gt3A_228, %gather3A_227, %select_n3A_222 : vector<16xi1>, vector<16xf32>
          %add3A_233 = arith.constant 7 : i32
          %add3A_234 = arith.addi %mul3A_169, %add3A_233 : i32
          %add3A_235 = vector.broadcast %add3A_234 : i32 to vector<16xi32>
          %add3A_236 = arith.addi %mul3A_6, %add3A_235 : vector<16xi32>
          %gather3A_237 = tpu.vector_load_idx %arg13[%add3A_236] : memref<4096xf32, #tpu.memory_space<vmem>>[vector<16xi32>], vector<16xf32>,
          %gt3A_238 = arith.cmpf ogt, %gather3A_237, %select_n3A_232 : vector<16xf32>
          %jit3A_239 = arith.constant 7 : i32
          %broadcast_in_dim3A_240 = vector.broadcast %jit3A_239 : i32 to vector<16xi32>
          %select_n3A_241 = arith.select %gt3A_238, %broadcast_in_dim3A_240, %select_n3A_231 : vector<16xi1>, vector<16xi32>
          %select_n3A_242 = arith.select %gt3A_238, %gather3A_237, %select_n3A_232 : vector<16xi1>, vector<16xf32>
          %add3A_243 = arith.constant 8 : i32
          %add3A_244 = arith.addi %mul3A_169, %add3A_243 : i32
          %add3A_245 = vector.broadcast %add3A_244 : i32 to vector<16xi32>
          %add3A_246 = arith.addi %mul3A_6, %add3A_245 : vector<16xi32>
          %gather3A_247 = tpu.vector_load_idx %arg13[%add3A_246] : memref<4096xf32, #tpu.memory_space<vmem>>[vector<16xi32>], vector<16xf32>,
          %gt3A_248 = arith.cmpf ogt, %gather3A_247, %select_n3A_242 : vector<16xf32>
          %jit3A_249 = arith.constant 8 : i32
          %broadcast_in_dim3A_250 = vector.broadcast %jit3A_249 : i32 to vector<16xi32>
          %select_n3A_251 = arith.select %gt3A_248, %broadcast_in_dim3A_250, %select_n3A_241 : vector<16xi1>, vector<16xi32>
          %select_n3A_252 = arith.select %gt3A_248, %gather3A_247, %select_n3A_242 : vector<16xi1>, vector<16xf32>
          %add3A_253 = arith.constant 9 : i32
          %add3A_254 = arith.addi %mul3A_169, %add3A_253 : i32
          %add3A_255 = vector.broadcast %add3A_254 : i32 to vector<16xi32>
          %add3A_256 = arith.addi %mul3A_6, %add3A_255 : vector<16xi32>
          %gather3A_257 = tpu.vector_load_idx %arg13[%add3A_256] : memref<4096xf32, #tpu.memory_space<vmem>>[vector<16xi32>], vector<16xf32>,
          %gt3A_258 = arith.cmpf ogt, %gather3A_257, %select_n3A_252 : vector<16xf32>
          %jit3A_259 = arith.constant 9 : i32
          %broadcast_in_dim3A_260 = vector.broadcast %jit3A_259 : i32 to vector<16xi32>
          %select_n3A_261 = arith.select %gt3A_258, %broadcast_in_dim3A_260, %select_n3A_251 : vector<16xi1>, vector<16xi32>
          %select_n3A_262 = arith.select %gt3A_258, %gather3A_257, %select_n3A_252 : vector<16xi1>, vector<16xf32>
          %mul3A_263 = arith.constant 16 : i32
          %mul3A_264 = arith.muli %add3A_167, %mul3A_263 : i32
          %add3A_265 = arith.constant 480 : i32
          %add3A_266 = arith.addi %add3A_265, %mul3A_264 : i32
          %swap3A = arith.index_cast %add3A_266 : i32 to index
          %swap3A_267 = tpu.vector_load %arg12[%swap3A] {strides = array<i32>} : memref<640xi32, #tpu.memory_space<vmem>>, vector<16xi32>,
          tpu.vector_store %arg12[%swap3A], %select_n3A_261 {strides = array<i32>} : memref<640xi32, #tpu.memory_space<vmem>>, vector<16xi32>,
          %scan3A_268 = arith.constant 1 : i32
          %scan3A_269 = arith.addi %scan3A_163, %scan3A_268 : i32
          %mul3A_270 = arith.constant 1 : i32
          %mul3A_271 = arith.muli %scan3A_269, %mul3A_270 : i32
          %add3A_272 = arith.constant 0 : i32
          %add3A_273 = arith.addi %add3A_272, %mul3A_271 : i32
          %mul3A_274 = arith.constant 160 : i32
          %mul3A_275 = arith.muli %add3A_273, %mul3A_274 : i32
          %add3A_276 = vector.broadcast %mul3A_275 : i32 to vector<16xi32>
          %add3A_277 = arith.addi %mul3A_6, %add3A_276 : vector<16xi32>
          %gather3A_278 = tpu.vector_load_idx %arg13[%add3A_277] : memref<4096xf32, #tpu.memory_space<vmem>>[vector<16xi32>], vector<16xf32>,
          %broadcast_in_dim3A_279 = arith.constant 0 : i32
          %broadcast_in_dim3A_280 = vector.broadcast %broadcast_in_dim3A_279 : i32 to vector<16xi32>
          %add3A_281 = arith.constant 1 : i32
          %add3A_282 = arith.addi %mul3A_275, %add3A_281 : i32
          %add3A_283 = vector.broadcast %add3A_282 : i32 to vector<16xi32>
          %add3A_284 = arith.addi %mul3A_6, %add3A_283 : vector<16xi32>
          %gather3A_285 = tpu.vector_load_idx %arg13[%add3A_284] : memref<4096xf32, #tpu.memory_space<vmem>>[vector<16xi32>], vector<16xf32>,
          %gt3A_286 = arith.cmpf ogt, %gather3A_285, %gather3A_278 : vector<16xf32>
          %jit3A_287 = arith.constant 1 : i32
          %broadcast_in_dim3A_288 = vector.broadcast %jit3A_287 : i32 to vector<16xi32>
          %select_n3A_289 = arith.select %gt3A_286, %broadcast_in_dim3A_288, %broadcast_in_dim3A_280 : vector<16xi1>, vector<16xi32>
          %select_n3A_290 = arith.select %gt3A_286, %gather3A_285, %gather3A_278 : vector<16xi1>, vector<16xf32>
          %add3A_291 = arith.constant 2 : i32
          %add3A_292 = arith.addi %mul3A_275, %add3A_291 : i32
          %add3A_293 = vector.broadcast %add3A_292 : i32 to vector<16xi32>
          %add3A_294 = arith.addi %mul3A_6, %add3A_293 : vector<16xi32>
          %gather3A_295 = tpu.vector_load_idx %arg13[%add3A_294] : memref<4096xf32, #tpu.memory_space<vmem>>[vector<16xi32>], vector<16xf32>,
          %gt3A_296 = arith.cmpf ogt, %gather3A_295, %select_n3A_290 : vector<16xf32>
          %jit3A_297 = arith.constant 2 : i32
          %broadcast_in_dim3A_298 = vector.broadcast %jit3A_297 : i32 to vector<16xi32>
          %select_n3A_299 = arith.select %gt3A_296, %broadcast_in_dim3A_298, %select_n3A_289 : vector<16xi1>, vector<16xi32>
          %select_n3A_300 = arith.select %gt3A_296, %gather3A_295, %select_n3A_290 : vector<16xi1>, vector<16xf32>
          %add3A_301 = arith.constant 3 : i32
          %add3A_302 = arith.addi %mul3A_275, %add3A_301 : i32
          %add3A_303 = vector.broadcast %add3A_302 : i32 to vector<16xi32>
          %add3A_304 = arith.addi %mul3A_6, %add3A_303 : vector<16xi32>
          %gather3A_305 = tpu.vector_load_idx %arg13[%add3A_304] : memref<4096xf32, #tpu.memory_space<vmem>>[vector<16xi32>], vector<16xf32>,
          %gt3A_306 = arith.cmpf ogt, %gather3A_305, %select_n3A_300 : vector<16xf32>
          %jit3A_307 = arith.constant 3 : i32
          %broadcast_in_dim3A_308 = vector.broadcast %jit3A_307 : i32 to vector<16xi32>
          %select_n3A_309 = arith.select %gt3A_306, %broadcast_in_dim3A_308, %select_n3A_299 : vector<16xi1>, vector<16xi32>
          %select_n3A_310 = arith.select %gt3A_306, %gather3A_305, %select_n3A_300 : vector<16xi1>, vector<16xf32>
          %add3A_311 = arith.constant 4 : i32
          %add3A_312 = arith.addi %mul3A_275, %add3A_311 : i32
          %add3A_313 = vector.broadcast %add3A_312 : i32 to vector<16xi32>
          %add3A_314 = arith.addi %mul3A_6, %add3A_313 : vector<16xi32>
          %gather3A_315 = tpu.vector_load_idx %arg13[%add3A_314] : memref<4096xf32, #tpu.memory_space<vmem>>[vector<16xi32>], vector<16xf32>,
          %gt3A_316 = arith.cmpf ogt, %gather3A_315, %select_n3A_310 : vector<16xf32>
          %jit3A_317 = arith.constant 4 : i32
          %broadcast_in_dim3A_318 = vector.broadcast %jit3A_317 : i32 to vector<16xi32>
          %select_n3A_319 = arith.select %gt3A_316, %broadcast_in_dim3A_318, %select_n3A_309 : vector<16xi1>, vector<16xi32>
          %select_n3A_320 = arith.select %gt3A_316, %gather3A_315, %select_n3A_310 : vector<16xi1>, vector<16xf32>
          %add3A_321 = arith.constant 5 : i32
          %add3A_322 = arith.addi %mul3A_275, %add3A_321 : i32
          %add3A_323 = vector.broadcast %add3A_322 : i32 to vector<16xi32>
          %add3A_324 = arith.addi %mul3A_6, %add3A_323 : vector<16xi32>
          %gather3A_325 = tpu.vector_load_idx %arg13[%add3A_324] : memref<4096xf32, #tpu.memory_space<vmem>>[vector<16xi32>], vector<16xf32>,
          %gt3A_326 = arith.cmpf ogt, %gather3A_325, %select_n3A_320 : vector<16xf32>
          %jit3A_327 = arith.constant 5 : i32
          %broadcast_in_dim3A_328 = vector.broadcast %jit3A_327 : i32 to vector<16xi32>
          %select_n3A_329 = arith.select %gt3A_326, %broadcast_in_dim3A_328, %select_n3A_319 : vector<16xi1>, vector<16xi32>
          %select_n3A_330 = arith.select %gt3A_326, %gather3A_325, %select_n3A_320 : vector<16xi1>, vector<16xf32>
          %add3A_331 = arith.constant 6 : i32
          %add3A_332 = arith.addi %mul3A_275, %add3A_331 : i32
          %add3A_333 = vector.broadcast %add3A_332 : i32 to vector<16xi32>
          %add3A_334 = arith.addi %mul3A_6, %add3A_333 : vector<16xi32>
          %gather3A_335 = tpu.vector_load_idx %arg13[%add3A_334] : memref<4096xf32, #tpu.memory_space<vmem>>[vector<16xi32>], vector<16xf32>,
          %gt3A_336 = arith.cmpf ogt, %gather3A_335, %select_n3A_330 : vector<16xf32>
          %jit3A_337 = arith.constant 6 : i32
          %broadcast_in_dim3A_338 = vector.broadcast %jit3A_337 : i32 to vector<16xi32>
          %select_n3A_339 = arith.select %gt3A_336, %broadcast_in_dim3A_338, %select_n3A_329 : vector<16xi1>, vector<16xi32>
          %select_n3A_340 = arith.select %gt3A_336, %gather3A_335, %select_n3A_330 : vector<16xi1>, vector<16xf32>
          %add3A_341 = arith.constant 7 : i32
          %add3A_342 = arith.addi %mul3A_275, %add3A_341 : i32
          %add3A_343 = vector.broadcast %add3A_342 : i32 to vector<16xi32>
          %add3A_344 = arith.addi %mul3A_6, %add3A_343 : vector<16xi32>
          %gather3A_345 = tpu.vector_load_idx %arg13[%add3A_344] : memref<4096xf32, #tpu.memory_space<vmem>>[vector<16xi32>], vector<16xf32>,
          %gt3A_346 = arith.cmpf ogt, %gather3A_345, %select_n3A_340 : vector<16xf32>
          %jit3A_347 = arith.constant 7 : i32
          %broadcast_in_dim3A_348 = vector.broadcast %jit3A_347 : i32 to vector<16xi32>
          %select_n3A_349 = arith.select %gt3A_346, %broadcast_in_dim3A_348, %select_n3A_339 : vector<16xi1>, vector<16xi32>
          %select_n3A_350 = arith.select %gt3A_346, %gather3A_345, %select_n3A_340 : vector<16xi1>, vector<16xf32>
          %add3A_351 = arith.constant 8 : i32
          %add3A_352 = arith.addi %mul3A_275, %add3A_351 : i32
          %add3A_353 = vector.broadcast %add3A_352 : i32 to vector<16xi32>
          %add3A_354 = arith.addi %mul3A_6, %add3A_353 : vector<16xi32>
          %gather3A_355 = tpu.vector_load_idx %arg13[%add3A_354] : memref<4096xf32, #tpu.memory_space<vmem>>[vector<16xi32>], vector<16xf32>,
          %gt3A_356 = arith.cmpf ogt, %gather3A_355, %select_n3A_350 : vector<16xf32>
          %jit3A_357 = arith.constant 8 : i32
          %broadcast_in_dim3A_358 = vector.broadcast %jit3A_357 : i32 to vector<16xi32>
          %select_n3A_359 = arith.select %gt3A_356, %broadcast_in_dim3A_358, %select_n3A_349 : vector<16xi1>, vector<16xi32>
          %select_n3A_360 = arith.select %gt3A_356, %gather3A_355, %select_n3A_350 : vector<16xi1>, vector<16xf32>
          %add3A_361 = arith.constant 9 : i32
          %add3A_362 = arith.addi %mul3A_275, %add3A_361 : i32
          %add3A_363 = vector.broadcast %add3A_362 : i32 to vector<16xi32>
          %add3A_364 = arith.addi %mul3A_6, %add3A_363 : vector<16xi32>
          %gather3A_365 = tpu.vector_load_idx %arg13[%add3A_364] : memref<4096xf32, #tpu.memory_space<vmem>>[vector<16xi32>], vector<16xf32>,
          %gt3A_366 = arith.cmpf ogt, %gather3A_365, %select_n3A_360 : vector<16xf32>
          %jit3A_367 = arith.constant 9 : i32
          %broadcast_in_dim3A_368 = vector.broadcast %jit3A_367 : i32 to vector<16xi32>
          %select_n3A_369 = arith.select %gt3A_366, %broadcast_in_dim3A_368, %select_n3A_359 : vector<16xi1>, vector<16xi32>
          %select_n3A_370 = arith.select %gt3A_366, %gather3A_365, %select_n3A_360 : vector<16xi1>, vector<16xf32>
          %mul3A_371 = arith.constant 16 : i32
          %mul3A_372 = arith.muli %add3A_273, %mul3A_371 : i32
          %add3A_373 = arith.constant 480 : i32
          %add3A_374 = arith.addi %add3A_373, %mul3A_372 : i32
          %swap3A_375 = arith.index_cast %add3A_374 : i32 to index
          %swap3A_376 = tpu.vector_load %arg12[%swap3A_375] {strides = array<i32>} : memref<640xi32, #tpu.memory_space<vmem>>, vector<16xi32>,
          tpu.vector_store %arg12[%swap3A_375], %select_n3A_369 {strides = array<i32>} : memref<640xi32, #tpu.memory_space<vmem>>, vector<16xi32>,
        }
        %scan3A_162 = arith.constant 10 : i32
      } else {
      }
      %scan3A_151 = arith.constant 0 : i32
      %scan3A_152 = arith.constant 5 : i32
      %scan3A_153 = arith.addi %scan3A_151, %scan3A_152 : i32
      %scan3A_154 = arith.constant 1 : i32
      scf.for %scan3A_156 = %scan3A_151 to %scan3A_153 step %scan3A_154  : i32 {
        %mul3A_157 = arith.constant 1 : i32
        %mul3A_158 = arith.muli %scan3A_156, %mul3A_157 : i32
        %add3A_159 = arith.constant 0 : i32
        %add3A_160 = arith.addi %add3A_159, %mul3A_158 : i32
        %mul3A_161 = arith.constant 128 : i32
        %mul3A_162 = arith.muli %add3A_160, %mul3A_161 : i32
        %broadcast_in_dim3A_163 = arith.constant 0 : i32
        %broadcast_in_dim3A_164 = vector.broadcast %broadcast_in_dim3A_163 : i32 to vector<16xi32>
        %add3A_165 = arith.constant 0 : i32
        %add3A_166 = arith.addi %mul3A_162, %add3A_165 : i32
        %add3A_167 = vector.broadcast %add3A_166 : i32 to vector<16xi32>
        %add3A_168 = arith.addi %mul3A_3, %add3A_167 : vector<16xi32>
        %gather3A = tpu.vector_load_idx %arg12[%add3A_168] : memref<640xi32, #tpu.memory_space<vmem>>[vector<16xi32>], vector<16xi32>,
        %shift_left3A = arith.constant 0 : i32
        %shift_left3A_169 = vector.broadcast %shift_left3A : i32 to vector<16xi32>
        %shift_left3A_170 = arith.shli %gather3A, %shift_left3A_169 : vector<16xi32>
        %or3A = arith.ori %broadcast_in_dim3A_164, %shift_left3A_170 : vector<16xi32>
        %add3A_171 = arith.constant 1 : i32
        %add3A_172 = arith.addi %mul3A_162, %add3A_171 : i32
        %add3A_173 = vector.broadcast %add3A_172 : i32 to vector<16xi32>
        %add3A_174 = arith.addi %mul3A_3, %add3A_173 : vector<16xi32>
        %gather3A_175 = tpu.vector_load_idx %arg12[%add3A_174] : memref<640xi32, #tpu.memory_space<vmem>>[vector<16xi32>], vector<16xi32>,
        %shift_left3A_176 = arith.constant 4 : i32
        %shift_left3A_177 = vector.broadcast %shift_left3A_176 : i32 to vector<16xi32>
        %shift_left3A_178 = arith.shli %gather3A_175, %shift_left3A_177 : vector<16xi32>
        %or3A_179 = arith.ori %or3A, %shift_left3A_178 : vector<16xi32>
        %add3A_180 = arith.constant 2 : i32
        %add3A_181 = arith.addi %mul3A_162, %add3A_180 : i32
        %add3A_182 = vector.broadcast %add3A_181 : i32 to vector<16xi32>
        %add3A_183 = arith.addi %mul3A_3, %add3A_182 : vector<16xi32>
        %gather3A_184 = tpu.vector_load_idx %arg12[%add3A_183] : memref<640xi32, #tpu.memory_space<vmem>>[vector<16xi32>], vector<16xi32>,
        %shift_left3A_185 = arith.constant 8 : i32
        %shift_left3A_186 = vector.broadcast %shift_left3A_185 : i32 to vector<16xi32>
        %shift_left3A_187 = arith.shli %gather3A_184, %shift_left3A_186 : vector<16xi32>
        %or3A_188 = arith.ori %or3A_179, %shift_left3A_187 : vector<16xi32>
        %add3A_189 = arith.constant 3 : i32
        %add3A_190 = arith.addi %mul3A_162, %add3A_189 : i32
        %add3A_191 = vector.broadcast %add3A_190 : i32 to vector<16xi32>
        %add3A_192 = arith.addi %mul3A_3, %add3A_191 : vector<16xi32>
        %gather3A_193 = tpu.vector_load_idx %arg12[%add3A_192] : memref<640xi32, #tpu.memory_space<vmem>>[vector<16xi32>], vector<16xi32>,
        %shift_left3A_194 = arith.constant 12 : i32
        %shift_left3A_195 = vector.broadcast %shift_left3A_194 : i32 to vector<16xi32>
        %shift_left3A_196 = arith.shli %gather3A_193, %shift_left3A_195 : vector<16xi32>
        %or3A_197 = arith.ori %or3A_188, %shift_left3A_196 : vector<16xi32>
        %add3A_198 = arith.constant 4 : i32
        %add3A_199 = arith.addi %mul3A_162, %add3A_198 : i32
        %add3A_200 = vector.broadcast %add3A_199 : i32 to vector<16xi32>
        %add3A_201 = arith.addi %mul3A_3, %add3A_200 : vector<16xi32>
        %gather3A_202 = tpu.vector_load_idx %arg12[%add3A_201] : memref<640xi32, #tpu.memory_space<vmem>>[vector<16xi32>], vector<16xi32>,
        %shift_left3A_203 = arith.constant 16 : i32
        %shift_left3A_204 = vector.broadcast %shift_left3A_203 : i32 to vector<16xi32>
        %shift_left3A_205 = arith.shli %gather3A_202, %shift_left3A_204 : vector<16xi32>
        %or3A_206 = arith.ori %or3A_197, %shift_left3A_205 : vector<16xi32>
        %add3A_207 = arith.constant 5 : i32
        %add3A_208 = arith.addi %mul3A_162, %add3A_207 : i32
        %add3A_209 = vector.broadcast %add3A_208 : i32 to vector<16xi32>
        %add3A_210 = arith.addi %mul3A_3, %add3A_209 : vector<16xi32>
        %gather3A_211 = tpu.vector_load_idx %arg12[%add3A_210] : memref<640xi32, #tpu.memory_space<vmem>>[vector<16xi32>], vector<16xi32>,
        %shift_left3A_212 = arith.constant 20 : i32
        %shift_left3A_213 = vector.broadcast %shift_left3A_212 : i32 to vector<16xi32>
        %shift_left3A_214 = arith.shli %gather3A_211, %shift_left3A_213 : vector<16xi32>
        %or3A_215 = arith.ori %or3A_206, %shift_left3A_214 : vector<16xi32>
        %add3A_216 = arith.constant 6 : i32
        %add3A_217 = arith.addi %mul3A_162, %add3A_216 : i32
        %add3A_218 = vector.broadcast %add3A_217 : i32 to vector<16xi32>
        %add3A_219 = arith.addi %mul3A_3, %add3A_218 : vector<16xi32>
        %gather3A_220 = tpu.vector_load_idx %arg12[%add3A_219] : memref<640xi32, #tpu.memory_space<vmem>>[vector<16xi32>], vector<16xi32>,
        %shift_left3A_221 = arith.constant 24 : i32
        %shift_left3A_222 = vector.broadcast %shift_left3A_221 : i32 to vector<16xi32>
        %shift_left3A_223 = arith.shli %gather3A_220, %shift_left3A_222 : vector<16xi32>
        %or3A_224 = arith.ori %or3A_215, %shift_left3A_223 : vector<16xi32>
        %add3A_225 = arith.constant 7 : i32
        %add3A_226 = arith.addi %mul3A_162, %add3A_225 : i32
        %add3A_227 = vector.broadcast %add3A_226 : i32 to vector<16xi32>
        %add3A_228 = arith.addi %mul3A_3, %add3A_227 : vector<16xi32>
        %gather3A_229 = tpu.vector_load_idx %arg12[%add3A_228] : memref<640xi32, #tpu.memory_space<vmem>>[vector<16xi32>], vector<16xi32>,
        %shift_left3A_230 = arith.constant 28 : i32
        %shift_left3A_231 = vector.broadcast %shift_left3A_230 : i32 to vector<16xi32>
        %shift_left3A_232 = arith.shli %gather3A_229, %shift_left3A_231 : vector<16xi32>
        %or3A_233 = arith.ori %or3A_224, %shift_left3A_232 : vector<16xi32>
        %mul3A_234 = arith.constant 400 : i32
        %mul3A_235 = arith.muli %add3A_20, %mul3A_234 : i32
        %mul3A_236 = arith.constant 80 : i32
        %mul3A_237 = arith.muli %add3A_112, %mul3A_236 : i32
        %add3A_238 = arith.addi %mul3A_235, %mul3A_237 : i32
        %mul3A_239 = arith.constant 16 : i32
        %mul3A_240 = arith.muli %add3A_160, %mul3A_239 : i32
        %add3A_241 = arith.addi %add3A_238, %mul3A_240 : i32
        %swap3A = arith.index_cast %add3A_241 : i32 to index
        %swap3A_242 = tpu.vector_load %arg10[%swap3A] {strides = array<i32>} : memref<12800xi32, #tpu.memory_space<vmem>>, vector<16xi32>,
        tpu.vector_store %arg10[%swap3A], %or3A_233 {strides = array<i32>} : memref<12800xi32, #tpu.memory_space<vmem>>, vector<16xi32>,
      }
      %scan3A_155 = arith.constant 5 : i32
    }
    %scan3A_25 = arith.constant 5 : i32
    %mul3A_26 = arith.constant 12800 : i32
    %mul3A_27 = arith.muli %arg0, %mul3A_26 : i32
    %add3A_28 = arith.constant 0 : i32
    %add3A_29 = arith.addi %arg1, %add3A_28 : i32
    %mul3A_30 = arith.constant 400 : i32
    %mul3A_31 = arith.muli %add3A_29, %mul3A_30 : i32
    %mul3A_32 = arith.constant 400 : i32
    %mul3A_33 = arith.muli %add3A_29, %mul3A_32 : i32
    %add3A_34 = arith.addi %mul3A_27, %mul3A_33 : i32
    "tpu.region"() ({
      %run_scoped3A = tpu.sem_alloc : memref<!tpu.dma_semaphore, #tpu.memory_space<semaphore_mem>>
      %dma_start3A_108 = tpu.memref_slice %arg10[%mul3A_31] : memref<12800xi32, #tpu.memory_space<vmem>> -> memref<400xi32, #tpu.memory_space<vmem>>
      %dma_start3A_109 = tpu.memref_slice %arg17[%add3A_34] : memref<25600xi32, #tpu.memory_space<hbm>> -> memref<400xi32, #tpu.memory_space<hbm>>
      %dma_start3A_110 = tpu.memref_slice %arg17[%add3A_34] : memref<25600xi32, #tpu.memory_space<hbm>> -> memref<400xi32, #tpu.memory_space<hbm>>
      %dma_start3A_111 = tpu.memref_slice %arg10[%mul3A_31] : memref<12800xi32, #tpu.memory_space<vmem>> -> memref<400xi32, #tpu.memory_space<vmem>>
      tpu.enqueue_dma source(%dma_start3A_111 : memref<400xi32, #tpu.memory_space<vmem>>) target(%dma_start3A_110 : memref<400xi32, #tpu.memory_space<hbm>>) target_semaphore(%run_scoped3A : memref<!tpu.dma_semaphore, #tpu.memory_space<semaphore_mem>>)
      %dma_wait3A = tpu.memref_slice %arg10[%mul3A_31] : memref<12800xi32, #tpu.memory_space<vmem>> -> memref<400xi32, #tpu.memory_space<vmem>>
      %dma_wait3A_112 = tpu.memref_slice %arg17[%add3A_34] : memref<25600xi32, #tpu.memory_space<hbm>> -> memref<400xi32, #tpu.memory_space<hbm>>
      %dma_wait3A_113 = tpu.memref_slice %arg17[%add3A_34] : memref<25600xi32, #tpu.memory_space<hbm>> -> memref<400xi32, #tpu.memory_space<hbm>>
      %dma_wait3A_114 = tpu.memref_slice %arg10[%mul3A_31] : memref<12800xi32, #tpu.memory_space<vmem>> -> memref<400xi32, #tpu.memory_space<vmem>>
      tpu.wait_dma2 semaphore(%run_scoped3A : memref<!tpu.dma_semaphore, #tpu.memory_space<semaphore_mem>>) src(%dma_wait3A_114 : memref<400xi32, #tpu.memory_space<vmem>>) dst(%dma_wait3A_113 : memref<400xi32, #tpu.memory_space<hbm>>)
      tpu.yield
    }) : () -> ()
    %add3A_35 = arith.constant 16 : i32
    %add3A_36 = arith.addi %arg1, %add3A_35 : i32
    %mul3A_37 = arith.constant 400 : i32
    %mul3A_38 = arith.muli %add3A_36, %mul3A_37 : i32
    %mul3A_39 = arith.constant 400 : i32
    %mul3A_40 = arith.muli %add3A_36, %mul3A_39 : i32
    %add3A_41 = arith.addi %mul3A_27, %mul3A_40 : i32
    "tpu.region"() ({
      %run_scoped3A = tpu.sem_alloc : memref<!tpu.dma_semaphore, #tpu.memory_space<semaphore_mem>>
      %dma_start3A_108 = tpu.memref_slice %arg10[%mul3A_38] : memref<12800xi32, #tpu.memory_space<vmem>> -> memref<400xi32, #tpu.memory_space<vmem>>
      %dma_start3A_109 = tpu.memref_slice %arg17[%add3A_41] : memref<25600xi32, #tpu.memory_space<hbm>> -> memref<400xi32, #tpu.memory_space<hbm>>
      %dma_start3A_110 = tpu.memref_slice %arg17[%add3A_41] : memref<25600xi32, #tpu.memory_space<hbm>> -> memref<400xi32, #tpu.memory_space<hbm>>
      %dma_start3A_111 = tpu.memref_slice %arg10[%mul3A_38] : memref<12800xi32, #tpu.memory_space<vmem>> -> memref<400xi32, #tpu.memory_space<vmem>>
      tpu.enqueue_dma source(%dma_start3A_111 : memref<400xi32, #tpu.memory_space<vmem>>) target(%dma_start3A_110 : memref<400xi32, #tpu.memory_space<hbm>>) target_semaphore(%run_scoped3A : memref<!tpu.dma_semaphore, #tpu.memory_space<semaphore_mem>>)
      %dma_wait3A = tpu.memref_slice %arg10[%mul3A_38] : memref<12800xi32, #tpu.memory_space<vmem>> -> memref<400xi32, #tpu.memory_space<vmem>>
      %dma_wait3A_112 = tpu.memref_slice %arg17[%add3A_41] : memref<25600xi32, #tpu.memory_space<hbm>> -> memref<400xi32, #tpu.memory_space<hbm>>
      %dma_wait3A_113 = tpu.memref_slice %arg17[%add3A_41] : memref<25600xi32, #tpu.memory_space<hbm>> -> memref<400xi32, #tpu.memory_space<hbm>>
      %dma_wait3A_114 = tpu.memref_slice %arg10[%mul3A_38] : memref<12800xi32, #tpu.memory_space<vmem>> -> memref<400xi32, #tpu.memory_space<vmem>>
      tpu.wait_dma2 semaphore(%run_scoped3A : memref<!tpu.dma_semaphore, #tpu.memory_space<semaphore_mem>>) src(%dma_wait3A_114 : memref<400xi32, #tpu.memory_space<vmem>>) dst(%dma_wait3A_113 : memref<400xi32, #tpu.memory_space<hbm>>)
      tpu.yield
    }) : () -> ()
    %barrier3A = arith.constant 0 : index
    tpu.barrier barrier_id(%barrier3A)
    "tpu.region"() ({
      %run_scoped3A = tpu.sem_alloc : memref<!tpu.dma_semaphore, #tpu.memory_space<semaphore_mem>>
      %dma_start3A_108 = tpu.memref_slice %arg17[%mul3A_27] : memref<25600xi32, #tpu.memory_space<hbm>> -> memref<12800xi32, #tpu.memory_space<hbm>>
      %dma_start3A_109 = tpu.memref_slice %arg17[%mul3A_27] : memref<25600xi32, #tpu.memory_space<hbm>> -> memref<12800xi32, #tpu.memory_space<hbm>>
      tpu.enqueue_dma source(%dma_start3A_109 : memref<12800xi32, #tpu.memory_space<hbm>>) target(%arg10 : memref<12800xi32, #tpu.memory_space<vmem>>) target_semaphore(%run_scoped3A : memref<!tpu.dma_semaphore, #tpu.memory_space<semaphore_mem>>)
      %dma_wait3A = tpu.memref_slice %arg17[%mul3A_27] : memref<25600xi32, #tpu.memory_space<hbm>> -> memref<12800xi32, #tpu.memory_space<hbm>>
      %dma_wait3A_110 = tpu.memref_slice %arg17[%mul3A_27] : memref<25600xi32, #tpu.memory_space<hbm>> -> memref<12800xi32, #tpu.memory_space<hbm>>
      tpu.wait_dma2 semaphore(%run_scoped3A : memref<!tpu.dma_semaphore, #tpu.memory_space<semaphore_mem>>) src(%dma_wait3A_110 : memref<12800xi32, #tpu.memory_space<hbm>>) dst(%arg10 : memref<12800xi32, #tpu.memory_space<vmem>>)
      tpu.yield
    }) : () -> ()
    %lt3A = arith.constant 21 : i32
    %lt3A_42 = arith.cmpi slt, %add3A, %lt3A : i32
    %jit3A = arith.constant 98 : i32
    %jit3A_43 = arith.constant 97 : i32
    %select_n3A = arith.select %lt3A_42, %jit3A, %jit3A_43 : i32
    %mul3A_44 = arith.constant 97 : i32
    %mul3A_45 = arith.muli %mul3A_44, %add3A : i32
    %min3A = arith.constant 21 : i32
    %min3A_46 = arith.minsi %add3A, %min3A : i32
    %add3A_47 = arith.addi %mul3A_45, %min3A_46 : i32
    %add3A_48 = arith.constant 0 : i32
    %add3A_49 = arith.addi %add3A_47, %add3A_48 : i32
    %mul3A_50 = arith.constant 2048 : i32
    %mul3A_51 = arith.muli %add3A_49, %mul3A_50 : i32
    %dma_start3A = arith.constant 0 : i32
    %dma_start3A_52 = arith.constant 0 : i32
    %dma_start3A_53 = tpu.memref_slice %arg11[%dma_start3A, %dma_start3A_52] : memref<4x2048xi32, #tpu.memory_space<vmem>> -> memref<2x2048xi32, #tpu.memory_space<vmem>>
    %dma_start3A_54 = arith.constant 0 : i32
    %dma_start3A_55 = tpu.memref_slice %arg3[%dma_start3A_54, %mul3A_51] : memref<2x6400000xi32, #tpu.memory_space<hbm>> -> memref<2x2048xi32, #tpu.memory_space<hbm>>
    %dma_start3A_56 = arith.constant 0 : i32
    %dma_start3A_57 = arith.constant 0 : i32
    %dma_start3A_58 = tpu.memref_slice %arg11[%dma_start3A_56, %dma_start3A_57] : memref<4x2048xi32, #tpu.memory_space<vmem>> -> memref<2x2048xi32, #tpu.memory_space<vmem>>
    %dma_start3A_59 = arith.constant 0 : i32
    %dma_start3A_60 = tpu.memref_slice %arg3[%dma_start3A_59, %mul3A_51] : memref<2x6400000xi32, #tpu.memory_space<hbm>> -> memref<2x2048xi32, #tpu.memory_space<hbm>>
    tpu.enqueue_dma source(%dma_start3A_60 : memref<2x2048xi32, #tpu.memory_space<hbm>>) target(%dma_start3A_58 : memref<2x2048xi32, #tpu.memory_space<vmem>>) target_semaphore(%arg19 : memref<!tpu.dma_semaphore, #tpu.memory_space<semaphore_mem>>)
    %dma_start3A_61 = arith.constant 0 : i32
    %dma_start3A_62 = tpu.memref_slice %arg13[%dma_start3A_61] : memref<4096xf32, #tpu.memory_space<vmem>> -> memref<2048xf32, #tpu.memory_space<vmem>>
    %dma_start3A_63 = tpu.memref_slice %arg2[%mul3A_51] : memref<6400000xf32, #tpu.memory_space<hbm>> -> memref<2048xf32, #tpu.memory_space<hbm>>
    %dma_start3A_64 = arith.constant 0 : i32
    %dma_start3A_65 = tpu.memref_slice %arg13[%dma_start3A_64] : memref<4096xf32, #tpu.memory_space<vmem>> -> memref<2048xf32, #tpu.memory_space<vmem>>
    %dma_start3A_66 = tpu.memref_slice %arg2[%mul3A_51] : memref<6400000xf32, #tpu.memory_space<hbm>> -> memref<2048xf32, #tpu.memory_space<hbm>>
    tpu.enqueue_dma source(%dma_start3A_66 : memref<2048xf32, #tpu.memory_space<hbm>>) target(%dma_start3A_65 : memref<2048xf32, #tpu.memory_space<vmem>>) target_semaphore(%arg19 : memref<!tpu.dma_semaphore, #tpu.memory_space<semaphore_mem>>)
    %scan3A_67 = arith.constant 0 : i32
    %scan3A_68 = arith.constant 49 : i32
    %scan3A_69 = arith.addi %scan3A_67, %scan3A_68 : i32
    %scan3A_70 = arith.constant 1 : i32
    scf.for %scan3A_108 = %scan3A_67 to %scan3A_69 step %scan3A_70  : i32 {
      %mul3A_109 = arith.constant 2 : i32
      %mul3A_110 = arith.muli %scan3A_108, %mul3A_109 : i32
      %add3A_111 = arith.constant 0 : i32
      %add3A_112 = arith.addi %add3A_111, %mul3A_110 : i32
      %add3A_113 = arith.constant 0 : i32
      %add3A_114 = arith.addi %add3A_112, %add3A_113 : i32
      %lt3A_115 = arith.cmpi slt, %add3A_114, %select_n3A : i32
      %convert_element_type3A = arith.extui %lt3A_115 : i1 to i32
      %cond3A = arith.constant 0 : i32
      %cond3A_116 = arith.cmpi ne, %convert_element_type3A, %cond3A : i32
      scf.if %cond3A_116 {
        %add3A_131 = arith.constant 1 : i32
        %add3A_132 = arith.addi %add3A_114, %add3A_131 : i32
        %lt3A_133 = arith.cmpi slt, %add3A_132, %select_n3A : i32
        %convert_element_type3A_134 = arith.extui %lt3A_133 : i1 to i32
        %cond3A_135 = arith.constant 0 : i32
        %cond3A_136 = arith.cmpi ne, %convert_element_type3A_134, %cond3A_135 : i32
        scf.if %cond3A_136 {
          %add3A_155 = arith.constant 1 : i32
          %add3A_156 = arith.addi %add3A_114, %add3A_155 : i32
          %add3A_157 = arith.addi %add3A_47, %add3A_156 : i32
          %mul3A_158 = arith.constant 2048 : i32
          %mul3A_159 = arith.muli %add3A_157, %mul3A_158 : i32
          %dma_start3A_160 = arith.constant 2 : i32
          %dma_start3A_161 = arith.constant 0 : i32
          %dma_start3A_162 = tpu.memref_slice %arg11[%dma_start3A_160, %dma_start3A_161] : memref<4x2048xi32, #tpu.memory_space<vmem>> -> memref<2x2048xi32, #tpu.memory_space<vmem>>
          %dma_start3A_163 = arith.constant 0 : i32
          %dma_start3A_164 = tpu.memref_slice %arg3[%dma_start3A_163, %mul3A_159] : memref<2x6400000xi32, #tpu.memory_space<hbm>> -> memref<2x2048xi32, #tpu.memory_space<hbm>>
          %dma_start3A_165 = arith.constant 2 : i32
          %dma_start3A_166 = arith.constant 0 : i32
          %dma_start3A_167 = tpu.memref_slice %arg11[%dma_start3A_165, %dma_start3A_166] : memref<4x2048xi32, #tpu.memory_space<vmem>> -> memref<2x2048xi32, #tpu.memory_space<vmem>>
          %dma_start3A_168 = arith.constant 0 : i32
          %dma_start3A_169 = tpu.memref_slice %arg3[%dma_start3A_168, %mul3A_159] : memref<2x6400000xi32, #tpu.memory_space<hbm>> -> memref<2x2048xi32, #tpu.memory_space<hbm>>
          tpu.enqueue_dma source(%dma_start3A_169 : memref<2x2048xi32, #tpu.memory_space<hbm>>) target(%dma_start3A_167 : memref<2x2048xi32, #tpu.memory_space<vmem>>) target_semaphore(%arg20 : memref<!tpu.dma_semaphore, #tpu.memory_space<semaphore_mem>>)
          %dma_start3A_170 = arith.constant 2048 : i32
          %dma_start3A_171 = tpu.memref_slice %arg13[%dma_start3A_170] : memref<4096xf32, #tpu.memory_space<vmem>> -> memref<2048xf32, #tpu.memory_space<vmem>>
          %dma_start3A_172 = tpu.memref_slice %arg2[%mul3A_159] : memref<6400000xf32, #tpu.memory_space<hbm>> -> memref<2048xf32, #tpu.memory_space<hbm>>
          %dma_start3A_173 = arith.constant 2048 : i32
          %dma_start3A_174 = tpu.memref_slice %arg13[%dma_start3A_173] : memref<4096xf32, #tpu.memory_space<vmem>> -> memref<2048xf32, #tpu.memory_space<vmem>>
          %dma_start3A_175 = tpu.memref_slice %arg2[%mul3A_159] : memref<6400000xf32, #tpu.memory_space<hbm>> -> memref<2048xf32, #tpu.memory_space<hbm>>
          tpu.enqueue_dma source(%dma_start3A_175 : memref<2048xf32, #tpu.memory_space<hbm>>) target(%dma_start3A_174 : memref<2048xf32, #tpu.memory_space<vmem>>) target_semaphore(%arg20 : memref<!tpu.dma_semaphore, #tpu.memory_space<semaphore_mem>>)
        } else {
        }
        %add3A_137 = arith.addi %add3A_47, %add3A_114 : i32
        %mul3A_138 = arith.constant 2048 : i32
        %mul3A_139 = arith.muli %add3A_137, %mul3A_138 : i32
        %dma_wait3A = arith.constant 0 : i32
        %dma_wait3A_140 = arith.constant 0 : i32
        %dma_wait3A_141 = tpu.memref_slice %arg11[%dma_wait3A, %dma_wait3A_140] : memref<4x2048xi32, #tpu.memory_space<vmem>> -> memref<2x2048xi32, #tpu.memory_space<vmem>>
        %dma_wait3A_142 = arith.constant 0 : i32
        %dma_wait3A_143 = tpu.memref_slice %arg3[%dma_wait3A_142, %mul3A_139] : memref<2x6400000xi32, #tpu.memory_space<hbm>> -> memref<2x2048xi32, #tpu.memory_space<hbm>>
        %dma_wait3A_144 = arith.constant 0 : i32
        %dma_wait3A_145 = arith.constant 0 : i32
        %dma_wait3A_146 = tpu.memref_slice %arg11[%dma_wait3A_144, %dma_wait3A_145] : memref<4x2048xi32, #tpu.memory_space<vmem>> -> memref<2x2048xi32, #tpu.memory_space<vmem>>
        %dma_wait3A_147 = arith.constant 0 : i32
        %dma_wait3A_148 = tpu.memref_slice %arg3[%dma_wait3A_147, %mul3A_139] : memref<2x6400000xi32, #tpu.memory_space<hbm>> -> memref<2x2048xi32, #tpu.memory_space<hbm>>
        tpu.wait_dma2 semaphore(%arg19 : memref<!tpu.dma_semaphore, #tpu.memory_space<semaphore_mem>>) src(%dma_wait3A_148 : memref<2x2048xi32, #tpu.memory_space<hbm>>) dst(%dma_wait3A_146 : memref<2x2048xi32, #tpu.memory_space<vmem>>)
        %dma_wait3A_149 = arith.constant 0 : i32
        %dma_wait3A_150 = tpu.memref_slice %arg13[%dma_wait3A_149] : memref<4096xf32, #tpu.memory_space<vmem>> -> memref<2048xf32, #tpu.memory_space<vmem>>
        %dma_wait3A_151 = tpu.memref_slice %arg2[%mul3A_139] : memref<6400000xf32, #tpu.memory_space<hbm>> -> memref<2048xf32, #tpu.memory_space<hbm>>
        %dma_wait3A_152 = arith.constant 0 : i32
        %dma_wait3A_153 = tpu.memref_slice %arg13[%dma_wait3A_152] : memref<4096xf32, #tpu.memory_space<vmem>> -> memref<2048xf32, #tpu.memory_space<vmem>>
        %dma_wait3A_154 = tpu.memref_slice %arg2[%mul3A_139] : memref<6400000xf32, #tpu.memory_space<hbm>> -> memref<2048xf32, #tpu.memory_space<hbm>>
        tpu.wait_dma2 semaphore(%arg19 : memref<!tpu.dma_semaphore, #tpu.memory_space<semaphore_mem>>) src(%dma_wait3A_154 : memref<2048xf32, #tpu.memory_space<hbm>>) dst(%dma_wait3A_153 : memref<2048xf32, #tpu.memory_space<vmem>>)
      } else {
      }
      %lt3A_117 = arith.cmpi slt, %add3A_114, %select_n3A : i32
      %convert_element_type3A_118 = arith.extui %lt3A_117 : i1 to i32
      %cond3A_119 = arith.constant 0 : i32
      %cond3A_120 = arith.cmpi ne, %convert_element_type3A_118, %cond3A_119 : i32
      scf.if %cond3A_120 {
        %parallel_loop3A = arith.constant 0 : i32
        %parallel_loop3A_131 = arith.constant 128 : i32
        %parallel_loop3A_132 = arith.constant 1 : i32
        scf.for %parallel_loop3A_133 = %parallel_loop3A to %parallel_loop3A_131 step %parallel_loop3A_132  : i32 {
          %parallel_loop3A_134 = arith.constant 16 : i32
          %parallel_loop3A_135 = arith.muli %parallel_loop3A_133, %parallel_loop3A_134 : i32
          %parallel_loop3A_136 = arith.constant 0 : i32
          %parallel_loop3A_137 = arith.index_cast %parallel_loop3A_136 : i32 to index
          %parallel_loop3A_138 = arith.index_cast %parallel_loop3A_135 : i32 to index
          %parallel_loop3A_139 = tpu.vector_load %arg11[%parallel_loop3A_137, %parallel_loop3A_138] {strides = array<i32>} : memref<4x2048xi32, #tpu.memory_space<vmem>>, vector<16xi32>,
          %parallel_loop3A_140 = arith.constant 1 : i32
          %parallel_loop3A_141 = arith.index_cast %parallel_loop3A_140 : i32 to index
          %parallel_loop3A_142 = arith.index_cast %parallel_loop3A_135 : i32 to index
          %parallel_loop3A_143 = tpu.vector_load %arg11[%parallel_loop3A_141, %parallel_loop3A_142] {strides = array<i32>} : memref<4x2048xi32, #tpu.memory_space<vmem>>, vector<16xi32>,
          %parallel_loop3A_144 = arith.constant 16 : i32
          %parallel_loop3A_145 = arith.muli %parallel_loop3A_133, %parallel_loop3A_144 : i32
          %parallel_loop3A_146 = arith.constant 0 : i32
          %parallel_loop3A_147 = arith.addi %parallel_loop3A_146, %parallel_loop3A_145 : i32
          %parallel_loop3A_148 = arith.index_cast %parallel_loop3A_147 : i32 to index
          %parallel_loop3A_149 = tpu.vector_load %arg13[%parallel_loop3A_148] {strides = array<i32>} : memref<4096xf32, #tpu.memory_space<vmem>>, vector<16xf32>,
          %parallel_loop3A_150 = arith.constant 3 : i32
          %parallel_loop3A_151 = vector.broadcast %parallel_loop3A_150 : i32 to vector<16xi32>
          %parallel_loop3A_152 = arith.shrui %parallel_loop3A_139, %parallel_loop3A_151 : vector<16xi32>
          %parallel_loop3A_153 = tpu.vector_load_idx %arg10[%parallel_loop3A_152] : memref<12800xi32, #tpu.memory_space<vmem>>[vector<16xi32>], vector<16xi32>,
          %parallel_loop3A_154 = arith.constant 3 : i32
          %parallel_loop3A_155 = vector.broadcast %parallel_loop3A_154 : i32 to vector<16xi32>
          %parallel_loop3A_156 = arith.shrui %parallel_loop3A_143, %parallel_loop3A_155 : vector<16xi32>
          %parallel_loop3A_157 = tpu.vector_load_idx %arg10[%parallel_loop3A_156] : memref<12800xi32, #tpu.memory_space<vmem>>[vector<16xi32>], vector<16xi32>,
          %parallel_loop3A_158 = arith.constant 7 : i32
          %parallel_loop3A_159 = vector.broadcast %parallel_loop3A_158 : i32 to vector<16xi32>
          %parallel_loop3A_160 = arith.andi %parallel_loop3A_139, %parallel_loop3A_159 : vector<16xi32>
          %parallel_loop3A_161 = arith.constant 2 : i32
          %parallel_loop3A_162 = vector.broadcast %parallel_loop3A_161 : i32 to vector<16xi32>
          %parallel_loop3A_163 = arith.shli %parallel_loop3A_160, %parallel_loop3A_162 : vector<16xi32>
          %parallel_loop3A_164 = arith.constant 7 : i32
          %parallel_loop3A_165 = vector.broadcast %parallel_loop3A_164 : i32 to vector<16xi32>
          %parallel_loop3A_166 = arith.andi %parallel_loop3A_143, %parallel_loop3A_165 : vector<16xi32>
          %parallel_loop3A_167 = arith.constant 2 : i32
          %parallel_loop3A_168 = vector.broadcast %parallel_loop3A_167 : i32 to vector<16xi32>
          %parallel_loop3A_169 = arith.shli %parallel_loop3A_166, %parallel_loop3A_168 : vector<16xi32>
          %parallel_loop3A_170 = arith.shrui %parallel_loop3A_153, %parallel_loop3A_163 : vector<16xi32>
          %parallel_loop3A_171 = arith.constant 15 : i32
          %parallel_loop3A_172 = vector.broadcast %parallel_loop3A_171 : i32 to vector<16xi32>
          %parallel_loop3A_173 = arith.andi %parallel_loop3A_170, %parallel_loop3A_172 : vector<16xi32>
          %parallel_loop3A_174 = arith.shrui %parallel_loop3A_157, %parallel_loop3A_169 : vector<16xi32>
          %parallel_loop3A_175 = arith.constant 15 : i32
          %parallel_loop3A_176 = vector.broadcast %parallel_loop3A_175 : i32 to vector<16xi32>
          %parallel_loop3A_177 = arith.andi %parallel_loop3A_174, %parallel_loop3A_176 : vector<16xi32>
          %parallel_loop3A_178 = arith.constant 4 : i32
          %parallel_loop3A_179 = vector.broadcast %parallel_loop3A_178 : i32 to vector<16xi32>
          %parallel_loop3A_180 = arith.shli %parallel_loop3A_173, %parallel_loop3A_179 : vector<16xi32>
          %parallel_loop3A_181 = arith.ori %parallel_loop3A_180, %parallel_loop3A_177 : vector<16xi32>
          %parallel_loop3A_182 = tpu.vector_load_idx %arg14[%parallel_loop3A_181] : memref<160xf32, #tpu.memory_space<vmem>>[vector<16xi32>], vector<16xf32>,
          %parallel_loop3A_183 = tpu.vector_load_idx %arg15[%parallel_loop3A_181] : memref<160xf32, #tpu.memory_space<vmem>>[vector<16xi32>], vector<16xf32>,
          %parallel_loop3A_184 = tpu.vector_load_idx %arg16[%parallel_loop3A_181] : memref<160xf32, #tpu.memory_space<vmem>>[vector<16xi32>], vector<16xf32>,
          %parallel_loop3A_185 = arith.mulf %parallel_loop3A_149, %parallel_loop3A_182 : vector<16xf32>
          %parallel_loop3A_186 = arith.constant -3.200000e+00 : f32
          %parallel_loop3A_187 = vector.broadcast %parallel_loop3A_186 : f32 to vector<16xf32>
          %parallel_loop3A_188 = arith.mulf %parallel_loop3A_185, %parallel_loop3A_187 : vector<16xf32>
          %parallel_loop3A_189 = math.exp %parallel_loop3A_188 : vector<16xf32>
          %parallel_loop3A_190 = arith.constant 1.818000e-01 : f32
          %parallel_loop3A_191 = vector.broadcast %parallel_loop3A_190 : f32 to vector<16xf32>
          %parallel_loop3A_192 = arith.mulf %parallel_loop3A_191, %parallel_loop3A_189 : vector<16xf32>
          %parallel_loop3A_193 = arith.constant -9.423000e-01 : f32
          %parallel_loop3A_194 = vector.broadcast %parallel_loop3A_193 : f32 to vector<16xf32>
          %parallel_loop3A_195 = arith.mulf %parallel_loop3A_185, %parallel_loop3A_194 : vector<16xf32>
          %parallel_loop3A_196 = math.exp %parallel_loop3A_195 : vector<16xf32>
          %parallel_loop3A_197 = arith.constant 5.099000e-01 : f32
          %parallel_loop3A_198 = vector.broadcast %parallel_loop3A_197 : f32 to vector<16xf32>
          %parallel_loop3A_199 = arith.mulf %parallel_loop3A_198, %parallel_loop3A_196 : vector<16xf32>
          %parallel_loop3A_200 = arith.addf %parallel_loop3A_192, %parallel_loop3A_199 : vector<16xf32>
          %parallel_loop3A_201 = arith.constant -4.028000e-01 : f32
          %parallel_loop3A_202 = vector.broadcast %parallel_loop3A_201 : f32 to vector<16xf32>
          %parallel_loop3A_203 = arith.mulf %parallel_loop3A_185, %parallel_loop3A_202 : vector<16xf32>
          %parallel_loop3A_204 = math.exp %parallel_loop3A_203 : vector<16xf32>
          %parallel_loop3A_205 = arith.constant 2.802000e-01 : f32
          %parallel_loop3A_206 = vector.broadcast %parallel_loop3A_205 : f32 to vector<16xf32>
          %parallel_loop3A_207 = arith.mulf %parallel_loop3A_206, %parallel_loop3A_204 : vector<16xf32>
          %parallel_loop3A_208 = arith.addf %parallel_loop3A_200, %parallel_loop3A_207 : vector<16xf32>
          %parallel_loop3A_209 = arith.constant -2.016000e-01 : f32
          %parallel_loop3A_210 = vector.broadcast %parallel_loop3A_209 : f32 to vector<16xf32>
          %parallel_loop3A_211 = arith.mulf %parallel_loop3A_185, %parallel_loop3A_210 : vector<16xf32>
          %parallel_loop3A_212 = math.exp %parallel_loop3A_211 : vector<16xf32>
          %parallel_loop3A_213 = arith.constant 2.817000e-02 : f32
          %parallel_loop3A_214 = vector.broadcast %parallel_loop3A_213 : f32 to vector<16xf32>
          %parallel_loop3A_215 = arith.mulf %parallel_loop3A_214, %parallel_loop3A_212 : vector<16xf32>
          %parallel_loop3A_216 = arith.addf %parallel_loop3A_208, %parallel_loop3A_215 : vector<16xf32>
          %parallel_loop3A_217 = arith.mulf %parallel_loop3A_149, %parallel_loop3A_184 : vector<16xf32>
          %parallel_loop3A_218 = arith.mulf %parallel_loop3A_217, %parallel_loop3A_217 : vector<16xf32>
          %parallel_loop3A_219 = arith.mulf %parallel_loop3A_218, %parallel_loop3A_218 : vector<16xf32>
          %parallel_loop3A_220 = arith.mulf %parallel_loop3A_219, %parallel_loop3A_218 : vector<16xf32>
          %parallel_loop3A_221 = arith.constant 2.100000e+01 : f32
          %parallel_loop3A_222 = vector.broadcast %parallel_loop3A_221 : f32 to vector<16xf32>
          %parallel_loop3A_223 = arith.mulf %parallel_loop3A_222, %parallel_loop3A_217 : vector<16xf32>
          %parallel_loop3A_224 = arith.constant 4.800000e+01 : f32
          %parallel_loop3A_225 = vector.broadcast %parallel_loop3A_224 : f32 to vector<16xf32>
          %parallel_loop3A_226 = arith.subf %parallel_loop3A_225, %parallel_loop3A_223 : vector<16xf32>
          %parallel_loop3A_227 = arith.mulf %parallel_loop3A_217, %parallel_loop3A_226 : vector<16xf32>
          %parallel_loop3A_228 = arith.constant -2.800000e+01 : f32
          %parallel_loop3A_229 = vector.broadcast %parallel_loop3A_228 : f32 to vector<16xf32>
          %parallel_loop3A_230 = arith.addf %parallel_loop3A_229, %parallel_loop3A_227 : vector<16xf32>
          %parallel_loop3A_231 = arith.mulf %parallel_loop3A_220, %parallel_loop3A_230 : vector<16xf32>
          %parallel_loop3A_232 = arith.constant 1.000000e+00 : f32
          %parallel_loop3A_233 = vector.broadcast %parallel_loop3A_232 : f32 to vector<16xf32>
          %parallel_loop3A_234 = arith.addf %parallel_loop3A_233, %parallel_loop3A_231 : vector<16xf32>
          %parallel_loop3A_235 = arith.constant 0.000000e+00 : f32
          %parallel_loop3A_236 = vector.broadcast %parallel_loop3A_235 : f32 to vector<16xf32>
          %parallel_loop3A_237 = arith.maximumf %parallel_loop3A_234, %parallel_loop3A_236 : vector<16xf32>
          %parallel_loop3A_238 = arith.mulf %parallel_loop3A_183, %parallel_loop3A_216 : vector<16xf32>
          %parallel_loop3A_239 = arith.divf %parallel_loop3A_238, %parallel_loop3A_149 : vector<16xf32>
          %parallel_loop3A_240 = arith.mulf %parallel_loop3A_239, %parallel_loop3A_237 : vector<16xf32>
          tpu.vector_store_idx %arg9[%parallel_loop3A_143], %parallel_loop3A_240 {add = true} : memref<102400xf32, #tpu.memory_space<vmem>>[vector<16xi32>], vector<16xf32>,
        } {sc.loop_unroll_factor = 4 : i64, sc.parallel_access}
      } else {
      }
      %add3A_121 = arith.constant 1 : i32
      %add3A_122 = arith.addi %add3A_112, %add3A_121 : i32
      %lt3A_123 = arith.cmpi slt, %add3A_122, %select_n3A : i32
      %convert_element_type3A_124 = arith.extui %lt3A_123 : i1 to i32
      %cond3A_125 = arith.constant 0 : i32
      %cond3A_126 = arith.cmpi ne, %convert_element_type3A_124, %cond3A_125 : i32
      scf.if %cond3A_126 {
        %add3A_131 = arith.constant 1 : i32
        %add3A_132 = arith.addi %add3A_122, %add3A_131 : i32
        %lt3A_133 = arith.cmpi slt, %add3A_132, %select_n3A : i32
        %convert_element_type3A_134 = arith.extui %lt3A_133 : i1 to i32
        %cond3A_135 = arith.constant 0 : i32
        %cond3A_136 = arith.cmpi ne, %convert_element_type3A_134, %cond3A_135 : i32
        scf.if %cond3A_136 {
          %add3A_155 = arith.constant 1 : i32
          %add3A_156 = arith.addi %add3A_122, %add3A_155 : i32
          %add3A_157 = arith.addi %add3A_47, %add3A_156 : i32
          %mul3A_158 = arith.constant 2048 : i32
          %mul3A_159 = arith.muli %add3A_157, %mul3A_158 : i32
          %dma_start3A_160 = arith.constant 0 : i32
          %dma_start3A_161 = arith.constant 0 : i32
          %dma_start3A_162 = tpu.memref_slice %arg11[%dma_start3A_160, %dma_start3A_161] : memref<4x2048xi32, #tpu.memory_space<vmem>> -> memref<2x2048xi32, #tpu.memory_space<vmem>>
          %dma_start3A_163 = arith.constant 0 : i32
          %dma_start3A_164 = tpu.memref_slice %arg3[%dma_start3A_163, %mul3A_159] : memref<2x6400000xi32, #tpu.memory_space<hbm>> -> memref<2x2048xi32, #tpu.memory_space<hbm>>
          %dma_start3A_165 = arith.constant 0 : i32
          %dma_start3A_166 = arith.constant 0 : i32
          %dma_start3A_167 = tpu.memref_slice %arg11[%dma_start3A_165, %dma_start3A_166] : memref<4x2048xi32, #tpu.memory_space<vmem>> -> memref<2x2048xi32, #tpu.memory_space<vmem>>
          %dma_start3A_168 = arith.constant 0 : i32
          %dma_start3A_169 = tpu.memref_slice %arg3[%dma_start3A_168, %mul3A_159] : memref<2x6400000xi32, #tpu.memory_space<hbm>> -> memref<2x2048xi32, #tpu.memory_space<hbm>>
          tpu.enqueue_dma source(%dma_start3A_169 : memref<2x2048xi32, #tpu.memory_space<hbm>>) target(%dma_start3A_167 : memref<2x2048xi32, #tpu.memory_space<vmem>>) target_semaphore(%arg19 : memref<!tpu.dma_semaphore, #tpu.memory_space<semaphore_mem>>)
          %dma_start3A_170 = arith.constant 0 : i32
          %dma_start3A_171 = tpu.memref_slice %arg13[%dma_start3A_170] : memref<4096xf32, #tpu.memory_space<vmem>> -> memref<2048xf32, #tpu.memory_space<vmem>>
          %dma_start3A_172 = tpu.memref_slice %arg2[%mul3A_159] : memref<6400000xf32, #tpu.memory_space<hbm>> -> memref<2048xf32, #tpu.memory_space<hbm>>
          %dma_start3A_173 = arith.constant 0 : i32
          %dma_start3A_174 = tpu.memref_slice %arg13[%dma_start3A_173] : memref<4096xf32, #tpu.memory_space<vmem>> -> memref<2048xf32, #tpu.memory_space<vmem>>
          %dma_start3A_175 = tpu.memref_slice %arg2[%mul3A_159] : memref<6400000xf32, #tpu.memory_space<hbm>> -> memref<2048xf32, #tpu.memory_space<hbm>>
          tpu.enqueue_dma source(%dma_start3A_175 : memref<2048xf32, #tpu.memory_space<hbm>>) target(%dma_start3A_174 : memref<2048xf32, #tpu.memory_space<vmem>>) target_semaphore(%arg19 : memref<!tpu.dma_semaphore, #tpu.memory_space<semaphore_mem>>)
        } else {
        }
        %add3A_137 = arith.addi %add3A_47, %add3A_122 : i32
        %mul3A_138 = arith.constant 2048 : i32
        %mul3A_139 = arith.muli %add3A_137, %mul3A_138 : i32
        %dma_wait3A = arith.constant 2 : i32
        %dma_wait3A_140 = arith.constant 0 : i32
        %dma_wait3A_141 = tpu.memref_slice %arg11[%dma_wait3A, %dma_wait3A_140] : memref<4x2048xi32, #tpu.memory_space<vmem>> -> memref<2x2048xi32, #tpu.memory_space<vmem>>
        %dma_wait3A_142 = arith.constant 0 : i32
        %dma_wait3A_143 = tpu.memref_slice %arg3[%dma_wait3A_142, %mul3A_139] : memref<2x6400000xi32, #tpu.memory_space<hbm>> -> memref<2x2048xi32, #tpu.memory_space<hbm>>
        %dma_wait3A_144 = arith.constant 2 : i32
        %dma_wait3A_145 = arith.constant 0 : i32
        %dma_wait3A_146 = tpu.memref_slice %arg11[%dma_wait3A_144, %dma_wait3A_145] : memref<4x2048xi32, #tpu.memory_space<vmem>> -> memref<2x2048xi32, #tpu.memory_space<vmem>>
        %dma_wait3A_147 = arith.constant 0 : i32
        %dma_wait3A_148 = tpu.memref_slice %arg3[%dma_wait3A_147, %mul3A_139] : memref<2x6400000xi32, #tpu.memory_space<hbm>> -> memref<2x2048xi32, #tpu.memory_space<hbm>>
        tpu.wait_dma2 semaphore(%arg20 : memref<!tpu.dma_semaphore, #tpu.memory_space<semaphore_mem>>) src(%dma_wait3A_148 : memref<2x2048xi32, #tpu.memory_space<hbm>>) dst(%dma_wait3A_146 : memref<2x2048xi32, #tpu.memory_space<vmem>>)
        %dma_wait3A_149 = arith.constant 2048 : i32
        %dma_wait3A_150 = tpu.memref_slice %arg13[%dma_wait3A_149] : memref<4096xf32, #tpu.memory_space<vmem>> -> memref<2048xf32, #tpu.memory_space<vmem>>
        %dma_wait3A_151 = tpu.memref_slice %arg2[%mul3A_139] : memref<6400000xf32, #tpu.memory_space<hbm>> -> memref<2048xf32, #tpu.memory_space<hbm>>
        %dma_wait3A_152 = arith.constant 2048 : i32
        %dma_wait3A_153 = tpu.memref_slice %arg13[%dma_wait3A_152] : memref<4096xf32, #tpu.memory_space<vmem>> -> memref<2048xf32, #tpu.memory_space<vmem>>
        %dma_wait3A_154 = tpu.memref_slice %arg2[%mul3A_139] : memref<6400000xf32, #tpu.memory_space<hbm>> -> memref<2048xf32, #tpu.memory_space<hbm>>
        tpu.wait_dma2 semaphore(%arg20 : memref<!tpu.dma_semaphore, #tpu.memory_space<semaphore_mem>>) src(%dma_wait3A_154 : memref<2048xf32, #tpu.memory_space<hbm>>) dst(%dma_wait3A_153 : memref<2048xf32, #tpu.memory_space<vmem>>)
      } else {
      }
      %lt3A_127 = arith.cmpi slt, %add3A_122, %select_n3A : i32
      %convert_element_type3A_128 = arith.extui %lt3A_127 : i1 to i32
      %cond3A_129 = arith.constant 0 : i32
      %cond3A_130 = arith.cmpi ne, %convert_element_type3A_128, %cond3A_129 : i32
      scf.if %cond3A_130 {
        %parallel_loop3A = arith.constant 0 : i32
        %parallel_loop3A_131 = arith.constant 128 : i32
        %parallel_loop3A_132 = arith.constant 1 : i32
        scf.for %parallel_loop3A_133 = %parallel_loop3A to %parallel_loop3A_131 step %parallel_loop3A_132  : i32 {
          %parallel_loop3A_134 = arith.constant 16 : i32
          %parallel_loop3A_135 = arith.muli %parallel_loop3A_133, %parallel_loop3A_134 : i32
          %parallel_loop3A_136 = arith.constant 2 : i32
          %parallel_loop3A_137 = arith.index_cast %parallel_loop3A_136 : i32 to index
          %parallel_loop3A_138 = arith.index_cast %parallel_loop3A_135 : i32 to index
          %parallel_loop3A_139 = tpu.vector_load %arg11[%parallel_loop3A_137, %parallel_loop3A_138] {strides = array<i32>} : memref<4x2048xi32, #tpu.memory_space<vmem>>, vector<16xi32>,
          %parallel_loop3A_140 = arith.constant 3 : i32
          %parallel_loop3A_141 = arith.index_cast %parallel_loop3A_140 : i32 to index
          %parallel_loop3A_142 = arith.index_cast %parallel_loop3A_135 : i32 to index
          %parallel_loop3A_143 = tpu.vector_load %arg11[%parallel_loop3A_141, %parallel_loop3A_142] {strides = array<i32>} : memref<4x2048xi32, #tpu.memory_space<vmem>>, vector<16xi32>,
          %parallel_loop3A_144 = arith.constant 16 : i32
          %parallel_loop3A_145 = arith.muli %parallel_loop3A_133, %parallel_loop3A_144 : i32
          %parallel_loop3A_146 = arith.constant 2048 : i32
          %parallel_loop3A_147 = arith.addi %parallel_loop3A_146, %parallel_loop3A_145 : i32
          %parallel_loop3A_148 = arith.index_cast %parallel_loop3A_147 : i32 to index
          %parallel_loop3A_149 = tpu.vector_load %arg13[%parallel_loop3A_148] {strides = array<i32>} : memref<4096xf32, #tpu.memory_space<vmem>>, vector<16xf32>,
          %parallel_loop3A_150 = arith.constant 3 : i32
          %parallel_loop3A_151 = vector.broadcast %parallel_loop3A_150 : i32 to vector<16xi32>
          %parallel_loop3A_152 = arith.shrui %parallel_loop3A_139, %parallel_loop3A_151 : vector<16xi32>
          %parallel_loop3A_153 = tpu.vector_load_idx %arg10[%parallel_loop3A_152] : memref<12800xi32, #tpu.memory_space<vmem>>[vector<16xi32>], vector<16xi32>,
          %parallel_loop3A_154 = arith.constant 3 : i32
          %parallel_loop3A_155 = vector.broadcast %parallel_loop3A_154 : i32 to vector<16xi32>
          %parallel_loop3A_156 = arith.shrui %parallel_loop3A_143, %parallel_loop3A_155 : vector<16xi32>
          %parallel_loop3A_157 = tpu.vector_load_idx %arg10[%parallel_loop3A_156] : memref<12800xi32, #tpu.memory_space<vmem>>[vector<16xi32>], vector<16xi32>,
          %parallel_loop3A_158 = arith.constant 7 : i32
          %parallel_loop3A_159 = vector.broadcast %parallel_loop3A_158 : i32 to vector<16xi32>
          %parallel_loop3A_160 = arith.andi %parallel_loop3A_139, %parallel_loop3A_159 : vector<16xi32>
          %parallel_loop3A_161 = arith.constant 2 : i32
          %parallel_loop3A_162 = vector.broadcast %parallel_loop3A_161 : i32 to vector<16xi32>
          %parallel_loop3A_163 = arith.shli %parallel_loop3A_160, %parallel_loop3A_162 : vector<16xi32>
          %parallel_loop3A_164 = arith.constant 7 : i32
          %parallel_loop3A_165 = vector.broadcast %parallel_loop3A_164 : i32 to vector<16xi32>
          %parallel_loop3A_166 = arith.andi %parallel_loop3A_143, %parallel_loop3A_165 : vector<16xi32>
          %parallel_loop3A_167 = arith.constant 2 : i32
          %parallel_loop3A_168 = vector.broadcast %parallel_loop3A_167 : i32 to vector<16xi32>
          %parallel_loop3A_169 = arith.shli %parallel_loop3A_166, %parallel_loop3A_168 : vector<16xi32>
          %parallel_loop3A_170 = arith.shrui %parallel_loop3A_153, %parallel_loop3A_163 : vector<16xi32>
          %parallel_loop3A_171 = arith.constant 15 : i32
          %parallel_loop3A_172 = vector.broadcast %parallel_loop3A_171 : i32 to vector<16xi32>
          %parallel_loop3A_173 = arith.andi %parallel_loop3A_170, %parallel_loop3A_172 : vector<16xi32>
          %parallel_loop3A_174 = arith.shrui %parallel_loop3A_157, %parallel_loop3A_169 : vector<16xi32>
          %parallel_loop3A_175 = arith.constant 15 : i32
          %parallel_loop3A_176 = vector.broadcast %parallel_loop3A_175 : i32 to vector<16xi32>
          %parallel_loop3A_177 = arith.andi %parallel_loop3A_174, %parallel_loop3A_176 : vector<16xi32>
          %parallel_loop3A_178 = arith.constant 4 : i32
          %parallel_loop3A_179 = vector.broadcast %parallel_loop3A_178 : i32 to vector<16xi32>
          %parallel_loop3A_180 = arith.shli %parallel_loop3A_173, %parallel_loop3A_179 : vector<16xi32>
          %parallel_loop3A_181 = arith.ori %parallel_loop3A_180, %parallel_loop3A_177 : vector<16xi32>
          %parallel_loop3A_182 = tpu.vector_load_idx %arg14[%parallel_loop3A_181] : memref<160xf32, #tpu.memory_space<vmem>>[vector<16xi32>], vector<16xf32>,
          %parallel_loop3A_183 = tpu.vector_load_idx %arg15[%parallel_loop3A_181] : memref<160xf32, #tpu.memory_space<vmem>>[vector<16xi32>], vector<16xf32>,
          %parallel_loop3A_184 = tpu.vector_load_idx %arg16[%parallel_loop3A_181] : memref<160xf32, #tpu.memory_space<vmem>>[vector<16xi32>], vector<16xf32>,
          %parallel_loop3A_185 = arith.mulf %parallel_loop3A_149, %parallel_loop3A_182 : vector<16xf32>
          %parallel_loop3A_186 = arith.constant -3.200000e+00 : f32
          %parallel_loop3A_187 = vector.broadcast %parallel_loop3A_186 : f32 to vector<16xf32>
          %parallel_loop3A_188 = arith.mulf %parallel_loop3A_185, %parallel_loop3A_187 : vector<16xf32>
          %parallel_loop3A_189 = math.exp %parallel_loop3A_188 : vector<16xf32>
          %parallel_loop3A_190 = arith.constant 1.818000e-01 : f32
          %parallel_loop3A_191 = vector.broadcast %parallel_loop3A_190 : f32 to vector<16xf32>
          %parallel_loop3A_192 = arith.mulf %parallel_loop3A_191, %parallel_loop3A_189 : vector<16xf32>
          %parallel_loop3A_193 = arith.constant -9.423000e-01 : f32
          %parallel_loop3A_194 = vector.broadcast %parallel_loop3A_193 : f32 to vector<16xf32>
          %parallel_loop3A_195 = arith.mulf %parallel_loop3A_185, %parallel_loop3A_194 : vector<16xf32>
          %parallel_loop3A_196 = math.exp %parallel_loop3A_195 : vector<16xf32>
          %parallel_loop3A_197 = arith.constant 5.099000e-01 : f32
          %parallel_loop3A_198 = vector.broadcast %parallel_loop3A_197 : f32 to vector<16xf32>
          %parallel_loop3A_199 = arith.mulf %parallel_loop3A_198, %parallel_loop3A_196 : vector<16xf32>
          %parallel_loop3A_200 = arith.addf %parallel_loop3A_192, %parallel_loop3A_199 : vector<16xf32>
          %parallel_loop3A_201 = arith.constant -4.028000e-01 : f32
          %parallel_loop3A_202 = vector.broadcast %parallel_loop3A_201 : f32 to vector<16xf32>
          %parallel_loop3A_203 = arith.mulf %parallel_loop3A_185, %parallel_loop3A_202 : vector<16xf32>
          %parallel_loop3A_204 = math.exp %parallel_loop3A_203 : vector<16xf32>
          %parallel_loop3A_205 = arith.constant 2.802000e-01 : f32
          %parallel_loop3A_206 = vector.broadcast %parallel_loop3A_205 : f32 to vector<16xf32>
          %parallel_loop3A_207 = arith.mulf %parallel_loop3A_206, %parallel_loop3A_204 : vector<16xf32>
          %parallel_loop3A_208 = arith.addf %parallel_loop3A_200, %parallel_loop3A_207 : vector<16xf32>
          %parallel_loop3A_209 = arith.constant -2.016000e-01 : f32
          %parallel_loop3A_210 = vector.broadcast %parallel_loop3A_209 : f32 to vector<16xf32>
          %parallel_loop3A_211 = arith.mulf %parallel_loop3A_185, %parallel_loop3A_210 : vector<16xf32>
          %parallel_loop3A_212 = math.exp %parallel_loop3A_211 : vector<16xf32>
          %parallel_loop3A_213 = arith.constant 2.817000e-02 : f32
          %parallel_loop3A_214 = vector.broadcast %parallel_loop3A_213 : f32 to vector<16xf32>
          %parallel_loop3A_215 = arith.mulf %parallel_loop3A_214, %parallel_loop3A_212 : vector<16xf32>
          %parallel_loop3A_216 = arith.addf %parallel_loop3A_208, %parallel_loop3A_215 : vector<16xf32>
          %parallel_loop3A_217 = arith.mulf %parallel_loop3A_149, %parallel_loop3A_184 : vector<16xf32>
          %parallel_loop3A_218 = arith.mulf %parallel_loop3A_217, %parallel_loop3A_217 : vector<16xf32>
          %parallel_loop3A_219 = arith.mulf %parallel_loop3A_218, %parallel_loop3A_218 : vector<16xf32>
          %parallel_loop3A_220 = arith.mulf %parallel_loop3A_219, %parallel_loop3A_218 : vector<16xf32>
          %parallel_loop3A_221 = arith.constant 2.100000e+01 : f32
          %parallel_loop3A_222 = vector.broadcast %parallel_loop3A_221 : f32 to vector<16xf32>
          %parallel_loop3A_223 = arith.mulf %parallel_loop3A_222, %parallel_loop3A_217 : vector<16xf32>
          %parallel_loop3A_224 = arith.constant 4.800000e+01 : f32
          %parallel_loop3A_225 = vector.broadcast %parallel_loop3A_224 : f32 to vector<16xf32>
          %parallel_loop3A_226 = arith.subf %parallel_loop3A_225, %parallel_loop3A_223 : vector<16xf32>
          %parallel_loop3A_227 = arith.mulf %parallel_loop3A_217, %parallel_loop3A_226 : vector<16xf32>
          %parallel_loop3A_228 = arith.constant -2.800000e+01 : f32
          %parallel_loop3A_229 = vector.broadcast %parallel_loop3A_228 : f32 to vector<16xf32>
          %parallel_loop3A_230 = arith.addf %parallel_loop3A_229, %parallel_loop3A_227 : vector<16xf32>
          %parallel_loop3A_231 = arith.mulf %parallel_loop3A_220, %parallel_loop3A_230 : vector<16xf32>
          %parallel_loop3A_232 = arith.constant 1.000000e+00 : f32
          %parallel_loop3A_233 = vector.broadcast %parallel_loop3A_232 : f32 to vector<16xf32>
          %parallel_loop3A_234 = arith.addf %parallel_loop3A_233, %parallel_loop3A_231 : vector<16xf32>
          %parallel_loop3A_235 = arith.constant 0.000000e+00 : f32
          %parallel_loop3A_236 = vector.broadcast %parallel_loop3A_235 : f32 to vector<16xf32>
          %parallel_loop3A_237 = arith.maximumf %parallel_loop3A_234, %parallel_loop3A_236 : vector<16xf32>
          %parallel_loop3A_238 = arith.mulf %parallel_loop3A_183, %parallel_loop3A_216 : vector<16xf32>
          %parallel_loop3A_239 = arith.divf %parallel_loop3A_238, %parallel_loop3A_149 : vector<16xf32>
          %parallel_loop3A_240 = arith.mulf %parallel_loop3A_239, %parallel_loop3A_237 : vector<16xf32>
          tpu.vector_store_idx %arg9[%parallel_loop3A_143], %parallel_loop3A_240 {add = true} : memref<102400xf32, #tpu.memory_space<vmem>>[vector<16xi32>], vector<16xf32>,
        } {sc.loop_unroll_factor = 4 : i64, sc.parallel_access}
      } else {
      }
    }
    %scan3A_71 = arith.constant 49 : i32
    %mul3A_72 = arith.constant 6400 : i32
    %mul3A_73 = arith.muli %arg1, %mul3A_72 : i32
    %mul3A_74 = arith.constant 16 : i32
    %mul3A_75 = arith.muli %arg0, %mul3A_74 : i32
    %add3A_76 = arith.addi %mul3A_75, %arg1 : i32
    %mul3A_77 = arith.constant 102400 : i32
    %mul3A_78 = arith.muli %add3A_76, %mul3A_77 : i32
    "tpu.region"() ({
      %run_scoped3A = tpu.sem_alloc : memref<!tpu.dma_semaphore, #tpu.memory_space<semaphore_mem>>
      %dma_start3A_108 = tpu.memref_slice %arg18[%mul3A_78] : memref<3276800xf32, #tpu.memory_space<hbm>> -> memref<102400xf32, #tpu.memory_space<hbm>>
      %dma_start3A_109 = tpu.memref_slice %arg18[%mul3A_78] : memref<3276800xf32, #tpu.memory_space<hbm>> -> memref<102400xf32, #tpu.memory_space<hbm>>
      tpu.enqueue_dma source(%arg9 : memref<102400xf32, #tpu.memory_space<vmem>>) target(%dma_start3A_109 : memref<102400xf32, #tpu.memory_space<hbm>>) target_semaphore(%run_scoped3A : memref<!tpu.dma_semaphore, #tpu.memory_space<semaphore_mem>>)
      %dma_wait3A = tpu.memref_slice %arg18[%mul3A_78] : memref<3276800xf32, #tpu.memory_space<hbm>> -> memref<102400xf32, #tpu.memory_space<hbm>>
      %dma_wait3A_110 = tpu.memref_slice %arg18[%mul3A_78] : memref<3276800xf32, #tpu.memory_space<hbm>> -> memref<102400xf32, #tpu.memory_space<hbm>>
      tpu.wait_dma2 semaphore(%run_scoped3A : memref<!tpu.dma_semaphore, #tpu.memory_space<semaphore_mem>>) src(%arg9 : memref<102400xf32, #tpu.memory_space<vmem>>) dst(%dma_wait3A_110 : memref<102400xf32, #tpu.memory_space<hbm>>)
      tpu.yield
    }) : () -> ()
    %barrier3A_79 = arith.constant 0 : index
    tpu.barrier barrier_id(%barrier3A_79)
    %scan3A_80 = arith.constant 0 : i32
    %scan3A_81 = arith.constant 400 : i32
    %scan3A_82 = arith.addi %scan3A_80, %scan3A_81 : i32
    %scan3A_83 = arith.constant 1 : i32
    scf.for %scan3A_108 = %scan3A_80 to %scan3A_82 step %scan3A_83  : i32 {
      %mul3A_109 = arith.constant 1 : i32
      %mul3A_110 = arith.muli %scan3A_108, %mul3A_109 : i32
      %add3A_111 = arith.constant 0 : i32
      %add3A_112 = arith.addi %add3A_111, %mul3A_110 : i32
      %mul3A_113 = arith.constant 16 : i32
      %mul3A_114 = arith.muli %add3A_112, %mul3A_113 : i32
      %add3A_115 = arith.addi %mul3A_73, %mul3A_114 : i32
      %swap3A = arith.index_cast %add3A_115 : i32 to index
      %swap3A_116 = tpu.vector_load %arg9[%swap3A] {strides = array<i32>} : memref<102400xf32, #tpu.memory_space<vmem>>, vector<16xf32>,
      tpu.vector_store %arg9[%swap3A], %broadcast_in_dim3A_7 {strides = array<i32>} : memref<102400xf32, #tpu.memory_space<vmem>>, vector<16xf32>,
    }
    %scan3A_84 = arith.constant 400 : i32
    %mul3A_85 = arith.constant 16 : i32
    %mul3A_86 = arith.muli %arg0, %mul3A_85 : i32
    %add3A_87 = arith.constant 0 : i32
    %add3A_88 = arith.addi %mul3A_86, %add3A_87 : i32
    %mul3A_89 = arith.constant 102400 : i32
    %mul3A_90 = arith.muli %add3A_88, %mul3A_89 : i32
    %add3A_91 = arith.addi %mul3A_90, %mul3A_73 : i32
    %add3A_92 = arith.constant 0 : i32
    %add3A_93 = arith.addi %add3A_91, %add3A_92 : i32
    %dma_start3A_94 = arith.constant 0 : i32
    %dma_start3A_95 = tpu.memref_slice %arg13[%dma_start3A_94] : memref<4096xf32, #tpu.memory_space<vmem>> -> memref<1600xf32, #tpu.memory_space<vmem>>
    %dma_start3A_96 = tpu.memref_slice %arg18[%add3A_93] : memref<3276800xf32, #tpu.memory_space<hbm>> -> memref<1600xf32, #tpu.memory_space<hbm>>
    %dma_start3A_97 = arith.constant 0 : i32
    %dma_start3A_98 = tpu.memref_slice %arg13[%dma_start3A_97] : memref<4096xf32, #tpu.memory_space<vmem>> -> memref<1600xf32, #tpu.memory_space<vmem>>
    %dma_start3A_99 = tpu.memref_slice %arg18[%add3A_93] : memref<3276800xf32, #tpu.memory_space<hbm>> -> memref<1600xf32, #tpu.memory_space<hbm>>
    tpu.enqueue_dma source(%dma_start3A_99 : memref<1600xf32, #tpu.memory_space<hbm>>) target(%dma_start3A_98 : memref<1600xf32, #tpu.memory_space<vmem>>) target_semaphore(%arg19 : memref<!tpu.dma_semaphore, #tpu.memory_space<semaphore_mem>>)
    %scan3A_100 = arith.constant 0 : i32
    %scan3A_101 = arith.constant 32 : i32
    %scan3A_102 = arith.addi %scan3A_100, %scan3A_101 : i32
    %scan3A_103 = arith.constant 1 : i32
    scf.for %scan3A_108 = %scan3A_100 to %scan3A_102 step %scan3A_103  : i32 {
      %mul3A_109 = arith.constant 2 : i32
      %mul3A_110 = arith.muli %scan3A_108, %mul3A_109 : i32
      %add3A_111 = arith.constant 0 : i32
      %add3A_112 = arith.addi %add3A_111, %mul3A_110 : i32
      %add3A_113 = arith.constant 0 : i32
      %add3A_114 = arith.addi %add3A_112, %add3A_113 : i32
      %add3A_115 = arith.constant 1 : i32
      %add3A_116 = arith.addi %add3A_114, %add3A_115 : i32
      %lt3A_117 = arith.constant 64 : i32
      %lt3A_118 = arith.cmpi slt, %add3A_116, %lt3A_117 : i32
      %convert_element_type3A = arith.extui %lt3A_118 : i1 to i32
      %cond3A = arith.constant 0 : i32
      %cond3A_119 = arith.cmpi ne, %convert_element_type3A, %cond3A : i32
      scf.if %cond3A_119 {
        %add3A_345 = arith.constant 1 : i32
        %add3A_346 = arith.addi %add3A_114, %add3A_345 : i32
        %jit3A_347 = arith.constant 4 : i32
        %div3A_348 = arith.divsi %add3A_346, %jit3A_347 : i32
        %sign3A_349 = arith.constant 0 : i32
        %sign3A_350 = arith.cmpi sgt, %add3A_346, %sign3A_349 : i32
        %sign3A_351 = arith.extui %sign3A_350 : i1 to i32
        %sign3A_352 = arith.constant 0 : i32
        %sign3A_353 = arith.cmpi slt, %add3A_346, %sign3A_352 : i32
        %sign3A_354 = arith.extui %sign3A_353 : i1 to i32
        %sign3A_355 = arith.subi %sign3A_351, %sign3A_354 : i32
        %sign3A_356 = arith.constant 0 : i32
        %sign3A_357 = arith.cmpi sgt, %jit3A_347, %sign3A_356 : i32
        %sign3A_358 = arith.extui %sign3A_357 : i1 to i32
        %sign3A_359 = arith.constant 0 : i32
        %sign3A_360 = arith.cmpi slt, %jit3A_347, %sign3A_359 : i32
        %sign3A_361 = arith.extui %sign3A_360 : i1 to i32
        %sign3A_362 = arith.subi %sign3A_358, %sign3A_361 : i32
        %ne3A_363 = arith.cmpi ne, %sign3A_355, %sign3A_362 : i32
        %rem3A_364 = arith.remsi %add3A_346, %jit3A_347 : i32
        %ne3A_365 = arith.constant 0 : i32
        %ne3A_366 = arith.cmpi ne, %rem3A_364, %ne3A_365 : i32
        %and3A_367 = arith.andi %ne3A_363, %ne3A_366 : i1
        %sub3A_368 = arith.constant 1 : i32
        %sub3A_369 = arith.subi %div3A_348, %sub3A_368 : i32
        %select_n3A_370 = arith.select %and3A_367, %sub3A_369, %div3A_348 : i32
        %jit3A_371 = arith.constant 4 : i32
        %eq3A_372 = arith.constant 0 : i32
        %eq3A_373 = arith.cmpi eq, %jit3A_371, %eq3A_372 : i32
        %jit3A_374 = arith.constant 1 : i32
        %select_n3A_375 = arith.select %eq3A_373, %jit3A_374, %jit3A_371 : i32
        %rem3A_376 = arith.remsi %add3A_346, %select_n3A_375 : i32
        %ne3A_377 = arith.constant 0 : i32
        %ne3A_378 = arith.cmpi ne, %rem3A_376, %ne3A_377 : i32
        %lt3A_379 = arith.constant 0 : i32
        %lt3A_380 = arith.cmpi slt, %rem3A_376, %lt3A_379 : i32
        %lt3A_381 = arith.constant 0 : i32
        %lt3A_382 = arith.cmpi slt, %select_n3A_375, %lt3A_381 : i32
        %ne3A_383 = arith.xori %lt3A_380, %lt3A_382 : i1
        %and3A_384 = arith.andi %ne3A_383, %ne3A_378 : i1
        %add3A_385 = arith.addi %rem3A_376, %select_n3A_375 : i32
        %select_n3A_386 = arith.select %and3A_384, %add3A_385, %rem3A_376 : i32
        %mul3A_387 = arith.constant 16 : i32
        %mul3A_388 = arith.muli %arg0, %mul3A_387 : i32
        %add3A_389 = arith.addi %mul3A_388, %select_n3A_370 : i32
        %mul3A_390 = arith.constant 102400 : i32
        %mul3A_391 = arith.muli %add3A_389, %mul3A_390 : i32
        %add3A_392 = arith.addi %mul3A_391, %mul3A_73 : i32
        %mul3A_393 = arith.constant 1600 : i32
        %mul3A_394 = arith.muli %select_n3A_386, %mul3A_393 : i32
        %add3A_395 = arith.addi %add3A_392, %mul3A_394 : i32
        %dma_start3A_396 = arith.constant 1600 : i32
        %dma_start3A_397 = tpu.memref_slice %arg13[%dma_start3A_396] : memref<4096xf32, #tpu.memory_space<vmem>> -> memref<1600xf32, #tpu.memory_space<vmem>>
        %dma_start3A_398 = tpu.memref_slice %arg18[%add3A_395] : memref<3276800xf32, #tpu.memory_space<hbm>> -> memref<1600xf32, #tpu.memory_space<hbm>>
        %dma_start3A_399 = arith.constant 1600 : i32
        %dma_start3A_400 = tpu.memref_slice %arg13[%dma_start3A_399] : memref<4096xf32, #tpu.memory_space<vmem>> -> memref<1600xf32, #tpu.memory_space<vmem>>
        %dma_start3A_401 = tpu.memref_slice %arg18[%add3A_395] : memref<3276800xf32, #tpu.memory_space<hbm>> -> memref<1600xf32, #tpu.memory_space<hbm>>
        tpu.enqueue_dma source(%dma_start3A_401 : memref<1600xf32, #tpu.memory_space<hbm>>) target(%dma_start3A_400 : memref<1600xf32, #tpu.memory_space<vmem>>) target_semaphore(%arg20 : memref<!tpu.dma_semaphore, #tpu.memory_space<semaphore_mem>>)
      } else {
      }
      %jit3A_120 = arith.constant 4 : i32
      %div3A = arith.divsi %add3A_114, %jit3A_120 : i32
      %sign3A = arith.constant 0 : i32
      %sign3A_121 = arith.cmpi sgt, %add3A_114, %sign3A : i32
      %sign3A_122 = arith.extui %sign3A_121 : i1 to i32
      %sign3A_123 = arith.constant 0 : i32
      %sign3A_124 = arith.cmpi slt, %add3A_114, %sign3A_123 : i32
      %sign3A_125 = arith.extui %sign3A_124 : i1 to i32
      %sign3A_126 = arith.subi %sign3A_122, %sign3A_125 : i32
      %sign3A_127 = arith.constant 0 : i32
      %sign3A_128 = arith.cmpi sgt, %jit3A_120, %sign3A_127 : i32
      %sign3A_129 = arith.extui %sign3A_128 : i1 to i32
      %sign3A_130 = arith.constant 0 : i32
      %sign3A_131 = arith.cmpi slt, %jit3A_120, %sign3A_130 : i32
      %sign3A_132 = arith.extui %sign3A_131 : i1 to i32
      %sign3A_133 = arith.subi %sign3A_129, %sign3A_132 : i32
      %ne3A = arith.cmpi ne, %sign3A_126, %sign3A_133 : i32
      %rem3A = arith.remsi %add3A_114, %jit3A_120 : i32
      %ne3A_134 = arith.constant 0 : i32
      %ne3A_135 = arith.cmpi ne, %rem3A, %ne3A_134 : i32
      %and3A = arith.andi %ne3A, %ne3A_135 : i1
      %sub3A = arith.constant 1 : i32
      %sub3A_136 = arith.subi %div3A, %sub3A : i32
      %select_n3A_137 = arith.select %and3A, %sub3A_136, %div3A : i32
      %jit3A_138 = arith.constant 4 : i32
      %eq3A = arith.constant 0 : i32
      %eq3A_139 = arith.cmpi eq, %jit3A_138, %eq3A : i32
      %jit3A_140 = arith.constant 1 : i32
      %select_n3A_141 = arith.select %eq3A_139, %jit3A_140, %jit3A_138 : i32
      %rem3A_142 = arith.remsi %add3A_114, %select_n3A_141 : i32
      %ne3A_143 = arith.constant 0 : i32
      %ne3A_144 = arith.cmpi ne, %rem3A_142, %ne3A_143 : i32
      %lt3A_145 = arith.constant 0 : i32
      %lt3A_146 = arith.cmpi slt, %rem3A_142, %lt3A_145 : i32
      %lt3A_147 = arith.constant 0 : i32
      %lt3A_148 = arith.cmpi slt, %select_n3A_141, %lt3A_147 : i32
      %ne3A_149 = arith.xori %lt3A_146, %lt3A_148 : i1
      %and3A_150 = arith.andi %ne3A_149, %ne3A_144 : i1
      %add3A_151 = arith.addi %rem3A_142, %select_n3A_141 : i32
      %select_n3A_152 = arith.select %and3A_150, %add3A_151, %rem3A_142 : i32
      %mul3A_153 = arith.constant 16 : i32
      %mul3A_154 = arith.muli %arg0, %mul3A_153 : i32
      %add3A_155 = arith.addi %mul3A_154, %select_n3A_137 : i32
      %mul3A_156 = arith.constant 102400 : i32
      %mul3A_157 = arith.muli %add3A_155, %mul3A_156 : i32
      %add3A_158 = arith.addi %mul3A_157, %mul3A_73 : i32
      %mul3A_159 = arith.constant 1600 : i32
      %mul3A_160 = arith.muli %select_n3A_152, %mul3A_159 : i32
      %add3A_161 = arith.addi %add3A_158, %mul3A_160 : i32
      %dma_wait3A = arith.constant 0 : i32
      %dma_wait3A_162 = tpu.memref_slice %arg13[%dma_wait3A] : memref<4096xf32, #tpu.memory_space<vmem>> -> memref<1600xf32, #tpu.memory_space<vmem>>
      %dma_wait3A_163 = tpu.memref_slice %arg18[%add3A_161] : memref<3276800xf32, #tpu.memory_space<hbm>> -> memref<1600xf32, #tpu.memory_space<hbm>>
      %dma_wait3A_164 = arith.constant 0 : i32
      %dma_wait3A_165 = tpu.memref_slice %arg13[%dma_wait3A_164] : memref<4096xf32, #tpu.memory_space<vmem>> -> memref<1600xf32, #tpu.memory_space<vmem>>
      %dma_wait3A_166 = tpu.memref_slice %arg18[%add3A_161] : memref<3276800xf32, #tpu.memory_space<hbm>> -> memref<1600xf32, #tpu.memory_space<hbm>>
      tpu.wait_dma2 semaphore(%arg19 : memref<!tpu.dma_semaphore, #tpu.memory_space<semaphore_mem>>) src(%dma_wait3A_166 : memref<1600xf32, #tpu.memory_space<hbm>>) dst(%dma_wait3A_165 : memref<1600xf32, #tpu.memory_space<vmem>>)
      %jit3A_167 = arith.constant 4 : i32
      %div3A_168 = arith.divsi %add3A_114, %jit3A_167 : i32
      %sign3A_169 = arith.constant 0 : i32
      %sign3A_170 = arith.cmpi sgt, %add3A_114, %sign3A_169 : i32
      %sign3A_171 = arith.extui %sign3A_170 : i1 to i32
      %sign3A_172 = arith.constant 0 : i32
      %sign3A_173 = arith.cmpi slt, %add3A_114, %sign3A_172 : i32
      %sign3A_174 = arith.extui %sign3A_173 : i1 to i32
      %sign3A_175 = arith.subi %sign3A_171, %sign3A_174 : i32
      %sign3A_176 = arith.constant 0 : i32
      %sign3A_177 = arith.cmpi sgt, %jit3A_167, %sign3A_176 : i32
      %sign3A_178 = arith.extui %sign3A_177 : i1 to i32
      %sign3A_179 = arith.constant 0 : i32
      %sign3A_180 = arith.cmpi slt, %jit3A_167, %sign3A_179 : i32
      %sign3A_181 = arith.extui %sign3A_180 : i1 to i32
      %sign3A_182 = arith.subi %sign3A_178, %sign3A_181 : i32
      %ne3A_183 = arith.cmpi ne, %sign3A_175, %sign3A_182 : i32
      %rem3A_184 = arith.remsi %add3A_114, %jit3A_167 : i32
      %ne3A_185 = arith.constant 0 : i32
      %ne3A_186 = arith.cmpi ne, %rem3A_184, %ne3A_185 : i32
      %and3A_187 = arith.andi %ne3A_183, %ne3A_186 : i1
      %sub3A_188 = arith.constant 1 : i32
      %sub3A_189 = arith.subi %div3A_168, %sub3A_188 : i32
      %select_n3A_190 = arith.select %and3A_187, %sub3A_189, %div3A_168 : i32
      %jit3A_191 = arith.constant 4 : i32
      %eq3A_192 = arith.constant 0 : i32
      %eq3A_193 = arith.cmpi eq, %jit3A_191, %eq3A_192 : i32
      %jit3A_194 = arith.constant 1 : i32
      %select_n3A_195 = arith.select %eq3A_193, %jit3A_194, %jit3A_191 : i32
      %rem3A_196 = arith.remsi %add3A_114, %select_n3A_195 : i32
      %ne3A_197 = arith.constant 0 : i32
      %ne3A_198 = arith.cmpi ne, %rem3A_196, %ne3A_197 : i32
      %lt3A_199 = arith.constant 0 : i32
      %lt3A_200 = arith.cmpi slt, %rem3A_196, %lt3A_199 : i32
      %lt3A_201 = arith.constant 0 : i32
      %lt3A_202 = arith.cmpi slt, %select_n3A_195, %lt3A_201 : i32
      %ne3A_203 = arith.xori %lt3A_200, %lt3A_202 : i1
      %and3A_204 = arith.andi %ne3A_203, %ne3A_198 : i1
      %add3A_205 = arith.addi %rem3A_196, %select_n3A_195 : i32
      %select_n3A_206 = arith.select %and3A_204, %add3A_205, %rem3A_196 : i32
      %mul3A_207 = arith.constant 16 : i32
      %mul3A_208 = arith.muli %arg0, %mul3A_207 : i32
      %add3A_209 = arith.addi %mul3A_208, %select_n3A_190 : i32
      %mul3A_210 = arith.constant 102400 : i32
      %mul3A_211 = arith.muli %add3A_209, %mul3A_210 : i32
      %add3A_212 = arith.addi %mul3A_211, %mul3A_73 : i32
      %mul3A_213 = arith.constant 1600 : i32
      %mul3A_214 = arith.muli %select_n3A_206, %mul3A_213 : i32
      %add3A_215 = arith.addi %add3A_212, %mul3A_214 : i32
      %mul3A_216 = arith.constant 1600 : i32
      %mul3A_217 = arith.muli %select_n3A_206, %mul3A_216 : i32
      %add3A_218 = arith.addi %mul3A_73, %mul3A_217 : i32
      %scan3A_219 = arith.constant 0 : i32
      %scan3A_220 = arith.constant 100 : i32
      %scan3A_221 = arith.addi %scan3A_219, %scan3A_220 : i32
      %scan3A_222 = arith.constant 4 : i32
      scf.for %scan3A_345 = %scan3A_219 to %scan3A_221 step %scan3A_222  : i32 {
        %mul3A_346 = arith.constant 1 : i32
        %mul3A_347 = arith.muli %scan3A_345, %mul3A_346 : i32
        %add3A_348 = arith.constant 0 : i32
        %add3A_349 = arith.addi %add3A_348, %mul3A_347 : i32
        %mul3A_350 = arith.constant 16 : i32
        %mul3A_351 = arith.muli %add3A_349, %mul3A_350 : i32
        %add3A_352 = arith.addi %add3A_218, %mul3A_351 : i32
        %get3A = arith.index_cast %add3A_352 : i32 to index
        %get3A_353 = tpu.vector_load %arg9[%get3A] {strides = array<i32>} : memref<102400xf32, #tpu.memory_space<vmem>>, vector<16xf32>,
        %mul3A_354 = arith.constant 16 : i32
        %mul3A_355 = arith.muli %add3A_349, %mul3A_354 : i32
        %add3A_356 = arith.constant 0 : i32
        %add3A_357 = arith.addi %add3A_356, %mul3A_355 : i32
        %get3A_358 = arith.index_cast %add3A_357 : i32 to index
        %get3A_359 = tpu.vector_load %arg13[%get3A_358] {strides = array<i32>} : memref<4096xf32, #tpu.memory_space<vmem>>, vector<16xf32>,
        %add3A_360 = arith.addf %get3A_353, %get3A_359 : vector<16xf32>
        %swap3A = arith.index_cast %add3A_352 : i32 to index
        %swap3A_361 = tpu.vector_load %arg9[%swap3A] {strides = array<i32>} : memref<102400xf32, #tpu.memory_space<vmem>>, vector<16xf32>,
        tpu.vector_store %arg9[%swap3A], %add3A_360 {strides = array<i32>} : memref<102400xf32, #tpu.memory_space<vmem>>, vector<16xf32>,
        %scan3A_362 = arith.constant 1 : i32
        %scan3A_363 = arith.addi %scan3A_345, %scan3A_362 : i32
        %mul3A_364 = arith.constant 1 : i32
        %mul3A_365 = arith.muli %scan3A_363, %mul3A_364 : i32
        %add3A_366 = arith.constant 0 : i32
        %add3A_367 = arith.addi %add3A_366, %mul3A_365 : i32
        %mul3A_368 = arith.constant 16 : i32
        %mul3A_369 = arith.muli %add3A_367, %mul3A_368 : i32
        %add3A_370 = arith.addi %add3A_218, %mul3A_369 : i32
        %get3A_371 = arith.index_cast %add3A_370 : i32 to index
        %get3A_372 = tpu.vector_load %arg9[%get3A_371] {strides = array<i32>} : memref<102400xf32, #tpu.memory_space<vmem>>, vector<16xf32>,
        %mul3A_373 = arith.constant 16 : i32
        %mul3A_374 = arith.muli %add3A_367, %mul3A_373 : i32
        %add3A_375 = arith.constant 0 : i32
        %add3A_376 = arith.addi %add3A_375, %mul3A_374 : i32
        %get3A_377 = arith.index_cast %add3A_376 : i32 to index
        %get3A_378 = tpu.vector_load %arg13[%get3A_377] {strides = array<i32>} : memref<4096xf32, #tpu.memory_space<vmem>>, vector<16xf32>,
        %add3A_379 = arith.addf %get3A_372, %get3A_378 : vector<16xf32>
        %swap3A_380 = arith.index_cast %add3A_370 : i32 to index
        %swap3A_381 = tpu.vector_load %arg9[%swap3A_380] {strides = array<i32>} : memref<102400xf32, #tpu.memory_space<vmem>>, vector<16xf32>,
        tpu.vector_store %arg9[%swap3A_380], %add3A_379 {strides = array<i32>} : memref<102400xf32, #tpu.memory_space<vmem>>, vector<16xf32>,
        %scan3A_382 = arith.constant 2 : i32
        %scan3A_383 = arith.addi %scan3A_345, %scan3A_382 : i32
        %mul3A_384 = arith.constant 1 : i32
        %mul3A_385 = arith.muli %scan3A_383, %mul3A_384 : i32
        %add3A_386 = arith.constant 0 : i32
        %add3A_387 = arith.addi %add3A_386, %mul3A_385 : i32
        %mul3A_388 = arith.constant 16 : i32
        %mul3A_389 = arith.muli %add3A_387, %mul3A_388 : i32
        %add3A_390 = arith.addi %add3A_218, %mul3A_389 : i32
        %get3A_391 = arith.index_cast %add3A_390 : i32 to index
        %get3A_392 = tpu.vector_load %arg9[%get3A_391] {strides = array<i32>} : memref<102400xf32, #tpu.memory_space<vmem>>, vector<16xf32>,
        %mul3A_393 = arith.constant 16 : i32
        %mul3A_394 = arith.muli %add3A_387, %mul3A_393 : i32
        %add3A_395 = arith.constant 0 : i32
        %add3A_396 = arith.addi %add3A_395, %mul3A_394 : i32
        %get3A_397 = arith.index_cast %add3A_396 : i32 to index
        %get3A_398 = tpu.vector_load %arg13[%get3A_397] {strides = array<i32>} : memref<4096xf32, #tpu.memory_space<vmem>>, vector<16xf32>,
        %add3A_399 = arith.addf %get3A_392, %get3A_398 : vector<16xf32>
        %swap3A_400 = arith.index_cast %add3A_390 : i32 to index
        %swap3A_401 = tpu.vector_load %arg9[%swap3A_400] {strides = array<i32>} : memref<102400xf32, #tpu.memory_space<vmem>>, vector<16xf32>,
        tpu.vector_store %arg9[%swap3A_400], %add3A_399 {strides = array<i32>} : memref<102400xf32, #tpu.memory_space<vmem>>, vector<16xf32>,
        %scan3A_402 = arith.constant 3 : i32
        %scan3A_403 = arith.addi %scan3A_345, %scan3A_402 : i32
        %mul3A_404 = arith.constant 1 : i32
        %mul3A_405 = arith.muli %scan3A_403, %mul3A_404 : i32
        %add3A_406 = arith.constant 0 : i32
        %add3A_407 = arith.addi %add3A_406, %mul3A_405 : i32
        %mul3A_408 = arith.constant 16 : i32
        %mul3A_409 = arith.muli %add3A_407, %mul3A_408 : i32
        %add3A_410 = arith.addi %add3A_218, %mul3A_409 : i32
        %get3A_411 = arith.index_cast %add3A_410 : i32 to index
        %get3A_412 = tpu.vector_load %arg9[%get3A_411] {strides = array<i32>} : memref<102400xf32, #tpu.memory_space<vmem>>, vector<16xf32>,
        %mul3A_413 = arith.constant 16 : i32
        %mul3A_414 = arith.muli %add3A_407, %mul3A_413 : i32
        %add3A_415 = arith.constant 0 : i32
        %add3A_416 = arith.addi %add3A_415, %mul3A_414 : i32
        %get3A_417 = arith.index_cast %add3A_416 : i32 to index
        %get3A_418 = tpu.vector_load %arg13[%get3A_417] {strides = array<i32>} : memref<4096xf32, #tpu.memory_space<vmem>>, vector<16xf32>,
        %add3A_419 = arith.addf %get3A_412, %get3A_418 : vector<16xf32>
        %swap3A_420 = arith.index_cast %add3A_410 : i32 to index
        %swap3A_421 = tpu.vector_load %arg9[%swap3A_420] {strides = array<i32>} : memref<102400xf32, #tpu.memory_space<vmem>>, vector<16xf32>,
        tpu.vector_store %arg9[%swap3A_420], %add3A_419 {strides = array<i32>} : memref<102400xf32, #tpu.memory_space<vmem>>, vector<16xf32>,
      }
      %scan3A_223 = arith.constant 100 : i32
      %add3A_224 = arith.constant 1 : i32
      %add3A_225 = arith.addi %add3A_112, %add3A_224 : i32
      %add3A_226 = arith.constant 1 : i32
      %add3A_227 = arith.addi %add3A_225, %add3A_226 : i32
      %lt3A_228 = arith.constant 64 : i32
      %lt3A_229 = arith.cmpi slt, %add3A_227, %lt3A_228 : i32
      %convert_element_type3A_230 = arith.extui %lt3A_229 : i1 to i32
      %cond3A_231 = arith.constant 0 : i32
      %cond3A_232 = arith.cmpi ne, %convert_element_type3A_230, %cond3A_231 : i32
      scf.if %cond3A_232 {
        %add3A_345 = arith.constant 1 : i32
        %add3A_346 = arith.addi %add3A_225, %add3A_345 : i32
        %jit3A_347 = arith.constant 4 : i32
        %div3A_348 = arith.divsi %add3A_346, %jit3A_347 : i32
        %sign3A_349 = arith.constant 0 : i32
        %sign3A_350 = arith.cmpi sgt, %add3A_346, %sign3A_349 : i32
        %sign3A_351 = arith.extui %sign3A_350 : i1 to i32
        %sign3A_352 = arith.constant 0 : i32
        %sign3A_353 = arith.cmpi slt, %add3A_346, %sign3A_352 : i32
        %sign3A_354 = arith.extui %sign3A_353 : i1 to i32
        %sign3A_355 = arith.subi %sign3A_351, %sign3A_354 : i32
        %sign3A_356 = arith.constant 0 : i32
        %sign3A_357 = arith.cmpi sgt, %jit3A_347, %sign3A_356 : i32
        %sign3A_358 = arith.extui %sign3A_357 : i1 to i32
        %sign3A_359 = arith.constant 0 : i32
        %sign3A_360 = arith.cmpi slt, %jit3A_347, %sign3A_359 : i32
        %sign3A_361 = arith.extui %sign3A_360 : i1 to i32
        %sign3A_362 = arith.subi %sign3A_358, %sign3A_361 : i32
        %ne3A_363 = arith.cmpi ne, %sign3A_355, %sign3A_362 : i32
        %rem3A_364 = arith.remsi %add3A_346, %jit3A_347 : i32
        %ne3A_365 = arith.constant 0 : i32
        %ne3A_366 = arith.cmpi ne, %rem3A_364, %ne3A_365 : i32
        %and3A_367 = arith.andi %ne3A_363, %ne3A_366 : i1
        %sub3A_368 = arith.constant 1 : i32
        %sub3A_369 = arith.subi %div3A_348, %sub3A_368 : i32
        %select_n3A_370 = arith.select %and3A_367, %sub3A_369, %div3A_348 : i32
        %jit3A_371 = arith.constant 4 : i32
        %eq3A_372 = arith.constant 0 : i32
        %eq3A_373 = arith.cmpi eq, %jit3A_371, %eq3A_372 : i32
        %jit3A_374 = arith.constant 1 : i32
        %select_n3A_375 = arith.select %eq3A_373, %jit3A_374, %jit3A_371 : i32
        %rem3A_376 = arith.remsi %add3A_346, %select_n3A_375 : i32
        %ne3A_377 = arith.constant 0 : i32
        %ne3A_378 = arith.cmpi ne, %rem3A_376, %ne3A_377 : i32
        %lt3A_379 = arith.constant 0 : i32
        %lt3A_380 = arith.cmpi slt, %rem3A_376, %lt3A_379 : i32
        %lt3A_381 = arith.constant 0 : i32
        %lt3A_382 = arith.cmpi slt, %select_n3A_375, %lt3A_381 : i32
        %ne3A_383 = arith.xori %lt3A_380, %lt3A_382 : i1
        %and3A_384 = arith.andi %ne3A_383, %ne3A_378 : i1
        %add3A_385 = arith.addi %rem3A_376, %select_n3A_375 : i32
        %select_n3A_386 = arith.select %and3A_384, %add3A_385, %rem3A_376 : i32
        %mul3A_387 = arith.constant 16 : i32
        %mul3A_388 = arith.muli %arg0, %mul3A_387 : i32
        %add3A_389 = arith.addi %mul3A_388, %select_n3A_370 : i32
        %mul3A_390 = arith.constant 102400 : i32
        %mul3A_391 = arith.muli %add3A_389, %mul3A_390 : i32
        %add3A_392 = arith.addi %mul3A_391, %mul3A_73 : i32
        %mul3A_393 = arith.constant 1600 : i32
        %mul3A_394 = arith.muli %select_n3A_386, %mul3A_393 : i32
        %add3A_395 = arith.addi %add3A_392, %mul3A_394 : i32
        %dma_start3A_396 = arith.constant 0 : i32
        %dma_start3A_397 = tpu.memref_slice %arg13[%dma_start3A_396] : memref<4096xf32, #tpu.memory_space<vmem>> -> memref<1600xf32, #tpu.memory_space<vmem>>
        %dma_start3A_398 = tpu.memref_slice %arg18[%add3A_395] : memref<3276800xf32, #tpu.memory_space<hbm>> -> memref<1600xf32, #tpu.memory_space<hbm>>
        %dma_start3A_399 = arith.constant 0 : i32
        %dma_start3A_400 = tpu.memref_slice %arg13[%dma_start3A_399] : memref<4096xf32, #tpu.memory_space<vmem>> -> memref<1600xf32, #tpu.memory_space<vmem>>
        %dma_start3A_401 = tpu.memref_slice %arg18[%add3A_395] : memref<3276800xf32, #tpu.memory_space<hbm>> -> memref<1600xf32, #tpu.memory_space<hbm>>
        tpu.enqueue_dma source(%dma_start3A_401 : memref<1600xf32, #tpu.memory_space<hbm>>) target(%dma_start3A_400 : memref<1600xf32, #tpu.memory_space<vmem>>) target_semaphore(%arg19 : memref<!tpu.dma_semaphore, #tpu.memory_space<semaphore_mem>>)
      } else {
      }
      %jit3A_233 = arith.constant 4 : i32
      %div3A_234 = arith.divsi %add3A_225, %jit3A_233 : i32
      %sign3A_235 = arith.constant 0 : i32
      %sign3A_236 = arith.cmpi sgt, %add3A_225, %sign3A_235 : i32
      %sign3A_237 = arith.extui %sign3A_236 : i1 to i32
      %sign3A_238 = arith.constant 0 : i32
      %sign3A_239 = arith.cmpi slt, %add3A_225, %sign3A_238 : i32
      %sign3A_240 = arith.extui %sign3A_239 : i1 to i32
      %sign3A_241 = arith.subi %sign3A_237, %sign3A_240 : i32
      %sign3A_242 = arith.constant 0 : i32
      %sign3A_243 = arith.cmpi sgt, %jit3A_233, %sign3A_242 : i32
      %sign3A_244 = arith.extui %sign3A_243 : i1 to i32
      %sign3A_245 = arith.constant 0 : i32
      %sign3A_246 = arith.cmpi slt, %jit3A_233, %sign3A_245 : i32
      %sign3A_247 = arith.extui %sign3A_246 : i1 to i32
      %sign3A_248 = arith.subi %sign3A_244, %sign3A_247 : i32
      %ne3A_249 = arith.cmpi ne, %sign3A_241, %sign3A_248 : i32
      %rem3A_250 = arith.remsi %add3A_225, %jit3A_233 : i32
      %ne3A_251 = arith.constant 0 : i32
      %ne3A_252 = arith.cmpi ne, %rem3A_250, %ne3A_251 : i32
      %and3A_253 = arith.andi %ne3A_249, %ne3A_252 : i1
      %sub3A_254 = arith.constant 1 : i32
      %sub3A_255 = arith.subi %div3A_234, %sub3A_254 : i32
      %select_n3A_256 = arith.select %and3A_253, %sub3A_255, %div3A_234 : i32
      %jit3A_257 = arith.constant 4 : i32
      %eq3A_258 = arith.constant 0 : i32
      %eq3A_259 = arith.cmpi eq, %jit3A_257, %eq3A_258 : i32
      %jit3A_260 = arith.constant 1 : i32
      %select_n3A_261 = arith.select %eq3A_259, %jit3A_260, %jit3A_257 : i32
      %rem3A_262 = arith.remsi %add3A_225, %select_n3A_261 : i32
      %ne3A_263 = arith.constant 0 : i32
      %ne3A_264 = arith.cmpi ne, %rem3A_262, %ne3A_263 : i32
      %lt3A_265 = arith.constant 0 : i32
      %lt3A_266 = arith.cmpi slt, %rem3A_262, %lt3A_265 : i32
      %lt3A_267 = arith.constant 0 : i32
      %lt3A_268 = arith.cmpi slt, %select_n3A_261, %lt3A_267 : i32
      %ne3A_269 = arith.xori %lt3A_266, %lt3A_268 : i1
      %and3A_270 = arith.andi %ne3A_269, %ne3A_264 : i1
      %add3A_271 = arith.addi %rem3A_262, %select_n3A_261 : i32
      %select_n3A_272 = arith.select %and3A_270, %add3A_271, %rem3A_262 : i32
      %mul3A_273 = arith.constant 16 : i32
      %mul3A_274 = arith.muli %arg0, %mul3A_273 : i32
      %add3A_275 = arith.addi %mul3A_274, %select_n3A_256 : i32
      %mul3A_276 = arith.constant 102400 : i32
      %mul3A_277 = arith.muli %add3A_275, %mul3A_276 : i32
      %add3A_278 = arith.addi %mul3A_277, %mul3A_73 : i32
      %mul3A_279 = arith.constant 1600 : i32
      %mul3A_280 = arith.muli %select_n3A_272, %mul3A_279 : i32
      %add3A_281 = arith.addi %add3A_278, %mul3A_280 : i32
      %dma_wait3A_282 = arith.constant 1600 : i32
      %dma_wait3A_283 = tpu.memref_slice %arg13[%dma_wait3A_282] : memref<4096xf32, #tpu.memory_space<vmem>> -> memref<1600xf32, #tpu.memory_space<vmem>>
      %dma_wait3A_284 = tpu.memref_slice %arg18[%add3A_281] : memref<3276800xf32, #tpu.memory_space<hbm>> -> memref<1600xf32, #tpu.memory_space<hbm>>
      %dma_wait3A_285 = arith.constant 1600 : i32
      %dma_wait3A_286 = tpu.memref_slice %arg13[%dma_wait3A_285] : memref<4096xf32, #tpu.memory_space<vmem>> -> memref<1600xf32, #tpu.memory_space<vmem>>
      %dma_wait3A_287 = tpu.memref_slice %arg18[%add3A_281] : memref<3276800xf32, #tpu.memory_space<hbm>> -> memref<1600xf32, #tpu.memory_space<hbm>>
      tpu.wait_dma2 semaphore(%arg20 : memref<!tpu.dma_semaphore, #tpu.memory_space<semaphore_mem>>) src(%dma_wait3A_287 : memref<1600xf32, #tpu.memory_space<hbm>>) dst(%dma_wait3A_286 : memref<1600xf32, #tpu.memory_space<vmem>>)
      %jit3A_288 = arith.constant 4 : i32
      %div3A_289 = arith.divsi %add3A_225, %jit3A_288 : i32
      %sign3A_290 = arith.constant 0 : i32
      %sign3A_291 = arith.cmpi sgt, %add3A_225, %sign3A_290 : i32
      %sign3A_292 = arith.extui %sign3A_291 : i1 to i32
      %sign3A_293 = arith.constant 0 : i32
      %sign3A_294 = arith.cmpi slt, %add3A_225, %sign3A_293 : i32
      %sign3A_295 = arith.extui %sign3A_294 : i1 to i32
      %sign3A_296 = arith.subi %sign3A_292, %sign3A_295 : i32
      %sign3A_297 = arith.constant 0 : i32
      %sign3A_298 = arith.cmpi sgt, %jit3A_288, %sign3A_297 : i32
      %sign3A_299 = arith.extui %sign3A_298 : i1 to i32
      %sign3A_300 = arith.constant 0 : i32
      %sign3A_301 = arith.cmpi slt, %jit3A_288, %sign3A_300 : i32
      %sign3A_302 = arith.extui %sign3A_301 : i1 to i32
      %sign3A_303 = arith.subi %sign3A_299, %sign3A_302 : i32
      %ne3A_304 = arith.cmpi ne, %sign3A_296, %sign3A_303 : i32
      %rem3A_305 = arith.remsi %add3A_225, %jit3A_288 : i32
      %ne3A_306 = arith.constant 0 : i32
      %ne3A_307 = arith.cmpi ne, %rem3A_305, %ne3A_306 : i32
      %and3A_308 = arith.andi %ne3A_304, %ne3A_307 : i1
      %sub3A_309 = arith.constant 1 : i32
      %sub3A_310 = arith.subi %div3A_289, %sub3A_309 : i32
      %select_n3A_311 = arith.select %and3A_308, %sub3A_310, %div3A_289 : i32
      %jit3A_312 = arith.constant 4 : i32
      %eq3A_313 = arith.constant 0 : i32
      %eq3A_314 = arith.cmpi eq, %jit3A_312, %eq3A_313 : i32
      %jit3A_315 = arith.constant 1 : i32
      %select_n3A_316 = arith.select %eq3A_314, %jit3A_315, %jit3A_312 : i32
      %rem3A_317 = arith.remsi %add3A_225, %select_n3A_316 : i32
      %ne3A_318 = arith.constant 0 : i32
      %ne3A_319 = arith.cmpi ne, %rem3A_317, %ne3A_318 : i32
      %lt3A_320 = arith.constant 0 : i32
      %lt3A_321 = arith.cmpi slt, %rem3A_317, %lt3A_320 : i32
      %lt3A_322 = arith.constant 0 : i32
      %lt3A_323 = arith.cmpi slt, %select_n3A_316, %lt3A_322 : i32
      %ne3A_324 = arith.xori %lt3A_321, %lt3A_323 : i1
      %and3A_325 = arith.andi %ne3A_324, %ne3A_319 : i1
      %add3A_326 = arith.addi %rem3A_317, %select_n3A_316 : i32
      %select_n3A_327 = arith.select %and3A_325, %add3A_326, %rem3A_317 : i32
      %mul3A_328 = arith.constant 16 : i32
      %mul3A_329 = arith.muli %arg0, %mul3A_328 : i32
      %add3A_330 = arith.addi %mul3A_329, %select_n3A_311 : i32
      %mul3A_331 = arith.constant 102400 : i32
      %mul3A_332 = arith.muli %add3A_330, %mul3A_331 : i32
      %add3A_333 = arith.addi %mul3A_332, %mul3A_73 : i32
      %mul3A_334 = arith.constant 1600 : i32
      %mul3A_335 = arith.muli %select_n3A_327, %mul3A_334 : i32
      %add3A_336 = arith.addi %add3A_333, %mul3A_335 : i32
      %mul3A_337 = arith.constant 1600 : i32
      %mul3A_338 = arith.muli %select_n3A_327, %mul3A_337 : i32
      %add3A_339 = arith.addi %mul3A_73, %mul3A_338 : i32
      %scan3A_340 = arith.constant 0 : i32
      %scan3A_341 = arith.constant 100 : i32
      %scan3A_342 = arith.addi %scan3A_340, %scan3A_341 : i32
      %scan3A_343 = arith.constant 4 : i32
      scf.for %scan3A_345 = %scan3A_340 to %scan3A_342 step %scan3A_343  : i32 {
        %mul3A_346 = arith.constant 1 : i32
        %mul3A_347 = arith.muli %scan3A_345, %mul3A_346 : i32
        %add3A_348 = arith.constant 0 : i32
        %add3A_349 = arith.addi %add3A_348, %mul3A_347 : i32
        %mul3A_350 = arith.constant 16 : i32
        %mul3A_351 = arith.muli %add3A_349, %mul3A_350 : i32
        %add3A_352 = arith.addi %add3A_339, %mul3A_351 : i32
        %get3A = arith.index_cast %add3A_352 : i32 to index
        %get3A_353 = tpu.vector_load %arg9[%get3A] {strides = array<i32>} : memref<102400xf32, #tpu.memory_space<vmem>>, vector<16xf32>,
        %mul3A_354 = arith.constant 16 : i32
        %mul3A_355 = arith.muli %add3A_349, %mul3A_354 : i32
        %add3A_356 = arith.constant 1600 : i32
        %add3A_357 = arith.addi %add3A_356, %mul3A_355 : i32
        %get3A_358 = arith.index_cast %add3A_357 : i32 to index
        %get3A_359 = tpu.vector_load %arg13[%get3A_358] {strides = array<i32>} : memref<4096xf32, #tpu.memory_space<vmem>>, vector<16xf32>,
        %add3A_360 = arith.addf %get3A_353, %get3A_359 : vector<16xf32>
        %swap3A = arith.index_cast %add3A_352 : i32 to index
        %swap3A_361 = tpu.vector_load %arg9[%swap3A] {strides = array<i32>} : memref<102400xf32, #tpu.memory_space<vmem>>, vector<16xf32>,
        tpu.vector_store %arg9[%swap3A], %add3A_360 {strides = array<i32>} : memref<102400xf32, #tpu.memory_space<vmem>>, vector<16xf32>,
        %scan3A_362 = arith.constant 1 : i32
        %scan3A_363 = arith.addi %scan3A_345, %scan3A_362 : i32
        %mul3A_364 = arith.constant 1 : i32
        %mul3A_365 = arith.muli %scan3A_363, %mul3A_364 : i32
        %add3A_366 = arith.constant 0 : i32
        %add3A_367 = arith.addi %add3A_366, %mul3A_365 : i32
        %mul3A_368 = arith.constant 16 : i32
        %mul3A_369 = arith.muli %add3A_367, %mul3A_368 : i32
        %add3A_370 = arith.addi %add3A_339, %mul3A_369 : i32
        %get3A_371 = arith.index_cast %add3A_370 : i32 to index
        %get3A_372 = tpu.vector_load %arg9[%get3A_371] {strides = array<i32>} : memref<102400xf32, #tpu.memory_space<vmem>>, vector<16xf32>,
        %mul3A_373 = arith.constant 16 : i32
        %mul3A_374 = arith.muli %add3A_367, %mul3A_373 : i32
        %add3A_375 = arith.constant 1600 : i32
        %add3A_376 = arith.addi %add3A_375, %mul3A_374 : i32
        %get3A_377 = arith.index_cast %add3A_376 : i32 to index
        %get3A_378 = tpu.vector_load %arg13[%get3A_377] {strides = array<i32>} : memref<4096xf32, #tpu.memory_space<vmem>>, vector<16xf32>,
        %add3A_379 = arith.addf %get3A_372, %get3A_378 : vector<16xf32>
        %swap3A_380 = arith.index_cast %add3A_370 : i32 to index
        %swap3A_381 = tpu.vector_load %arg9[%swap3A_380] {strides = array<i32>} : memref<102400xf32, #tpu.memory_space<vmem>>, vector<16xf32>,
        tpu.vector_store %arg9[%swap3A_380], %add3A_379 {strides = array<i32>} : memref<102400xf32, #tpu.memory_space<vmem>>, vector<16xf32>,
        %scan3A_382 = arith.constant 2 : i32
        %scan3A_383 = arith.addi %scan3A_345, %scan3A_382 : i32
        %mul3A_384 = arith.constant 1 : i32
        %mul3A_385 = arith.muli %scan3A_383, %mul3A_384 : i32
        %add3A_386 = arith.constant 0 : i32
        %add3A_387 = arith.addi %add3A_386, %mul3A_385 : i32
        %mul3A_388 = arith.constant 16 : i32
        %mul3A_389 = arith.muli %add3A_387, %mul3A_388 : i32
        %add3A_390 = arith.addi %add3A_339, %mul3A_389 : i32
        %get3A_391 = arith.index_cast %add3A_390 : i32 to index
        %get3A_392 = tpu.vector_load %arg9[%get3A_391] {strides = array<i32>} : memref<102400xf32, #tpu.memory_space<vmem>>, vector<16xf32>,
        %mul3A_393 = arith.constant 16 : i32
        %mul3A_394 = arith.muli %add3A_387, %mul3A_393 : i32
        %add3A_395 = arith.constant 1600 : i32
        %add3A_396 = arith.addi %add3A_395, %mul3A_394 : i32
        %get3A_397 = arith.index_cast %add3A_396 : i32 to index
        %get3A_398 = tpu.vector_load %arg13[%get3A_397] {strides = array<i32>} : memref<4096xf32, #tpu.memory_space<vmem>>, vector<16xf32>,
        %add3A_399 = arith.addf %get3A_392, %get3A_398 : vector<16xf32>
        %swap3A_400 = arith.index_cast %add3A_390 : i32 to index
        %swap3A_401 = tpu.vector_load %arg9[%swap3A_400] {strides = array<i32>} : memref<102400xf32, #tpu.memory_space<vmem>>, vector<16xf32>,
        tpu.vector_store %arg9[%swap3A_400], %add3A_399 {strides = array<i32>} : memref<102400xf32, #tpu.memory_space<vmem>>, vector<16xf32>,
        %scan3A_402 = arith.constant 3 : i32
        %scan3A_403 = arith.addi %scan3A_345, %scan3A_402 : i32
        %mul3A_404 = arith.constant 1 : i32
        %mul3A_405 = arith.muli %scan3A_403, %mul3A_404 : i32
        %add3A_406 = arith.constant 0 : i32
        %add3A_407 = arith.addi %add3A_406, %mul3A_405 : i32
        %mul3A_408 = arith.constant 16 : i32
        %mul3A_409 = arith.muli %add3A_407, %mul3A_408 : i32
        %add3A_410 = arith.addi %add3A_339, %mul3A_409 : i32
        %get3A_411 = arith.index_cast %add3A_410 : i32 to index
        %get3A_412 = tpu.vector_load %arg9[%get3A_411] {strides = array<i32>} : memref<102400xf32, #tpu.memory_space<vmem>>, vector<16xf32>,
        %mul3A_413 = arith.constant 16 : i32
        %mul3A_414 = arith.muli %add3A_407, %mul3A_413 : i32
        %add3A_415 = arith.constant 1600 : i32
        %add3A_416 = arith.addi %add3A_415, %mul3A_414 : i32
        %get3A_417 = arith.index_cast %add3A_416 : i32 to index
        %get3A_418 = tpu.vector_load %arg13[%get3A_417] {strides = array<i32>} : memref<4096xf32, #tpu.memory_space<vmem>>, vector<16xf32>,
        %add3A_419 = arith.addf %get3A_412, %get3A_418 : vector<16xf32>
        %swap3A_420 = arith.index_cast %add3A_410 : i32 to index
        %swap3A_421 = tpu.vector_load %arg9[%swap3A_420] {strides = array<i32>} : memref<102400xf32, #tpu.memory_space<vmem>>, vector<16xf32>,
        tpu.vector_store %arg9[%swap3A_420], %add3A_419 {strides = array<i32>} : memref<102400xf32, #tpu.memory_space<vmem>>, vector<16xf32>,
      }
      %scan3A_344 = arith.constant 100 : i32
    }
    %scan3A_104 = arith.constant 32 : i32
    %mul3A_105 = arith.constant 102400 : i32
    %mul3A_106 = arith.muli %arg0, %mul3A_105 : i32
    %add3A_107 = arith.addi %mul3A_106, %mul3A_73 : i32
    "tpu.region"() ({
      %run_scoped3A = tpu.sem_alloc : memref<!tpu.dma_semaphore, #tpu.memory_space<semaphore_mem>>
      %dma_start3A_108 = tpu.memref_slice %arg9[%mul3A_73] : memref<102400xf32, #tpu.memory_space<vmem>> -> memref<6400xf32, #tpu.memory_space<vmem>>
      %dma_start3A_109 = tpu.memref_slice %arg8[%add3A_107] : memref<204800xf32, #tpu.memory_space<hbm>> -> memref<6400xf32, #tpu.memory_space<hbm>>
      %dma_start3A_110 = tpu.memref_slice %arg8[%add3A_107] : memref<204800xf32, #tpu.memory_space<hbm>> -> memref<6400xf32, #tpu.memory_space<hbm>>
      %dma_start3A_111 = tpu.memref_slice %arg9[%mul3A_73] : memref<102400xf32, #tpu.memory_space<vmem>> -> memref<6400xf32, #tpu.memory_space<vmem>>
      tpu.enqueue_dma source(%dma_start3A_111 : memref<6400xf32, #tpu.memory_space<vmem>>) target(%dma_start3A_110 : memref<6400xf32, #tpu.memory_space<hbm>>) target_semaphore(%run_scoped3A : memref<!tpu.dma_semaphore, #tpu.memory_space<semaphore_mem>>)
      %dma_wait3A = tpu.memref_slice %arg9[%mul3A_73] : memref<102400xf32, #tpu.memory_space<vmem>> -> memref<6400xf32, #tpu.memory_space<vmem>>
      %dma_wait3A_112 = tpu.memref_slice %arg8[%add3A_107] : memref<204800xf32, #tpu.memory_space<hbm>> -> memref<6400xf32, #tpu.memory_space<hbm>>
      %dma_wait3A_113 = tpu.memref_slice %arg8[%add3A_107] : memref<204800xf32, #tpu.memory_space<hbm>> -> memref<6400xf32, #tpu.memory_space<hbm>>
      %dma_wait3A_114 = tpu.memref_slice %arg9[%mul3A_73] : memref<102400xf32, #tpu.memory_space<vmem>> -> memref<6400xf32, #tpu.memory_space<vmem>>
      tpu.wait_dma2 semaphore(%run_scoped3A : memref<!tpu.dma_semaphore, #tpu.memory_space<semaphore_mem>>) src(%dma_wait3A_114 : memref<6400xf32, #tpu.memory_space<vmem>>) dst(%dma_wait3A_113 : memref<6400xf32, #tpu.memory_space<hbm>>)
      tpu.yield
    }) : () -> ()
    return
  }
}

module attributes {stable_mosaic.version = 14 : i64} {
  func.func @add_body(%arg0: i32, %arg1: memref<2x80x128xf32, #tpu.memory_space<vmem>>, %arg2: memref<80x128xf32, #tpu.memory_space<vmem>>) attributes {dimension_semantics = [#tpu.dimension_semantics<arbitrary>], iteration_bounds = array<i64: 10>, scalar_prefetch = 0 : i64, scratch_operands = 0 : i64, tpu.core_type = #tpu.core_type<tc>, window_params = [{transform_indices = @transform_0, window_bounds = array<i64: 2, 80, 128>}, {transform_indices = @transform_1, window_bounds = array<i64: 80, 128>}]} {
    %get3A = arith.constant 0 : index
    %get3A_0 = arith.constant 0 : index
    %get3A_1 = arith.constant 0 : index
    %get3A_2 = vector.load %arg1[%get3A, %get3A_0, %get3A_1] : memref<2x80x128xf32, #tpu.memory_space<vmem>>, vector<1x80x128xf32>
    %get3A_3 = vector.shape_cast %get3A_2 : vector<1x80x128xf32> to vector<80x128xf32>
    %get3A_4 = arith.constant 1 : index
    %get3A_5 = arith.constant 0 : index
    %get3A_6 = arith.constant 0 : index
    %get3A_7 = vector.load %arg1[%get3A_4, %get3A_5, %get3A_6] : memref<2x80x128xf32, #tpu.memory_space<vmem>>, vector<1x80x128xf32>
    %get3A_8 = vector.shape_cast %get3A_7 : vector<1x80x128xf32> to vector<80x128xf32>
    %add3A = arith.addf %get3A_3, %get3A_8 : vector<80x128xf32>
    %swap3A = arith.constant 0 : index
    %swap3A_9 = arith.constant 0 : index
    %swap3A_10 = vector.load %arg2[%swap3A, %swap3A_9] : memref<80x128xf32, #tpu.memory_space<vmem>>, vector<80x128xf32>
    tpu.vector_store %arg2[%swap3A, %swap3A_9], %add3A {strides = array<i32>} : memref<80x128xf32, #tpu.memory_space<vmem>>, vector<80x128xf32>,
    return
  }
  func.func @transform_0(%arg0: i32) -> (i32, i32, i32) {
    %c0_i32 = arith.constant 0 : i32
    %c0_i32_0 = arith.constant 0 : i32
    %c0_i32_1 = arith.constant 0 : i32
    return %c0_i32, %arg0, %c0_i32_0 : i32, i32, i32
  }
  func.func @transform_1(%arg0: i32) -> (i32, i32) {
    %c0_i32 = arith.constant 0 : i32
    %c0_i32_0 = arith.constant 0 : i32
    return %arg0, %c0_i32 : i32, i32
  }
}

</mosaic_0001>

<sc_bundles>
// kernel: _zbl_sc.4.cloned.1.call-start
scs
__scs_entry_jumppad:
0x0: {  	(pc) =	sbr.rel $0x88, $3  }
0x1: {  	(tag) =	ssettag $0x0;
	lr =	simm.s32 $0x1  }
0x2: {  	[smem:$0x3F9B] =	sst lr;
	_ =	strace $0xD0000000  }
0x3: {  	_ = 	snop  }
0x4: {  	_ = 	snop  }
0x5: {  	_ = 	snop  }
0x6: {  	_ = 	snop  }
0x7: {  	_ = 	snop  }
__scs_overlays_trampoline_lowered:
0x8: {  	[smem:$0x3FAA] =	sst s0  }
0x9: {  	[smem:$0x3FAB] =	sst s1  }
0xa: {  	[smem:$0x3FAC] =	sst s2  }
0xb: {  	[smem:$0x3FAD] =	sst s3  }
0xc: {  	[smem:$0x3FAE] =	sst s4  }
0xd: {  	[smem:$0x3FAF] =	sst s5  }
0xe: {  	[smem:$0x3FB0] =	sst s6  }
0xf: {  	[smem:$0x3FB1] =	sst s7  }
0x10: {  	[smem:$0x3FB2] =	sst s8  }
0x11: {  	[smem:$0x3FB3] =	sst s9;
	s0 =	simm.s32 @!p0 $0x0  }
0x12: {  	s1 =	sld [smem:$0x3F99];
	s0 =	simm.s32 @p0 $0x1  }
0x13: {  	[smem:$0x3FB4] =	sst s0;
	s0 =	simm.s32 @!p1 $0x0  }
0x14: {  	s2 =	sld [smem:$0x3F98];
	s0 =	simm.s32 @p1 $0x1  }
0x15: {  	[smem:$0x3FB5] =	sst s0;
	s0 =	simm.s32 @!p2 $0x0  }
0x16: {  	s3 =	sld [smem:$0x3FDB];
	s0 =	simm.s32 @p2 $0x1  }
0x17: {  	s4 =	simm.s32 $0x1BF5;
	[smem:$0x3FB7] =	sst s0  }
0x18: {  	s0 =	sld [smem:$0x3F9A];
	_ =	swait.ge [sflag:s4], $0x0  }
0x19: {  	s7 =	sld [smem:$0x3F9B]  }
0x1a: {  	s8 =	sadd.s32 $0xFFFFE003, lr  }
0x1b: {  	s9 =	sadd.s32 $0xFFFFFEF7, lr;
	s5 =	simm.s32 $0xFFFFFFFF;
	p2 =	slt.u32 s8, $0xFFFFF086  }
0x1c: {  	p1 =	slt.u32 s9, $0xF7A;
	s5 =	simm.s32 @!p2 $0x0  }
0x1d: {  	s5 =	simm.s32 @p1 $0x1;
	p0 =	seq.s32 s7, s2  }
0x1e: {  	s7 =	smul.u32 @!p0 $0xF7A, s2;
	p2 =	seq.s32 @!p0 s5, $0x0  }
0x1f: {  	s9 =	smul.u32 $0xF7A, s1;
	s8 =	simm.s32 @!p0 $0x1BF5;
	p2 =	por !p2, p0  }
0x20: {  	[sflag:s8] =	ssyncset.s32 @!p0 $0xFFFFF086;
	s6 =	sadd.s32 @!p0 s3, s7;
	s7 =	simm.s32 @!p0 $0x108  }
0x21: {  	s3 =	sadd.s32 s3, s9;
	s6 =	sadd.s32 @!p0 $0x88, s6;
	s7 =	simm.s32 @p2 $0x1082  }
0x22: {  	[simem:s7], [sflag:s8] =	dma.local @!p0 [hbm:s6], $0xF7A  }
0x23: {  	s9 =	sor.u32 $0xD0000000, s2;
	s6 =	simm.s32 $0x108;
	_ =	swait.ge @!p0 [sflag:s8], $0x0  }
0x24: {  	s3 =	sadd.s32 $0x88, s3;
	s6 =	simm.s32 @!p1 $0x1082;
	[sflag:s4] =	ssyncset.s32 $0xFFFFF086  }
0x25: {  	[simem:s6], [sflag:s4] =	dma.local [hbm:s3], $0xF7A  }
0x26: {  	[smem:$0x3F9B] =	sst s1;
	(tag) =	ssettag s2;
	_ =	strace s9  }
0x27: {  	s1 =	sld [smem:$0x3FAB]  }
0x28: {  	s2 =	sld [smem:$0x3FAC]  }
0x29: {  	s4 =	sld [smem:$0x3FAE]  }
0x2a: {  	p0 =	seq.s32 s5, $0x0;
	s5 =	sld [smem:$0x3FAF]  }
0x2b: {  	s6 =	sld [smem:$0x3FB0]  }
0x2c: {  	s7 =	sld [smem:$0x3FB1]  }
0x2d: {  	s3 =	simm.s32 $0x108;
	s8 =	sld [smem:$0x3FB2]  }
0x2e: {  	s3 =	simm.s32 @!p0 $0x1082;
	s9 =	sld [smem:$0x3FB3]  }
0x2f: {  	lr =	sadd.s32 s0, s3;
	s0 =	sld [smem:$0x3FAA]  }
0x30: {  	s3 =	sld [smem:$0x3FAD]  }
0x31: {  	[smem:$0x3FB6] =	sst s10  }
0x32: {  	s10 =	sld [smem:$0x3FB4];
	_ =	sdelay $0x3  }
0x33: {  	p0 =	seq.s32 s10, $0x1;
	s10 =	sld [smem:$0x3FB6];
	_ =	sdelay $0x3  }
0x34: {  	[smem:$0x3FB6] =	sst s10  }
0x35: {  	s10 =	sld [smem:$0x3FB5];
	_ =	sdelay $0x3  }
0x36: {  	p1 =	seq.s32 s10, $0x1;
	s10 =	sld [smem:$0x3FB6];
	_ =	sdelay $0x3  }
0x37: {  	[smem:$0x3FB6] =	sst s10  }
0x38: {  	s10 =	sld [smem:$0x3FB7]  }
0x39: {  	_ = 	snop;
	(pc) =	sbr.ind lr, $3  }
0x3a: {  	_ = 	snop  }
0x3b: {  	_ = 	snop  }
0x3c: {  	p2 =	seq.s32 s10, $0x1;
	s10 =	sld [smem:$0x3FB6]  }
0x3d: {  	_ =	shalt  }
0x3e: {  	_ =	shalt  }
0x3f: {  	_ =	shalt  }
0x40: {  	_ =	shalt  }
0x41: {  	_ =	shalt  }
0x42: {  	_ =	shalt  }
0x43: {  	_ =	shalt  }
0x44: {  	_ =	shalt  }
0x45: {  	_ =	shalt  }
0x46: {  	_ =	shalt  }
0x47: {  	_ =	shalt  }
0x48: {  	_ =	shalt  }
0x49: {  	_ =	shalt  }
0x4a: {  	_ =	shalt  }
0x4b: {  	_ =	shalt  }
0x4c: {  	_ =	shalt  }
0x4d: {  	_ =	shalt  }
0x4e: {  	_ =	shalt  }
0x4f: {  	_ =	shalt  }
0x50: {  	_ =	shalt  }
0x51: {  	_ =	shalt  }
0x52: {  	_ =	shalt  }
0x53: {  	_ =	shalt  }
0x54: {  	_ =	shalt  }
0x55: {  	_ =	shalt  }
0x56: {  	_ =	shalt  }
0x57: {  	_ =	shalt  }
0x58: {  	_ =	shalt  }
0x59: {  	_ =	shalt  }
0x5a: {  	_ =	shalt  }
0x5b: {  	_ =	shalt  }
0x5c: {  	_ =	shalt  }
0x5d: {  	_ =	shalt  }
0x5e: {  	_ =	shalt  }
0x5f: {  	_ =	shalt  }
0x60: {  	_ =	shalt  }
0x61: {  	_ =	shalt  }
0x62: {  	_ =	shalt  }
0x63: {  	_ =	shalt  }
0x64: {  	_ =	shalt  }
0x65: {  	_ =	shalt  }
0x66: {  	_ =	shalt  }
0x67: {  	_ =	shalt  }
0x68: {  	_ =	shalt  }
0x69: {  	_ =	shalt  }
0x6a: {  	_ =	shalt  }
0x6b: {  	_ =	shalt  }
0x6c: {  	_ =	shalt  }
0x6d: {  	_ =	shalt  }
0x6e: {  	_ =	shalt  }
0x6f: {  	_ =	shalt  }
0x70: {  	_ =	shalt  }
0x71: {  	_ =	shalt  }
0x72: {  	_ =	shalt  }
0x73: {  	_ =	shalt  }
0x74: {  	_ =	shalt  }
0x75: {  	_ =	shalt  }
0x76: {  	_ =	shalt  }
0x77: {  	_ =	shalt  }
0x78: {  	_ =	shalt  }
0x79: {  	_ =	shalt  }
0x7a: {  	_ =	shalt  }
0x7b: {  	_ =	shalt  }
0x7c: {  	_ =	shalt  }
0x7d: {  	_ =	shalt  }
0x7e: {  	_ =	shalt  }
0x7f: {  	_ =	shalt  }
0x80: {  	_ =	shalt  }
0x81: {  	_ =	shalt  }
0x82: {  	_ =	shalt  }
0x83: {  	_ =	shalt  }
0x84: {  	_ =	shalt  }
0x85: {  	_ =	shalt  }
0x86: {  	_ =	shalt  }
0x87: {  	_ =	shalt  }
.Lfunc_end0:
.L_simem_size_0:
called_computation_lowered:
.L_overlay_start_0:
0x88: {  	s2 =	sld [smem:$0x3FD9]  }
0x89: {  	s3 =	sld [smem:$0x3FFE];
	_ =	sdelay $0x1  }
0x8a: {  	s1 =	srdreg.scid  }
0x8b: {  	s0 =	sand.u32 $0x1, s1  }
0x8c: {  	s17 =	sshll.u32 s0, $0xA;
	s2 =	sadd.s32 s3, s2  }
0x8d: {  	s3 =	sadd.s32 s2, s17  }
0x8e: {  	[smem:$0x3FC2] =	sst s3  }
0x8f: {  	_ = 	snop  }
0x90: {  	s3 =	sld [smem:$0x3FC9]  }
0x91: {  	s4 =	sld [smem:$0x3FC8]  }
0x92: {  	s5 =	sld [smem:$0x3FC6]  }
0x93: {  	s6 =	sld [smem:$0x3FC5]  }
0x94: {  	s7 =	sld [smem:$0x3FC4];
	(tm) =	ssettm $0x1  }
0x95: {  	s8 =	sld [smem:$0x3FFB];
	_ =	sdelay $0x3  }
0x96: {  	_ =	strace s8  }
0x97: {  	s8 =	sld [smem:$0x3FFC];
	_ =	sdelay $0x3  }
0x98: {  	_ =	strace s8  }
0x99: {  	s8 =	sld [smem:$0x3FFD];
	_ =	sdelay $0x3  }
0x9a: {  	_ =	strace s8  }
0x9b: {  	_ =	strace $0x8FFFFFFF  }
0x9c: {  	s18 =	sld [smem:$0x3FDB];
	_ =	sdelay $0x1  }
0x9d: {  	s9 =	simm.s32 $_scs_section_size  }
0x9e: {  	s10 =	simm.s32 $_size__tile_overlayer_lowered;
	s11 =	simm.s32 $_tile_overlayer_lowered  }
0x9f: {  	s21 =	simm.s32 $0x1BFF;
	s20 =	sshll.u32 s11, $0x1;
	s8 =	sadd.s32 s9, s18  }
0xa0: {  	s12 =	simm.s32 $0x0;
	s19 =	sshll.u32 s10, $0x1;
	s10 =	sadd.s32 s20, s8  }
0xa1: {  	[timem:s12], [sflag:s21] =	dma.local [hbm:s10], s19  }
0xa2: {  	_ =	swait.ge [sflag:s21], s19  }
0xa3: {  	s9 =	ssub.s32 $0x0, s19;
	[sflag:s21] =	ssyncset.done $0x0  }
0xa4: {  	[sflag:s21] =	ssyncadd.s32 s9;
	_ =	sdelay $0x1  }
0xa5: {  	s22 =	simm.s32 $0x1B8B  }
0xa6: {  	_ =	swait.ge [sflag:s22], $0x1  }
0xa7: {  	[sflag:s22] =	ssyncset.done $0x0  }
0xa8: {  	s24 =	simm.s32 $0x1B8E;
	s23 =	sld [smem:$0x3FFE];
	[sflag:s22] =	ssyncadd.s32 $0xFFFFFFFF  }
0xa9: {  	s25 =	simm.s32 $execute0_lowered;
	[smem:$0x3FD2] =	sst s24  }
0xaa: {  	s10 =	sshll.u32 s25, $0x1;
	_ =	strace $0x80000046;
	[dreg:$0x1] =	wrdreg $0xFFFFFFFF  }
0xab: {  	s26 =	simm.s32 $_size_execute0_lowered;
	s8 =	sadd.s32 s8, s10;
	[dreg:$0x0] =	wrdreg $0x0  }
0xac: {  	s10 =	sshll.u32 s26, $0x1;
	[dreg:$0x2] =	wrdreg s8  }
0xad: {  	[dreg:$0x3] =	wrdreg s10  }
0xae: {  	[dreg:$0x4] =	wrdreg $0xC0  }
0xaf: {  	_ =	task [dreg:s12], $0x5FFFF  }
0xb0: {  	[dreg:$0x1] =	wrdreg $0xFFFFFFFF  }
0xb1: {  	[dreg:$0x0] =	wrdreg $0x60  }
0xb2: {  	[dreg:$0x2] =	wrdreg s3  }
0xb3: {  	[dreg:$0x3] =	wrdreg s4  }
0xb4: {  	[dreg:$0x4] =	wrdreg s23  }
0xb5: {  	[dreg:$0x5] =	wrdreg s5  }
0xb6: {  	[dreg:$0x6] =	wrdreg s6  }
0xb7: {  	s28 =	sadd.s32 $0x800, s2;
	[dreg:$0x7] =	wrdreg s7  }
0xb8: {  	s2 =	sadd.s32 $0x1480, s2;
	[dreg:$0x8] =	wrdreg s28  }
0xb9: {  	[dreg:$0x9] =	wrdreg s2  }
0xba: {  	[dreg:$0xa] =	wrdreg $0x9  }
0xbb: {  	_ =	task.clear_ibuf [dreg:s12], $0xBFFFF;
	_ =	strace $0x90000046  }
0xbc: {  	s29 =	simm.s32 $0x9;
	_ =	strace $0x80000048  }
0xbd: {  	_ =	swait.ge [sflag:s29], $0x1  }
0xbe: {  	[sflag:s29] =	ssyncadd.s32 $0xFFFFFFFF  }
0xbf: {  	_ =	strace $0x90000048  }
0xc0: {  	_ =	sfence  }
0xc1: {  	s30 =	sld [smem:$0x0];
	_ =	sdelay $0x2  }
0xc2: {  	s31 =	sshll.u32 s1, $0xD;
	s1 =	sshrl.u32 s1, $0x2  }
0xc3: {  	s3 =	sand.u32 $0x4000, s31;
	s1 =	sadd.s32 s1, s30  }
0xc4: {  	s0 =	sor.u32 s3, s0;
	s1 =	sshll.u32 s1, $0x11  }
0xc5: {  	s0 =	sor.u32 s1, s0  }
0xc6: {  	s0 =	sadd.s32 $0x8F2B, s0  }
0xc7: {  	[sflag:s0] =	ssyncadd.remote.s32 $0x1  }
0xc8: {  	_ =	sfence.sel $0xFFFF  }
0xc9: {  	[dreg:$0x0] =	wrdreg $0xFFFFFFFF;
	(pc) =	sbr.abs _section_cstart, $3  }
0xca: {  	[dreg:$0x1] =	wrdreg $0xFFFFFFFF  }
0xcb: {  	_ =	task.clear_ibuf [dreg:s12], $0x2FFFF;
	_ =	strace $0x9FFFFFFF  }
0xcc: {  	(tm) =	ssettm $0x7FFFFFFF  }
0xcd: {  	_ =	shalt  }
tec
execute0_lowered:
.L_overlay_start_1:
0x0: {  	(tag) =	ssettag $0x1  }
0x1: {  	s7 =	rddreg [dreg:$0x0]  }
0x2: {  	s17 =	rddreg [dreg:$0x1];
	s18 =	stileid.u32  }
0x3: {  	s0 =	rddreg [dreg:$0x2];
	s8 =	smul.u32 $0x1900, s18  }
0x4: {  	s1 =	rddreg [dreg:$0x6];
	s5 =	smul.u32 $0x640, s18  }
0x5: {  	s2 =	srdreg.scid;
	s13 =	smul.u32 $0x190, s18  }
0x6: {  	s19 =	rddreg [dreg:$0x7];
	s9 =	simm.s32 $0x0;
	s20 =	smul.u32 $0x6400, s18  }
0x7: {  	s2 =	sand.u32 $0x1, s2;
	[smem:$0x7FF] =	sst s9;
	s30 =	smul.u32 $0xC80, s18  }
0x8: {  	s10 =	sadd.s32 $0x187000, s0;
	s11 =	sshll.u32 s18, $0x1;
	s3 =	smul.u32 $0x19000, s2  }
0x9: {  	s12 =	sor.u32 $0x10, s18;
	_ =	strace $0x80000047;
	s6 =	smul.u32 $0x3200, s2  }
0xa: {  	s4 =	ssub.s32 $0x2, s2;
	s22 =	sor.u32 s2, s11;
	s14 =	smul.u32 $0x190, s12  }
0xb: {  	s23 =	smul.u32 $0xC80, s12;
	s21 =	sshrl.u32 s4, $0x1;
	s5 =	sshrl.u32 s5, $0x2  }
0xc: {  	s25 =	sadd.s32 $0x19000, s13;
	s15 =	smul.u32 $0x61, s22;
	p0 =	slt.u32 s22, $0x15  }
0xd: {  	s3 =	sadd.s32 s8, s3;
	[dreg:$0x9] =	wrdreg s23;
	s24 =	sadd.s32 s13, s6  }
0xe: {  	[dreg:$0xa] =	wrdreg s25;
	s26 =	sadd.s32 s6, s14;
	s28 =	sadd.s32 $0x19000, s14  }
0xf: {  	s14 =	simm.s32 $0x62;
	s6 =	sshrl.u32 s6, $0x3;
	s23 =	sshrl.u32 s20, $0x2  }
0x10: {  	s25 =	sadd.s32 $0x1A900, s5;
	s3 =	sshrl.u32 s3, $0x3;
	s12 =	sshrl.u32 s24, $0x3  }
0x11: {  	s13 =	sshrl.u32 s26, $0x3;
	[dreg:$0xb] =	wrdreg s28;
	s14 =	simm.s32 @!p0 $0x61  }
0x12: {  	s24 =	sadd.s32 $0x19000, s5;
	[dreg:$0x14] =	wrdreg s25;
	s5 =	simm.s32 $0x1E480  }
0x13: {  	s0 =	sadd.s32 s3, s0;
	s3 =	ssub.s32 s4, s21;
	s4 =	smin.u32 s22, $0x15  }
0x14: {  	s12 =	sadd.s32 s12, s1;
	s13 =	sadd.s32 s13, s1;
	[dreg:$0x13] =	wrdreg s24  }
0x15: {  	s1 =	sadd.s32 s6, s1;
	s21 =	sshll.u32 s2, $0x4;
	[dreg:$0xc] =	wrdreg s12  }
0x16: {  	s31 =	sadd.s32 $0xFFFFFFFF, s14;
	s6 =	simm.s32 $0x1F480;
	[dreg:$0xd] =	wrdreg s13  }
0x17: {  	s29 =	sadd.s32 s4, s15;
	[dreg:$0xe] =	wrdreg s1;
	s15 =	smul.u32 $0x190000, s2  }
0x18: {  	s2 =	sor.u32 s18, s21;
	s0 =	sadd.s32 $0x600, s0;
	s22 =	smax.u32 s3, $0x1  }
0x19: {  	s3 =	simm.s32 $0x3;
	s12 =	simm.s32 $0x1E200;
	s13 =	simm.s32 $0x19000  }
0x1a: {  	s4 =	sshll.u32 s29, $0x9;
	s26 =	smov.u32 s29;
	[dreg:$0x11] =	wrdreg s0  }
0x1b: {  	s16 =	sshll.u32 s29, $0x8;
	[dreg:$0x12] =	wrdreg s22;
	s0 =	sadd.s32 $0x670, s23  }
0x1c: {  	s2 =	smul.u32 $0x3200, s2;
	s4 =	sadd.s32 s17, s4;
	[dreg:$0x15] =	wrdreg s0  }
0x1d: {  	s17 =	sadd.s32 s7, s16;
	s1 =	sadd.s32 s8, s15;
	[dreg:$0xf] =	wrdreg s4  }
0x1e: {  	s15 =	smov.u32 s19;
	s16 =	simm.s32 $0x1;
	[dreg:$0x10] =	wrdreg s17  }
0x1f: {  	v0 =	vlaneseq.u32;
	s1 =	sshrl.u32 s1, $0x3;
	s28 =	sadd.s32 s2, s19;
	s2 =	simm.s32 $0x1F580  }
0x20: {  	v2 =	vmul.u32 $0xA, v0;
	s4 =	simm.s32 $0x1F680;
	[dreg:$0x16] =	wrdreg s28;
	s29 =	sadd.s32 s1, s19  }
0x21: {  	v1 =	vimm.f32 $0.0e+00;
	v3 =	vimm.s32 $0x0;
	s17 =	simm.s32 $0x2;
	s1 =	simm.s32 $0x0;
	[dreg:$0x17] =	wrdreg s29  }
.LBB2_1:
0x22: {  	[dreg:$0x18] =	wrdreg s1  }
0x23: {  	s0 =	rddreg [dreg:$0x3]  }
0x24: {  	[tilespmem:s6], [sflag:$0x3] =	stream.linear.gather [hbm4b:s0+s9], $0x100, $0x38;
	[tilespmem:$0x1F780] =	vst v63  }
0x25: {  	_ =	swait.ge [sflag:s3], $0x100  }
0x26: {  	[sflag:s3] =	ssyncset.done $0x0  }
0x27: {  	[sflag:s3] =	ssyncadd.s32 $0xFFFFFF00  }
0x28: {  	s28 =	rddreg [dreg:$0x4]  }
0x29: {  	[tilespmem:s2], [sflag:$0x3] =	stream.linear.gather [hbm4b:s28+s9], $0x100, $0x38;
	[tilespmem:$0x1F780] =	vst v63  }
0x2a: {  	_ =	swait.ge [sflag:s3], $0x100  }
0x2b: {  	[sflag:s3] =	ssyncset.done $0x0  }
0x2c: {  	[sflag:s3] =	ssyncadd.s32 $0xFFFFFF00  }
0x2d: {  	s29 =	rddreg [dreg:$0x5]  }
0x2e: {  	[tilespmem:s4], [sflag:$0x3] =	stream.linear.gather [hbm4b:s29+s9], $0x100, $0x38;
	[tilespmem:$0x1F780] =	vst v63  }
0x2f: {  	_ =	swait.ge [sflag:s3], $0x100  }
0x30: {  	[sflag:s3] =	ssyncset.done $0x0  }
0x31: {  	s0 =	simm.s32 $0x0;
	[sflag:s3] =	ssyncadd.s32 $0xFFFFFF00  }
.LBB2_2:
0x32: {  	p0 =	sne.s32 s0, $0x63FC0  }
.Ltmp0:
0x33: {  	_ = 	snop;
	(pc) =	sbr.rel @p0 .LBB2_2-.Ltmp0, $3  }
0x34: {  	_ =	sdelay $0x1  }
0x35: {  	s1 =	sshra.s32 s0, $0x2  }
0x36: {  	s0 =	sadd.s32 $0x40, s0;
	[tilespmem:s1+$0x0] =	vst v1  }
0x37: {  	s22 =	simm.s32 $0x0;
	s25 =	rddreg [dreg:$0x13]  }
.LBB2_4:
0x38: {  	s0 =	smul.u32 $0x280, s22;
	_ =	sdelay $0x1  }
0x39: {  	s0 =	sadd.s32 s30, s0  }
0x3a: {  	s0 =	smul.u32 $0xA, s0;
	_ =	sdelay $0x1  }
0x3b: {  	s1 =	simm.s32 $0x0;
	s0 =	sshrl.u32 s0, $0x3  }
0x3c: {  	v4 =	vadd.s32 s1, v2;
	s1 =	simm.s32 $0x1;
	s28 =	sadd.s32 s10, s0  }
0x3d: {  	v5 =	vadd.s32 s1, v2;
	[tilespmem:s5], [sflag:$0x3] =	stream.linear.gather [hbm4b:s28+s9], $0x640, $0x38;
	[tilespmem:$0x1F780] =	vst v63  }
0x3e: {  	s7 =	simm.s32 $0x2;
	_ =	swait.ge [sflag:s3], $0x640  }
0x3f: {  	v6 =	vadd.s32 s7, v2;
	[sflag:s3] =	ssyncset.done $0x0  }
0x40: {  	s11 =	simm.s32 $0x3;
	[sflag:s3] =	ssyncadd.s32 $0xFFFFF9C0  }
0x41: {  	v7 =	vadd.s32 s11, v2;
	v4 =	vld.idx.msk [tilespmem:v4+s5+$0x0], $0xffff  }
0x42: {  	s18 =	simm.s32 $0x4;
	v5 =	vld.idx.msk [tilespmem:v5+s5+$0x0], $0xffff  }
0x43: {  	v8 =	vadd.s32 s18, v2  }
0x44: {  	s19 =	simm.s32 $0x5;
	v6 =	vld.idx.msk [tilespmem:v6+s5+$0x0], $0xffff  }
0x45: {  	v9 =	vadd.s32 s19, v2  }
0x46: {  	s20 =	simm.s32 $0x6;
	v7 =	vld.idx.msk [tilespmem:v7+s5+$0x0], $0xffff  }
0x47: {  	v10 =	vadd.s32 s20, v2;
	vm0 =	vgt.f32 v5, v4  }
0x48: {  	s23 =	simm.s32 $0x7;
	v8 =	vld.idx.msk [tilespmem:v8+s5+$0x0], $0xffff;
	v4 =	vsel vm0, v5, v4  }
0x49: {  	v5 =	vadd.s32 s23, v2;
	vm1 =	vgt.f32 v6, v4  }
0x4a: {  	s24 =	simm.s32 $0x8;
	v9 =	vld.idx.msk [tilespmem:v9+s5+$0x0], $0xffff;
	v4 =	vsel vm1, v6, v4  }
0x4b: {  	v6 =	vadd.s32 s24, v2;
	vm2 =	vgt.f32 v7, v4  }
0x4c: {  	s1 =	simm.s32 $0x9;
	v10 =	vld.idx.msk [tilespmem:v10+s5+$0x0], $0xffff;
	v4 =	vsel vm2, v7, v4  }
0x4d: {  	v7 =	vadd.s32 s1, v2;
	vm3 =	vgt.f32 v8, v4  }
0x4e: {  	v5 =	vld.idx.msk [tilespmem:v5+s5+$0x0], $0xffff;
	v4 =	vsel vm3, v8, v4  }
0x4f: {  	vm4 =	vgt.f32 v9, v4  }
0x50: {  	v8 =	vsel vm0, $0x1, v3;
	v6 =	vld.idx.msk [tilespmem:v6+s5+$0x0], $0xffff;
	v4 =	vsel vm4, v9, v4  }
0x51: {  	v8 =	vsel vm1, $0x2, v8;
	vm0 =	vgt.f32 v10, v4  }
0x52: {  	v8 =	vsel vm2, $0x3, v8;
	v7 =	vld.idx.msk [tilespmem:v7+s5+$0x0], $0xffff;
	v4 =	vsel vm0, v10, v4  }
0x53: {  	v8 =	vsel vm3, $0x4, v8;
	vm1 =	vgt.f32 v5, v4  }
0x54: {  	s7 =	simm.s32 $0xA0;
	v8 =	vsel vm4, $0x5, v8;
	v4 =	vsel vm1, v5, v4  }
0x55: {  	s11 =	simm.s32 $0xA1;
	v5 =	vsel vm0, $0x6, v8;
	v8 =	vadd.s32 s7, v2;
	vm0 =	vgt.f32 v6, v4  }
0x56: {  	v5 =	vsel vm1, $0x7, v5;
	v4 =	vsel vm0, v6, v4;
	v6 =	vadd.s32 s11, v2  }
0x57: {  	s18 =	simm.s32 $0xA2;
	v5 =	vsel vm0, $0x8, v5;
	vm0 =	vgt.f32 v7, v4  }
0x58: {  	s24 =	simm.s32 $0x1E210;
	v4 =	vadd.s32 s18, v2;
	v5 =	vsel vm0, $0x9, v5  }
0x59: {  	s19 =	simm.s32 $0xA3;
	[tilespmem:s24+$0xFFFFFFF0] =	vst v5  }
0x5a: {  	v5 =	vadd.s32 s19, v2;
	v7 =	vld.idx.msk [tilespmem:v8+s5+$0x0], $0xffff  }
0x5b: {  	s20 =	simm.s32 $0xA4;
	v6 =	vld.idx.msk [tilespmem:v6+s5+$0x0], $0xffff  }
0x5c: {  	v8 =	vadd.s32 s20, v2  }
0x5d: {  	s23 =	simm.s32 $0xA5;
	v4 =	vld.idx.msk [tilespmem:v4+s5+$0x0], $0xffff  }
0x5e: {  	v61 =	vadd.s32 s23, v2  }
0x5f: {  	s1 =	simm.s32 $0xA6;
	v5 =	vld.idx.msk [tilespmem:v5+s5+$0x0], $0xffff  }
0x60: {  	v62 =	vadd.s32 s1, v2;
	vm0 =	vgt.f32 v6, v7  }
0x61: {  	s7 =	simm.s32 $0xA7;
	v8 =	vld.idx.msk [tilespmem:v8+s5+$0x0], $0xffff;
	v6 =	vsel vm0, v6, v7  }
0x62: {  	v7 =	vadd.s32 s7, v2;
	vm1 =	vgt.f32 v4, v6  }
0x63: {  	s11 =	simm.s32 $0xA8;
	v9 =	vld.idx.msk [tilespmem:v61+s5+$0x0], $0xffff;
	v4 =	vsel vm1, v4, v6  }
0x64: {  	v6 =	vadd.s32 s11, v2;
	vm2 =	vgt.f32 v5, v4  }
0x65: {  	s18 =	simm.s32 $0xA9;
	v10 =	vld.idx.msk [tilespmem:v62+s5+$0x0], $0xffff;
	v4 =	vsel vm2, v5, v4  }
0x66: {  	v5 =	vadd.s32 s18, v2;
	vm3 =	vgt.f32 v8, v4  }
0x67: {  	v7 =	vld.idx.msk [tilespmem:v7+s5+$0x0], $0xffff;
	v4 =	vsel vm3, v8, v4  }
0x68: {  	vm15 =	vgt.f32 v9, v4  }
0x69: {  	v8 =	vsel vm0, $0x1, v3;
	v6 =	vld.idx.msk [tilespmem:v6+s5+$0x0], $0xffff;
	v4 =	vsel vm15, v9, v4  }
0x6a: {  	v8 =	vsel vm1, $0x2, v8;
	vm0 =	vgt.f32 v10, v4  }
0x6b: {  	v63 =	vld.idx.msk [tilespmem:v5+s5+$0x0], $0xffff;
	v5 =	vsel vm2, $0x3, v8;
	v4 =	vsel vm0, v10, v4  }
0x6c: {  	v5 =	vsel vm3, $0x4, v5;
	vm1 =	vgt.f32 v7, v4  }
0x6d: {  	s19 =	simm.s32 $0x140;
	v5 =	vsel vm15, $0x5, v5;
	v7 =	vsel vm1, v7, v4  }
0x6e: {  	s20 =	simm.s32 $0x141;
	v5 =	vsel vm0, $0x6, v5;
	v4 =	vadd.s32 s19, v2;
	vm0 =	vgt.f32 v6, v7  }
0x6f: {  	s29 =	simm.s32 $0x1E9;
	v8 =	vsel vm1, $0x7, v5;
	v5 =	vadd.s32 s20, v2;
	v7 =	vsel vm0, v6, v7  }
0x70: {  	s0 =	simm.s32 $0x142;
	s23 =	simm.s32 $0x2;
	s20 =	simm.s32 $0x1E210;
	v6 =	vsel vm0, $0x8, v8;
	vm0 =	vgt.f32 v63, v7  }
.LBB2_5:
0x71: {  	s23 =	sadd.s32 $0x2, s23;
	v7 =	vadd.s32 s0, v2;
	v6 =	vsel vm0, $0x9, v6;
	s24 =	sadd.s32 $0x20, s24  }
0x72: {  	s0 =	sadd.s32 $0xFFFFFF5A, s29;
	p0 =	slt.u32 s23, $0x8;
	[tilespmem:s20+$0x0] =	vst v6;
	s20 =	smov.u32 s24  }
0x73: {  	v6 =	vadd.s32 s0, v2;
	v4 =	vld.idx.msk [tilespmem:v4+s5+$0x0], $0xffff  }
0x74: {  	s0 =	sadd.s32 $0xFFFFFF5B, s29;
	v5 =	vld.idx.msk [tilespmem:v5+s5+$0x0], $0xffff  }
0x75: {  	v8 =	vadd.s32 s0, v2  }
0x76: {  	s0 =	sadd.s32 $0xFFFFFF5C, s29;
	v7 =	vld.idx.msk [tilespmem:v7+s5+$0x0], $0xffff  }
0x77: {  	v9 =	vadd.s32 s0, v2  }
0x78: {  	s0 =	sadd.s32 $0xFFFFFF5D, s29;
	v6 =	vld.idx.msk [tilespmem:v6+s5+$0x0], $0xffff  }
0x79: {  	v10 =	vadd.s32 s0, v2  }
0x7a: {  	s0 =	sadd.s32 $0xFFFFFF5E, s29;
	vm0 =	vgt.f32 v5, v4;
	v8 =	vld.idx.msk [tilespmem:v8+s5+$0x0], $0xffff  }
0x7b: {  	v4 =	vsel vm0, v5, v4;
	v5 =	vadd.s32 s0, v2  }
0x7c: {  	s0 =	sadd.s32 $0xFFFFFF5F, s29;
	vm1 =	vgt.f32 v7, v4;
	v9 =	vld.idx.msk [tilespmem:v9+s5+$0x0], $0xffff  }
0x7d: {  	v4 =	vsel vm1, v7, v4;
	v7 =	vadd.s32 s0, v2  }
0x7e: {  	s0 =	sadd.s32 $0xFFFFFF60, s29;
	vm2 =	vgt.f32 v6, v4;
	v10 =	vld.idx.msk [tilespmem:v10+s5+$0x0], $0xffff  }
0x7f: {  	v4 =	vsel vm2, v6, v4;
	v6 =	vadd.s32 s0, v2  }
0x80: {  	vm3 =	vgt.f32 v8, v4;
	v5 =	vld.idx.msk [tilespmem:v5+s5+$0x0], $0xffff  }
0x81: {  	v4 =	vsel vm3, v8, v4  }
0x82: {  	vm4 =	vgt.f32 v9, v4;
	v7 =	vld.idx.msk [tilespmem:v7+s5+$0x0], $0xffff  }
0x83: {  	v8 =	vsel vm0, $0x1, v3;
	v4 =	vsel vm4, v9, v4  }
0x84: {  	v8 =	vsel vm1, $0x2, v8;
	vm0 =	vgt.f32 v10, v4;
	v6 =	vld.idx.msk [tilespmem:v6+s5+$0x0], $0xffff  }
0x85: {  	v8 =	vsel vm2, $0x3, v8;
	v4 =	vsel vm0, v10, v4  }
0x86: {  	v8 =	vsel vm3, $0x4, v8;
	vm1 =	vgt.f32 v5, v4  }
0x87: {  	s1 =	sadd.s32 $0xFFFFFFF8, s29;
	s0 =	sadd.s32 $0xFFFFFFF7, s29;
	v8 =	vsel vm4, $0x5, v8;
	v4 =	vsel vm1, v5, v4  }
0x88: {  	v5 =	vsel vm0, $0x6, v8;
	v8 =	vadd.s32 s0, v2;
	vm0 =	vgt.f32 v7, v4  }
0x89: {  	s0 =	sadd.s32 $0xFFFFFFF9, s29;
	v5 =	vsel vm1, $0x7, v5;
	v4 =	vsel vm0, v7, v4;
	v7 =	vadd.s32 s1, v2  }
0x8a: {  	v5 =	vsel vm0, $0x8, v5;
	vm0 =	vgt.f32 v6, v4;
	v4 =	vadd.s32 s0, v2  }
0x8b: {  	s0 =	sadd.s32 $0xFFFFFFFA, s29;
	v5 =	vsel vm0, $0x9, v5  }
0x8c: {  	[tilespmem:s24+$0xFFFFFFF0] =	vst v5;
	v5 =	vadd.s32 s0, v2  }
0x8d: {  	s0 =	sadd.s32 $0xFFFFFFFB, s29;
	v6 =	vld.idx.msk [tilespmem:v8+s5+$0x0], $0xffff  }
0x8e: {  	v8 =	vadd.s32 s0, v2;
	v7 =	vld.idx.msk [tilespmem:v7+s5+$0x0], $0xffff  }
0x8f: {  	s0 =	sadd.s32 $0xFFFFFFFC, s29;
	v4 =	vld.idx.msk [tilespmem:v4+s5+$0x0], $0xffff  }
0x90: {  	v9 =	vadd.s32 s0, v2  }
0x91: {  	s0 =	sadd.s32 $0xFFFFFFFD, s29;
	v5 =	vld.idx.msk [tilespmem:v5+s5+$0x0], $0xffff  }
0x92: {  	v10 =	vadd.s32 s0, v2  }
0x93: {  	s0 =	sadd.s32 $0xFFFFFFFE, s29;
	v8 =	vld.idx.msk [tilespmem:v8+s5+$0x0], $0xffff  }
0x94: {  	v11 =	vadd.s32 s0, v2;
	vm0 =	vgt.f32 v7, v6  }
0x95: {  	s0 =	sadd.s32 $0xFFFFFFFF, s29;
	v6 =	vsel vm0, v7, v6;
	v7 =	vld.idx.msk [tilespmem:v9+s5+$0x0], $0xffff  }
0x96: {  	vm1 =	vgt.f32 v4, v6;
	v9 =	vadd.s32 s0, v2  }
0x97: {  	v4 =	vsel vm1, v4, v6;
	v6 =	vld.idx.msk [tilespmem:v10+s5+$0x0], $0xffff  }
0x98: {  	vm2 =	vgt.f32 v5, v4;
	v10 =	vadd.s32 s29, v2  }
0x99: {  	v4 =	vsel vm2, v5, v4;
	v5 =	vld.idx.msk [tilespmem:v11+s5+$0x0], $0xffff  }
0x9a: {  	vm3 =	vgt.f32 v8, v4  }
0x9b: {  	v4 =	vsel vm3, v8, v4;
	v8 =	vld.idx.msk [tilespmem:v9+s5+$0x0], $0xffff  }
0x9c: {  	v9 =	vsel vm0, $0x1, v3;
	vm0 =	vgt.f32 v7, v4  }
0x9d: {  	v9 =	vsel vm1, $0x2, v9;
	v4 =	vsel vm0, v7, v4;
	v7 =	vld.idx.msk [tilespmem:v10+s5+$0x0], $0xffff  }
0x9e: {  	v9 =	vsel vm2, $0x3, v9;
	vm1 =	vgt.f32 v6, v4  }
0x9f: {  	s29 =	sadd.s32 $0x140, s29;
	v9 =	vsel vm3, $0x4, v9;
	v4 =	vsel vm1, v6, v4  }
.Ltmp1:
0xa0: {  	v6 =	vsel vm0, $0x5, v9;
	vm0 =	vgt.f32 v5, v4;
	(pc) =	sbr.rel @p0 .LBB2_5-.Ltmp1, $4  }
0xa1: {  	s0 =	sadd.s32 $0xFFFFFF57, s29;
	v6 =	vsel vm1, $0x6, v6;
	v9 =	vsel vm0, v5, v4  }
0xa2: {  	v4 =	vadd.s32 s0, v2;
	s0 =	sadd.s32 $0xFFFFFF58, s29;
	v6 =	vsel vm0, $0x7, v6;
	vm0 =	vgt.f32 v8, v9  }
0xa3: {  	v5 =	vadd.s32 s0, v2;
	v6 =	vsel vm0, $0x8, v6;
	v8 =	vsel vm0, v8, v9  }
0xa4: {  	s0 =	sadd.s32 $0xFFFFFF59, s29;
	vm0 =	vgt.f32 v7, v8  }
0xa5: {  	_ =	sdelay $0x1  }
0xa6: {  	v7 =	vadd.s32 s0, v2;
	v6 =	vsel vm0, $0x9, v6  }
0xa7: {  	s19 =	sadd.s32 $0xFFFFFF5A, s29;
	[tilespmem:s20+$0x0] =	vst v6  }
0xa8: {  	v6 =	vadd.s32 s19, v2;
	v4 =	vld.idx.msk [tilespmem:v4+s5+$0x0], $0xffff  }
0xa9: {  	s20 =	sadd.s32 $0xFFFFFF5B, s29;
	v5 =	vld.idx.msk [tilespmem:v5+s5+$0x0], $0xffff  }
0xaa: {  	v8 =	vadd.s32 s20, v2  }
0xab: {  	s23 =	sadd.s32 $0xFFFFFF5C, s29;
	v7 =	vld.idx.msk [tilespmem:v7+s5+$0x0], $0xffff  }
0xac: {  	v9 =	vadd.s32 s23, v2  }
0xad: {  	s1 =	sadd.s32 $0xFFFFFF5D, s29;
	v6 =	vld.idx.msk [tilespmem:v6+s5+$0x0], $0xffff  }
0xae: {  	v10 =	vadd.s32 s1, v2;
	vm0 =	vgt.f32 v5, v4  }
0xaf: {  	s7 =	sadd.s32 $0xFFFFFF5E, s29;
	v8 =	vld.idx.msk [tilespmem:v8+s5+$0x0], $0xffff;
	v4 =	vsel vm0, v5, v4  }
0xb0: {  	v5 =	vadd.s32 s7, v2;
	vm1 =	vgt.f32 v7, v4  }
0xb1: {  	s11 =	sadd.s32 $0xFFFFFF5F, s29;
	v9 =	vld.idx.msk [tilespmem:v9+s5+$0x0], $0xffff;
	v4 =	vsel vm1, v7, v4  }
0xb2: {  	v7 =	vadd.s32 s11, v2;
	vm2 =	vgt.f32 v6, v4  }
0xb3: {  	s18 =	sadd.s32 $0xFFFFFF60, s29;
	v10 =	vld.idx.msk [tilespmem:v10+s5+$0x0], $0xffff;
	v4 =	vsel vm2, v6, v4  }
0xb4: {  	v6 =	vadd.s32 s18, v2;
	vm3 =	vgt.f32 v8, v4  }
0xb5: {  	v5 =	vld.idx.msk [tilespmem:v5+s5+$0x0], $0xffff;
	v4 =	vsel vm3, v8, v4  }
0xb6: {  	vm4 =	vgt.f32 v9, v4  }
0xb7: {  	v8 =	vsel vm0, $0x1, v3;
	v7 =	vld.idx.msk [tilespmem:v7+s5+$0x0], $0xffff;
	v4 =	vsel vm4, v9, v4  }
0xb8: {  	v8 =	vsel vm1, $0x2, v8;
	vm0 =	vgt.f32 v10, v4  }
0xb9: {  	v8 =	vsel vm2, $0x3, v8;
	v6 =	vld.idx.msk [tilespmem:v6+s5+$0x0], $0xffff;
	v4 =	vsel vm0, v10, v4  }
0xba: {  	v8 =	vsel vm3, $0x4, v8;
	vm1 =	vgt.f32 v5, v4  }
0xbb: {  	s19 =	sadd.s32 $0xFFFFFFF7, s29;
	v8 =	vsel vm4, $0x5, v8;
	v4 =	vsel vm1, v5, v4  }
0xbc: {  	s1 =	sadd.s32 $0xFFFFFFF8, s29;
	v5 =	vsel vm0, $0x6, v8;
	v8 =	vadd.s32 s19, v2;
	vm0 =	vgt.f32 v7, v4  }
0xbd: {  	v5 =	vsel vm1, $0x7, v5;
	v4 =	vsel vm0, v7, v4;
	v7 =	vadd.s32 s1, v2  }
0xbe: {  	s20 =	sadd.s32 $0xFFFFFFF9, s29;
	v5 =	vsel vm0, $0x8, v5;
	vm0 =	vgt.f32 v6, v4  }
0xbf: {  	s1 =	sadd.s32 $0x20, s24;
	v4 =	vadd.s32 s20, v2;
	v5 =	vsel vm0, $0x9, v5  }
0xc0: {  	s23 =	sadd.s32 $0xFFFFFFFA, s29;
	[tilespmem:s1+$0xFFFFFFF0] =	vst v5  }
0xc1: {  	v5 =	vadd.s32 s23, v2;
	v6 =	vld.idx.msk [tilespmem:v8+s5+$0x0], $0xffff  }
0xc2: {  	s24 =	sadd.s32 $0xFFFFFFFB, s29;
	v7 =	vld.idx.msk [tilespmem:v7+s5+$0x0], $0xffff  }
0xc3: {  	v8 =	vadd.s32 s24, v2  }
0xc4: {  	s7 =	sadd.s32 $0xFFFFFFFC, s29;
	v4 =	vld.idx.msk [tilespmem:v4+s5+$0x0], $0xffff  }
0xc5: {  	v57 =	vadd.s32 s7, v2  }
0xc6: {  	s11 =	sadd.s32 $0xFFFFFFFD, s29;
	v5 =	vld.idx.msk [tilespmem:v5+s5+$0x0], $0xffff  }
0xc7: {  	v58 =	vadd.s32 s11, v2;
	vm0 =	vgt.f32 v7, v6  }
0xc8: {  	s18 =	sadd.s32 $0xFFFFFFFE, s29;
	v8 =	vld.idx.msk [tilespmem:v8+s5+$0x0], $0xffff;
	v6 =	vsel vm0, v7, v6  }
0xc9: {  	v7 =	vadd.s32 s18, v2;
	vm1 =	vgt.f32 v4, v6  }
0xca: {  	s19 =	sadd.s32 $0xFFFFFFFF, s29;
	v9 =	vld.idx.msk [tilespmem:v57+s5+$0x0], $0xffff;
	v4 =	vsel vm1, v4, v6  }
0xcb: {  	v6 =	vadd.s32 s19, v2;
	vm2 =	vgt.f32 v5, v4  }
0xcc: {  	v10 =	vld.idx.msk [tilespmem:v58+s5+$0x0], $0xffff;
	v4 =	vsel vm2, v5, v4  }
0xcd: {  	v5 =	vadd.s32 s29, v2;
	vm3 =	vgt.f32 v8, v4  }
0xce: {  	v7 =	vld.idx.msk [tilespmem:v7+s5+$0x0], $0xffff;
	v4 =	vsel vm3, v8, v4  }
0xcf: {  	vm13 =	vgt.f32 v9, v4  }
0xd0: {  	v8 =	vsel vm0, $0x1, v3;
	v6 =	vld.idx.msk [tilespmem:v6+s5+$0x0], $0xffff;
	v4 =	vsel vm13, v9, v4  }
0xd1: {  	v8 =	vsel vm1, $0x2, v8;
	vm0 =	vgt.f32 v10, v4  }
0xd2: {  	v8 =	vsel vm2, $0x3, v8;
	v5 =	vld.idx.msk [tilespmem:v5+s5+$0x0], $0xffff;
	v4 =	vsel vm0, v10, v4  }
0xd3: {  	v8 =	vsel vm3, $0x4, v8;
	vm1 =	vgt.f32 v7, v4  }
0xd4: {  	v8 =	vsel vm13, $0x5, v8;
	v4 =	vsel vm1, v7, v4  }
0xd5: {  	v7 =	vsel vm0, $0x6, v8;
	vm0 =	vgt.f32 v6, v4  }
0xd6: {  	v7 =	vsel vm1, $0x7, v7;
	v4 =	vsel vm0, v6, v4  }
0xd7: {  	v6 =	vsel vm0, $0x8, v7;
	vm0 =	vgt.f32 v5, v4  }
0xd8: {  	s20 =	simm.s32 $0x0;
	v4 =	vsel vm0, $0x9, v6  }
0xd9: {  	s23 =	sadd.s32 $0xC8, s28;
	s24 =	simm.s32 $0x1;
	[tilespmem:s1+$0x0] =	vst v4;
	v4 =	vadd.s32 s20, v2  }
0xda: {  	v5 =	vadd.s32 s24, v2;
	[tilespmem:s5], [sflag:$0x3] =	stream.linear.gather [hbm4b:s23+s9], $0x640, $0x38;
	[tilespmem:$0x1F780] =	vst v63  }
0xdb: {  	s7 =	simm.s32 $0x2;
	_ =	swait.ge [sflag:s3], $0x640  }
0xdc: {  	v6 =	vadd.s32 s7, v2;
	[sflag:s3] =	ssyncset.done $0x0  }
0xdd: {  	s11 =	simm.s32 $0x3;
	[sflag:s3] =	ssyncadd.s32 $0xFFFFF9C0  }
0xde: {  	v7 =	vadd.s32 s11, v2;
	v4 =	vld.idx.msk [tilespmem:v4+s5+$0x0], $0xffff  }
0xdf: {  	s18 =	simm.s32 $0x4;
	v5 =	vld.idx.msk [tilespmem:v5+s5+$0x0], $0xffff  }
0xe0: {  	v8 =	vadd.s32 s18, v2  }
0xe1: {  	s19 =	simm.s32 $0x5;
	v6 =	vld.idx.msk [tilespmem:v6+s5+$0x0], $0xffff  }
0xe2: {  	v59 =	vadd.s32 s19, v2  }
0xe3: {  	s20 =	simm.s32 $0x6;
	v7 =	vld.idx.msk [tilespmem:v7+s5+$0x0], $0xffff  }
0xe4: {  	v60 =	vadd.s32 s20, v2;
	vm0 =	vgt.f32 v5, v4  }
0xe5: {  	s23 =	simm.s32 $0x7;
	v8 =	vld.idx.msk [tilespmem:v8+s5+$0x0], $0xffff;
	v4 =	vsel vm0, v5, v4  }
0xe6: {  	v5 =	vadd.s32 s23, v2;
	vm1 =	vgt.f32 v6, v4  }
0xe7: {  	s24 =	simm.s32 $0x8;
	v9 =	vld.idx.msk [tilespmem:v59+s5+$0x0], $0xffff;
	v4 =	vsel vm1, v6, v4  }
0xe8: {  	v6 =	vadd.s32 s24, v2;
	vm2 =	vgt.f32 v7, v4  }
0xe9: {  	s1 =	simm.s32 $0x9;
	v10 =	vld.idx.msk [tilespmem:v60+s5+$0x0], $0xffff;
	v4 =	vsel vm2, v7, v4  }
0xea: {  	v7 =	vadd.s32 s1, v2;
	vm3 =	vgt.f32 v8, v4  }
0xeb: {  	v5 =	vld.idx.msk [tilespmem:v5+s5+$0x0], $0xffff;
	v4 =	vsel vm3, v8, v4  }
0xec: {  	vm14 =	vgt.f32 v9, v4  }
0xed: {  	v8 =	vsel vm0, $0x1, v3;
	v6 =	vld.idx.msk [tilespmem:v6+s5+$0x0], $0xffff;
	v4 =	vsel vm14, v9, v4  }
0xee: {  	v8 =	vsel vm1, $0x2, v8;
	vm0 =	vgt.f32 v10, v4  }
0xef: {  	v8 =	vsel vm2, $0x3, v8;
	v7 =	vld.idx.msk [tilespmem:v7+s5+$0x0], $0xffff;
	v4 =	vsel vm0, v10, v4  }
0xf0: {  	v8 =	vsel vm3, $0x4, v8;
	vm1 =	vgt.f32 v5, v4  }
0xf1: {  	s7 =	simm.s32 $0xA0;
	v8 =	vsel vm14, $0x5, v8;
	v4 =	vsel vm1, v5, v4  }
0xf2: {  	s11 =	simm.s32 $0xA1;
	v5 =	vsel vm0, $0x6, v8;
	v8 =	vadd.s32 s7, v2;
	vm0 =	vgt.f32 v6, v4  }
0xf3: {  	v5 =	vsel vm1, $0x7, v5;
	v4 =	vsel vm0, v6, v4;
	v6 =	vadd.s32 s11, v2  }
0xf4: {  	s18 =	simm.s32 $0xA2;
	v5 =	vsel vm0, $0x8, v5;
	vm0 =	vgt.f32 v7, v4  }
0xf5: {  	s24 =	simm.s32 $0x1E2B0;
	v4 =	vadd.s32 s18, v2;
	v5 =	vsel vm0, $0x9, v5  }
0xf6: {  	s19 =	simm.s32 $0xA3;
	[tilespmem:s24+$0xFFFFFFF0] =	vst v5  }
0xf7: {  	v5 =	vadd.s32 s19, v2;
	v7 =	vld.idx.msk [tilespmem:v8+s5+$0x0], $0xffff  }
0xf8: {  	s20 =	simm.s32 $0xA4;
	v6 =	vld.idx.msk [tilespmem:v6+s5+$0x0], $0xffff  }
0xf9: {  	v8 =	vadd.s32 s20, v2  }
0xfa: {  	s23 =	simm.s32 $0xA5;
	v4 =	vld.idx.msk [tilespmem:v4+s5+$0x0], $0xffff  }
0xfb: {  	v61 =	vadd.s32 s23, v2  }
0xfc: {  	s1 =	simm.s32 $0xA6;
	v5 =	vld.idx.msk [tilespmem:v5+s5+$0x0], $0xffff  }
0xfd: {  	v62 =	vadd.s32 s1, v2;
	vm0 =	vgt.f32 v6, v7  }
0xfe: {  	s7 =	simm.s32 $0xA7;
	v8 =	vld.idx.msk [tilespmem:v8+s5+$0x0], $0xffff;
	v6 =	vsel vm0, v6, v7  }
0xff: {  	v7 =	vadd.s32 s7, v2;
	vm1 =	vgt.f32 v4, v6  }
0x100: {  	s11 =	simm.s32 $0xA8;
	v9 =	vld.idx.msk [tilespmem:v61+s5+$0x0], $0xffff;
	v4 =	vsel vm1, v4, v6  }
0x101: {  	v6 =	vadd.s32 s11, v2;
	vm2 =	vgt.f32 v5, v4  }
0x102: {  	s18 =	simm.s32 $0xA9;
	v10 =	vld.idx.msk [tilespmem:v62+s5+$0x0], $0xffff;
	v4 =	vsel vm2, v5, v4  }
0x103: {  	v5 =	vadd.s32 s18, v2;
	vm3 =	vgt.f32 v8, v4  }
0x104: {  	v7 =	vld.idx.msk [tilespmem:v7+s5+$0x0], $0xffff;
	v4 =	vsel vm3, v8, v4  }
0x105: {  	vm15 =	vgt.f32 v9, v4  }
0x106: {  	v8 =	vsel vm0, $0x1, v3;
	v6 =	vld.idx.msk [tilespmem:v6+s5+$0x0], $0xffff;
	v4 =	vsel vm15, v9, v4  }
0x107: {  	v8 =	vsel vm1, $0x2, v8;
	vm0 =	vgt.f32 v10, v4  }
0x108: {  	v63 =	vld.idx.msk [tilespmem:v5+s5+$0x0], $0xffff;
	v5 =	vsel vm2, $0x3, v8;
	v4 =	vsel vm0, v10, v4  }
0x109: {  	v5 =	vsel vm3, $0x4, v5;
	vm1 =	vgt.f32 v7, v4  }
0x10a: {  	s19 =	simm.s32 $0x140;
	v5 =	vsel vm15, $0x5, v5;
	v7 =	vsel vm1, v7, v4  }
0x10b: {  	s20 =	simm.s32 $0x141;
	v5 =	vsel vm0, $0x6, v5;
	v4 =	vadd.s32 s19, v2;
	vm0 =	vgt.f32 v6, v7  }
0x10c: {  	s0 =	simm.s32 $0x142;
	v8 =	vsel vm1, $0x7, v5;
	v5 =	vadd.s32 s20, v2;
	v7 =	vsel vm0, v6, v7  }
0x10d: {  	s29 =	simm.s32 $0x1E9;
	s23 =	simm.s32 $0x2;
	s20 =	simm.s32 $0x1E2B0;
	v6 =	vsel vm0, $0x8, v8;
	vm0 =	vgt.f32 v63, v7  }
.LBB2_7:
0x10e: {  	s23 =	sadd.s32 $0x2, s23;
	v7 =	vadd.s32 s0, v2;
	v6 =	vsel vm0, $0x9, v6;
	s24 =	sadd.s32 $0x20, s24  }
0x10f: {  	s0 =	sadd.s32 $0xFFFFFF5A, s29;
	p0 =	slt.u32 s23, $0x8;
	[tilespmem:s20+$0x0] =	vst v6;
	s20 =	smov.u32 s24  }
0x110: {  	v6 =	vadd.s32 s0, v2;
	v4 =	vld.idx.msk [tilespmem:v4+s5+$0x0], $0xffff  }
0x111: {  	s0 =	sadd.s32 $0xFFFFFF5B, s29;
	v5 =	vld.idx.msk [tilespmem:v5+s5+$0x0], $0xffff  }
0x112: {  	v8 =	vadd.s32 s0, v2  }
0x113: {  	s0 =	sadd.s32 $0xFFFFFF5C, s29;
	v7 =	vld.idx.msk [tilespmem:v7+s5+$0x0], $0xffff  }
0x114: {  	v9 =	vadd.s32 s0, v2  }
0x115: {  	s0 =	sadd.s32 $0xFFFFFF5D, s29;
	v6 =	vld.idx.msk [tilespmem:v6+s5+$0x0], $0xffff  }
0x116: {  	v10 =	vadd.s32 s0, v2  }
0x117: {  	s0 =	sadd.s32 $0xFFFFFF5E, s29;
	vm0 =	vgt.f32 v5, v4;
	v8 =	vld.idx.msk [tilespmem:v8+s5+$0x0], $0xffff  }
0x118: {  	v4 =	vsel vm0, v5, v4;
	v5 =	vadd.s32 s0, v2  }
0x119: {  	s0 =	sadd.s32 $0xFFFFFF5F, s29;
	vm1 =	vgt.f32 v7, v4;
	v9 =	vld.idx.msk [tilespmem:v9+s5+$0x0], $0xffff  }
0x11a: {  	v4 =	vsel vm1, v7, v4;
	v7 =	vadd.s32 s0, v2  }
0x11b: {  	s0 =	sadd.s32 $0xFFFFFF60, s29;
	vm2 =	vgt.f32 v6, v4;
	v10 =	vld.idx.msk [tilespmem:v10+s5+$0x0], $0xffff  }
0x11c: {  	v4 =	vsel vm2, v6, v4;
	v6 =	vadd.s32 s0, v2  }
0x11d: {  	vm3 =	vgt.f32 v8, v4;
	v5 =	vld.idx.msk [tilespmem:v5+s5+$0x0], $0xffff  }
0x11e: {  	v4 =	vsel vm3, v8, v4  }
0x11f: {  	vm4 =	vgt.f32 v9, v4;
	v7 =	vld.idx.msk [tilespmem:v7+s5+$0x0], $0xffff  }
0x120: {  	v8 =	vsel vm0, $0x1, v3;
	v4 =	vsel vm4, v9, v4  }
0x121: {  	v8 =	vsel vm1, $0x2, v8;
	vm0 =	vgt.f32 v10, v4;
	v6 =	vld.idx.msk [tilespmem:v6+s5+$0x0], $0xffff  }
0x122: {  	v8 =	vsel vm2, $0x3, v8;
	v4 =	vsel vm0, v10, v4  }
0x123: {  	v8 =	vsel vm3, $0x4, v8;
	vm1 =	vgt.f32 v5, v4  }
0x124: {  	s1 =	sadd.s32 $0xFFFFFFF8, s29;
	s0 =	sadd.s32 $0xFFFFFFF7, s29;
	v8 =	vsel vm4, $0x5, v8;
	v4 =	vsel vm1, v5, v4  }
0x125: {  	v5 =	vsel vm0, $0x6, v8;
	v8 =	vadd.s32 s0, v2;
	vm0 =	vgt.f32 v7, v4  }
0x126: {  	s0 =	sadd.s32 $0xFFFFFFF9, s29;
	v5 =	vsel vm1, $0x7, v5;
	v4 =	vsel vm0, v7, v4;
	v7 =	vadd.s32 s1, v2  }
0x127: {  	v5 =	vsel vm0, $0x8, v5;
	vm0 =	vgt.f32 v6, v4;
	v4 =	vadd.s32 s0, v2  }
0x128: {  	s0 =	sadd.s32 $0xFFFFFFFA, s29;
	v5 =	vsel vm0, $0x9, v5  }
0x129: {  	[tilespmem:s24+$0xFFFFFFF0] =	vst v5;
	v5 =	vadd.s32 s0, v2  }
0x12a: {  	s0 =	sadd.s32 $0xFFFFFFFB, s29;
	v6 =	vld.idx.msk [tilespmem:v8+s5+$0x0], $0xffff  }
0x12b: {  	v8 =	vadd.s32 s0, v2;
	v7 =	vld.idx.msk [tilespmem:v7+s5+$0x0], $0xffff  }
0x12c: {  	s0 =	sadd.s32 $0xFFFFFFFC, s29;
	v4 =	vld.idx.msk [tilespmem:v4+s5+$0x0], $0xffff  }
0x12d: {  	v9 =	vadd.s32 s0, v2  }
0x12e: {  	s0 =	sadd.s32 $0xFFFFFFFD, s29;
	v5 =	vld.idx.msk [tilespmem:v5+s5+$0x0], $0xffff  }
0x12f: {  	v10 =	vadd.s32 s0, v2  }
0x130: {  	s0 =	sadd.s32 $0xFFFFFFFE, s29;
	v8 =	vld.idx.msk [tilespmem:v8+s5+$0x0], $0xffff  }
0x131: {  	v11 =	vadd.s32 s0, v2;
	vm0 =	vgt.f32 v7, v6  }
0x132: {  	s0 =	sadd.s32 $0xFFFFFFFF, s29;
	v6 =	vsel vm0, v7, v6;
	v7 =	vld.idx.msk [tilespmem:v9+s5+$0x0], $0xffff  }
0x133: {  	vm1 =	vgt.f32 v4, v6;
	v9 =	vadd.s32 s0, v2  }
0x134: {  	v4 =	vsel vm1, v4, v6;
	v6 =	vld.idx.msk [tilespmem:v10+s5+$0x0], $0xffff  }
0x135: {  	vm2 =	vgt.f32 v5, v4;
	v10 =	vadd.s32 s29, v2  }
0x136: {  	v4 =	vsel vm2, v5, v4;
	v5 =	vld.idx.msk [tilespmem:v11+s5+$0x0], $0xffff  }
0x137: {  	vm3 =	vgt.f32 v8, v4  }
0x138: {  	v4 =	vsel vm3, v8, v4;
	v8 =	vld.idx.msk [tilespmem:v9+s5+$0x0], $0xffff  }
0x139: {  	v9 =	vsel vm0, $0x1, v3;
	vm0 =	vgt.f32 v7, v4  }
0x13a: {  	v9 =	vsel vm1, $0x2, v9;
	v4 =	vsel vm0, v7, v4;
	v7 =	vld.idx.msk [tilespmem:v10+s5+$0x0], $0xffff  }
0x13b: {  	v9 =	vsel vm2, $0x3, v9;
	vm1 =	vgt.f32 v6, v4  }
0x13c: {  	s29 =	sadd.s32 $0x140, s29;
	v9 =	vsel vm3, $0x4, v9;
	v4 =	vsel vm1, v6, v4  }
.Ltmp2:
0x13d: {  	v6 =	vsel vm0, $0x5, v9;
	vm0 =	vgt.f32 v5, v4;
	(pc) =	sbr.rel @p0 .LBB2_7-.Ltmp2, $4  }
0x13e: {  	s0 =	sadd.s32 $0xFFFFFF57, s29;
	v6 =	vsel vm1, $0x6, v6;
	v9 =	vsel vm0, v5, v4  }
0x13f: {  	v4 =	vadd.s32 s0, v2;
	s0 =	sadd.s32 $0xFFFFFF58, s29;
	v6 =	vsel vm0, $0x7, v6;
	vm0 =	vgt.f32 v8, v9  }
0x140: {  	v5 =	vadd.s32 s0, v2;
	v6 =	vsel vm0, $0x8, v6;
	v8 =	vsel vm0, v8, v9  }
0x141: {  	s0 =	sadd.s32 $0xFFFFFF59, s29;
	vm0 =	vgt.f32 v7, v8  }
0x142: {  	_ =	sdelay $0x1  }
0x143: {  	v7 =	vadd.s32 s0, v2;
	v6 =	vsel vm0, $0x9, v6  }
0x144: {  	s19 =	sadd.s32 $0xFFFFFF5A, s29;
	[tilespmem:s20+$0x0] =	vst v6  }
0x145: {  	v6 =	vadd.s32 s19, v2;
	v4 =	vld.idx.msk [tilespmem:v4+s5+$0x0], $0xffff  }
0x146: {  	s20 =	sadd.s32 $0xFFFFFF5B, s29;
	v5 =	vld.idx.msk [tilespmem:v5+s5+$0x0], $0xffff  }
0x147: {  	v8 =	vadd.s32 s20, v2  }
0x148: {  	s23 =	sadd.s32 $0xFFFFFF5C, s29;
	v7 =	vld.idx.msk [tilespmem:v7+s5+$0x0], $0xffff  }
0x149: {  	v9 =	vadd.s32 s23, v2  }
0x14a: {  	s1 =	sadd.s32 $0xFFFFFF5D, s29;
	v6 =	vld.idx.msk [tilespmem:v6+s5+$0x0], $0xffff  }
0x14b: {  	v10 =	vadd.s32 s1, v2;
	vm0 =	vgt.f32 v5, v4  }
0x14c: {  	s7 =	sadd.s32 $0xFFFFFF5E, s29;
	v8 =	vld.idx.msk [tilespmem:v8+s5+$0x0], $0xffff;
	v4 =	vsel vm0, v5, v4  }
0x14d: {  	v5 =	vadd.s32 s7, v2;
	vm1 =	vgt.f32 v7, v4  }
0x14e: {  	s11 =	sadd.s32 $0xFFFFFF5F, s29;
	v9 =	vld.idx.msk [tilespmem:v9+s5+$0x0], $0xffff;
	v4 =	vsel vm1, v7, v4  }
0x14f: {  	v7 =	vadd.s32 s11, v2;
	vm2 =	vgt.f32 v6, v4  }
0x150: {  	s18 =	sadd.s32 $0xFFFFFF60, s29;
	v10 =	vld.idx.msk [tilespmem:v10+s5+$0x0], $0xffff;
	v4 =	vsel vm2, v6, v4  }
0x151: {  	v6 =	vadd.s32 s18, v2;
	vm3 =	vgt.f32 v8, v4  }
0x152: {  	v5 =	vld.idx.msk [tilespmem:v5+s5+$0x0], $0xffff;
	v4 =	vsel vm3, v8, v4  }
0x153: {  	vm4 =	vgt.f32 v9, v4  }
0x154: {  	v8 =	vsel vm0, $0x1, v3;
	v7 =	vld.idx.msk [tilespmem:v7+s5+$0x0], $0xffff;
	v4 =	vsel vm4, v9, v4  }
0x155: {  	v8 =	vsel vm1, $0x2, v8;
	vm0 =	vgt.f32 v10, v4  }
0x156: {  	v8 =	vsel vm2, $0x3, v8;
	v6 =	vld.idx.msk [tilespmem:v6+s5+$0x0], $0xffff;
	v4 =	vsel vm0, v10, v4  }
0x157: {  	v8 =	vsel vm3, $0x4, v8;
	vm1 =	vgt.f32 v5, v4  }
0x158: {  	s19 =	sadd.s32 $0xFFFFFFF7, s29;
	v8 =	vsel vm4, $0x5, v8;
	v4 =	vsel vm1, v5, v4  }
0x159: {  	s1 =	sadd.s32 $0xFFFFFFF8, s29;
	v5 =	vsel vm0, $0x6, v8;
	v8 =	vadd.s32 s19, v2;
	vm0 =	vgt.f32 v7, v4  }
0x15a: {  	v5 =	vsel vm1, $0x7, v5;
	v4 =	vsel vm0, v7, v4;
	v7 =	vadd.s32 s1, v2  }
0x15b: {  	s20 =	sadd.s32 $0xFFFFFFF9, s29;
	v5 =	vsel vm0, $0x8, v5;
	vm0 =	vgt.f32 v6, v4  }
0x15c: {  	s1 =	sadd.s32 $0x20, s24;
	v4 =	vadd.s32 s20, v2;
	v5 =	vsel vm0, $0x9, v5  }
0x15d: {  	s23 =	sadd.s32 $0xFFFFFFFA, s29;
	[tilespmem:s1+$0xFFFFFFF0] =	vst v5  }
0x15e: {  	v5 =	vadd.s32 s23, v2;
	v6 =	vld.idx.msk [tilespmem:v8+s5+$0x0], $0xffff  }
0x15f: {  	s24 =	sadd.s32 $0xFFFFFFFB, s29;
	v7 =	vld.idx.msk [tilespmem:v7+s5+$0x0], $0xffff  }
0x160: {  	v8 =	vadd.s32 s24, v2  }
0x161: {  	s7 =	sadd.s32 $0xFFFFFFFC, s29;
	v4 =	vld.idx.msk [tilespmem:v4+s5+$0x0], $0xffff  }
0x162: {  	v57 =	vadd.s32 s7, v2  }
0x163: {  	s11 =	sadd.s32 $0xFFFFFFFD, s29;
	v5 =	vld.idx.msk [tilespmem:v5+s5+$0x0], $0xffff  }
0x164: {  	v58 =	vadd.s32 s11, v2;
	vm0 =	vgt.f32 v7, v6  }
0x165: {  	s18 =	sadd.s32 $0xFFFFFFFE, s29;
	v8 =	vld.idx.msk [tilespmem:v8+s5+$0x0], $0xffff;
	v6 =	vsel vm0, v7, v6  }
0x166: {  	v7 =	vadd.s32 s18, v2;
	vm1 =	vgt.f32 v4, v6  }
0x167: {  	s19 =	sadd.s32 $0xFFFFFFFF, s29;
	v9 =	vld.idx.msk [tilespmem:v57+s5+$0x0], $0xffff;
	v4 =	vsel vm1, v4, v6  }
0x168: {  	v6 =	vadd.s32 s19, v2;
	vm2 =	vgt.f32 v5, v4  }
0x169: {  	v10 =	vld.idx.msk [tilespmem:v58+s5+$0x0], $0xffff;
	v4 =	vsel vm2, v5, v4  }
0x16a: {  	v5 =	vadd.s32 s29, v2;
	vm3 =	vgt.f32 v8, v4  }
0x16b: {  	v7 =	vld.idx.msk [tilespmem:v7+s5+$0x0], $0xffff;
	v4 =	vsel vm3, v8, v4  }
0x16c: {  	vm13 =	vgt.f32 v9, v4  }
0x16d: {  	v8 =	vsel vm0, $0x1, v3;
	v6 =	vld.idx.msk [tilespmem:v6+s5+$0x0], $0xffff;
	v4 =	vsel vm13, v9, v4  }
0x16e: {  	v8 =	vsel vm1, $0x2, v8;
	vm0 =	vgt.f32 v10, v4  }
0x16f: {  	v8 =	vsel vm2, $0x3, v8;
	v5 =	vld.idx.msk [tilespmem:v5+s5+$0x0], $0xffff;
	v4 =	vsel vm0, v10, v4  }
0x170: {  	v8 =	vsel vm3, $0x4, v8;
	vm1 =	vgt.f32 v7, v4  }
0x171: {  	v8 =	vsel vm13, $0x5, v8;
	v4 =	vsel vm1, v7, v4  }
0x172: {  	v7 =	vsel vm0, $0x6, v8;
	vm0 =	vgt.f32 v6, v4  }
0x173: {  	v7 =	vsel vm1, $0x7, v7;
	v4 =	vsel vm0, v6, v4  }
0x174: {  	v6 =	vsel vm0, $0x8, v7;
	vm0 =	vgt.f32 v5, v4  }
0x175: {  	s20 =	simm.s32 $0x0;
	v4 =	vsel vm0, $0x9, v6  }
0x176: {  	s23 =	sadd.s32 $0x190, s28;
	s24 =	simm.s32 $0x1;
	[tilespmem:s1+$0x0] =	vst v4;
	v4 =	vadd.s32 s20, v2  }
0x177: {  	v5 =	vadd.s32 s24, v2;
	[tilespmem:s5], [sflag:$0x3] =	stream.linear.gather [hbm4b:s23+s9], $0x640, $0x38;
	[tilespmem:$0x1F780] =	vst v63  }
0x178: {  	s7 =	simm.s32 $0x2;
	_ =	swait.ge [sflag:s3], $0x640  }
0x179: {  	v6 =	vadd.s32 s7, v2;
	[sflag:s3] =	ssyncset.done $0x0  }
0x17a: {  	s11 =	simm.s32 $0x3;
	[sflag:s3] =	ssyncadd.s32 $0xFFFFF9C0  }
0x17b: {  	v7 =	vadd.s32 s11, v2;
	v4 =	vld.idx.msk [tilespmem:v4+s5+$0x0], $0xffff  }
0x17c: {  	s18 =	simm.s32 $0x4;
	v5 =	vld.idx.msk [tilespmem:v5+s5+$0x0], $0xffff  }
0x17d: {  	v8 =	vadd.s32 s18, v2  }
0x17e: {  	s19 =	simm.s32 $0x5;
	v6 =	vld.idx.msk [tilespmem:v6+s5+$0x0], $0xffff  }
0x17f: {  	v59 =	vadd.s32 s19, v2  }
0x180: {  	s20 =	simm.s32 $0x6;
	v7 =	vld.idx.msk [tilespmem:v7+s5+$0x0], $0xffff  }
0x181: {  	v60 =	vadd.s32 s20, v2;
	vm0 =	vgt.f32 v5, v4  }
0x182: {  	s23 =	simm.s32 $0x7;
	v8 =	vld.idx.msk [tilespmem:v8+s5+$0x0], $0xffff;
	v4 =	vsel vm0, v5, v4  }
0x183: {  	v5 =	vadd.s32 s23, v2;
	vm1 =	vgt.f32 v6, v4  }
0x184: {  	s24 =	simm.s32 $0x8;
	v9 =	vld.idx.msk [tilespmem:v59+s5+$0x0], $0xffff;
	v4 =	vsel vm1, v6, v4  }
0x185: {  	v6 =	vadd.s32 s24, v2;
	vm2 =	vgt.f32 v7, v4  }
0x186: {  	s1 =	simm.s32 $0x9;
	v10 =	vld.idx.msk [tilespmem:v60+s5+$0x0], $0xffff;
	v4 =	vsel vm2, v7, v4  }
0x187: {  	v7 =	vadd.s32 s1, v2;
	vm3 =	vgt.f32 v8, v4  }
0x188: {  	v5 =	vld.idx.msk [tilespmem:v5+s5+$0x0], $0xffff;
	v4 =	vsel vm3, v8, v4  }
0x189: {  	vm14 =	vgt.f32 v9, v4  }
0x18a: {  	v8 =	vsel vm0, $0x1, v3;
	v6 =	vld.idx.msk [tilespmem:v6+s5+$0x0], $0xffff;
	v4 =	vsel vm14, v9, v4  }
0x18b: {  	v8 =	vsel vm1, $0x2, v8;
	vm0 =	vgt.f32 v10, v4  }
0x18c: {  	v8 =	vsel vm2, $0x3, v8;
	v7 =	vld.idx.msk [tilespmem:v7+s5+$0x0], $0xffff;
	v4 =	vsel vm0, v10, v4  }
0x18d: {  	v8 =	vsel vm3, $0x4, v8;
	vm1 =	vgt.f32 v5, v4  }
0x18e: {  	s7 =	simm.s32 $0xA0;
	v8 =	vsel vm14, $0x5, v8;
	v4 =	vsel vm1, v5, v4  }
0x18f: {  	s11 =	simm.s32 $0xA1;
	v5 =	vsel vm0, $0x6, v8;
	v8 =	vadd.s32 s7, v2;
	vm0 =	vgt.f32 v6, v4  }
0x190: {  	v5 =	vsel vm1, $0x7, v5;
	v4 =	vsel vm0, v6, v4;
	v6 =	vadd.s32 s11, v2  }
0x191: {  	s18 =	simm.s32 $0xA2;
	v5 =	vsel vm0, $0x8, v5;
	vm0 =	vgt.f32 v7, v4  }
0x192: {  	s24 =	simm.s32 $0x1E350;
	v4 =	vadd.s32 s18, v2;
	v5 =	vsel vm0, $0x9, v5  }
0x193: {  	s19 =	simm.s32 $0xA3;
	[tilespmem:s24+$0xFFFFFFF0] =	vst v5  }
0x194: {  	v5 =	vadd.s32 s19, v2;
	v7 =	vld.idx.msk [tilespmem:v8+s5+$0x0], $0xffff  }
0x195: {  	s20 =	simm.s32 $0xA4;
	v6 =	vld.idx.msk [tilespmem:v6+s5+$0x0], $0xffff  }
0x196: {  	v8 =	vadd.s32 s20, v2  }
0x197: {  	s23 =	simm.s32 $0xA5;
	v4 =	vld.idx.msk [tilespmem:v4+s5+$0x0], $0xffff  }
0x198: {  	v61 =	vadd.s32 s23, v2  }
0x199: {  	s1 =	simm.s32 $0xA6;
	v5 =	vld.idx.msk [tilespmem:v5+s5+$0x0], $0xffff  }
0x19a: {  	v62 =	vadd.s32 s1, v2;
	vm0 =	vgt.f32 v6, v7  }
0x19b: {  	s7 =	simm.s32 $0xA7;
	v8 =	vld.idx.msk [tilespmem:v8+s5+$0x0], $0xffff;
	v6 =	vsel vm0, v6, v7  }
0x19c: {  	v7 =	vadd.s32 s7, v2;
	vm1 =	vgt.f32 v4, v6  }
0x19d: {  	s11 =	simm.s32 $0xA8;
	v9 =	vld.idx.msk [tilespmem:v61+s5+$0x0], $0xffff;
	v4 =	vsel vm1, v4, v6  }
0x19e: {  	v6 =	vadd.s32 s11, v2;
	vm2 =	vgt.f32 v5, v4  }
0x19f: {  	s18 =	simm.s32 $0xA9;
	v10 =	vld.idx.msk [tilespmem:v62+s5+$0x0], $0xffff;
	v4 =	vsel vm2, v5, v4  }
0x1a0: {  	v5 =	vadd.s32 s18, v2;
	vm3 =	vgt.f32 v8, v4  }
0x1a1: {  	v7 =	vld.idx.msk [tilespmem:v7+s5+$0x0], $0xffff;
	v4 =	vsel vm3, v8, v4  }
0x1a2: {  	vm15 =	vgt.f32 v9, v4  }
0x1a3: {  	v8 =	vsel vm0, $0x1, v3;
	v6 =	vld.idx.msk [tilespmem:v6+s5+$0x0], $0xffff;
	v4 =	vsel vm15, v9, v4  }
0x1a4: {  	v8 =	vsel vm1, $0x2, v8;
	vm0 =	vgt.f32 v10, v4  }
0x1a5: {  	v63 =	vld.idx.msk [tilespmem:v5+s5+$0x0], $0xffff;
	v5 =	vsel vm2, $0x3, v8;
	v4 =	vsel vm0, v10, v4  }
0x1a6: {  	v5 =	vsel vm3, $0x4, v5;
	vm1 =	vgt.f32 v7, v4  }
0x1a7: {  	s19 =	simm.s32 $0x140;
	v5 =	vsel vm15, $0x5, v5;
	v7 =	vsel vm1, v7, v4  }
0x1a8: {  	s20 =	simm.s32 $0x141;
	v5 =	vsel vm0, $0x6, v5;
	v4 =	vadd.s32 s19, v2;
	vm0 =	vgt.f32 v6, v7  }
0x1a9: {  	s0 =	simm.s32 $0x142;
	v8 =	vsel vm1, $0x7, v5;
	v5 =	vadd.s32 s20, v2;
	v7 =	vsel vm0, v6, v7  }
0x1aa: {  	s29 =	simm.s32 $0x1E9;
	s23 =	simm.s32 $0x2;
	s20 =	simm.s32 $0x1E350;
	v6 =	vsel vm0, $0x8, v8;
	vm0 =	vgt.f32 v63, v7  }
.LBB2_9:
0x1ab: {  	s23 =	sadd.s32 $0x2, s23;
	v7 =	vadd.s32 s0, v2;
	v6 =	vsel vm0, $0x9, v6;
	s24 =	sadd.s32 $0x20, s24  }
0x1ac: {  	s0 =	sadd.s32 $0xFFFFFF5A, s29;
	p0 =	slt.u32 s23, $0x8;
	[tilespmem:s20+$0x0] =	vst v6;
	s20 =	smov.u32 s24  }
0x1ad: {  	v6 =	vadd.s32 s0, v2;
	v4 =	vld.idx.msk [tilespmem:v4+s5+$0x0], $0xffff  }
0x1ae: {  	s0 =	sadd.s32 $0xFFFFFF5B, s29;
	v5 =	vld.idx.msk [tilespmem:v5+s5+$0x0], $0xffff  }
0x1af: {  	v8 =	vadd.s32 s0, v2  }
0x1b0: {  	s0 =	sadd.s32 $0xFFFFFF5C, s29;
	v7 =	vld.idx.msk [tilespmem:v7+s5+$0x0], $0xffff  }
0x1b1: {  	v9 =	vadd.s32 s0, v2  }
0x1b2: {  	s0 =	sadd.s32 $0xFFFFFF5D, s29;
	v6 =	vld.idx.msk [tilespmem:v6+s5+$0x0], $0xffff  }
0x1b3: {  	v10 =	vadd.s32 s0, v2  }
0x1b4: {  	s0 =	sadd.s32 $0xFFFFFF5E, s29;
	vm0 =	vgt.f32 v5, v4;
	v8 =	vld.idx.msk [tilespmem:v8+s5+$0x0], $0xffff  }
0x1b5: {  	v4 =	vsel vm0, v5, v4;
	v5 =	vadd.s32 s0, v2  }
0x1b6: {  	s0 =	sadd.s32 $0xFFFFFF5F, s29;
	vm1 =	vgt.f32 v7, v4;
	v9 =	vld.idx.msk [tilespmem:v9+s5+$0x0], $0xffff  }
0x1b7: {  	v4 =	vsel vm1, v7, v4;
	v7 =	vadd.s32 s0, v2  }
0x1b8: {  	s0 =	sadd.s32 $0xFFFFFF60, s29;
	vm2 =	vgt.f32 v6, v4;
	v10 =	vld.idx.msk [tilespmem:v10+s5+$0x0], $0xffff  }
0x1b9: {  	v4 =	vsel vm2, v6, v4;
	v6 =	vadd.s32 s0, v2  }
0x1ba: {  	vm3 =	vgt.f32 v8, v4;
	v5 =	vld.idx.msk [tilespmem:v5+s5+$0x0], $0xffff  }
0x1bb: {  	v4 =	vsel vm3, v8, v4  }
0x1bc: {  	vm4 =	vgt.f32 v9, v4;
	v7 =	vld.idx.msk [tilespmem:v7+s5+$0x0], $0xffff  }
0x1bd: {  	v8 =	vsel vm0, $0x1, v3;
	v4 =	vsel vm4, v9, v4  }
0x1be: {  	v8 =	vsel vm1, $0x2, v8;
	vm0 =	vgt.f32 v10, v4;
	v6 =	vld.idx.msk [tilespmem:v6+s5+$0x0], $0xffff  }
0x1bf: {  	v8 =	vsel vm2, $0x3, v8;
	v4 =	vsel vm0, v10, v4  }
0x1c0: {  	v8 =	vsel vm3, $0x4, v8;
	vm1 =	vgt.f32 v5, v4  }
0x1c1: {  	s1 =	sadd.s32 $0xFFFFFFF8, s29;
	s0 =	sadd.s32 $0xFFFFFFF7, s29;
	v8 =	vsel vm4, $0x5, v8;
	v4 =	vsel vm1, v5, v4  }
0x1c2: {  	v5 =	vsel vm0, $0x6, v8;
	v8 =	vadd.s32 s0, v2;
	vm0 =	vgt.f32 v7, v4  }
0x1c3: {  	s0 =	sadd.s32 $0xFFFFFFF9, s29;
	v5 =	vsel vm1, $0x7, v5;
	v4 =	vsel vm0, v7, v4;
	v7 =	vadd.s32 s1, v2  }
0x1c4: {  	v5 =	vsel vm0, $0x8, v5;
	vm0 =	vgt.f32 v6, v4;
	v4 =	vadd.s32 s0, v2  }
0x1c5: {  	s0 =	sadd.s32 $0xFFFFFFFA, s29;
	v5 =	vsel vm0, $0x9, v5  }
0x1c6: {  	[tilespmem:s24+$0xFFFFFFF0] =	vst v5;
	v5 =	vadd.s32 s0, v2  }
0x1c7: {  	s0 =	sadd.s32 $0xFFFFFFFB, s29;
	v6 =	vld.idx.msk [tilespmem:v8+s5+$0x0], $0xffff  }
0x1c8: {  	v8 =	vadd.s32 s0, v2;
	v7 =	vld.idx.msk [tilespmem:v7+s5+$0x0], $0xffff  }
0x1c9: {  	s0 =	sadd.s32 $0xFFFFFFFC, s29;
	v4 =	vld.idx.msk [tilespmem:v4+s5+$0x0], $0xffff  }
0x1ca: {  	v9 =	vadd.s32 s0, v2  }
0x1cb: {  	s0 =	sadd.s32 $0xFFFFFFFD, s29;
	v5 =	vld.idx.msk [tilespmem:v5+s5+$0x0], $0xffff  }
0x1cc: {  	v10 =	vadd.s32 s0, v2  }
0x1cd: {  	s0 =	sadd.s32 $0xFFFFFFFE, s29;
	v8 =	vld.idx.msk [tilespmem:v8+s5+$0x0], $0xffff  }
0x1ce: {  	v11 =	vadd.s32 s0, v2;
	vm0 =	vgt.f32 v7, v6  }
0x1cf: {  	s0 =	sadd.s32 $0xFFFFFFFF, s29;
	v6 =	vsel vm0, v7, v6;
	v7 =	vld.idx.msk [tilespmem:v9+s5+$0x0], $0xffff  }
0x1d0: {  	vm1 =	vgt.f32 v4, v6;
	v9 =	vadd.s32 s0, v2  }
0x1d1: {  	v4 =	vsel vm1, v4, v6;
	v6 =	vld.idx.msk [tilespmem:v10+s5+$0x0], $0xffff  }
0x1d2: {  	vm2 =	vgt.f32 v5, v4;
	v10 =	vadd.s32 s29, v2  }
0x1d3: {  	v4 =	vsel vm2, v5, v4;
	v5 =	vld.idx.msk [tilespmem:v11+s5+$0x0], $0xffff  }
0x1d4: {  	vm3 =	vgt.f32 v8, v4  }
0x1d5: {  	v4 =	vsel vm3, v8, v4;
	v8 =	vld.idx.msk [tilespmem:v9+s5+$0x0], $0xffff  }
0x1d6: {  	v9 =	vsel vm0, $0x1, v3;
	vm0 =	vgt.f32 v7, v4  }
0x1d7: {  	v9 =	vsel vm1, $0x2, v9;
	v4 =	vsel vm0, v7, v4;
	v7 =	vld.idx.msk [tilespmem:v10+s5+$0x0], $0xffff  }
0x1d8: {  	v9 =	vsel vm2, $0x3, v9;
	vm1 =	vgt.f32 v6, v4  }
0x1d9: {  	s29 =	sadd.s32 $0x140, s29;
	v9 =	vsel vm3, $0x4, v9;
	v4 =	vsel vm1, v6, v4  }
.Ltmp3:
0x1da: {  	v6 =	vsel vm0, $0x5, v9;
	vm0 =	vgt.f32 v5, v4;
	(pc) =	sbr.rel @p0 .LBB2_9-.Ltmp3, $4  }
0x1db: {  	s0 =	sadd.s32 $0xFFFFFF57, s29;
	v6 =	vsel vm1, $0x6, v6;
	v9 =	vsel vm0, v5, v4  }
0x1dc: {  	v4 =	vadd.s32 s0, v2;
	s0 =	sadd.s32 $0xFFFFFF58, s29;
	v6 =	vsel vm0, $0x7, v6;
	vm0 =	vgt.f32 v8, v9  }
0x1dd: {  	v5 =	vadd.s32 s0, v2;
	v6 =	vsel vm0, $0x8, v6;
	v8 =	vsel vm0, v8, v9  }
0x1de: {  	s0 =	sadd.s32 $0xFFFFFF59, s29;
	vm0 =	vgt.f32 v7, v8  }
0x1df: {  	_ =	sdelay $0x1  }
0x1e0: {  	v7 =	vadd.s32 s0, v2;
	v6 =	vsel vm0, $0x9, v6  }
0x1e1: {  	s23 =	sadd.s32 $0xFFFFFF5A, s29;
	[tilespmem:s20+$0x0] =	vst v6  }
0x1e2: {  	v6 =	vadd.s32 s23, v2;
	v4 =	vld.idx.msk [tilespmem:v4+s5+$0x0], $0xffff  }
0x1e3: {  	s1 =	sadd.s32 $0xFFFFFF5B, s29;
	v5 =	vld.idx.msk [tilespmem:v5+s5+$0x0], $0xffff  }
0x1e4: {  	v8 =	vadd.s32 s1, v2  }
0x1e5: {  	s7 =	sadd.s32 $0xFFFFFF5C, s29;
	v7 =	vld.idx.msk [tilespmem:v7+s5+$0x0], $0xffff  }
0x1e6: {  	v9 =	vadd.s32 s7, v2  }
0x1e7: {  	s11 =	sadd.s32 $0xFFFFFF5D, s29;
	v6 =	vld.idx.msk [tilespmem:v6+s5+$0x0], $0xffff  }
0x1e8: {  	v10 =	vadd.s32 s11, v2;
	vm0 =	vgt.f32 v5, v4  }
0x1e9: {  	s18 =	sadd.s32 $0xFFFFFF5E, s29;
	v8 =	vld.idx.msk [tilespmem:v8+s5+$0x0], $0xffff;
	v4 =	vsel vm0, v5, v4  }
0x1ea: {  	v5 =	vadd.s32 s18, v2;
	vm1 =	vgt.f32 v7, v4  }
0x1eb: {  	s19 =	sadd.s32 $0xFFFFFF5F, s29;
	v9 =	vld.idx.msk [tilespmem:v9+s5+$0x0], $0xffff;
	v4 =	vsel vm1, v7, v4  }
0x1ec: {  	v7 =	vadd.s32 s19, v2;
	vm2 =	vgt.f32 v6, v4  }
0x1ed: {  	s20 =	sadd.s32 $0xFFFFFF60, s29;
	v10 =	vld.idx.msk [tilespmem:v10+s5+$0x0], $0xffff;
	v4 =	vsel vm2, v6, v4  }
0x1ee: {  	v6 =	vadd.s32 s20, v2;
	vm3 =	vgt.f32 v8, v4  }
0x1ef: {  	v5 =	vld.idx.msk [tilespmem:v5+s5+$0x0], $0xffff;
	v4 =	vsel vm3, v8, v4  }
0x1f0: {  	vm4 =	vgt.f32 v9, v4  }
0x1f1: {  	v8 =	vsel vm0, $0x1, v3;
	v7 =	vld.idx.msk [tilespmem:v7+s5+$0x0], $0xffff;
	v4 =	vsel vm4, v9, v4  }
0x1f2: {  	v8 =	vsel vm1, $0x2, v8;
	vm0 =	vgt.f32 v10, v4  }
0x1f3: {  	v8 =	vsel vm2, $0x3, v8;
	v6 =	vld.idx.msk [tilespmem:v6+s5+$0x0], $0xffff;
	v4 =	vsel vm0, v10, v4  }
0x1f4: {  	v8 =	vsel vm3, $0x4, v8;
	vm1 =	vgt.f32 v5, v4  }
0x1f5: {  	s23 =	sadd.s32 $0xFFFFFFF7, s29;
	v8 =	vsel vm4, $0x5, v8;
	v4 =	vsel vm1, v5, v4  }
0x1f6: {  	s1 =	sadd.s32 $0xFFFFFFF8, s29;
	v5 =	vsel vm0, $0x6, v8;
	v8 =	vadd.s32 s23, v2;
	vm0 =	vgt.f32 v7, v4  }
0x1f7: {  	v5 =	vsel vm1, $0x7, v5;
	v4 =	vsel vm0, v7, v4;
	v7 =	vadd.s32 s1, v2  }
0x1f8: {  	s7 =	sadd.s32 $0xFFFFFFF9, s29;
	v5 =	vsel vm0, $0x8, v5;
	vm0 =	vgt.f32 v6, v4  }
0x1f9: {  	s1 =	sadd.s32 $0x20, s24;
	v4 =	vadd.s32 s7, v2;
	v5 =	vsel vm0, $0x9, v5  }
0x1fa: {  	s11 =	sadd.s32 $0xFFFFFFFA, s29;
	[tilespmem:s1+$0xFFFFFFF0] =	vst v5  }
0x1fb: {  	v5 =	vadd.s32 s11, v2;
	v6 =	vld.idx.msk [tilespmem:v8+s5+$0x0], $0xffff  }
0x1fc: {  	s18 =	sadd.s32 $0xFFFFFFFB, s29;
	v7 =	vld.idx.msk [tilespmem:v7+s5+$0x0], $0xffff  }
0x1fd: {  	v8 =	vadd.s32 s18, v2  }
0x1fe: {  	s19 =	sadd.s32 $0xFFFFFFFC, s29;
	v4 =	vld.idx.msk [tilespmem:v4+s5+$0x0], $0xffff  }
0x1ff: {  	v57 =	vadd.s32 s19, v2  }
0x200: {  	s20 =	sadd.s32 $0xFFFFFFFD, s29;
	v5 =	vld.idx.msk [tilespmem:v5+s5+$0x0], $0xffff  }
0x201: {  	v58 =	vadd.s32 s20, v2;
	vm0 =	vgt.f32 v7, v6  }
0x202: {  	s23 =	sadd.s32 $0xFFFFFFFE, s29;
	v8 =	vld.idx.msk [tilespmem:v8+s5+$0x0], $0xffff;
	v6 =	vsel vm0, v7, v6  }
0x203: {  	v7 =	vadd.s32 s23, v2;
	vm1 =	vgt.f32 v4, v6  }
0x204: {  	s24 =	sadd.s32 $0xFFFFFFFF, s29;
	v9 =	vld.idx.msk [tilespmem:v57+s5+$0x0], $0xffff;
	v4 =	vsel vm1, v4, v6  }
0x205: {  	v6 =	vadd.s32 s24, v2;
	vm2 =	vgt.f32 v5, v4  }
0x206: {  	v10 =	vld.idx.msk [tilespmem:v58+s5+$0x0], $0xffff;
	v4 =	vsel vm2, v5, v4  }
0x207: {  	v5 =	vadd.s32 s29, v2;
	vm3 =	vgt.f32 v8, v4  }
0x208: {  	v7 =	vld.idx.msk [tilespmem:v7+s5+$0x0], $0xffff;
	v4 =	vsel vm3, v8, v4  }
0x209: {  	vm13 =	vgt.f32 v9, v4  }
0x20a: {  	v8 =	vsel vm0, $0x1, v3;
	v6 =	vld.idx.msk [tilespmem:v6+s5+$0x0], $0xffff;
	v4 =	vsel vm13, v9, v4  }
0x20b: {  	v8 =	vsel vm1, $0x2, v8;
	vm0 =	vgt.f32 v10, v4  }
0x20c: {  	v8 =	vsel vm2, $0x3, v8;
	v5 =	vld.idx.msk [tilespmem:v5+s5+$0x0], $0xffff;
	v4 =	vsel vm0, v10, v4  }
0x20d: {  	v8 =	vsel vm3, $0x4, v8;
	vm1 =	vgt.f32 v7, v4  }
0x20e: {  	v8 =	vsel vm13, $0x5, v8;
	v4 =	vsel vm1, v7, v4  }
0x20f: {  	v7 =	vsel vm0, $0x6, v8;
	vm0 =	vgt.f32 v6, v4  }
0x210: {  	v7 =	vsel vm1, $0x7, v7;
	v4 =	vsel vm0, v6, v4  }
0x211: {  	v6 =	vsel vm0, $0x8, v7;
	vm0 =	vgt.f32 v5, v4  }
0x212: {  	s7 =	simm.s32 $0x0;
	v4 =	vsel vm0, $0x9, v6  }
0x213: {  	s11 =	sadd.s32 $0x258, s28;
	s18 =	simm.s32 $0x1;
	[tilespmem:s1+$0x0] =	vst v4;
	v4 =	vadd.s32 s7, v2  }
0x214: {  	v5 =	vadd.s32 s18, v2;
	[tilespmem:s5], [sflag:$0x3] =	stream.linear.gather [hbm4b:s11+s9], $0x640, $0x38;
	[tilespmem:$0x1F780] =	vst v63  }
0x215: {  	s19 =	simm.s32 $0x2;
	_ =	swait.ge [sflag:s3], $0x640  }
0x216: {  	v6 =	vadd.s32 s19, v2;
	[sflag:s3] =	ssyncset.done $0x0  }
0x217: {  	s20 =	simm.s32 $0x3;
	[sflag:s3] =	ssyncadd.s32 $0xFFFFF9C0  }
0x218: {  	v7 =	vadd.s32 s20, v2;
	v4 =	vld.idx.msk [tilespmem:v4+s5+$0x0], $0xffff  }
0x219: {  	s23 =	simm.s32 $0x4;
	v5 =	vld.idx.msk [tilespmem:v5+s5+$0x0], $0xffff  }
0x21a: {  	v8 =	vadd.s32 s23, v2  }
0x21b: {  	s24 =	simm.s32 $0x5;
	v6 =	vld.idx.msk [tilespmem:v6+s5+$0x0], $0xffff  }
0x21c: {  	v59 =	vadd.s32 s24, v2  }
0x21d: {  	s29 =	simm.s32 $0x6;
	v7 =	vld.idx.msk [tilespmem:v7+s5+$0x0], $0xffff  }
0x21e: {  	v60 =	vadd.s32 s29, v2;
	vm0 =	vgt.f32 v5, v4  }
0x21f: {  	s1 =	simm.s32 $0x7;
	v8 =	vld.idx.msk [tilespmem:v8+s5+$0x0], $0xffff;
	v4 =	vsel vm0, v5, v4  }
0x220: {  	v5 =	vadd.s32 s1, v2;
	vm1 =	vgt.f32 v6, v4  }
0x221: {  	s7 =	simm.s32 $0x8;
	v9 =	vld.idx.msk [tilespmem:v59+s5+$0x0], $0xffff;
	v4 =	vsel vm1, v6, v4  }
0x222: {  	v6 =	vadd.s32 s7, v2;
	vm2 =	vgt.f32 v7, v4  }
0x223: {  	s11 =	simm.s32 $0x9;
	v10 =	vld.idx.msk [tilespmem:v60+s5+$0x0], $0xffff;
	v4 =	vsel vm2, v7, v4  }
0x224: {  	v7 =	vadd.s32 s11, v2;
	vm3 =	vgt.f32 v8, v4  }
0x225: {  	v5 =	vld.idx.msk [tilespmem:v5+s5+$0x0], $0xffff;
	v4 =	vsel vm3, v8, v4  }
0x226: {  	vm14 =	vgt.f32 v9, v4  }
0x227: {  	v8 =	vsel vm0, $0x1, v3;
	v6 =	vld.idx.msk [tilespmem:v6+s5+$0x0], $0xffff;
	v4 =	vsel vm14, v9, v4  }
0x228: {  	v8 =	vsel vm1, $0x2, v8;
	vm0 =	vgt.f32 v10, v4  }
0x229: {  	v8 =	vsel vm2, $0x3, v8;
	v7 =	vld.idx.msk [tilespmem:v7+s5+$0x0], $0xffff;
	v4 =	vsel vm0, v10, v4  }
0x22a: {  	v8 =	vsel vm3, $0x4, v8;
	vm1 =	vgt.f32 v5, v4  }
0x22b: {  	s18 =	simm.s32 $0xA0;
	v8 =	vsel vm14, $0x5, v8;
	v4 =	vsel vm1, v5, v4  }
0x22c: {  	s19 =	simm.s32 $0xA1;
	v5 =	vsel vm0, $0x6, v8;
	v8 =	vadd.s32 s18, v2;
	vm0 =	vgt.f32 v6, v4  }
0x22d: {  	v5 =	vsel vm1, $0x7, v5;
	v4 =	vsel vm0, v6, v4;
	v6 =	vadd.s32 s19, v2  }
0x22e: {  	s20 =	simm.s32 $0xA2;
	v5 =	vsel vm0, $0x8, v5;
	vm0 =	vgt.f32 v7, v4  }
0x22f: {  	s24 =	simm.s32 $0x1E3F0;
	v4 =	vadd.s32 s20, v2;
	v5 =	vsel vm0, $0x9, v5  }
0x230: {  	s23 =	simm.s32 $0xA3;
	[tilespmem:s24+$0xFFFFFFF0] =	vst v5  }
0x231: {  	v5 =	vadd.s32 s23, v2;
	v7 =	vld.idx.msk [tilespmem:v8+s5+$0x0], $0xffff  }
0x232: {  	s29 =	simm.s32 $0xA4;
	v6 =	vld.idx.msk [tilespmem:v6+s5+$0x0], $0xffff  }
0x233: {  	v8 =	vadd.s32 s29, v2  }
0x234: {  	s1 =	simm.s32 $0xA5;
	v4 =	vld.idx.msk [tilespmem:v4+s5+$0x0], $0xffff  }
0x235: {  	v61 =	vadd.s32 s1, v2  }
0x236: {  	s7 =	simm.s32 $0xA6;
	v5 =	vld.idx.msk [tilespmem:v5+s5+$0x0], $0xffff  }
0x237: {  	v62 =	vadd.s32 s7, v2;
	vm0 =	vgt.f32 v6, v7  }
0x238: {  	s11 =	simm.s32 $0xA7;
	v8 =	vld.idx.msk [tilespmem:v8+s5+$0x0], $0xffff;
	v6 =	vsel vm0, v6, v7  }
0x239: {  	v7 =	vadd.s32 s11, v2;
	vm1 =	vgt.f32 v4, v6  }
0x23a: {  	s18 =	simm.s32 $0xA8;
	v9 =	vld.idx.msk [tilespmem:v61+s5+$0x0], $0xffff;
	v4 =	vsel vm1, v4, v6  }
0x23b: {  	v6 =	vadd.s32 s18, v2;
	vm2 =	vgt.f32 v5, v4  }
0x23c: {  	s19 =	simm.s32 $0xA9;
	v10 =	vld.idx.msk [tilespmem:v62+s5+$0x0], $0xffff;
	v4 =	vsel vm2, v5, v4  }
0x23d: {  	v5 =	vadd.s32 s19, v2;
	vm3 =	vgt.f32 v8, v4  }
0x23e: {  	v7 =	vld.idx.msk [tilespmem:v7+s5+$0x0], $0xffff;
	v4 =	vsel vm3, v8, v4  }
0x23f: {  	vm15 =	vgt.f32 v9, v4  }
0x240: {  	v8 =	vsel vm0, $0x1, v3;
	v6 =	vld.idx.msk [tilespmem:v6+s5+$0x0], $0xffff;
	v4 =	vsel vm15, v9, v4  }
0x241: {  	v8 =	vsel vm1, $0x2, v8;
	vm0 =	vgt.f32 v10, v4  }
0x242: {  	v63 =	vld.idx.msk [tilespmem:v5+s5+$0x0], $0xffff;
	v5 =	vsel vm2, $0x3, v8;
	v4 =	vsel vm0, v10, v4  }
0x243: {  	v5 =	vsel vm3, $0x4, v5;
	vm1 =	vgt.f32 v7, v4  }
0x244: {  	s20 =	simm.s32 $0x140;
	v5 =	vsel vm15, $0x5, v5;
	v7 =	vsel vm1, v7, v4  }
0x245: {  	s29 =	simm.s32 $0x141;
	v5 =	vsel vm0, $0x6, v5;
	v4 =	vadd.s32 s20, v2;
	vm0 =	vgt.f32 v6, v7  }
0x246: {  	s0 =	simm.s32 $0x142;
	v8 =	vsel vm1, $0x7, v5;
	v5 =	vadd.s32 s29, v2;
	v7 =	vsel vm0, v6, v7  }
0x247: {  	s28 =	simm.s32 $0x1E9;
	s23 =	simm.s32 $0x2;
	s20 =	simm.s32 $0x1E3F0;
	v6 =	vsel vm0, $0x8, v8;
	vm0 =	vgt.f32 v63, v7  }
.LBB2_11:
0x248: {  	s23 =	sadd.s32 $0x2, s23;
	v7 =	vadd.s32 s0, v2;
	v6 =	vsel vm0, $0x9, v6;
	s24 =	sadd.s32 $0x20, s24  }
0x249: {  	s0 =	sadd.s32 $0xFFFFFF5A, s28;
	p0 =	slt.u32 s23, $0x8;
	[tilespmem:s20+$0x0] =	vst v6;
	s20 =	smov.u32 s24  }
0x24a: {  	v6 =	vadd.s32 s0, v2;
	v4 =	vld.idx.msk [tilespmem:v4+s5+$0x0], $0xffff  }
0x24b: {  	s0 =	sadd.s32 $0xFFFFFF5B, s28;
	v5 =	vld.idx.msk [tilespmem:v5+s5+$0x0], $0xffff  }
0x24c: {  	v8 =	vadd.s32 s0, v2  }
0x24d: {  	s0 =	sadd.s32 $0xFFFFFF5C, s28;
	v7 =	vld.idx.msk [tilespmem:v7+s5+$0x0], $0xffff  }
0x24e: {  	v9 =	vadd.s32 s0, v2  }
0x24f: {  	s0 =	sadd.s32 $0xFFFFFF5D, s28;
	v6 =	vld.idx.msk [tilespmem:v6+s5+$0x0], $0xffff  }
0x250: {  	v10 =	vadd.s32 s0, v2  }
0x251: {  	s0 =	sadd.s32 $0xFFFFFF5E, s28;
	vm0 =	vgt.f32 v5, v4;
	v8 =	vld.idx.msk [tilespmem:v8+s5+$0x0], $0xffff  }
0x252: {  	v4 =	vsel vm0, v5, v4;
	v5 =	vadd.s32 s0, v2  }
0x253: {  	s0 =	sadd.s32 $0xFFFFFF5F, s28;
	vm1 =	vgt.f32 v7, v4;
	v9 =	vld.idx.msk [tilespmem:v9+s5+$0x0], $0xffff  }
0x254: {  	v4 =	vsel vm1, v7, v4;
	v7 =	vadd.s32 s0, v2  }
0x255: {  	s0 =	sadd.s32 $0xFFFFFF60, s28;
	vm2 =	vgt.f32 v6, v4;
	v10 =	vld.idx.msk [tilespmem:v10+s5+$0x0], $0xffff  }
0x256: {  	v4 =	vsel vm2, v6, v4;
	v6 =	vadd.s32 s0, v2  }
0x257: {  	vm3 =	vgt.f32 v8, v4;
	v5 =	vld.idx.msk [tilespmem:v5+s5+$0x0], $0xffff  }
0x258: {  	v4 =	vsel vm3, v8, v4  }
0x259: {  	vm4 =	vgt.f32 v9, v4;
	v7 =	vld.idx.msk [tilespmem:v7+s5+$0x0], $0xffff  }
0x25a: {  	v8 =	vsel vm0, $0x1, v3;
	v4 =	vsel vm4, v9, v4  }
0x25b: {  	v8 =	vsel vm1, $0x2, v8;
	vm0 =	vgt.f32 v10, v4;
	v6 =	vld.idx.msk [tilespmem:v6+s5+$0x0], $0xffff  }
0x25c: {  	v8 =	vsel vm2, $0x3, v8;
	v4 =	vsel vm0, v10, v4  }
0x25d: {  	v8 =	vsel vm3, $0x4, v8;
	vm1 =	vgt.f32 v5, v4  }
0x25e: {  	s1 =	sadd.s32 $0xFFFFFFF8, s28;
	s0 =	sadd.s32 $0xFFFFFFF7, s28;
	v8 =	vsel vm4, $0x5, v8;
	v4 =	vsel vm1, v5, v4  }
0x25f: {  	v5 =	vsel vm0, $0x6, v8;
	v8 =	vadd.s32 s0, v2;
	vm0 =	vgt.f32 v7, v4  }
0x260: {  	s0 =	sadd.s32 $0xFFFFFFF9, s28;
	v5 =	vsel vm1, $0x7, v5;
	v4 =	vsel vm0, v7, v4;
	v7 =	vadd.s32 s1, v2  }
0x261: {  	v5 =	vsel vm0, $0x8, v5;
	vm0 =	vgt.f32 v6, v4;
	v4 =	vadd.s32 s0, v2  }
0x262: {  	s0 =	sadd.s32 $0xFFFFFFFA, s28;
	v5 =	vsel vm0, $0x9, v5  }
0x263: {  	[tilespmem:s24+$0xFFFFFFF0] =	vst v5;
	v5 =	vadd.s32 s0, v2  }
0x264: {  	s0 =	sadd.s32 $0xFFFFFFFB, s28;
	v6 =	vld.idx.msk [tilespmem:v8+s5+$0x0], $0xffff  }
0x265: {  	v8 =	vadd.s32 s0, v2;
	v7 =	vld.idx.msk [tilespmem:v7+s5+$0x0], $0xffff  }
0x266: {  	s0 =	sadd.s32 $0xFFFFFFFC, s28;
	v4 =	vld.idx.msk [tilespmem:v4+s5+$0x0], $0xffff  }
0x267: {  	v9 =	vadd.s32 s0, v2  }
0x268: {  	s0 =	sadd.s32 $0xFFFFFFFD, s28;
	v5 =	vld.idx.msk [tilespmem:v5+s5+$0x0], $0xffff  }
0x269: {  	v10 =	vadd.s32 s0, v2  }
0x26a: {  	s0 =	sadd.s32 $0xFFFFFFFE, s28;
	v8 =	vld.idx.msk [tilespmem:v8+s5+$0x0], $0xffff  }
0x26b: {  	v11 =	vadd.s32 s0, v2;
	vm0 =	vgt.f32 v7, v6  }
0x26c: {  	s0 =	sadd.s32 $0xFFFFFFFF, s28;
	v6 =	vsel vm0, v7, v6;
	v7 =	vld.idx.msk [tilespmem:v9+s5+$0x0], $0xffff  }
0x26d: {  	vm1 =	vgt.f32 v4, v6;
	v9 =	vadd.s32 s0, v2  }
0x26e: {  	v4 =	vsel vm1, v4, v6;
	v6 =	vld.idx.msk [tilespmem:v10+s5+$0x0], $0xffff  }
0x26f: {  	vm2 =	vgt.f32 v5, v4;
	v10 =	vadd.s32 s28, v2  }
0x270: {  	v4 =	vsel vm2, v5, v4;
	v5 =	vld.idx.msk [tilespmem:v11+s5+$0x0], $0xffff  }
0x271: {  	vm3 =	vgt.f32 v8, v4  }
0x272: {  	v4 =	vsel vm3, v8, v4;
	v8 =	vld.idx.msk [tilespmem:v9+s5+$0x0], $0xffff  }
0x273: {  	v9 =	vsel vm0, $0x1, v3;
	vm0 =	vgt.f32 v7, v4  }
0x274: {  	v9 =	vsel vm1, $0x2, v9;
	v4 =	vsel vm0, v7, v4;
	v7 =	vld.idx.msk [tilespmem:v10+s5+$0x0], $0xffff  }
0x275: {  	v9 =	vsel vm2, $0x3, v9;
	vm1 =	vgt.f32 v6, v4  }
0x276: {  	s28 =	sadd.s32 $0x140, s28;
	v9 =	vsel vm3, $0x4, v9;
	v4 =	vsel vm1, v6, v4  }
.Ltmp4:
0x277: {  	v6 =	vsel vm0, $0x5, v9;
	vm0 =	vgt.f32 v5, v4;
	(pc) =	sbr.rel @p0 .LBB2_11-.Ltmp4, $4  }
0x278: {  	s0 =	sadd.s32 $0xFFFFFF57, s28;
	v6 =	vsel vm1, $0x6, v6;
	v9 =	vsel vm0, v5, v4  }
0x279: {  	v4 =	vadd.s32 s0, v2;
	s0 =	sadd.s32 $0xFFFFFF58, s28;
	v6 =	vsel vm0, $0x7, v6;
	vm0 =	vgt.f32 v8, v9  }
0x27a: {  	v5 =	vadd.s32 s0, v2;
	v6 =	vsel vm0, $0x8, v6;
	v8 =	vsel vm0, v8, v9  }
0x27b: {  	s0 =	sadd.s32 $0xFFFFFF59, s28;
	vm0 =	vgt.f32 v7, v8  }
0x27c: {  	_ =	sdelay $0x1  }
0x27d: {  	v7 =	vadd.s32 s0, v2;
	v6 =	vsel vm0, $0x9, v6  }
0x27e: {  	s23 =	sadd.s32 $0xFFFFFF5A, s28;
	[tilespmem:s20+$0x0] =	vst v6  }
0x27f: {  	v6 =	vadd.s32 s23, v2;
	v4 =	vld.idx.msk [tilespmem:v4+s5+$0x0], $0xffff  }
0x280: {  	s29 =	sadd.s32 $0xFFFFFF5B, s28;
	v5 =	vld.idx.msk [tilespmem:v5+s5+$0x0], $0xffff  }
0x281: {  	v8 =	vadd.s32 s29, v2  }
0x282: {  	s1 =	sadd.s32 $0xFFFFFF5C, s28;
	v7 =	vld.idx.msk [tilespmem:v7+s5+$0x0], $0xffff  }
0x283: {  	v9 =	vadd.s32 s1, v2  }
0x284: {  	s7 =	sadd.s32 $0xFFFFFF5D, s28;
	v6 =	vld.idx.msk [tilespmem:v6+s5+$0x0], $0xffff  }
0x285: {  	v10 =	vadd.s32 s7, v2;
	vm14 =	vgt.f32 v5, v4  }
0x286: {  	s11 =	sadd.s32 $0xFFFFFF5E, s28;
	v8 =	vld.idx.msk [tilespmem:v8+s5+$0x0], $0xffff;
	v4 =	vsel vm14, v5, v4  }
0x287: {  	v5 =	vadd.s32 s11, v2;
	vm1 =	vgt.f32 v7, v4  }
0x288: {  	s18 =	sadd.s32 $0xFFFFFF5F, s28;
	v9 =	vld.idx.msk [tilespmem:v9+s5+$0x0], $0xffff;
	v4 =	vsel vm1, v7, v4  }
0x289: {  	v7 =	vadd.s32 s18, v2;
	vm2 =	vgt.f32 v6, v4  }
0x28a: {  	s19 =	sadd.s32 $0xFFFFFF60, s28;
	v10 =	vld.idx.msk [tilespmem:v10+s5+$0x0], $0xffff;
	v4 =	vsel vm2, v6, v4  }
0x28b: {  	v6 =	vadd.s32 s19, v2;
	vm3 =	vgt.f32 v8, v4  }
0x28c: {  	v5 =	vld.idx.msk [tilespmem:v5+s5+$0x0], $0xffff;
	v4 =	vsel vm3, v8, v4  }
0x28d: {  	vm4 =	vgt.f32 v9, v4  }
0x28e: {  	v8 =	vsel vm14, $0x1, v3;
	v7 =	vld.idx.msk [tilespmem:v7+s5+$0x0], $0xffff;
	v4 =	vsel vm4, v9, v4  }
0x28f: {  	v8 =	vsel vm1, $0x2, v8;
	vm15 =	vgt.f32 v10, v4  }
0x290: {  	v8 =	vsel vm2, $0x3, v8;
	v6 =	vld.idx.msk [tilespmem:v6+s5+$0x0], $0xffff;
	v4 =	vsel vm15, v10, v4  }
0x291: {  	v8 =	vsel vm3, $0x4, v8;
	vm5 =	vgt.f32 v5, v4  }
0x292: {  	s20 =	sadd.s32 $0xFFFFFFF7, s28;
	v8 =	vsel vm4, $0x5, v8;
	v4 =	vsel vm5, v5, v4  }
0x293: {  	s1 =	sadd.s32 $0xFFFFFFF8, s28;
	v5 =	vsel vm15, $0x6, v8;
	v8 =	vadd.s32 s20, v2;
	vm6 =	vgt.f32 v7, v4  }
0x294: {  	v5 =	vsel vm5, $0x7, v5;
	v4 =	vsel vm6, v7, v4;
	v7 =	vadd.s32 s1, v2  }
0x295: {  	s23 =	sadd.s32 $0xFFFFFFF9, s28;
	v5 =	vsel vm6, $0x8, v5;
	vm7 =	vgt.f32 v6, v4  }
0x296: {  	s29 =	sadd.s32 $0x20, s24;
	v4 =	vadd.s32 s23, v2;
	v5 =	vsel vm7, $0x9, v5  }
0x297: {  	s7 =	sadd.s32 $0xFFFFFFFA, s28;
	[tilespmem:s29+$0xFFFFFFF0] =	vst v5  }
0x298: {  	v5 =	vadd.s32 s7, v2;
	v6 =	vld.idx.msk [tilespmem:v8+s5+$0x0], $0xffff  }
0x299: {  	s11 =	sadd.s32 $0xFFFFFFFB, s28;
	v7 =	vld.idx.msk [tilespmem:v7+s5+$0x0], $0xffff  }
0x29a: {  	v8 =	vadd.s32 s11, v2  }
0x29b: {  	s18 =	sadd.s32 $0xFFFFFFFC, s28;
	v4 =	vld.idx.msk [tilespmem:v4+s5+$0x0], $0xffff  }
0x29c: {  	v9 =	vadd.s32 s18, v2  }
0x29d: {  	s19 =	sadd.s32 $0xFFFFFFFD, s28;
	v5 =	vld.idx.msk [tilespmem:v5+s5+$0x0], $0xffff  }
0x29e: {  	v10 =	vadd.s32 s19, v2;
	vm8 =	vgt.f32 v7, v6  }
0x29f: {  	s20 =	sadd.s32 $0xFFFFFFFE, s28;
	v8 =	vld.idx.msk [tilespmem:v8+s5+$0x0], $0xffff;
	v6 =	vsel vm8, v7, v6  }
0x2a0: {  	v7 =	vadd.s32 s20, v2;
	vm9 =	vgt.f32 v4, v6  }
0x2a1: {  	s23 =	sadd.s32 $0xFFFFFFFF, s28;
	v9 =	vld.idx.msk [tilespmem:v9+s5+$0x0], $0xffff;
	v4 =	vsel vm9, v4, v6  }
0x2a2: {  	v6 =	vadd.s32 s23, v2;
	vm10 =	vgt.f32 v5, v4  }
0x2a3: {  	v10 =	vld.idx.msk [tilespmem:v10+s5+$0x0], $0xffff;
	v4 =	vsel vm10, v5, v4  }
0x2a4: {  	vm11 =	vgt.f32 v8, v4  }
0x2a5: {  	v5 =	vadd.s32 s28, v2;
	v7 =	vld.idx.msk [tilespmem:v7+s5+$0x0], $0xffff;
	v4 =	vsel vm11, v8, v4;
	v8 =	vsel vm8, $0x1, v3  }
0x2a6: {  	vm12 =	vgt.f32 v9, v4;
	v8 =	vsel vm9, $0x2, v8  }
0x2a7: {  	s24 =	simm.s32 $0x0;
	v6 =	vld.idx.msk [tilespmem:v6+s5+$0x0], $0xffff;
	v4 =	vsel vm12, v9, v4;
	v8 =	vsel vm10, $0x3, v8  }
0x2a8: {  	v9 =	vmov s24;
	vm13 =	vgt.f32 v10, v4;
	v8 =	vsel vm11, $0x4, v8  }
0x2a9: {  	v9 =	vshrl.u32 v9, $0x7;
	v4 =	vsel vm13, v10, v4;
	v8 =	vsel vm12, $0x5, v8  }
0x2aa: {  	v10 =	vld.idx.msk [tilespmem:v5+s5+$0x0], $0xffff;
	vm14 =	vgt.f32 v7, v4;
	v5 =	vsel vm13, $0x6, v8;
	v8 =	vshll.u32 v9, $0x7  }
0x2ab: {  	v7 =	vsel vm14, v7, v4;
	v4 =	vmul.u32 $0x8, v0;
	v12 =	vbroadcast v8, $0x0  }
0x2ac: {  	v5 =	vsel vm14, $0x7, v5;
	vm15 =	vgt.f32 v6, v7  }
0x2ad: {  	v8 =	vsel vm15, $0x8, v5;
	v5 =	vor.u32 $0x1, v4;
	v11 =	vor.u32 v4, v12  }
0x2ae: {  	v7 =	vsel vm15, v6, v7;
	v6 =	vor.u32 $0x2, v4;
	v13 =	vor.u32 v5, v12  }
0x2af: {  	vm0 =	vgt.f32 v10, v7;
	v7 =	vor.u32 $0x3, v4;
	v14 =	vor.u32 v6, v12  }
0x2b0: {  	v9 =	vsel vm0, $0x9, v8;
	v15 =	vor.u32 v7, v12;
	v8 =	vor.u32 $0x4, v4  }
0x2b1: {  	[tilespmem:s29+$0x0] =	vst v9;
	v16 =	vor.u32 v8, v12;
	v9 =	vor.u32 $0x5, v4  }
0x2b2: {  	v10 =	vor.u32 $0x6, v4;
	v18 =	vor.u32 v9, v12;
	v17 =	vld.idx.msk [tilespmem:v11+s12+$0x0], $0xffff  }
0x2b3: {  	v19 =	vor.u32 v10, v12;
	v11 =	vor.u32 $0x7, v4;
	v13 =	vld.idx.msk [tilespmem:v13+s12+$0x0], $0xffff  }
0x2b4: {  	v14 =	vld.idx.msk [tilespmem:v14+s12+$0x0], $0xffff;
	v12 =	vor.u32 v11, v12  }
0x2b5: {  	v15 =	vld.idx.msk [tilespmem:v15+s12+$0x0], $0xffff  }
0x2b6: {  	s28 =	simm.s32 $0x80;
	v16 =	vld.idx.msk [tilespmem:v16+s12+$0x0], $0xffff  }
0x2b7: {  	v20 =	vmov s28;
	v18 =	vld.idx.msk [tilespmem:v18+s12+$0x0], $0xffff  }
0x2b8: {  	v20 =	vshrl.u32 v20, $0x7;
	v19 =	vld.idx.msk [tilespmem:v19+s12+$0x0], $0xffff;
	v13 =	vshll.u32 v13, $0x4  }
0x2b9: {  	v20 =	vshll.u32 v20, $0x7;
	v12 =	vld.idx.msk [tilespmem:v12+s12+$0x0], $0xffff;
	v14 =	vshll.u32 v14, $0x8;
	v13 =	vor.u32 v17, v13  }
0x2ba: {  	v17 =	vbroadcast v20, $0x0;
	v13 =	vor.u32 v14, v13;
	v14 =	vshll.u32 v15, $0xC  }
0x2bb: {  	v13 =	vor.u32 v14, v13;
	v14 =	vshll.u32 v16, $0x10  }
0x2bc: {  	v15 =	vor.u32 v4, v17;
	v13 =	vor.u32 v14, v13;
	v14 =	vshll.u32 v18, $0x14  }
0x2bd: {  	v16 =	vor.u32 v5, v17;
	v13 =	vor.u32 v14, v13;
	v14 =	vshll.u32 v19, $0x18  }
0x2be: {  	v18 =	vor.u32 v6, v17;
	v12 =	vshll.u32 v12, $0x1C;
	v13 =	vor.u32 v14, v13  }
0x2bf: {  	v14 =	vor.u32 v7, v17;
	v12 =	vor.u32 v12, v13  }
0x2c0: {  	v13 =	vor.u32 v8, v17;
	[tilespmem:s25+$0x0] =	vst v12  }
0x2c1: {  	v19 =	vor.u32 v10, v17;
	v12 =	vld.idx.msk [tilespmem:v15+s12+$0x0], $0xffff  }
0x2c2: {  	v15 =	vor.u32 v9, v17;
	v20 =	vld.idx.msk [tilespmem:v16+s12+$0x0], $0xffff  }
0x2c3: {  	v21 =	vor.u32 v11, v17;
	v18 =	vld.idx.msk [tilespmem:v18+s12+$0x0], $0xffff  }
0x2c4: {  	v17 =	vld.idx.msk [tilespmem:v14+s12+$0x0], $0xffff  }
0x2c5: {  	v16 =	vld.idx.msk [tilespmem:v13+s12+$0x0], $0xffff  }
0x2c6: {  	s29 =	simm.s32 $0x100;
	v13 =	vld.idx.msk [tilespmem:v19+s12+$0x0], $0xffff  }
0x2c7: {  	v14 =	vmov s29;
	v15 =	vld.idx.msk [tilespmem:v15+s12+$0x0], $0xffff  }
0x2c8: {  	s0 =	smov.u32 s25;
	s20 =	simm.s32 $0x180;
	v19 =	vshrl.u32 v14, $0x7;
	v14 =	vld.idx.msk [tilespmem:v21+s12+$0x0], $0xffff;
	v20 =	vshll.u32 v20, $0x4  }
.LBB2_13:
0x2c9: {  	p0 =	sne.s32 s20, $0x200;
	v19 =	vshll.u32 v19, $0x7;
	v12 =	vor.u32 v12, v20;
	v18 =	vshll.u32 v18, $0x8  }
0x2ca: {  	v17 =	vshll.u32 v17, $0xC;
	v19 =	vbroadcast v19, $0x0;
	v12 =	vor.u32 v18, v12  }
0x2cb: {  	v18 =	vor.u32 $0x1, v4;
	v16 =	vshll.u32 v16, $0x10;
	v12 =	vor.u32 v17, v12  }
0x2cc: {  	v15 =	vshll.u32 v15, $0x14;
	v17 =	vor.u32 v4, v19;
	v12 =	vor.u32 v16, v12  }
0x2cd: {  	v16 =	vor.u32 v18, v19;
	v13 =	vshll.u32 v13, $0x18;
	v12 =	vor.u32 v15, v12  }
0x2ce: {  	v15 =	vor.u32 v6, v19;
	v12 =	vor.u32 v13, v12;
	v13 =	vshll.u32 v14, $0x1C  }
0x2cf: {  	s0 =	sadd.s32 $0x10, s0;
	v18 =	vor.u32 $0x4, v4;
	v14 =	vor.u32 v7, v19;
	v12 =	vor.u32 v13, v12  }
0x2d0: {  	v13 =	vor.u32 v18, v19;
	v18 =	vor.u32 $0x5, v4;
	[tilespmem:s0+$0x0] =	vst v12  }
0x2d1: {  	v20 =	vor.u32 v18, v19;
	v12 =	vld.idx.msk [tilespmem:v17+s12+$0x0], $0xffff;
	v17 =	vor.u32 $0x6, v4  }
0x2d2: {  	v21 =	vld.idx.msk [tilespmem:v16+s12+$0x0], $0xffff;
	v22 =	vor.u32 v17, v19;
	v16 =	vor.u32 $0x7, v4  }
0x2d3: {  	v18 =	vld.idx.msk [tilespmem:v15+s12+$0x0], $0xffff;
	v23 =	vor.u32 v16, v19  }
.Ltmp5:
0x2d4: {  	v17 =	vld.idx.msk [tilespmem:v14+s12+$0x0], $0xffff;
	(pc) =	sbr.rel @p0 .LBB2_13-.Ltmp5, $4  }
0x2d5: {  	v16 =	vld.idx.msk [tilespmem:v13+s12+$0x0], $0xffff  }
0x2d6: {  	v13 =	vmov s20;
	v15 =	vld.idx.msk [tilespmem:v20+s12+$0x0], $0xffff  }
0x2d7: {  	v19 =	vshrl.u32 v13, $0x7;
	v13 =	vld.idx.msk [tilespmem:v22+s12+$0x0], $0xffff  }
0x2d8: {  	s20 =	sadd.s32 $0x80, s20;
	v20 =	vshll.u32 v21, $0x4;
	v14 =	vld.idx.msk [tilespmem:v23+s12+$0x0], $0xffff  }
0x2d9: {  	v19 =	vshll.u32 v19, $0x7;
	v12 =	vor.u32 v12, v20;
	v18 =	vshll.u32 v18, $0x8  }
0x2da: {  	v17 =	vshll.u32 v17, $0xC;
	v19 =	vbroadcast v19, $0x0;
	v12 =	vor.u32 v18, v12  }
0x2db: {  	v16 =	vshll.u32 v16, $0x10;
	v12 =	vor.u32 v17, v12  }
0x2dc: {  	v15 =	vshll.u32 v15, $0x14;
	v53 =	vor.u32 v4, v19;
	v12 =	vor.u32 v16, v12  }
0x2dd: {  	v54 =	vor.u32 v5, v19;
	v13 =	vshll.u32 v13, $0x18;
	v12 =	vor.u32 v15, v12  }
0x2de: {  	v55 =	vor.u32 v6, v19;
	v56 =	vshll.u32 v14, $0x1C;
	v12 =	vor.u32 v13, v12  }
0x2df: {  	s0 =	sadd.s32 $0x10, s0;
	v57 =	vor.u32 v7, v19;
	v12 =	vor.u32 v56, v12  }
0x2e0: {  	v58 =	vor.u32 v8, v19;
	[tilespmem:s0+$0x0] =	vst v12  }
0x2e1: {  	v59 =	vor.u32 v9, v19;
	v12 =	vld.idx.msk [tilespmem:v53+s12+$0x0], $0xffff  }
0x2e2: {  	v60 =	vor.u32 v10, v19;
	v16 =	vld.idx.msk [tilespmem:v54+s12+$0x0], $0xffff  }
0x2e3: {  	v19 =	vor.u32 v11, v19;
	v15 =	vld.idx.msk [tilespmem:v55+s12+$0x0], $0xffff  }
0x2e4: {  	v14 =	vld.idx.msk [tilespmem:v57+s12+$0x0], $0xffff  }
0x2e5: {  	v13 =	vld.idx.msk [tilespmem:v58+s12+$0x0], $0xffff  }
0x2e6: {  	v17 =	vld.idx.msk [tilespmem:v59+s12+$0x0], $0xffff  }
0x2e7: {  	v18 =	vld.idx.msk [tilespmem:v60+s12+$0x0], $0xffff;
	v16 =	vshll.u32 v16, $0x4  }
0x2e8: {  	v19 =	vld.idx.msk [tilespmem:v19+s12+$0x0], $0xffff;
	v15 =	vshll.u32 v15, $0x8;
	v12 =	vor.u32 v12, v16  }
0x2e9: {  	s22 =	sadd.s32 $0x1, s22;
	v14 =	vshll.u32 v14, $0xC;
	v12 =	vor.u32 v15, v12  }
0x2ea: {  	p0 =	sne.s32 s22, $0x5;
	v13 =	vshll.u32 v13, $0x10;
	v12 =	vor.u32 v14, v12  }
.Ltmp6:
0x2eb: {  	v61 =	vshll.u32 v17, $0x14;
	v12 =	vor.u32 v13, v12;
	(pc) =	sbr.rel @p0 .LBB2_4-.Ltmp6, $4  }
0x2ec: {  	v62 =	vshll.u32 v18, $0x18;
	v12 =	vor.u32 v61, v12  }
0x2ed: {  	v63 =	vshll.u32 v19, $0x1C;
	v12 =	vor.u32 v62, v12  }
0x2ee: {  	s0 =	sadd.s32 $0x10, s0;
	v12 =	vor.u32 v63, v12  }
0x2ef: {  	s25 =	sadd.s32 $0x50, s25;
	[tilespmem:s0+$0x0] =	vst v12  }
0x2f0: {  	s22 =	simm.s32 $0x0;
	s25 =	rddreg [dreg:$0x14]  }
.LBB2_16:
0x2f1: {  	s0 =	smul.u32 $0x280, s22  }
0x2f2: {  	s1 =	rddreg [dreg:$0x9]  }
0x2f3: {  	s28 =	sadd.s32 s1, s0  }
0x2f4: {  	p0 =	sgt.u32 s28, $0x18600  }
.Ltmp7:
0x2f5: {  	_ = 	snop;
	(pc) =	sbr.rel @p0 .LBB2_29-.Ltmp7, $1  }
0x2f6: {  	_ =	sdelay $0x3  }
0x2f7: {  	s0 =	smul.u32 $0xA, s28;
	_ =	sdelay $0x1  }
0x2f8: {  	s1 =	simm.s32 $0x0;
	s0 =	sshrl.u32 s0, $0x3  }
0x2f9: {  	s24 =	simm.s32 $0x1;
	v12 =	vadd.s32 s1, v2;
	s29 =	sadd.s32 s10, s0  }
0x2fa: {  	v13 =	vadd.s32 s24, v2;
	[tilespmem:s5], [sflag:$0x3] =	stream.linear.gather [hbm4b:s29+s9], $0x640, $0x38;
	[tilespmem:$0x1F780] =	vst v63  }
0x2fb: {  	s1 =	simm.s32 $0x2;
	_ =	swait.ge [sflag:s3], $0x640  }
0x2fc: {  	v14 =	vadd.s32 s1, v2;
	[sflag:s3] =	ssyncset.done $0x0  }
0x2fd: {  	s7 =	simm.s32 $0x3;
	[sflag:s3] =	ssyncadd.s32 $0xFFFFF9C0  }
0x2fe: {  	v15 =	vadd.s32 s7, v2;
	v12 =	vld.idx.msk [tilespmem:v12+s5+$0x0], $0xffff  }
0x2ff: {  	s11 =	simm.s32 $0x4;
	v13 =	vld.idx.msk [tilespmem:v13+s5+$0x0], $0xffff  }
0x300: {  	v16 =	vadd.s32 s11, v2  }
0x301: {  	s18 =	simm.s32 $0x5;
	v14 =	vld.idx.msk [tilespmem:v14+s5+$0x0], $0xffff  }
0x302: {  	v17 =	vadd.s32 s18, v2  }
0x303: {  	s19 =	simm.s32 $0x6;
	v15 =	vld.idx.msk [tilespmem:v15+s5+$0x0], $0xffff  }
0x304: {  	v18 =	vadd.s32 s19, v2;
	vm0 =	vgt.f32 v13, v12  }
0x305: {  	s20 =	simm.s32 $0x7;
	v16 =	vld.idx.msk [tilespmem:v16+s5+$0x0], $0xffff;
	v12 =	vsel vm0, v13, v12  }
0x306: {  	v13 =	vadd.s32 s20, v2;
	vm1 =	vgt.f32 v14, v12  }
0x307: {  	s23 =	simm.s32 $0x8;
	v17 =	vld.idx.msk [tilespmem:v17+s5+$0x0], $0xffff;
	v12 =	vsel vm1, v14, v12  }
0x308: {  	v14 =	vadd.s32 s23, v2;
	vm2 =	vgt.f32 v15, v12  }
0x309: {  	s24 =	simm.s32 $0x9;
	v18 =	vld.idx.msk [tilespmem:v18+s5+$0x0], $0xffff;
	v12 =	vsel vm2, v15, v12  }
0x30a: {  	v15 =	vadd.s32 s24, v2;
	vm3 =	vgt.f32 v16, v12  }
0x30b: {  	v13 =	vld.idx.msk [tilespmem:v13+s5+$0x0], $0xffff;
	v12 =	vsel vm3, v16, v12  }
0x30c: {  	vm4 =	vgt.f32 v17, v12  }
0x30d: {  	v56 =	vsel vm0, $0x1, v3;
	v14 =	vld.idx.msk [tilespmem:v14+s5+$0x0], $0xffff;
	v12 =	vsel vm4, v17, v12  }
0x30e: {  	v16 =	vsel vm1, $0x2, v56;
	vm0 =	vgt.f32 v18, v12  }
0x30f: {  	v16 =	vsel vm2, $0x3, v16;
	v15 =	vld.idx.msk [tilespmem:v15+s5+$0x0], $0xffff;
	v12 =	vsel vm0, v18, v12  }
0x310: {  	v16 =	vsel vm3, $0x4, v16;
	vm1 =	vgt.f32 v13, v12  }
0x311: {  	s1 =	simm.s32 $0xA0;
	v16 =	vsel vm4, $0x5, v16;
	v12 =	vsel vm1, v13, v12  }
0x312: {  	s7 =	simm.s32 $0xA1;
	v57 =	vadd.s32 s1, v2;
	v13 =	vsel vm0, $0x6, v16;
	vm0 =	vgt.f32 v14, v12  }
0x313: {  	v13 =	vsel vm1, $0x7, v13;
	v12 =	vsel vm0, v14, v12;
	v14 =	vadd.s32 s7, v2  }
0x314: {  	s11 =	simm.s32 $0xA2;
	v13 =	vsel vm0, $0x8, v13;
	vm0 =	vgt.f32 v15, v12  }
0x315: {  	s24 =	simm.s32 $0x1E210;
	v12 =	vadd.s32 s11, v2;
	v13 =	vsel vm0, $0x9, v13  }
0x316: {  	s18 =	simm.s32 $0xA3;
	[tilespmem:s24+$0xFFFFFFF0] =	vst v13  }
0x317: {  	v13 =	vadd.s32 s18, v2;
	v15 =	vld.idx.msk [tilespmem:v57+s5+$0x0], $0xffff  }
0x318: {  	s19 =	simm.s32 $0xA4;
	v14 =	vld.idx.msk [tilespmem:v14+s5+$0x0], $0xffff  }
0x319: {  	v58 =	vadd.s32 s19, v2  }
0x31a: {  	s20 =	simm.s32 $0xA5;
	v12 =	vld.idx.msk [tilespmem:v12+s5+$0x0], $0xffff  }
0x31b: {  	v59 =	vadd.s32 s20, v2  }
0x31c: {  	s23 =	simm.s32 $0xA6;
	v13 =	vld.idx.msk [tilespmem:v13+s5+$0x0], $0xffff  }
0x31d: {  	v60 =	vadd.s32 s23, v2;
	vm0 =	vgt.f32 v14, v15  }
0x31e: {  	s1 =	simm.s32 $0xA7;
	v16 =	vld.idx.msk [tilespmem:v58+s5+$0x0], $0xffff;
	v14 =	vsel vm0, v14, v15  }
0x31f: {  	v15 =	vadd.s32 s1, v2;
	vm1 =	vgt.f32 v12, v14  }
0x320: {  	s7 =	simm.s32 $0xA8;
	v17 =	vld.idx.msk [tilespmem:v59+s5+$0x0], $0xffff;
	v12 =	vsel vm1, v12, v14  }
0x321: {  	v14 =	vadd.s32 s7, v2;
	vm2 =	vgt.f32 v13, v12  }
0x322: {  	s11 =	simm.s32 $0xA9;
	v18 =	vld.idx.msk [tilespmem:v60+s5+$0x0], $0xffff;
	v12 =	vsel vm2, v13, v12  }
0x323: {  	v13 =	vadd.s32 s11, v2;
	vm3 =	vgt.f32 v16, v12  }
0x324: {  	v15 =	vld.idx.msk [tilespmem:v15+s5+$0x0], $0xffff;
	v12 =	vsel vm3, v16, v12  }
0x325: {  	vm15 =	vgt.f32 v17, v12  }
0x326: {  	v61 =	vsel vm0, $0x1, v3;
	v14 =	vld.idx.msk [tilespmem:v14+s5+$0x0], $0xffff;
	v12 =	vsel vm15, v17, v12  }
0x327: {  	v16 =	vsel vm1, $0x2, v61;
	vm0 =	vgt.f32 v18, v12  }
0x328: {  	v62 =	vld.idx.msk [tilespmem:v13+s5+$0x0], $0xffff;
	v13 =	vsel vm2, $0x3, v16;
	v12 =	vsel vm0, v18, v12  }
0x329: {  	v13 =	vsel vm3, $0x4, v13;
	vm1 =	vgt.f32 v15, v12  }
0x32a: {  	s18 =	simm.s32 $0x140;
	v13 =	vsel vm15, $0x5, v13;
	v15 =	vsel vm1, v15, v12  }
0x32b: {  	s19 =	simm.s32 $0x141;
	v13 =	vsel vm0, $0x6, v13;
	v12 =	vadd.s32 s18, v2;
	vm0 =	vgt.f32 v14, v15  }
0x32c: {  	s0 =	simm.s32 $0x1E210;
	v63 =	vsel vm1, $0x7, v13;
	v13 =	vadd.s32 s19, v2;
	v15 =	vsel vm0, v14, v15  }
0x32d: {  	s20 =	simm.s32 $0x2;
	s23 =	simm.s32 $0x1E9;
	s1 =	simm.s32 $0x142;
	v14 =	vsel vm0, $0x8, v63;
	vm0 =	vgt.f32 v62, v15  }
.LBB2_18:
0x32e: {  	s20 =	sadd.s32 $0x2, s20;
	v15 =	vadd.s32 s1, v2;
	v14 =	vsel vm0, $0x9, v14;
	s24 =	sadd.s32 $0x20, s24  }
0x32f: {  	s1 =	sadd.s32 $0xFFFFFF5A, s23;
	p0 =	slt.u32 s20, $0x8;
	[tilespmem:s0+$0x0] =	vst v14;
	s0 =	smov.u32 s24  }
0x330: {  	v14 =	vadd.s32 s1, v2;
	v12 =	vld.idx.msk [tilespmem:v12+s5+$0x0], $0xffff  }
0x331: {  	s1 =	sadd.s32 $0xFFFFFF5B, s23;
	v13 =	vld.idx.msk [tilespmem:v13+s5+$0x0], $0xffff  }
0x332: {  	v16 =	vadd.s32 s1, v2  }
0x333: {  	s1 =	sadd.s32 $0xFFFFFF5C, s23;
	v15 =	vld.idx.msk [tilespmem:v15+s5+$0x0], $0xffff  }
0x334: {  	v17 =	vadd.s32 s1, v2  }
0x335: {  	s1 =	sadd.s32 $0xFFFFFF5D, s23;
	v14 =	vld.idx.msk [tilespmem:v14+s5+$0x0], $0xffff  }
0x336: {  	v18 =	vadd.s32 s1, v2  }
0x337: {  	s1 =	sadd.s32 $0xFFFFFF5E, s23;
	vm0 =	vgt.f32 v13, v12;
	v16 =	vld.idx.msk [tilespmem:v16+s5+$0x0], $0xffff  }
0x338: {  	v12 =	vsel vm0, v13, v12;
	v13 =	vadd.s32 s1, v2  }
0x339: {  	s1 =	sadd.s32 $0xFFFFFF5F, s23;
	vm1 =	vgt.f32 v15, v12;
	v17 =	vld.idx.msk [tilespmem:v17+s5+$0x0], $0xffff  }
0x33a: {  	v12 =	vsel vm1, v15, v12;
	v15 =	vadd.s32 s1, v2  }
0x33b: {  	s1 =	sadd.s32 $0xFFFFFF60, s23;
	vm2 =	vgt.f32 v14, v12;
	v18 =	vld.idx.msk [tilespmem:v18+s5+$0x0], $0xffff  }
0x33c: {  	v12 =	vsel vm2, v14, v12;
	v14 =	vadd.s32 s1, v2  }
0x33d: {  	vm3 =	vgt.f32 v16, v12;
	v13 =	vld.idx.msk [tilespmem:v13+s5+$0x0], $0xffff  }
0x33e: {  	v12 =	vsel vm3, v16, v12  }
0x33f: {  	vm4 =	vgt.f32 v17, v12;
	v15 =	vld.idx.msk [tilespmem:v15+s5+$0x0], $0xffff  }
0x340: {  	v16 =	vsel vm0, $0x1, v3;
	v12 =	vsel vm4, v17, v12  }
0x341: {  	v16 =	vsel vm1, $0x2, v16;
	vm0 =	vgt.f32 v18, v12;
	v14 =	vld.idx.msk [tilespmem:v14+s5+$0x0], $0xffff  }
0x342: {  	v16 =	vsel vm2, $0x3, v16;
	v12 =	vsel vm0, v18, v12  }
0x343: {  	v16 =	vsel vm3, $0x4, v16;
	vm1 =	vgt.f32 v13, v12  }
0x344: {  	s19 =	sadd.s32 $0xFFFFFFF8, s23;
	s1 =	sadd.s32 $0xFFFFFFF7, s23;
	v16 =	vsel vm4, $0x5, v16;
	v12 =	vsel vm1, v13, v12  }
0x345: {  	v13 =	vsel vm0, $0x6, v16;
	v16 =	vadd.s32 s1, v2;
	vm0 =	vgt.f32 v15, v12  }
0x346: {  	s1 =	sadd.s32 $0xFFFFFFF9, s23;
	v13 =	vsel vm1, $0x7, v13;
	v12 =	vsel vm0, v15, v12;
	v15 =	vadd.s32 s19, v2  }
0x347: {  	v13 =	vsel vm0, $0x8, v13;
	vm0 =	vgt.f32 v14, v12;
	v12 =	vadd.s32 s1, v2  }
0x348: {  	s1 =	sadd.s32 $0xFFFFFFFA, s23;
	v13 =	vsel vm0, $0x9, v13  }
0x349: {  	[tilespmem:s24+$0xFFFFFFF0] =	vst v13;
	v13 =	vadd.s32 s1, v2  }
0x34a: {  	s1 =	sadd.s32 $0xFFFFFFFB, s23;
	v14 =	vld.idx.msk [tilespmem:v16+s5+$0x0], $0xffff  }
0x34b: {  	v16 =	vadd.s32 s1, v2;
	v15 =	vld.idx.msk [tilespmem:v15+s5+$0x0], $0xffff  }
0x34c: {  	s1 =	sadd.s32 $0xFFFFFFFC, s23;
	v12 =	vld.idx.msk [tilespmem:v12+s5+$0x0], $0xffff  }
0x34d: {  	v17 =	vadd.s32 s1, v2  }
0x34e: {  	s1 =	sadd.s32 $0xFFFFFFFD, s23;
	v13 =	vld.idx.msk [tilespmem:v13+s5+$0x0], $0xffff  }
0x34f: {  	v18 =	vadd.s32 s1, v2  }
0x350: {  	s1 =	sadd.s32 $0xFFFFFFFE, s23;
	v16 =	vld.idx.msk [tilespmem:v16+s5+$0x0], $0xffff  }
0x351: {  	v19 =	vadd.s32 s1, v2;
	vm0 =	vgt.f32 v15, v14  }
0x352: {  	s1 =	sadd.s32 $0xFFFFFFFF, s23;
	v14 =	vsel vm0, v15, v14;
	v15 =	vld.idx.msk [tilespmem:v17+s5+$0x0], $0xffff  }
0x353: {  	vm1 =	vgt.f32 v12, v14;
	v17 =	vadd.s32 s1, v2  }
0x354: {  	v12 =	vsel vm1, v12, v14;
	v14 =	vld.idx.msk [tilespmem:v18+s5+$0x0], $0xffff  }
0x355: {  	vm2 =	vgt.f32 v13, v12;
	v18 =	vadd.s32 s23, v2  }
0x356: {  	v12 =	vsel vm2, v13, v12;
	v13 =	vld.idx.msk [tilespmem:v19+s5+$0x0], $0xffff  }
0x357: {  	vm3 =	vgt.f32 v16, v12  }
0x358: {  	v12 =	vsel vm3, v16, v12;
	v16 =	vld.idx.msk [tilespmem:v17+s5+$0x0], $0xffff  }
0x359: {  	v17 =	vsel vm0, $0x1, v3;
	vm0 =	vgt.f32 v15, v12  }
0x35a: {  	v17 =	vsel vm1, $0x2, v17;
	v12 =	vsel vm0, v15, v12;
	v15 =	vld.idx.msk [tilespmem:v18+s5+$0x0], $0xffff  }
0x35b: {  	v17 =	vsel vm2, $0x3, v17;
	vm1 =	vgt.f32 v14, v12  }
0x35c: {  	s23 =	sadd.s32 $0x140, s23;
	v17 =	vsel vm3, $0x4, v17;
	v12 =	vsel vm1, v14, v12  }
.Ltmp8:
0x35d: {  	v14 =	vsel vm0, $0x5, v17;
	vm0 =	vgt.f32 v13, v12;
	(pc) =	sbr.rel @p0 .LBB2_18-.Ltmp8, $4  }
0x35e: {  	s1 =	sadd.s32 $0xFFFFFF57, s23;
	v14 =	vsel vm1, $0x6, v14;
	v17 =	vsel vm0, v13, v12  }
0x35f: {  	v12 =	vadd.s32 s1, v2;
	s1 =	sadd.s32 $0xFFFFFF58, s23;
	v14 =	vsel vm0, $0x7, v14;
	vm0 =	vgt.f32 v16, v17  }
0x360: {  	v13 =	vadd.s32 s1, v2;
	v14 =	vsel vm0, $0x8, v14;
	v16 =	vsel vm0, v16, v17  }
0x361: {  	s1 =	sadd.s32 $0xFFFFFF59, s23;
	vm0 =	vgt.f32 v15, v16  }
0x362: {  	_ =	sdelay $0x1  }
0x363: {  	v15 =	vadd.s32 s1, v2;
	v14 =	vsel vm0, $0x9, v14  }
0x364: {  	s11 =	sadd.s32 $0xFFFFFF5A, s23;
	[tilespmem:s0+$0x0] =	vst v14  }
0x365: {  	v44 =	vadd.s32 s11, v2;
	v12 =	vld.idx.msk [tilespmem:v12+s5+$0x0], $0xffff  }
0x366: {  	s18 =	sadd.s32 $0xFFFFFF5B, s23;
	v13 =	vld.idx.msk [tilespmem:v13+s5+$0x0], $0xffff  }
0x367: {  	v16 =	vadd.s32 s18, v2  }
0x368: {  	s19 =	sadd.s32 $0xFFFFFF5C, s23;
	v15 =	vld.idx.msk [tilespmem:v15+s5+$0x0], $0xffff  }
0x369: {  	v17 =	vadd.s32 s19, v2  }
0x36a: {  	s20 =	sadd.s32 $0xFFFFFF5D, s23;
	v14 =	vld.idx.msk [tilespmem:v44+s5+$0x0], $0xffff  }
0x36b: {  	v18 =	vadd.s32 s20, v2;
	vm10 =	vgt.f32 v13, v12  }
0x36c: {  	s1 =	sadd.s32 $0xFFFFFF5E, s23;
	v16 =	vld.idx.msk [tilespmem:v16+s5+$0x0], $0xffff;
	v12 =	vsel vm10, v13, v12  }
0x36d: {  	v45 =	vadd.s32 s1, v2;
	vm1 =	vgt.f32 v15, v12  }
0x36e: {  	s7 =	sadd.s32 $0xFFFFFF5F, s23;
	v17 =	vld.idx.msk [tilespmem:v17+s5+$0x0], $0xffff;
	v12 =	vsel vm1, v15, v12  }
0x36f: {  	v46 =	vadd.s32 s7, v2;
	vm2 =	vgt.f32 v14, v12  }
0x370: {  	s11 =	sadd.s32 $0xFFFFFF60, s23;
	v18 =	vld.idx.msk [tilespmem:v18+s5+$0x0], $0xffff;
	v12 =	vsel vm2, v14, v12  }
0x371: {  	v47 =	vadd.s32 s11, v2;
	vm3 =	vgt.f32 v16, v12  }
0x372: {  	v13 =	vld.idx.msk [tilespmem:v45+s5+$0x0], $0xffff;
	v12 =	vsel vm3, v16, v12  }
0x373: {  	vm4 =	vgt.f32 v17, v12  }
0x374: {  	v48 =	vsel vm10, $0x1, v3;
	v15 =	vld.idx.msk [tilespmem:v46+s5+$0x0], $0xffff;
	v12 =	vsel vm4, v17, v12  }
0x375: {  	v16 =	vsel vm1, $0x2, v48;
	vm11 =	vgt.f32 v18, v12  }
0x376: {  	v14 =	vld.idx.msk [tilespmem:v47+s5+$0x0], $0xffff;
	v16 =	vsel vm2, $0x3, v16;
	v12 =	vsel vm11, v18, v12  }
0x377: {  	v16 =	vsel vm3, $0x4, v16;
	vm12 =	vgt.f32 v13, v12  }
0x378: {  	s18 =	sadd.s32 $0xFFFFFFF7, s23;
	v16 =	vsel vm4, $0x5, v16;
	v12 =	vsel vm12, v13, v12  }
0x379: {  	s19 =	sadd.s32 $0xFFFFFFF8, s23;
	v50 =	vadd.s32 s18, v2;
	v49 =	vsel vm11, $0x6, v16;
	vm13 =	vgt.f32 v15, v12  }
0x37a: {  	v51 =	vadd.s32 s19, v2;
	v13 =	vsel vm12, $0x7, v49;
	v12 =	vsel vm13, v15, v12  }
0x37b: {  	s20 =	sadd.s32 $0xFFFFFFF9, s23;
	v13 =	vsel vm13, $0x8, v13;
	vm14 =	vgt.f32 v14, v12  }
0x37c: {  	s1 =	sadd.s32 $0x20, s24;
	v52 =	vadd.s32 s20, v2;
	v13 =	vsel vm14, $0x9, v13  }
0x37d: {  	s7 =	sadd.s32 $0xFFFFFFFA, s23;
	[tilespmem:s1+$0xFFFFFFF0] =	vst v13  }
0x37e: {  	v53 =	vadd.s32 s7, v2;
	v54 =	vld.idx.msk [tilespmem:v50+s5+$0x0], $0xffff  }
0x37f: {  	s11 =	sadd.s32 $0xFFFFFFFB, s23;
	v15 =	vld.idx.msk [tilespmem:v51+s5+$0x0], $0xffff  }
0x380: {  	v55 =	vadd.s32 s11, v2  }
0x381: {  	s18 =	sadd.s32 $0xFFFFFFFC, s23;
	v12 =	vld.idx.msk [tilespmem:v52+s5+$0x0], $0xffff  }
0x382: {  	v56 =	vadd.s32 s18, v2  }
0x383: {  	s19 =	sadd.s32 $0xFFFFFFFD, s23;
	v13 =	vld.idx.msk [tilespmem:v53+s5+$0x0], $0xffff  }
0x384: {  	v57 =	vadd.s32 s19, v2;
	vm15 =	vgt.f32 v15, v54  }
0x385: {  	s20 =	sadd.s32 $0xFFFFFFFE, s23;
	v16 =	vld.idx.msk [tilespmem:v55+s5+$0x0], $0xffff;
	v14 =	vsel vm15, v15, v54  }
0x386: {  	v58 =	vadd.s32 s20, v2;
	vm8 =	vgt.f32 v12, v14  }
0x387: {  	s24 =	sadd.s32 $0xFFFFFFFF, s23;
	v17 =	vld.idx.msk [tilespmem:v56+s5+$0x0], $0xffff;
	v12 =	vsel vm8, v12, v14  }
0x388: {  	v59 =	vadd.s32 s24, v2;
	vm9 =	vgt.f32 v13, v12  }
0x389: {  	v18 =	vld.idx.msk [tilespmem:v57+s5+$0x0], $0xffff;
	v12 =	vsel vm9, v13, v12  }
0x38a: {  	v60 =	vadd.s32 s23, v2;
	vm10 =	vgt.f32 v16, v12  }
0x38b: {  	v15 =	vld.idx.msk [tilespmem:v58+s5+$0x0], $0xffff;
	v12 =	vsel vm10, v16, v12  }
0x38c: {  	vm11 =	vgt.f32 v17, v12  }
0x38d: {  	v61 =	vsel vm15, $0x1, v3;
	v14 =	vld.idx.msk [tilespmem:v59+s5+$0x0], $0xffff;
	v12 =	vsel vm11, v17, v12  }
0x38e: {  	v16 =	vsel vm8, $0x2, v61;
	vm12 =	vgt.f32 v18, v12  }
0x38f: {  	v13 =	vld.idx.msk [tilespmem:v60+s5+$0x0], $0xffff;
	v16 =	vsel vm9, $0x3, v16;
	v12 =	vsel vm12, v18, v12  }
0x390: {  	v16 =	vsel vm10, $0x4, v16;
	vm13 =	vgt.f32 v15, v12  }
0x391: {  	p0 =	sgt.u32 s28, $0x18560;
	v16 =	vsel vm11, $0x5, v16;
	v12 =	vsel vm13, v15, v12  }
.Ltmp9:
0x392: {  	v62 =	vsel vm12, $0x6, v16;
	vm14 =	vgt.f32 v14, v12;
	(pc) =	sbr.rel @p0 .LBB2_29-.Ltmp9, $4  }
0x393: {  	v15 =	vsel vm13, $0x7, v62;
	v12 =	vsel vm14, v14, v12  }
0x394: {  	v63 =	vsel vm14, $0x8, v15;
	vm15 =	vgt.f32 v13, v12  }
0x395: {  	v12 =	vsel vm15, $0x9, v63  }
0x396: {  	[tilespmem:s1+$0x0] =	vst v12  }
0x397: {  	s0 =	simm.s32 $0x0  }
0x398: {  	s1 =	sadd.s32 $0xC8, s29;
	s24 =	simm.s32 $0x1;
	v12 =	vadd.s32 s0, v2  }
0x399: {  	[tilespmem:s5], [sflag:$0x3] =	stream.linear.gather [hbm4b:s1+s9], $0x640, $0x38;
	v13 =	vadd.s32 s24, v2;
	[tilespmem:$0x1F780] =	vst v63  }
0x39a: {  	s1 =	simm.s32 $0x2;
	_ =	swait.ge [sflag:s3], $0x640  }
0x39b: {  	v14 =	vadd.s32 s1, v2;
	[sflag:s3] =	ssyncset.done $0x0  }
0x39c: {  	s7 =	simm.s32 $0x3;
	[sflag:s3] =	ssyncadd.s32 $0xFFFFF9C0  }
0x39d: {  	v15 =	vadd.s32 s7, v2;
	v12 =	vld.idx.msk [tilespmem:v12+s5+$0x0], $0xffff  }
0x39e: {  	s11 =	simm.s32 $0x4;
	v13 =	vld.idx.msk [tilespmem:v13+s5+$0x0], $0xffff  }
0x39f: {  	v16 =	vadd.s32 s11, v2  }
0x3a0: {  	s18 =	simm.s32 $0x5;
	v14 =	vld.idx.msk [tilespmem:v14+s5+$0x0], $0xffff  }
0x3a1: {  	v17 =	vadd.s32 s18, v2  }
0x3a2: {  	s19 =	simm.s32 $0x6;
	v15 =	vld.idx.msk [tilespmem:v15+s5+$0x0], $0xffff  }
0x3a3: {  	v18 =	vadd.s32 s19, v2;
	vm0 =	vgt.f32 v13, v12  }
0x3a4: {  	s20 =	simm.s32 $0x7;
	v16 =	vld.idx.msk [tilespmem:v16+s5+$0x0], $0xffff;
	v12 =	vsel vm0, v13, v12  }
0x3a5: {  	v13 =	vadd.s32 s20, v2;
	vm1 =	vgt.f32 v14, v12  }
0x3a6: {  	s23 =	simm.s32 $0x8;
	v17 =	vld.idx.msk [tilespmem:v17+s5+$0x0], $0xffff;
	v12 =	vsel vm1, v14, v12  }
0x3a7: {  	v14 =	vadd.s32 s23, v2;
	vm2 =	vgt.f32 v15, v12  }
0x3a8: {  	s24 =	simm.s32 $0x9;
	v18 =	vld.idx.msk [tilespmem:v18+s5+$0x0], $0xffff;
	v12 =	vsel vm2, v15, v12  }
0x3a9: {  	v15 =	vadd.s32 s24, v2;
	vm3 =	vgt.f32 v16, v12  }
0x3aa: {  	v13 =	vld.idx.msk [tilespmem:v13+s5+$0x0], $0xffff;
	v12 =	vsel vm3, v16, v12  }
0x3ab: {  	vm4 =	vgt.f32 v17, v12  }
0x3ac: {  	v56 =	vsel vm0, $0x1, v3;
	v14 =	vld.idx.msk [tilespmem:v14+s5+$0x0], $0xffff;
	v12 =	vsel vm4, v17, v12  }
0x3ad: {  	v16 =	vsel vm1, $0x2, v56;
	vm0 =	vgt.f32 v18, v12  }
0x3ae: {  	v16 =	vsel vm2, $0x3, v16;
	v15 =	vld.idx.msk [tilespmem:v15+s5+$0x0], $0xffff;
	v12 =	vsel vm0, v18, v12  }
0x3af: {  	v16 =	vsel vm3, $0x4, v16;
	vm1 =	vgt.f32 v13, v12  }
0x3b0: {  	s1 =	simm.s32 $0xA0;
	v16 =	vsel vm4, $0x5, v16;
	v12 =	vsel vm1, v13, v12  }
0x3b1: {  	s7 =	simm.s32 $0xA1;
	v57 =	vadd.s32 s1, v2;
	v13 =	vsel vm0, $0x6, v16;
	vm0 =	vgt.f32 v14, v12  }
0x3b2: {  	v13 =	vsel vm1, $0x7, v13;
	v12 =	vsel vm0, v14, v12;
	v14 =	vadd.s32 s7, v2  }
0x3b3: {  	s11 =	simm.s32 $0xA2;
	v13 =	vsel vm0, $0x8, v13;
	vm0 =	vgt.f32 v15, v12  }
0x3b4: {  	s24 =	simm.s32 $0x1E2B0;
	v12 =	vadd.s32 s11, v2;
	v13 =	vsel vm0, $0x9, v13  }
0x3b5: {  	s18 =	simm.s32 $0xA3;
	[tilespmem:s24+$0xFFFFFFF0] =	vst v13  }
0x3b6: {  	v13 =	vadd.s32 s18, v2;
	v15 =	vld.idx.msk [tilespmem:v57+s5+$0x0], $0xffff  }
0x3b7: {  	s19 =	simm.s32 $0xA4;
	v14 =	vld.idx.msk [tilespmem:v14+s5+$0x0], $0xffff  }
0x3b8: {  	v58 =	vadd.s32 s19, v2  }
0x3b9: {  	s20 =	simm.s32 $0xA5;
	v12 =	vld.idx.msk [tilespmem:v12+s5+$0x0], $0xffff  }
0x3ba: {  	v59 =	vadd.s32 s20, v2  }
0x3bb: {  	s23 =	simm.s32 $0xA6;
	v13 =	vld.idx.msk [tilespmem:v13+s5+$0x0], $0xffff  }
0x3bc: {  	v60 =	vadd.s32 s23, v2;
	vm0 =	vgt.f32 v14, v15  }
0x3bd: {  	s1 =	simm.s32 $0xA7;
	v16 =	vld.idx.msk [tilespmem:v58+s5+$0x0], $0xffff;
	v14 =	vsel vm0, v14, v15  }
0x3be: {  	v15 =	vadd.s32 s1, v2;
	vm1 =	vgt.f32 v12, v14  }
0x3bf: {  	s7 =	simm.s32 $0xA8;
	v17 =	vld.idx.msk [tilespmem:v59+s5+$0x0], $0xffff;
	v12 =	vsel vm1, v12, v14  }
0x3c0: {  	v14 =	vadd.s32 s7, v2;
	vm2 =	vgt.f32 v13, v12  }
0x3c1: {  	s11 =	simm.s32 $0xA9;
	v18 =	vld.idx.msk [tilespmem:v60+s5+$0x0], $0xffff;
	v12 =	vsel vm2, v13, v12  }
0x3c2: {  	v13 =	vadd.s32 s11, v2;
	vm3 =	vgt.f32 v16, v12  }
0x3c3: {  	v15 =	vld.idx.msk [tilespmem:v15+s5+$0x0], $0xffff;
	v12 =	vsel vm3, v16, v12  }
0x3c4: {  	vm15 =	vgt.f32 v17, v12  }
0x3c5: {  	v61 =	vsel vm0, $0x1, v3;
	v14 =	vld.idx.msk [tilespmem:v14+s5+$0x0], $0xffff;
	v12 =	vsel vm15, v17, v12  }
0x3c6: {  	v16 =	vsel vm1, $0x2, v61;
	vm0 =	vgt.f32 v18, v12  }
0x3c7: {  	v62 =	vld.idx.msk [tilespmem:v13+s5+$0x0], $0xffff;
	v13 =	vsel vm2, $0x3, v16;
	v12 =	vsel vm0, v18, v12  }
0x3c8: {  	v13 =	vsel vm3, $0x4, v13;
	vm1 =	vgt.f32 v15, v12  }
0x3c9: {  	s18 =	simm.s32 $0x140;
	v13 =	vsel vm15, $0x5, v13;
	v15 =	vsel vm1, v15, v12  }
0x3ca: {  	s19 =	simm.s32 $0x141;
	v13 =	vsel vm0, $0x6, v13;
	v12 =	vadd.s32 s18, v2;
	vm0 =	vgt.f32 v14, v15  }
0x3cb: {  	s0 =	simm.s32 $0x1E2B0;
	v63 =	vsel vm1, $0x7, v13;
	v13 =	vadd.s32 s19, v2;
	v15 =	vsel vm0, v14, v15  }
0x3cc: {  	s20 =	simm.s32 $0x2;
	s23 =	simm.s32 $0x1E9;
	s1 =	simm.s32 $0x142;
	v14 =	vsel vm0, $0x8, v63;
	vm0 =	vgt.f32 v62, v15  }
.LBB2_21:
0x3cd: {  	s20 =	sadd.s32 $0x2, s20;
	v15 =	vadd.s32 s1, v2;
	v14 =	vsel vm0, $0x9, v14;
	s24 =	sadd.s32 $0x20, s24  }
0x3ce: {  	s1 =	sadd.s32 $0xFFFFFF5A, s23;
	p0 =	slt.u32 s20, $0x8;
	[tilespmem:s0+$0x0] =	vst v14;
	s0 =	smov.u32 s24  }
0x3cf: {  	v14 =	vadd.s32 s1, v2;
	v12 =	vld.idx.msk [tilespmem:v12+s5+$0x0], $0xffff  }
0x3d0: {  	s1 =	sadd.s32 $0xFFFFFF5B, s23;
	v13 =	vld.idx.msk [tilespmem:v13+s5+$0x0], $0xffff  }
0x3d1: {  	v16 =	vadd.s32 s1, v2  }
0x3d2: {  	s1 =	sadd.s32 $0xFFFFFF5C, s23;
	v15 =	vld.idx.msk [tilespmem:v15+s5+$0x0], $0xffff  }
0x3d3: {  	v17 =	vadd.s32 s1, v2  }
0x3d4: {  	s1 =	sadd.s32 $0xFFFFFF5D, s23;
	v14 =	vld.idx.msk [tilespmem:v14+s5+$0x0], $0xffff  }
0x3d5: {  	v18 =	vadd.s32 s1, v2  }
0x3d6: {  	s1 =	sadd.s32 $0xFFFFFF5E, s23;
	vm0 =	vgt.f32 v13, v12;
	v16 =	vld.idx.msk [tilespmem:v16+s5+$0x0], $0xffff  }
0x3d7: {  	v12 =	vsel vm0, v13, v12;
	v13 =	vadd.s32 s1, v2  }
0x3d8: {  	s1 =	sadd.s32 $0xFFFFFF5F, s23;
	vm1 =	vgt.f32 v15, v12;
	v17 =	vld.idx.msk [tilespmem:v17+s5+$0x0], $0xffff  }
0x3d9: {  	v12 =	vsel vm1, v15, v12;
	v15 =	vadd.s32 s1, v2  }
0x3da: {  	s1 =	sadd.s32 $0xFFFFFF60, s23;
	vm2 =	vgt.f32 v14, v12;
	v18 =	vld.idx.msk [tilespmem:v18+s5+$0x0], $0xffff  }
0x3db: {  	v12 =	vsel vm2, v14, v12;
	v14 =	vadd.s32 s1, v2  }
0x3dc: {  	vm3 =	vgt.f32 v16, v12;
	v13 =	vld.idx.msk [tilespmem:v13+s5+$0x0], $0xffff  }
0x3dd: {  	v12 =	vsel vm3, v16, v12  }
0x3de: {  	vm4 =	vgt.f32 v17, v12;
	v15 =	vld.idx.msk [tilespmem:v15+s5+$0x0], $0xffff  }
0x3df: {  	v16 =	vsel vm0, $0x1, v3;
	v12 =	vsel vm4, v17, v12  }
0x3e0: {  	v16 =	vsel vm1, $0x2, v16;
	vm0 =	vgt.f32 v18, v12;
	v14 =	vld.idx.msk [tilespmem:v14+s5+$0x0], $0xffff  }
0x3e1: {  	v16 =	vsel vm2, $0x3, v16;
	v12 =	vsel vm0, v18, v12  }
0x3e2: {  	v16 =	vsel vm3, $0x4, v16;
	vm1 =	vgt.f32 v13, v12  }
0x3e3: {  	s19 =	sadd.s32 $0xFFFFFFF8, s23;
	s1 =	sadd.s32 $0xFFFFFFF7, s23;
	v16 =	vsel vm4, $0x5, v16;
	v12 =	vsel vm1, v13, v12  }
0x3e4: {  	v13 =	vsel vm0, $0x6, v16;
	v16 =	vadd.s32 s1, v2;
	vm0 =	vgt.f32 v15, v12  }
0x3e5: {  	s1 =	sadd.s32 $0xFFFFFFF9, s23;
	v13 =	vsel vm1, $0x7, v13;
	v12 =	vsel vm0, v15, v12;
	v15 =	vadd.s32 s19, v2  }
0x3e6: {  	v13 =	vsel vm0, $0x8, v13;
	vm0 =	vgt.f32 v14, v12;
	v12 =	vadd.s32 s1, v2  }
0x3e7: {  	s1 =	sadd.s32 $0xFFFFFFFA, s23;
	v13 =	vsel vm0, $0x9, v13  }
0x3e8: {  	[tilespmem:s24+$0xFFFFFFF0] =	vst v13;
	v13 =	vadd.s32 s1, v2  }
0x3e9: {  	s1 =	sadd.s32 $0xFFFFFFFB, s23;
	v14 =	vld.idx.msk [tilespmem:v16+s5+$0x0], $0xffff  }
0x3ea: {  	v16 =	vadd.s32 s1, v2;
	v15 =	vld.idx.msk [tilespmem:v15+s5+$0x0], $0xffff  }
0x3eb: {  	s1 =	sadd.s32 $0xFFFFFFFC, s23;
	v12 =	vld.idx.msk [tilespmem:v12+s5+$0x0], $0xffff  }
0x3ec: {  	v17 =	vadd.s32 s1, v2  }
0x3ed: {  	s1 =	sadd.s32 $0xFFFFFFFD, s23;
	v13 =	vld.idx.msk [tilespmem:v13+s5+$0x0], $0xffff  }
0x3ee: {  	v18 =	vadd.s32 s1, v2  }
0x3ef: {  	s1 =	sadd.s32 $0xFFFFFFFE, s23;
	v16 =	vld.idx.msk [tilespmem:v16+s5+$0x0], $0xffff  }
0x3f0: {  	v19 =	vadd.s32 s1, v2;
	vm0 =	vgt.f32 v15, v14  }
0x3f1: {  	s1 =	sadd.s32 $0xFFFFFFFF, s23;
	v14 =	vsel vm0, v15, v14;
	v15 =	vld.idx.msk [tilespmem:v17+s5+$0x0], $0xffff  }
0x3f2: {  	vm1 =	vgt.f32 v12, v14;
	v17 =	vadd.s32 s1, v2  }
0x3f3: {  	v12 =	vsel vm1, v12, v14;
	v14 =	vld.idx.msk [tilespmem:v18+s5+$0x0], $0xffff  }
0x3f4: {  	vm2 =	vgt.f32 v13, v12;
	v18 =	vadd.s32 s23, v2  }
0x3f5: {  	v12 =	vsel vm2, v13, v12;
	v13 =	vld.idx.msk [tilespmem:v19+s5+$0x0], $0xffff  }
0x3f6: {  	vm3 =	vgt.f32 v16, v12  }
0x3f7: {  	v12 =	vsel vm3, v16, v12;
	v16 =	vld.idx.msk [tilespmem:v17+s5+$0x0], $0xffff  }
0x3f8: {  	v17 =	vsel vm0, $0x1, v3;
	vm0 =	vgt.f32 v15, v12  }
0x3f9: {  	v17 =	vsel vm1, $0x2, v17;
	v12 =	vsel vm0, v15, v12;
	v15 =	vld.idx.msk [tilespmem:v18+s5+$0x0], $0xffff  }
0x3fa: {  	v17 =	vsel vm2, $0x3, v17;
	vm1 =	vgt.f32 v14, v12  }
0x3fb: {  	s23 =	sadd.s32 $0x140, s23;
	v17 =	vsel vm3, $0x4, v17;
	v12 =	vsel vm1, v14, v12  }
.Ltmp10:
0x3fc: {  	v14 =	vsel vm0, $0x5, v17;
	vm0 =	vgt.f32 v13, v12;
	(pc) =	sbr.rel @p0 .LBB2_21-.Ltmp10, $4  }
0x3fd: {  	s1 =	sadd.s32 $0xFFFFFF57, s23;
	v14 =	vsel vm1, $0x6, v14;
	v17 =	vsel vm0, v13, v12  }
0x3fe: {  	v12 =	vadd.s32 s1, v2;
	s1 =	sadd.s32 $0xFFFFFF58, s23;
	v14 =	vsel vm0, $0x7, v14;
	vm0 =	vgt.f32 v16, v17  }
0x3ff: {  	v13 =	vadd.s32 s1, v2;
	v14 =	vsel vm0, $0x8, v14;
	v16 =	vsel vm0, v16, v17  }
0x400: {  	s1 =	sadd.s32 $0xFFFFFF59, s23;
	vm0 =	vgt.f32 v15, v16  }
0x401: {  	_ =	sdelay $0x1  }
0x402: {  	v15 =	vadd.s32 s1, v2;
	v14 =	vsel vm0, $0x9, v14  }
0x403: {  	s11 =	sadd.s32 $0xFFFFFF5A, s23;
	[tilespmem:s0+$0x0] =	vst v14  }
0x404: {  	v44 =	vadd.s32 s11, v2;
	v12 =	vld.idx.msk [tilespmem:v12+s5+$0x0], $0xffff  }
0x405: {  	s18 =	sadd.s32 $0xFFFFFF5B, s23;
	v13 =	vld.idx.msk [tilespmem:v13+s5+$0x0], $0xffff  }
0x406: {  	v16 =	vadd.s32 s18, v2  }
0x407: {  	s19 =	sadd.s32 $0xFFFFFF5C, s23;
	v15 =	vld.idx.msk [tilespmem:v15+s5+$0x0], $0xffff  }
0x408: {  	v17 =	vadd.s32 s19, v2  }
0x409: {  	s20 =	sadd.s32 $0xFFFFFF5D, s23;
	v14 =	vld.idx.msk [tilespmem:v44+s5+$0x0], $0xffff  }
0x40a: {  	v18 =	vadd.s32 s20, v2;
	vm10 =	vgt.f32 v13, v12  }
0x40b: {  	s1 =	sadd.s32 $0xFFFFFF5E, s23;
	v16 =	vld.idx.msk [tilespmem:v16+s5+$0x0], $0xffff;
	v12 =	vsel vm10, v13, v12  }
0x40c: {  	v45 =	vadd.s32 s1, v2;
	vm1 =	vgt.f32 v15, v12  }
0x40d: {  	s7 =	sadd.s32 $0xFFFFFF5F, s23;
	v17 =	vld.idx.msk [tilespmem:v17+s5+$0x0], $0xffff;
	v12 =	vsel vm1, v15, v12  }
0x40e: {  	v46 =	vadd.s32 s7, v2;
	vm2 =	vgt.f32 v14, v12  }
0x40f: {  	s11 =	sadd.s32 $0xFFFFFF60, s23;
	v18 =	vld.idx.msk [tilespmem:v18+s5+$0x0], $0xffff;
	v12 =	vsel vm2, v14, v12  }
0x410: {  	v47 =	vadd.s32 s11, v2;
	vm3 =	vgt.f32 v16, v12  }
0x411: {  	v13 =	vld.idx.msk [tilespmem:v45+s5+$0x0], $0xffff;
	v12 =	vsel vm3, v16, v12  }
0x412: {  	vm4 =	vgt.f32 v17, v12  }
0x413: {  	v48 =	vsel vm10, $0x1, v3;
	v15 =	vld.idx.msk [tilespmem:v46+s5+$0x0], $0xffff;
	v12 =	vsel vm4, v17, v12  }
0x414: {  	v16 =	vsel vm1, $0x2, v48;
	vm11 =	vgt.f32 v18, v12  }
0x415: {  	v14 =	vld.idx.msk [tilespmem:v47+s5+$0x0], $0xffff;
	v16 =	vsel vm2, $0x3, v16;
	v12 =	vsel vm11, v18, v12  }
0x416: {  	v16 =	vsel vm3, $0x4, v16;
	vm12 =	vgt.f32 v13, v12  }
0x417: {  	s18 =	sadd.s32 $0xFFFFFFF7, s23;
	v16 =	vsel vm4, $0x5, v16;
	v12 =	vsel vm12, v13, v12  }
0x418: {  	s19 =	sadd.s32 $0xFFFFFFF8, s23;
	v50 =	vadd.s32 s18, v2;
	v49 =	vsel vm11, $0x6, v16;
	vm13 =	vgt.f32 v15, v12  }
0x419: {  	v51 =	vadd.s32 s19, v2;
	v13 =	vsel vm12, $0x7, v49;
	v12 =	vsel vm13, v15, v12  }
0x41a: {  	s20 =	sadd.s32 $0xFFFFFFF9, s23;
	v13 =	vsel vm13, $0x8, v13;
	vm14 =	vgt.f32 v14, v12  }
0x41b: {  	s1 =	sadd.s32 $0x20, s24;
	v52 =	vadd.s32 s20, v2;
	v13 =	vsel vm14, $0x9, v13  }
0x41c: {  	s7 =	sadd.s32 $0xFFFFFFFA, s23;
	[tilespmem:s1+$0xFFFFFFF0] =	vst v13  }
0x41d: {  	v53 =	vadd.s32 s7, v2;
	v54 =	vld.idx.msk [tilespmem:v50+s5+$0x0], $0xffff  }
0x41e: {  	s11 =	sadd.s32 $0xFFFFFFFB, s23;
	v15 =	vld.idx.msk [tilespmem:v51+s5+$0x0], $0xffff  }
0x41f: {  	v55 =	vadd.s32 s11, v2  }
0x420: {  	s18 =	sadd.s32 $0xFFFFFFFC, s23;
	v12 =	vld.idx.msk [tilespmem:v52+s5+$0x0], $0xffff  }
0x421: {  	v56 =	vadd.s32 s18, v2  }
0x422: {  	s19 =	sadd.s32 $0xFFFFFFFD, s23;
	v13 =	vld.idx.msk [tilespmem:v53+s5+$0x0], $0xffff  }
0x423: {  	v57 =	vadd.s32 s19, v2;
	vm15 =	vgt.f32 v15, v54  }
0x424: {  	s20 =	sadd.s32 $0xFFFFFFFE, s23;
	v16 =	vld.idx.msk [tilespmem:v55+s5+$0x0], $0xffff;
	v14 =	vsel vm15, v15, v54  }
0x425: {  	v58 =	vadd.s32 s20, v2;
	vm8 =	vgt.f32 v12, v14  }
0x426: {  	s24 =	sadd.s32 $0xFFFFFFFF, s23;
	v17 =	vld.idx.msk [tilespmem:v56+s5+$0x0], $0xffff;
	v12 =	vsel vm8, v12, v14  }
0x427: {  	v59 =	vadd.s32 s24, v2;
	vm9 =	vgt.f32 v13, v12  }
0x428: {  	v18 =	vld.idx.msk [tilespmem:v57+s5+$0x0], $0xffff;
	v12 =	vsel vm9, v13, v12  }
0x429: {  	v60 =	vadd.s32 s23, v2;
	vm10 =	vgt.f32 v16, v12  }
0x42a: {  	v15 =	vld.idx.msk [tilespmem:v58+s5+$0x0], $0xffff;
	v12 =	vsel vm10, v16, v12  }
0x42b: {  	vm11 =	vgt.f32 v17, v12  }
0x42c: {  	v61 =	vsel vm15, $0x1, v3;
	v14 =	vld.idx.msk [tilespmem:v59+s5+$0x0], $0xffff;
	v12 =	vsel vm11, v17, v12  }
0x42d: {  	v16 =	vsel vm8, $0x2, v61;
	vm12 =	vgt.f32 v18, v12  }
0x42e: {  	v13 =	vld.idx.msk [tilespmem:v60+s5+$0x0], $0xffff;
	v16 =	vsel vm9, $0x3, v16;
	v12 =	vsel vm12, v18, v12  }
0x42f: {  	v16 =	vsel vm10, $0x4, v16;
	vm13 =	vgt.f32 v15, v12  }
0x430: {  	p0 =	sgt.u32 s28, $0x184C0;
	v16 =	vsel vm11, $0x5, v16;
	v12 =	vsel vm13, v15, v12  }
.Ltmp11:
0x431: {  	v62 =	vsel vm12, $0x6, v16;
	vm14 =	vgt.f32 v14, v12;
	(pc) =	sbr.rel @p0 .LBB2_29-.Ltmp11, $4  }
0x432: {  	v15 =	vsel vm13, $0x7, v62;
	v12 =	vsel vm14, v14, v12  }
0x433: {  	v63 =	vsel vm14, $0x8, v15;
	vm15 =	vgt.f32 v13, v12  }
0x434: {  	v12 =	vsel vm15, $0x9, v63  }
0x435: {  	[tilespmem:s1+$0x0] =	vst v12  }
0x436: {  	s0 =	simm.s32 $0x0  }
0x437: {  	s1 =	sadd.s32 $0x190, s29;
	s24 =	simm.s32 $0x1;
	v12 =	vadd.s32 s0, v2  }
0x438: {  	[tilespmem:s5], [sflag:$0x3] =	stream.linear.gather [hbm4b:s1+s9], $0x640, $0x38;
	v13 =	vadd.s32 s24, v2;
	[tilespmem:$0x1F780] =	vst v63  }
0x439: {  	s1 =	simm.s32 $0x2;
	_ =	swait.ge [sflag:s3], $0x640  }
0x43a: {  	v14 =	vadd.s32 s1, v2;
	[sflag:s3] =	ssyncset.done $0x0  }
0x43b: {  	s7 =	simm.s32 $0x3;
	[sflag:s3] =	ssyncadd.s32 $0xFFFFF9C0  }
0x43c: {  	v15 =	vadd.s32 s7, v2;
	v12 =	vld.idx.msk [tilespmem:v12+s5+$0x0], $0xffff  }
0x43d: {  	s11 =	simm.s32 $0x4;
	v13 =	vld.idx.msk [tilespmem:v13+s5+$0x0], $0xffff  }
0x43e: {  	v16 =	vadd.s32 s11, v2  }
0x43f: {  	s18 =	simm.s32 $0x5;
	v14 =	vld.idx.msk [tilespmem:v14+s5+$0x0], $0xffff  }
0x440: {  	v17 =	vadd.s32 s18, v2  }
0x441: {  	s19 =	simm.s32 $0x6;
	v15 =	vld.idx.msk [tilespmem:v15+s5+$0x0], $0xffff  }
0x442: {  	v18 =	vadd.s32 s19, v2;
	vm0 =	vgt.f32 v13, v12  }
0x443: {  	s20 =	simm.s32 $0x7;
	v16 =	vld.idx.msk [tilespmem:v16+s5+$0x0], $0xffff;
	v12 =	vsel vm0, v13, v12  }
0x444: {  	v13 =	vadd.s32 s20, v2;
	vm1 =	vgt.f32 v14, v12  }
0x445: {  	s23 =	simm.s32 $0x8;
	v17 =	vld.idx.msk [tilespmem:v17+s5+$0x0], $0xffff;
	v12 =	vsel vm1, v14, v12  }
0x446: {  	v14 =	vadd.s32 s23, v2;
	vm2 =	vgt.f32 v15, v12  }
0x447: {  	s24 =	simm.s32 $0x9;
	v18 =	vld.idx.msk [tilespmem:v18+s5+$0x0], $0xffff;
	v12 =	vsel vm2, v15, v12  }
0x448: {  	v15 =	vadd.s32 s24, v2;
	vm3 =	vgt.f32 v16, v12  }
0x449: {  	v13 =	vld.idx.msk [tilespmem:v13+s5+$0x0], $0xffff;
	v12 =	vsel vm3, v16, v12  }
0x44a: {  	vm4 =	vgt.f32 v17, v12  }
0x44b: {  	v56 =	vsel vm0, $0x1, v3;
	v14 =	vld.idx.msk [tilespmem:v14+s5+$0x0], $0xffff;
	v12 =	vsel vm4, v17, v12  }
0x44c: {  	v16 =	vsel vm1, $0x2, v56;
	vm0 =	vgt.f32 v18, v12  }
0x44d: {  	v16 =	vsel vm2, $0x3, v16;
	v15 =	vld.idx.msk [tilespmem:v15+s5+$0x0], $0xffff;
	v12 =	vsel vm0, v18, v12  }
0x44e: {  	v16 =	vsel vm3, $0x4, v16;
	vm1 =	vgt.f32 v13, v12  }
0x44f: {  	s1 =	simm.s32 $0xA0;
	v16 =	vsel vm4, $0x5, v16;
	v12 =	vsel vm1, v13, v12  }
0x450: {  	s7 =	simm.s32 $0xA1;
	v57 =	vadd.s32 s1, v2;
	v13 =	vsel vm0, $0x6, v16;
	vm0 =	vgt.f32 v14, v12  }
0x451: {  	v13 =	vsel vm1, $0x7, v13;
	v12 =	vsel vm0, v14, v12;
	v14 =	vadd.s32 s7, v2  }
0x452: {  	s11 =	simm.s32 $0xA2;
	v13 =	vsel vm0, $0x8, v13;
	vm0 =	vgt.f32 v15, v12  }
0x453: {  	s24 =	simm.s32 $0x1E350;
	v12 =	vadd.s32 s11, v2;
	v13 =	vsel vm0, $0x9, v13  }
0x454: {  	s18 =	simm.s32 $0xA3;
	[tilespmem:s24+$0xFFFFFFF0] =	vst v13  }
0x455: {  	v13 =	vadd.s32 s18, v2;
	v15 =	vld.idx.msk [tilespmem:v57+s5+$0x0], $0xffff  }
0x456: {  	s19 =	simm.s32 $0xA4;
	v14 =	vld.idx.msk [tilespmem:v14+s5+$0x0], $0xffff  }
0x457: {  	v58 =	vadd.s32 s19, v2  }
0x458: {  	s20 =	simm.s32 $0xA5;
	v12 =	vld.idx.msk [tilespmem:v12+s5+$0x0], $0xffff  }
0x459: {  	v59 =	vadd.s32 s20, v2  }
0x45a: {  	s23 =	simm.s32 $0xA6;
	v13 =	vld.idx.msk [tilespmem:v13+s5+$0x0], $0xffff  }
0x45b: {  	v60 =	vadd.s32 s23, v2;
	vm0 =	vgt.f32 v14, v15  }
0x45c: {  	s1 =	simm.s32 $0xA7;
	v16 =	vld.idx.msk [tilespmem:v58+s5+$0x0], $0xffff;
	v14 =	vsel vm0, v14, v15  }
0x45d: {  	v15 =	vadd.s32 s1, v2;
	vm1 =	vgt.f32 v12, v14  }
0x45e: {  	s7 =	simm.s32 $0xA8;
	v17 =	vld.idx.msk [tilespmem:v59+s5+$0x0], $0xffff;
	v12 =	vsel vm1, v12, v14  }
0x45f: {  	v14 =	vadd.s32 s7, v2;
	vm2 =	vgt.f32 v13, v12  }
0x460: {  	s11 =	simm.s32 $0xA9;
	v18 =	vld.idx.msk [tilespmem:v60+s5+$0x0], $0xffff;
	v12 =	vsel vm2, v13, v12  }
0x461: {  	v13 =	vadd.s32 s11, v2;
	vm3 =	vgt.f32 v16, v12  }
0x462: {  	v15 =	vld.idx.msk [tilespmem:v15+s5+$0x0], $0xffff;
	v12 =	vsel vm3, v16, v12  }
0x463: {  	vm15 =	vgt.f32 v17, v12  }
0x464: {  	v61 =	vsel vm0, $0x1, v3;
	v14 =	vld.idx.msk [tilespmem:v14+s5+$0x0], $0xffff;
	v12 =	vsel vm15, v17, v12  }
0x465: {  	v16 =	vsel vm1, $0x2, v61;
	vm0 =	vgt.f32 v18, v12  }
0x466: {  	v62 =	vld.idx.msk [tilespmem:v13+s5+$0x0], $0xffff;
	v13 =	vsel vm2, $0x3, v16;
	v12 =	vsel vm0, v18, v12  }
0x467: {  	v13 =	vsel vm3, $0x4, v13;
	vm1 =	vgt.f32 v15, v12  }
0x468: {  	s18 =	simm.s32 $0x140;
	v13 =	vsel vm15, $0x5, v13;
	v15 =	vsel vm1, v15, v12  }
0x469: {  	s19 =	simm.s32 $0x141;
	v13 =	vsel vm0, $0x6, v13;
	v12 =	vadd.s32 s18, v2;
	vm0 =	vgt.f32 v14, v15  }
0x46a: {  	s0 =	simm.s32 $0x1E350;
	v63 =	vsel vm1, $0x7, v13;
	v13 =	vadd.s32 s19, v2;
	v15 =	vsel vm0, v14, v15  }
0x46b: {  	s20 =	simm.s32 $0x2;
	s23 =	simm.s32 $0x1E9;
	s1 =	simm.s32 $0x142;
	v14 =	vsel vm0, $0x8, v63;
	vm0 =	vgt.f32 v62, v15  }
.LBB2_24:
0x46c: {  	s20 =	sadd.s32 $0x2, s20;
	v15 =	vadd.s32 s1, v2;
	v14 =	vsel vm0, $0x9, v14;
	s24 =	sadd.s32 $0x20, s24  }
0x46d: {  	s1 =	sadd.s32 $0xFFFFFF5A, s23;
	p0 =	slt.u32 s20, $0x8;
	[tilespmem:s0+$0x0] =	vst v14;
	s0 =	smov.u32 s24  }
0x46e: {  	v14 =	vadd.s32 s1, v2;
	v12 =	vld.idx.msk [tilespmem:v12+s5+$0x0], $0xffff  }
0x46f: {  	s1 =	sadd.s32 $0xFFFFFF5B, s23;
	v13 =	vld.idx.msk [tilespmem:v13+s5+$0x0], $0xffff  }
0x470: {  	v16 =	vadd.s32 s1, v2  }
0x471: {  	s1 =	sadd.s32 $0xFFFFFF5C, s23;
	v15 =	vld.idx.msk [tilespmem:v15+s5+$0x0], $0xffff  }
0x472: {  	v17 =	vadd.s32 s1, v2  }
0x473: {  	s1 =	sadd.s32 $0xFFFFFF5D, s23;
	v14 =	vld.idx.msk [tilespmem:v14+s5+$0x0], $0xffff  }
0x474: {  	v18 =	vadd.s32 s1, v2  }
0x475: {  	s1 =	sadd.s32 $0xFFFFFF5E, s23;
	vm0 =	vgt.f32 v13, v12;
	v16 =	vld.idx.msk [tilespmem:v16+s5+$0x0], $0xffff  }
0x476: {  	v12 =	vsel vm0, v13, v12;
	v13 =	vadd.s32 s1, v2  }
0x477: {  	s1 =	sadd.s32 $0xFFFFFF5F, s23;
	vm1 =	vgt.f32 v15, v12;
	v17 =	vld.idx.msk [tilespmem:v17+s5+$0x0], $0xffff  }
0x478: {  	v12 =	vsel vm1, v15, v12;
	v15 =	vadd.s32 s1, v2  }
0x479: {  	s1 =	sadd.s32 $0xFFFFFF60, s23;
	vm2 =	vgt.f32 v14, v12;
	v18 =	vld.idx.msk [tilespmem:v18+s5+$0x0], $0xffff  }
0x47a: {  	v12 =	vsel vm2, v14, v12;
	v14 =	vadd.s32 s1, v2  }
0x47b: {  	vm3 =	vgt.f32 v16, v12;
	v13 =	vld.idx.msk [tilespmem:v13+s5+$0x0], $0xffff  }
0x47c: {  	v12 =	vsel vm3, v16, v12  }
0x47d: {  	vm4 =	vgt.f32 v17, v12;
	v15 =	vld.idx.msk [tilespmem:v15+s5+$0x0], $0xffff  }
0x47e: {  	v16 =	vsel vm0, $0x1, v3;
	v12 =	vsel vm4, v17, v12  }
0x47f: {  	v16 =	vsel vm1, $0x2, v16;
	vm0 =	vgt.f32 v18, v12;
	v14 =	vld.idx.msk [tilespmem:v14+s5+$0x0], $0xffff  }
0x480: {  	v16 =	vsel vm2, $0x3, v16;
	v12 =	vsel vm0, v18, v12  }
0x481: {  	v16 =	vsel vm3, $0x4, v16;
	vm1 =	vgt.f32 v13, v12  }
0x482: {  	s19 =	sadd.s32 $0xFFFFFFF8, s23;
	s1 =	sadd.s32 $0xFFFFFFF7, s23;
	v16 =	vsel vm4, $0x5, v16;
	v12 =	vsel vm1, v13, v12  }
0x483: {  	v13 =	vsel vm0, $0x6, v16;
	v16 =	vadd.s32 s1, v2;
	vm0 =	vgt.f32 v15, v12  }
0x484: {  	s1 =	sadd.s32 $0xFFFFFFF9, s23;
	v13 =	vsel vm1, $0x7, v13;
	v12 =	vsel vm0, v15, v12;
	v15 =	vadd.s32 s19, v2  }
0x485: {  	v13 =	vsel vm0, $0x8, v13;
	vm0 =	vgt.f32 v14, v12;
	v12 =	vadd.s32 s1, v2  }
0x486: {  	s1 =	sadd.s32 $0xFFFFFFFA, s23;
	v13 =	vsel vm0, $0x9, v13  }
0x487: {  	[tilespmem:s24+$0xFFFFFFF0] =	vst v13;
	v13 =	vadd.s32 s1, v2  }
0x488: {  	s1 =	sadd.s32 $0xFFFFFFFB, s23;
	v14 =	vld.idx.msk [tilespmem:v16+s5+$0x0], $0xffff  }
0x489: {  	v16 =	vadd.s32 s1, v2;
	v15 =	vld.idx.msk [tilespmem:v15+s5+$0x0], $0xffff  }
0x48a: {  	s1 =	sadd.s32 $0xFFFFFFFC, s23;
	v12 =	vld.idx.msk [tilespmem:v12+s5+$0x0], $0xffff  }
0x48b: {  	v17 =	vadd.s32 s1, v2  }
0x48c: {  	s1 =	sadd.s32 $0xFFFFFFFD, s23;
	v13 =	vld.idx.msk [tilespmem:v13+s5+$0x0], $0xffff  }
0x48d: {  	v18 =	vadd.s32 s1, v2  }
0x48e: {  	s1 =	sadd.s32 $0xFFFFFFFE, s23;
	v16 =	vld.idx.msk [tilespmem:v16+s5+$0x0], $0xffff  }
0x48f: {  	v19 =	vadd.s32 s1, v2;
	vm0 =	vgt.f32 v15, v14  }
0x490: {  	s1 =	sadd.s32 $0xFFFFFFFF, s23;
	v14 =	vsel vm0, v15, v14;
	v15 =	vld.idx.msk [tilespmem:v17+s5+$0x0], $0xffff  }
0x491: {  	vm1 =	vgt.f32 v12, v14;
	v17 =	vadd.s32 s1, v2  }
0x492: {  	v12 =	vsel vm1, v12, v14;
	v14 =	vld.idx.msk [tilespmem:v18+s5+$0x0], $0xffff  }
0x493: {  	vm2 =	vgt.f32 v13, v12;
	v18 =	vadd.s32 s23, v2  }
0x494: {  	v12 =	vsel vm2, v13, v12;
	v13 =	vld.idx.msk [tilespmem:v19+s5+$0x0], $0xffff  }
0x495: {  	vm3 =	vgt.f32 v16, v12  }
0x496: {  	v12 =	vsel vm3, v16, v12;
	v16 =	vld.idx.msk [tilespmem:v17+s5+$0x0], $0xffff  }
0x497: {  	v17 =	vsel vm0, $0x1, v3;
	vm0 =	vgt.f32 v15, v12  }
0x498: {  	v17 =	vsel vm1, $0x2, v17;
	v12 =	vsel vm0, v15, v12;
	v15 =	vld.idx.msk [tilespmem:v18+s5+$0x0], $0xffff  }
0x499: {  	v17 =	vsel vm2, $0x3, v17;
	vm1 =	vgt.f32 v14, v12  }
0x49a: {  	s23 =	sadd.s32 $0x140, s23;
	v17 =	vsel vm3, $0x4, v17;
	v12 =	vsel vm1, v14, v12  }
.Ltmp12:
0x49b: {  	v14 =	vsel vm0, $0x5, v17;
	vm0 =	vgt.f32 v13, v12;
	(pc) =	sbr.rel @p0 .LBB2_24-.Ltmp12, $4  }
0x49c: {  	s1 =	sadd.s32 $0xFFFFFF57, s23;
	v14 =	vsel vm1, $0x6, v14;
	v17 =	vsel vm0, v13, v12  }
0x49d: {  	v12 =	vadd.s32 s1, v2;
	s1 =	sadd.s32 $0xFFFFFF58, s23;
	v14 =	vsel vm0, $0x7, v14;
	vm0 =	vgt.f32 v16, v17  }
0x49e: {  	v13 =	vadd.s32 s1, v2;
	v14 =	vsel vm0, $0x8, v14;
	v16 =	vsel vm0, v16, v17  }
0x49f: {  	s1 =	sadd.s32 $0xFFFFFF59, s23;
	vm0 =	vgt.f32 v15, v16  }
0x4a0: {  	_ =	sdelay $0x1  }
0x4a1: {  	v15 =	vadd.s32 s1, v2;
	v14 =	vsel vm0, $0x9, v14  }
0x4a2: {  	s11 =	sadd.s32 $0xFFFFFF5A, s23;
	[tilespmem:s0+$0x0] =	vst v14  }
0x4a3: {  	v44 =	vadd.s32 s11, v2;
	v12 =	vld.idx.msk [tilespmem:v12+s5+$0x0], $0xffff  }
0x4a4: {  	s18 =	sadd.s32 $0xFFFFFF5B, s23;
	v13 =	vld.idx.msk [tilespmem:v13+s5+$0x0], $0xffff  }
0x4a5: {  	v16 =	vadd.s32 s18, v2  }
0x4a6: {  	s19 =	sadd.s32 $0xFFFFFF5C, s23;
	v15 =	vld.idx.msk [tilespmem:v15+s5+$0x0], $0xffff  }
0x4a7: {  	v17 =	vadd.s32 s19, v2  }
0x4a8: {  	s20 =	sadd.s32 $0xFFFFFF5D, s23;
	v14 =	vld.idx.msk [tilespmem:v44+s5+$0x0], $0xffff  }
0x4a9: {  	v18 =	vadd.s32 s20, v2;
	vm10 =	vgt.f32 v13, v12  }
0x4aa: {  	s1 =	sadd.s32 $0xFFFFFF5E, s23;
	v16 =	vld.idx.msk [tilespmem:v16+s5+$0x0], $0xffff;
	v12 =	vsel vm10, v13, v12  }
0x4ab: {  	v45 =	vadd.s32 s1, v2;
	vm1 =	vgt.f32 v15, v12  }
0x4ac: {  	s7 =	sadd.s32 $0xFFFFFF5F, s23;
	v17 =	vld.idx.msk [tilespmem:v17+s5+$0x0], $0xffff;
	v12 =	vsel vm1, v15, v12  }
0x4ad: {  	v46 =	vadd.s32 s7, v2;
	vm2 =	vgt.f32 v14, v12  }
0x4ae: {  	s11 =	sadd.s32 $0xFFFFFF60, s23;
	v18 =	vld.idx.msk [tilespmem:v18+s5+$0x0], $0xffff;
	v12 =	vsel vm2, v14, v12  }
0x4af: {  	v47 =	vadd.s32 s11, v2;
	vm3 =	vgt.f32 v16, v12  }
0x4b0: {  	v13 =	vld.idx.msk [tilespmem:v45+s5+$0x0], $0xffff;
	v12 =	vsel vm3, v16, v12  }
0x4b1: {  	vm4 =	vgt.f32 v17, v12  }
0x4b2: {  	v48 =	vsel vm10, $0x1, v3;
	v15 =	vld.idx.msk [tilespmem:v46+s5+$0x0], $0xffff;
	v12 =	vsel vm4, v17, v12  }
0x4b3: {  	v16 =	vsel vm1, $0x2, v48;
	vm11 =	vgt.f32 v18, v12  }
0x4b4: {  	v14 =	vld.idx.msk [tilespmem:v47+s5+$0x0], $0xffff;
	v16 =	vsel vm2, $0x3, v16;
	v12 =	vsel vm11, v18, v12  }
0x4b5: {  	v16 =	vsel vm3, $0x4, v16;
	vm12 =	vgt.f32 v13, v12  }
0x4b6: {  	s18 =	sadd.s32 $0xFFFFFFF7, s23;
	v16 =	vsel vm4, $0x5, v16;
	v12 =	vsel vm12, v13, v12  }
0x4b7: {  	s19 =	sadd.s32 $0xFFFFFFF8, s23;
	v50 =	vadd.s32 s18, v2;
	v49 =	vsel vm11, $0x6, v16;
	vm13 =	vgt.f32 v15, v12  }
0x4b8: {  	v51 =	vadd.s32 s19, v2;
	v13 =	vsel vm12, $0x7, v49;
	v12 =	vsel vm13, v15, v12  }
0x4b9: {  	s20 =	sadd.s32 $0xFFFFFFF9, s23;
	v13 =	vsel vm13, $0x8, v13;
	vm14 =	vgt.f32 v14, v12  }
0x4ba: {  	s1 =	sadd.s32 $0x20, s24;
	v52 =	vadd.s32 s20, v2;
	v13 =	vsel vm14, $0x9, v13  }
0x4bb: {  	s7 =	sadd.s32 $0xFFFFFFFA, s23;
	[tilespmem:s1+$0xFFFFFFF0] =	vst v13  }
0x4bc: {  	v53 =	vadd.s32 s7, v2;
	v54 =	vld.idx.msk [tilespmem:v50+s5+$0x0], $0xffff  }
0x4bd: {  	s11 =	sadd.s32 $0xFFFFFFFB, s23;
	v15 =	vld.idx.msk [tilespmem:v51+s5+$0x0], $0xffff  }
0x4be: {  	v55 =	vadd.s32 s11, v2  }
0x4bf: {  	s18 =	sadd.s32 $0xFFFFFFFC, s23;
	v12 =	vld.idx.msk [tilespmem:v52+s5+$0x0], $0xffff  }
0x4c0: {  	v56 =	vadd.s32 s18, v2  }
0x4c1: {  	s19 =	sadd.s32 $0xFFFFFFFD, s23;
	v13 =	vld.idx.msk [tilespmem:v53+s5+$0x0], $0xffff  }
0x4c2: {  	v57 =	vadd.s32 s19, v2;
	vm15 =	vgt.f32 v15, v54  }
0x4c3: {  	s20 =	sadd.s32 $0xFFFFFFFE, s23;
	v16 =	vld.idx.msk [tilespmem:v55+s5+$0x0], $0xffff;
	v14 =	vsel vm15, v15, v54  }
0x4c4: {  	v58 =	vadd.s32 s20, v2;
	vm8 =	vgt.f32 v12, v14  }
0x4c5: {  	s24 =	sadd.s32 $0xFFFFFFFF, s23;
	v17 =	vld.idx.msk [tilespmem:v56+s5+$0x0], $0xffff;
	v12 =	vsel vm8, v12, v14  }
0x4c6: {  	v59 =	vadd.s32 s24, v2;
	vm9 =	vgt.f32 v13, v12  }
0x4c7: {  	v18 =	vld.idx.msk [tilespmem:v57+s5+$0x0], $0xffff;
	v12 =	vsel vm9, v13, v12  }
0x4c8: {  	v60 =	vadd.s32 s23, v2;
	vm10 =	vgt.f32 v16, v12  }
0x4c9: {  	v15 =	vld.idx.msk [tilespmem:v58+s5+$0x0], $0xffff;
	v12 =	vsel vm10, v16, v12  }
0x4ca: {  	vm11 =	vgt.f32 v17, v12  }
0x4cb: {  	v61 =	vsel vm15, $0x1, v3;
	v14 =	vld.idx.msk [tilespmem:v59+s5+$0x0], $0xffff;
	v12 =	vsel vm11, v17, v12  }
0x4cc: {  	v16 =	vsel vm8, $0x2, v61;
	vm12 =	vgt.f32 v18, v12  }
0x4cd: {  	v13 =	vld.idx.msk [tilespmem:v60+s5+$0x0], $0xffff;
	v16 =	vsel vm9, $0x3, v16;
	v12 =	vsel vm12, v18, v12  }
0x4ce: {  	v16 =	vsel vm10, $0x4, v16;
	vm13 =	vgt.f32 v15, v12  }
0x4cf: {  	p0 =	sgt.u32 s28, $0x18420;
	v16 =	vsel vm11, $0x5, v16;
	v12 =	vsel vm13, v15, v12  }
.Ltmp13:
0x4d0: {  	v62 =	vsel vm12, $0x6, v16;
	vm14 =	vgt.f32 v14, v12;
	(pc) =	sbr.rel @p0 .LBB2_29-.Ltmp13, $4  }
0x4d1: {  	v15 =	vsel vm13, $0x7, v62;
	v12 =	vsel vm14, v14, v12  }
0x4d2: {  	v63 =	vsel vm14, $0x8, v15;
	vm15 =	vgt.f32 v13, v12  }
0x4d3: {  	v12 =	vsel vm15, $0x9, v63  }
0x4d4: {  	[tilespmem:s1+$0x0] =	vst v12  }
0x4d5: {  	s0 =	simm.s32 $0x0  }
0x4d6: {  	s1 =	sadd.s32 $0x258, s29;
	s28 =	simm.s32 $0x1;
	v12 =	vadd.s32 s0, v2  }
0x4d7: {  	[tilespmem:s5], [sflag:$0x3] =	stream.linear.gather [hbm4b:s1+s9], $0x640, $0x38;
	v13 =	vadd.s32 s28, v2;
	[tilespmem:$0x1F780] =	vst v63  }
0x4d8: {  	s29 =	simm.s32 $0x2;
	_ =	swait.ge [sflag:s3], $0x640  }
0x4d9: {  	v14 =	vadd.s32 s29, v2;
	[sflag:s3] =	ssyncset.done $0x0  }
0x4da: {  	s1 =	simm.s32 $0x3;
	[sflag:s3] =	ssyncadd.s32 $0xFFFFF9C0  }
0x4db: {  	v15 =	vadd.s32 s1, v2;
	v12 =	vld.idx.msk [tilespmem:v12+s5+$0x0], $0xffff  }
0x4dc: {  	s7 =	simm.s32 $0x4;
	v13 =	vld.idx.msk [tilespmem:v13+s5+$0x0], $0xffff  }
0x4dd: {  	v16 =	vadd.s32 s7, v2  }
0x4de: {  	s11 =	simm.s32 $0x5;
	v14 =	vld.idx.msk [tilespmem:v14+s5+$0x0], $0xffff  }
0x4df: {  	v17 =	vadd.s32 s11, v2  }
0x4e0: {  	s18 =	simm.s32 $0x6;
	v15 =	vld.idx.msk [tilespmem:v15+s5+$0x0], $0xffff  }
0x4e1: {  	v18 =	vadd.s32 s18, v2;
	vm0 =	vgt.f32 v13, v12  }
0x4e2: {  	s19 =	simm.s32 $0x7;
	v16 =	vld.idx.msk [tilespmem:v16+s5+$0x0], $0xffff;
	v12 =	vsel vm0, v13, v12  }
0x4e3: {  	v13 =	vadd.s32 s19, v2;
	vm1 =	vgt.f32 v14, v12  }
0x4e4: {  	s20 =	simm.s32 $0x8;
	v17 =	vld.idx.msk [tilespmem:v17+s5+$0x0], $0xffff;
	v12 =	vsel vm1, v14, v12  }
0x4e5: {  	v14 =	vadd.s32 s20, v2;
	vm2 =	vgt.f32 v15, v12  }
0x4e6: {  	s23 =	simm.s32 $0x9;
	v18 =	vld.idx.msk [tilespmem:v18+s5+$0x0], $0xffff;
	v12 =	vsel vm2, v15, v12  }
0x4e7: {  	v15 =	vadd.s32 s23, v2;
	vm3 =	vgt.f32 v16, v12  }
0x4e8: {  	v13 =	vld.idx.msk [tilespmem:v13+s5+$0x0], $0xffff;
	v12 =	vsel vm3, v16, v12  }
0x4e9: {  	vm4 =	vgt.f32 v17, v12  }
0x4ea: {  	v56 =	vsel vm0, $0x1, v3;
	v14 =	vld.idx.msk [tilespmem:v14+s5+$0x0], $0xffff;
	v12 =	vsel vm4, v17, v12  }
0x4eb: {  	v16 =	vsel vm1, $0x2, v56;
	vm0 =	vgt.f32 v18, v12  }
0x4ec: {  	v16 =	vsel vm2, $0x3, v16;
	v15 =	vld.idx.msk [tilespmem:v15+s5+$0x0], $0xffff;
	v12 =	vsel vm0, v18, v12  }
0x4ed: {  	v16 =	vsel vm3, $0x4, v16;
	vm1 =	vgt.f32 v13, v12  }
0x4ee: {  	s24 =	simm.s32 $0xA0;
	v16 =	vsel vm4, $0x5, v16;
	v12 =	vsel vm1, v13, v12  }
0x4ef: {  	s28 =	simm.s32 $0xA1;
	v57 =	vadd.s32 s24, v2;
	v13 =	vsel vm0, $0x6, v16;
	vm0 =	vgt.f32 v14, v12  }
0x4f0: {  	v13 =	vsel vm1, $0x7, v13;
	v12 =	vsel vm0, v14, v12;
	v14 =	vadd.s32 s28, v2  }
0x4f1: {  	s29 =	simm.s32 $0xA2;
	v13 =	vsel vm0, $0x8, v13;
	vm0 =	vgt.f32 v15, v12  }
0x4f2: {  	s24 =	simm.s32 $0x1E3F0;
	v12 =	vadd.s32 s29, v2;
	v13 =	vsel vm0, $0x9, v13  }
0x4f3: {  	s1 =	simm.s32 $0xA3;
	[tilespmem:s24+$0xFFFFFFF0] =	vst v13  }
0x4f4: {  	v13 =	vadd.s32 s1, v2;
	v15 =	vld.idx.msk [tilespmem:v57+s5+$0x0], $0xffff  }
0x4f5: {  	s7 =	simm.s32 $0xA4;
	v14 =	vld.idx.msk [tilespmem:v14+s5+$0x0], $0xffff  }
0x4f6: {  	v58 =	vadd.s32 s7, v2  }
0x4f7: {  	s11 =	simm.s32 $0xA5;
	v12 =	vld.idx.msk [tilespmem:v12+s5+$0x0], $0xffff  }
0x4f8: {  	v59 =	vadd.s32 s11, v2  }
0x4f9: {  	s18 =	simm.s32 $0xA6;
	v13 =	vld.idx.msk [tilespmem:v13+s5+$0x0], $0xffff  }
0x4fa: {  	v60 =	vadd.s32 s18, v2;
	vm0 =	vgt.f32 v14, v15  }
0x4fb: {  	s19 =	simm.s32 $0xA7;
	v16 =	vld.idx.msk [tilespmem:v58+s5+$0x0], $0xffff;
	v14 =	vsel vm0, v14, v15  }
0x4fc: {  	v15 =	vadd.s32 s19, v2;
	vm1 =	vgt.f32 v12, v14  }
0x4fd: {  	s20 =	simm.s32 $0xA8;
	v17 =	vld.idx.msk [tilespmem:v59+s5+$0x0], $0xffff;
	v12 =	vsel vm1, v12, v14  }
0x4fe: {  	v14 =	vadd.s32 s20, v2;
	vm2 =	vgt.f32 v13, v12  }
0x4ff: {  	s23 =	simm.s32 $0xA9;
	v18 =	vld.idx.msk [tilespmem:v60+s5+$0x0], $0xffff;
	v12 =	vsel vm2, v13, v12  }
0x500: {  	v13 =	vadd.s32 s23, v2;
	vm3 =	vgt.f32 v16, v12  }
0x501: {  	v15 =	vld.idx.msk [tilespmem:v15+s5+$0x0], $0xffff;
	v12 =	vsel vm3, v16, v12  }
0x502: {  	vm15 =	vgt.f32 v17, v12  }
0x503: {  	v61 =	vsel vm0, $0x1, v3;
	v14 =	vld.idx.msk [tilespmem:v14+s5+$0x0], $0xffff;
	v12 =	vsel vm15, v17, v12  }
0x504: {  	v16 =	vsel vm1, $0x2, v61;
	vm0 =	vgt.f32 v18, v12  }
0x505: {  	v62 =	vld.idx.msk [tilespmem:v13+s5+$0x0], $0xffff;
	v13 =	vsel vm2, $0x3, v16;
	v12 =	vsel vm0, v18, v12  }
0x506: {  	v13 =	vsel vm3, $0x4, v13;
	vm1 =	vgt.f32 v15, v12  }
0x507: {  	s28 =	simm.s32 $0x140;
	v13 =	vsel vm15, $0x5, v13;
	v15 =	vsel vm1, v15, v12  }
0x508: {  	s29 =	simm.s32 $0x141;
	v13 =	vsel vm0, $0x6, v13;
	v12 =	vadd.s32 s28, v2;
	vm0 =	vgt.f32 v14, v15  }
0x509: {  	s0 =	simm.s32 $0x1E3F0;
	v63 =	vsel vm1, $0x7, v13;
	v13 =	vadd.s32 s29, v2;
	v15 =	vsel vm0, v14, v15  }
0x50a: {  	s1 =	simm.s32 $0x142;
	s20 =	simm.s32 $0x2;
	s23 =	simm.s32 $0x1E9;
	v14 =	vsel vm0, $0x8, v63;
	vm0 =	vgt.f32 v62, v15  }
.LBB2_27:
0x50b: {  	s20 =	sadd.s32 $0x2, s20;
	v15 =	vadd.s32 s1, v2;
	v14 =	vsel vm0, $0x9, v14;
	s24 =	sadd.s32 $0x20, s24  }
0x50c: {  	s1 =	sadd.s32 $0xFFFFFF5A, s23;
	p0 =	slt.u32 s20, $0x8;
	[tilespmem:s0+$0x0] =	vst v14;
	s0 =	smov.u32 s24  }
0x50d: {  	v14 =	vadd.s32 s1, v2;
	v12 =	vld.idx.msk [tilespmem:v12+s5+$0x0], $0xffff  }
0x50e: {  	s1 =	sadd.s32 $0xFFFFFF5B, s23;
	v13 =	vld.idx.msk [tilespmem:v13+s5+$0x0], $0xffff  }
0x50f: {  	v16 =	vadd.s32 s1, v2  }
0x510: {  	s1 =	sadd.s32 $0xFFFFFF5C, s23;
	v15 =	vld.idx.msk [tilespmem:v15+s5+$0x0], $0xffff  }
0x511: {  	v17 =	vadd.s32 s1, v2  }
0x512: {  	s1 =	sadd.s32 $0xFFFFFF5D, s23;
	v14 =	vld.idx.msk [tilespmem:v14+s5+$0x0], $0xffff  }
0x513: {  	v18 =	vadd.s32 s1, v2  }
0x514: {  	s1 =	sadd.s32 $0xFFFFFF5E, s23;
	vm0 =	vgt.f32 v13, v12;
	v16 =	vld.idx.msk [tilespmem:v16+s5+$0x0], $0xffff  }
0x515: {  	v12 =	vsel vm0, v13, v12;
	v13 =	vadd.s32 s1, v2  }
0x516: {  	s1 =	sadd.s32 $0xFFFFFF5F, s23;
	vm1 =	vgt.f32 v15, v12;
	v17 =	vld.idx.msk [tilespmem:v17+s5+$0x0], $0xffff  }
0x517: {  	v12 =	vsel vm1, v15, v12;
	v15 =	vadd.s32 s1, v2  }
0x518: {  	s1 =	sadd.s32 $0xFFFFFF60, s23;
	vm2 =	vgt.f32 v14, v12;
	v18 =	vld.idx.msk [tilespmem:v18+s5+$0x0], $0xffff  }
0x519: {  	v12 =	vsel vm2, v14, v12;
	v14 =	vadd.s32 s1, v2  }
0x51a: {  	vm3 =	vgt.f32 v16, v12;
	v13 =	vld.idx.msk [tilespmem:v13+s5+$0x0], $0xffff  }
0x51b: {  	v12 =	vsel vm3, v16, v12  }
0x51c: {  	vm4 =	vgt.f32 v17, v12;
	v15 =	vld.idx.msk [tilespmem:v15+s5+$0x0], $0xffff  }
0x51d: {  	v16 =	vsel vm0, $0x1, v3;
	v12 =	vsel vm4, v17, v12  }
0x51e: {  	v16 =	vsel vm1, $0x2, v16;
	vm0 =	vgt.f32 v18, v12;
	v14 =	vld.idx.msk [tilespmem:v14+s5+$0x0], $0xffff  }
0x51f: {  	v16 =	vsel vm2, $0x3, v16;
	v12 =	vsel vm0, v18, v12  }
0x520: {  	v16 =	vsel vm3, $0x4, v16;
	vm1 =	vgt.f32 v13, v12  }
0x521: {  	s19 =	sadd.s32 $0xFFFFFFF8, s23;
	s1 =	sadd.s32 $0xFFFFFFF7, s23;
	v16 =	vsel vm4, $0x5, v16;
	v12 =	vsel vm1, v13, v12  }
0x522: {  	v13 =	vsel vm0, $0x6, v16;
	v16 =	vadd.s32 s1, v2;
	vm0 =	vgt.f32 v15, v12  }
0x523: {  	s1 =	sadd.s32 $0xFFFFFFF9, s23;
	v13 =	vsel vm1, $0x7, v13;
	v12 =	vsel vm0, v15, v12;
	v15 =	vadd.s32 s19, v2  }
0x524: {  	v13 =	vsel vm0, $0x8, v13;
	vm0 =	vgt.f32 v14, v12;
	v12 =	vadd.s32 s1, v2  }
0x525: {  	s1 =	sadd.s32 $0xFFFFFFFA, s23;
	v13 =	vsel vm0, $0x9, v13  }
0x526: {  	[tilespmem:s24+$0xFFFFFFF0] =	vst v13;
	v13 =	vadd.s32 s1, v2  }
0x527: {  	s1 =	sadd.s32 $0xFFFFFFFB, s23;
	v14 =	vld.idx.msk [tilespmem:v16+s5+$0x0], $0xffff  }
0x528: {  	v16 =	vadd.s32 s1, v2;
	v15 =	vld.idx.msk [tilespmem:v15+s5+$0x0], $0xffff  }
0x529: {  	s1 =	sadd.s32 $0xFFFFFFFC, s23;
	v12 =	vld.idx.msk [tilespmem:v12+s5+$0x0], $0xffff  }
0x52a: {  	v17 =	vadd.s32 s1, v2  }
0x52b: {  	s1 =	sadd.s32 $0xFFFFFFFD, s23;
	v13 =	vld.idx.msk [tilespmem:v13+s5+$0x0], $0xffff  }
0x52c: {  	v18 =	vadd.s32 s1, v2  }
0x52d: {  	s1 =	sadd.s32 $0xFFFFFFFE, s23;
	v16 =	vld.idx.msk [tilespmem:v16+s5+$0x0], $0xffff  }
0x52e: {  	v19 =	vadd.s32 s1, v2;
	vm0 =	vgt.f32 v15, v14  }
0x52f: {  	s1 =	sadd.s32 $0xFFFFFFFF, s23;
	v14 =	vsel vm0, v15, v14;
	v15 =	vld.idx.msk [tilespmem:v17+s5+$0x0], $0xffff  }
0x530: {  	vm1 =	vgt.f32 v12, v14;
	v17 =	vadd.s32 s1, v2  }
0x531: {  	v12 =	vsel vm1, v12, v14;
	v14 =	vld.idx.msk [tilespmem:v18+s5+$0x0], $0xffff  }
0x532: {  	vm2 =	vgt.f32 v13, v12;
	v18 =	vadd.s32 s23, v2  }
0x533: {  	v12 =	vsel vm2, v13, v12;
	v13 =	vld.idx.msk [tilespmem:v19+s5+$0x0], $0xffff  }
0x534: {  	vm3 =	vgt.f32 v16, v12  }
0x535: {  	v12 =	vsel vm3, v16, v12;
	v16 =	vld.idx.msk [tilespmem:v17+s5+$0x0], $0xffff  }
0x536: {  	v17 =	vsel vm0, $0x1, v3;
	vm0 =	vgt.f32 v15, v12  }
0x537: {  	v17 =	vsel vm1, $0x2, v17;
	v12 =	vsel vm0, v15, v12;
	v15 =	vld.idx.msk [tilespmem:v18+s5+$0x0], $0xffff  }
0x538: {  	v17 =	vsel vm2, $0x3, v17;
	vm1 =	vgt.f32 v14, v12  }
0x539: {  	s23 =	sadd.s32 $0x140, s23;
	v17 =	vsel vm3, $0x4, v17;
	v12 =	vsel vm1, v14, v12  }
.Ltmp14:
0x53a: {  	v14 =	vsel vm0, $0x5, v17;
	vm0 =	vgt.f32 v13, v12;
	(pc) =	sbr.rel @p0 .LBB2_27-.Ltmp14, $4  }
0x53b: {  	s1 =	sadd.s32 $0xFFFFFF57, s23;
	v14 =	vsel vm1, $0x6, v14;
	v17 =	vsel vm0, v13, v12  }
0x53c: {  	v12 =	vadd.s32 s1, v2;
	s1 =	sadd.s32 $0xFFFFFF58, s23;
	v14 =	vsel vm0, $0x7, v14;
	vm0 =	vgt.f32 v16, v17  }
0x53d: {  	v13 =	vadd.s32 s1, v2;
	v14 =	vsel vm0, $0x8, v14;
	v16 =	vsel vm0, v16, v17  }
0x53e: {  	s1 =	sadd.s32 $0xFFFFFF59, s23;
	vm0 =	vgt.f32 v15, v16  }
0x53f: {  	_ =	sdelay $0x1  }
0x540: {  	v15 =	vadd.s32 s1, v2;
	v14 =	vsel vm0, $0x9, v14  }
0x541: {  	s29 =	sadd.s32 $0xFFFFFF5A, s23;
	[tilespmem:s0+$0x0] =	vst v14  }
0x542: {  	v44 =	vadd.s32 s29, v2;
	v12 =	vld.idx.msk [tilespmem:v12+s5+$0x0], $0xffff  }
0x543: {  	s1 =	sadd.s32 $0xFFFFFF5B, s23;
	v13 =	vld.idx.msk [tilespmem:v13+s5+$0x0], $0xffff  }
0x544: {  	v16 =	vadd.s32 s1, v2  }
0x545: {  	s7 =	sadd.s32 $0xFFFFFF5C, s23;
	v15 =	vld.idx.msk [tilespmem:v15+s5+$0x0], $0xffff  }
0x546: {  	v17 =	vadd.s32 s7, v2  }
0x547: {  	s11 =	sadd.s32 $0xFFFFFF5D, s23;
	v14 =	vld.idx.msk [tilespmem:v44+s5+$0x0], $0xffff  }
0x548: {  	v18 =	vadd.s32 s11, v2;
	vm10 =	vgt.f32 v13, v12  }
0x549: {  	s18 =	sadd.s32 $0xFFFFFF5E, s23;
	v16 =	vld.idx.msk [tilespmem:v16+s5+$0x0], $0xffff;
	v12 =	vsel vm10, v13, v12  }
0x54a: {  	v45 =	vadd.s32 s18, v2;
	vm1 =	vgt.f32 v15, v12  }
0x54b: {  	s19 =	sadd.s32 $0xFFFFFF5F, s23;
	v17 =	vld.idx.msk [tilespmem:v17+s5+$0x0], $0xffff;
	v12 =	vsel vm1, v15, v12  }
0x54c: {  	v46 =	vadd.s32 s19, v2;
	vm2 =	vgt.f32 v14, v12  }
0x54d: {  	s20 =	sadd.s32 $0xFFFFFF60, s23;
	v18 =	vld.idx.msk [tilespmem:v18+s5+$0x0], $0xffff;
	v12 =	vsel vm2, v14, v12  }
0x54e: {  	v47 =	vadd.s32 s20, v2;
	vm3 =	vgt.f32 v16, v12  }
0x54f: {  	v13 =	vld.idx.msk [tilespmem:v45+s5+$0x0], $0xffff;
	v12 =	vsel vm3, v16, v12  }
0x550: {  	vm4 =	vgt.f32 v17, v12  }
0x551: {  	v48 =	vsel vm10, $0x1, v3;
	v15 =	vld.idx.msk [tilespmem:v46+s5+$0x0], $0xffff;
	v12 =	vsel vm4, v17, v12  }
0x552: {  	v16 =	vsel vm1, $0x2, v48;
	vm11 =	vgt.f32 v18, v12  }
0x553: {  	v14 =	vld.idx.msk [tilespmem:v47+s5+$0x0], $0xffff;
	v16 =	vsel vm2, $0x3, v16;
	v12 =	vsel vm11, v18, v12  }
0x554: {  	v16 =	vsel vm3, $0x4, v16;
	vm12 =	vgt.f32 v13, v12  }
0x555: {  	s28 =	sadd.s32 $0xFFFFFFF7, s23;
	v16 =	vsel vm4, $0x5, v16;
	v12 =	vsel vm12, v13, v12  }
0x556: {  	s29 =	sadd.s32 $0xFFFFFFF8, s23;
	v50 =	vadd.s32 s28, v2;
	v49 =	vsel vm11, $0x6, v16;
	vm13 =	vgt.f32 v15, v12  }
0x557: {  	v51 =	vadd.s32 s29, v2;
	v13 =	vsel vm12, $0x7, v49;
	v12 =	vsel vm13, v15, v12  }
0x558: {  	s7 =	sadd.s32 $0xFFFFFFF9, s23;
	v13 =	vsel vm13, $0x8, v13;
	vm14 =	vgt.f32 v14, v12  }
0x559: {  	s11 =	sadd.s32 $0x20, s24;
	v52 =	vadd.s32 s7, v2;
	v13 =	vsel vm14, $0x9, v13  }
0x55a: {  	s18 =	sadd.s32 $0xFFFFFFFA, s23;
	[tilespmem:s11+$0xFFFFFFF0] =	vst v13  }
0x55b: {  	v53 =	vadd.s32 s18, v2;
	v54 =	vld.idx.msk [tilespmem:v50+s5+$0x0], $0xffff  }
0x55c: {  	s19 =	sadd.s32 $0xFFFFFFFB, s23;
	v15 =	vld.idx.msk [tilespmem:v51+s5+$0x0], $0xffff  }
0x55d: {  	v55 =	vadd.s32 s19, v2  }
0x55e: {  	s20 =	sadd.s32 $0xFFFFFFFC, s23;
	v12 =	vld.idx.msk [tilespmem:v52+s5+$0x0], $0xffff  }
0x55f: {  	v56 =	vadd.s32 s20, v2  }
0x560: {  	s24 =	sadd.s32 $0xFFFFFFFD, s23;
	v13 =	vld.idx.msk [tilespmem:v53+s5+$0x0], $0xffff  }
0x561: {  	v57 =	vadd.s32 s24, v2;
	vm15 =	vgt.f32 v15, v54  }
0x562: {  	s28 =	sadd.s32 $0xFFFFFFFE, s23;
	v16 =	vld.idx.msk [tilespmem:v55+s5+$0x0], $0xffff;
	v14 =	vsel vm15, v15, v54  }
0x563: {  	v58 =	vadd.s32 s28, v2;
	vm8 =	vgt.f32 v12, v14  }
0x564: {  	s29 =	sadd.s32 $0xFFFFFFFF, s23;
	v17 =	vld.idx.msk [tilespmem:v56+s5+$0x0], $0xffff;
	v12 =	vsel vm8, v12, v14  }
0x565: {  	v59 =	vadd.s32 s29, v2;
	vm9 =	vgt.f32 v13, v12  }
0x566: {  	v18 =	vld.idx.msk [tilespmem:v57+s5+$0x0], $0xffff;
	v12 =	vsel vm9, v13, v12  }
0x567: {  	v60 =	vadd.s32 s23, v2;
	vm10 =	vgt.f32 v16, v12  }
0x568: {  	v15 =	vld.idx.msk [tilespmem:v58+s5+$0x0], $0xffff;
	v12 =	vsel vm10, v16, v12  }
0x569: {  	vm11 =	vgt.f32 v17, v12  }
0x56a: {  	v61 =	vsel vm15, $0x1, v3;
	v14 =	vld.idx.msk [tilespmem:v59+s5+$0x0], $0xffff;
	v12 =	vsel vm11, v17, v12  }
0x56b: {  	v16 =	vsel vm8, $0x2, v61;
	vm12 =	vgt.f32 v18, v12  }
0x56c: {  	v13 =	vld.idx.msk [tilespmem:v60+s5+$0x0], $0xffff;
	v16 =	vsel vm9, $0x3, v16;
	v12 =	vsel vm12, v18, v12  }
0x56d: {  	v16 =	vsel vm10, $0x4, v16;
	vm13 =	vgt.f32 v15, v12  }
0x56e: {  	v16 =	vsel vm11, $0x5, v16;
	v12 =	vsel vm13, v15, v12  }
0x56f: {  	v62 =	vsel vm12, $0x6, v16;
	vm14 =	vgt.f32 v14, v12  }
0x570: {  	v15 =	vsel vm13, $0x7, v62;
	v12 =	vsel vm14, v14, v12  }
0x571: {  	v63 =	vsel vm14, $0x8, v15;
	vm15 =	vgt.f32 v13, v12  }
0x572: {  	v12 =	vsel vm15, $0x9, v63  }
0x573: {  	[tilespmem:s11+$0x0] =	vst v12  }
.LBB2_29:
0x574: {  	s0 =	simm.s32 $0x0  }
0x575: {  	v12 =	vmov s0  }
0x576: {  	v12 =	vshrl.u32 v12, $0x7  }
0x577: {  	v12 =	vshll.u32 v12, $0x7  }
0x578: {  	v12 =	vbroadcast v12, $0x0;
	_ =	sdelay $0x1  }
0x579: {  	v13 =	vor.u32 v4, v12  }
0x57a: {  	v14 =	vor.u32 v5, v12  }
0x57b: {  	v15 =	vor.u32 v6, v12  }
0x57c: {  	v16 =	vor.u32 v7, v12  }
0x57d: {  	v17 =	vor.u32 v8, v12  }
0x57e: {  	v18 =	vor.u32 v9, v12;
	v13 =	vld.idx.msk [tilespmem:v13+s12+$0x0], $0xffff  }
0x57f: {  	v19 =	vor.u32 v10, v12;
	v14 =	vld.idx.msk [tilespmem:v14+s12+$0x0], $0xffff  }
0x580: {  	v12 =	vor.u32 v11, v12;
	v15 =	vld.idx.msk [tilespmem:v15+s12+$0x0], $0xffff  }
0x581: {  	v16 =	vld.idx.msk [tilespmem:v16+s12+$0x0], $0xffff  }
0x582: {  	s28 =	simm.s32 $0x80;
	v17 =	vld.idx.msk [tilespmem:v17+s12+$0x0], $0xffff  }
0x583: {  	v20 =	vmov s28;
	v18 =	vld.idx.msk [tilespmem:v18+s12+$0x0], $0xffff  }
0x584: {  	v20 =	vshrl.u32 v20, $0x7;
	v19 =	vld.idx.msk [tilespmem:v19+s12+$0x0], $0xffff;
	v14 =	vshll.u32 v14, $0x4  }
0x585: {  	v20 =	vshll.u32 v20, $0x7;
	v12 =	vld.idx.msk [tilespmem:v12+s12+$0x0], $0xffff;
	v13 =	vor.u32 v13, v14;
	v14 =	vshll.u32 v15, $0x8  }
0x586: {  	v15 =	vbroadcast v20, $0x0;
	v13 =	vor.u32 v14, v13;
	v14 =	vshll.u32 v16, $0xC  }
0x587: {  	v13 =	vor.u32 v14, v13;
	v14 =	vshll.u32 v17, $0x10  }
0x588: {  	v16 =	vor.u32 v4, v15;
	v13 =	vor.u32 v14, v13;
	v14 =	vshll.u32 v18, $0x14  }
0x589: {  	v17 =	vor.u32 v5, v15;
	v13 =	vor.u32 v14, v13;
	v14 =	vshll.u32 v19, $0x18  }
0x58a: {  	v12 =	vshll.u32 v12, $0x1C;
	v18 =	vor.u32 v6, v15;
	v13 =	vor.u32 v14, v13  }
0x58b: {  	v19 =	vor.u32 v8, v15;
	v12 =	vor.u32 v12, v13  }
0x58c: {  	v14 =	vor.u32 v7, v15;
	[tilespmem:s25+$0x0] =	vst v12  }
0x58d: {  	v12 =	vor.u32 v9, v15;
	v13 =	vld.idx.msk [tilespmem:v16+s12+$0x0], $0xffff  }
0x58e: {  	v21 =	vor.u32 v10, v15;
	v20 =	vld.idx.msk [tilespmem:v17+s12+$0x0], $0xffff  }
0x58f: {  	v15 =	vor.u32 v11, v15;
	v18 =	vld.idx.msk [tilespmem:v18+s12+$0x0], $0xffff  }
0x590: {  	v16 =	vld.idx.msk [tilespmem:v19+s12+$0x0], $0xffff  }
0x591: {  	v17 =	vld.idx.msk [tilespmem:v14+s12+$0x0], $0xffff  }
0x592: {  	s29 =	simm.s32 $0x100;
	v14 =	vld.idx.msk [tilespmem:v12+s12+$0x0], $0xffff  }
0x593: {  	v19 =	vmov s29;
	v12 =	vld.idx.msk [tilespmem:v21+s12+$0x0], $0xffff  }
0x594: {  	s20 =	simm.s32 $0x180;
	s0 =	smov.u32 s25;
	v19 =	vshrl.u32 v19, $0x7;
	v15 =	vld.idx.msk [tilespmem:v15+s12+$0x0], $0xffff;
	v20 =	vshll.u32 v20, $0x4  }
.LBB2_30:
0x595: {  	p0 =	sne.s32 s20, $0x200;
	v19 =	vshll.u32 v19, $0x7;
	v13 =	vor.u32 v13, v20;
	v18 =	vshll.u32 v18, $0x8  }
0x596: {  	v17 =	vshll.u32 v17, $0xC;
	v19 =	vbroadcast v19, $0x0;
	v13 =	vor.u32 v18, v13  }
0x597: {  	v16 =	vshll.u32 v16, $0x10;
	v13 =	vor.u32 v17, v13  }
0x598: {  	v14 =	vshll.u32 v14, $0x14;
	v17 =	vor.u32 v4, v19;
	v13 =	vor.u32 v16, v13  }
0x599: {  	v16 =	vor.u32 v5, v19;
	v12 =	vshll.u32 v12, $0x18;
	v13 =	vor.u32 v14, v13  }
0x59a: {  	v14 =	vor.u32 v6, v19;
	v12 =	vor.u32 v12, v13;
	v13 =	vshll.u32 v15, $0x1C  }
0x59b: {  	s0 =	sadd.s32 $0x10, s0;
	v15 =	vor.u32 v7, v19;
	v12 =	vor.u32 v13, v12  }
0x59c: {  	v20 =	vor.u32 v8, v19;
	[tilespmem:s0+$0x0] =	vst v12  }
0x59d: {  	v12 =	vor.u32 v9, v19;
	v13 =	vld.idx.msk [tilespmem:v17+s12+$0x0], $0xffff  }
0x59e: {  	v22 =	vor.u32 v10, v19;
	v21 =	vld.idx.msk [tilespmem:v16+s12+$0x0], $0xffff  }
0x59f: {  	v23 =	vor.u32 v11, v19;
	v18 =	vld.idx.msk [tilespmem:v14+s12+$0x0], $0xffff  }
.Ltmp15:
0x5a0: {  	v17 =	vld.idx.msk [tilespmem:v15+s12+$0x0], $0xffff;
	(pc) =	sbr.rel @p0 .LBB2_30-.Ltmp15, $4  }
0x5a1: {  	v16 =	vld.idx.msk [tilespmem:v20+s12+$0x0], $0xffff  }
0x5a2: {  	v14 =	vld.idx.msk [tilespmem:v12+s12+$0x0], $0xffff  }
0x5a3: {  	v15 =	vmov s20;
	v12 =	vld.idx.msk [tilespmem:v22+s12+$0x0], $0xffff  }
0x5a4: {  	s20 =	sadd.s32 $0x80, s20;
	v19 =	vshrl.u32 v15, $0x7;
	v20 =	vshll.u32 v21, $0x4;
	v15 =	vld.idx.msk [tilespmem:v23+s12+$0x0], $0xffff  }
0x5a5: {  	v19 =	vshll.u32 v19, $0x7;
	v13 =	vor.u32 v13, v20;
	v18 =	vshll.u32 v18, $0x8  }
0x5a6: {  	v17 =	vshll.u32 v17, $0xC;
	v19 =	vbroadcast v19, $0x0;
	v13 =	vor.u32 v18, v13  }
0x5a7: {  	v16 =	vshll.u32 v16, $0x10;
	v13 =	vor.u32 v17, v13  }
0x5a8: {  	v14 =	vshll.u32 v14, $0x14;
	v52 =	vor.u32 v4, v19;
	v13 =	vor.u32 v16, v13  }
0x5a9: {  	v53 =	vor.u32 v5, v19;
	v12 =	vshll.u32 v12, $0x18;
	v13 =	vor.u32 v14, v13  }
0x5aa: {  	v54 =	vor.u32 v6, v19;
	v55 =	vshll.u32 v15, $0x1C;
	v12 =	vor.u32 v12, v13  }
0x5ab: {  	s0 =	sadd.s32 $0x10, s0;
	v56 =	vor.u32 v7, v19;
	v12 =	vor.u32 v55, v12  }
0x5ac: {  	v57 =	vor.u32 v8, v19;
	[tilespmem:s0+$0x0] =	vst v12  }
0x5ad: {  	v58 =	vor.u32 v9, v19;
	v12 =	vld.idx.msk [tilespmem:v52+s12+$0x0], $0xffff  }
0x5ae: {  	v59 =	vor.u32 v10, v19;
	v16 =	vld.idx.msk [tilespmem:v53+s12+$0x0], $0xffff  }
0x5af: {  	v19 =	vor.u32 v11, v19;
	v14 =	vld.idx.msk [tilespmem:v54+s12+$0x0], $0xffff  }
0x5b0: {  	v15 =	vld.idx.msk [tilespmem:v56+s12+$0x0], $0xffff  }
0x5b1: {  	v13 =	vld.idx.msk [tilespmem:v57+s12+$0x0], $0xffff  }
0x5b2: {  	v17 =	vld.idx.msk [tilespmem:v58+s12+$0x0], $0xffff  }
0x5b3: {  	v18 =	vld.idx.msk [tilespmem:v59+s12+$0x0], $0xffff;
	v16 =	vshll.u32 v16, $0x4  }
0x5b4: {  	v19 =	vld.idx.msk [tilespmem:v19+s12+$0x0], $0xffff;
	v14 =	vshll.u32 v14, $0x8;
	v12 =	vor.u32 v12, v16  }
0x5b5: {  	s22 =	sadd.s32 $0x1, s22;
	v60 =	vshll.u32 v15, $0xC;
	v12 =	vor.u32 v14, v12  }
0x5b6: {  	p0 =	sne.s32 s22, $0x5;
	v13 =	vshll.u32 v13, $0x10;
	v12 =	vor.u32 v60, v12  }
.Ltmp16:
0x5b7: {  	v61 =	vshll.u32 v17, $0x14;
	v12 =	vor.u32 v13, v12;
	(pc) =	sbr.rel @p0 .LBB2_16-.Ltmp16, $4  }
0x5b8: {  	v62 =	vshll.u32 v18, $0x18;
	v12 =	vor.u32 v61, v12  }
0x5b9: {  	v63 =	vshll.u32 v19, $0x1C;
	v12 =	vor.u32 v62, v12  }
0x5ba: {  	s0 =	sadd.s32 $0x10, s0;
	v12 =	vor.u32 v63, v12  }
0x5bb: {  	s25 =	sadd.s32 $0x50, s25;
	[tilespmem:s0+$0x0] =	vst v12  }
0x5bc: {  	s0 =	rddreg [dreg:$0xa]  }
0x5bd: {  	s22 =	simm.s32 $0x0;
	s1 =	rddreg [dreg:$0xc]  }
0x5be: {  	[hbm4b:s1+s22] =	stream.linear.scatter [tilespmem:s0], [sflag:$0x3], $0x190, $0x38;
	[tilespmem:$0x1F780] =	vst v63  }
0x5bf: {  	_ =	swait.ge [sflag:s3], $0x190  }
0x5c0: {  	[sflag:s3] =	ssyncset.done $0x0;
	s23 =	rddreg [dreg:$0xb]  }
0x5c1: {  	s24 =	rddreg [dreg:$0xd];
	[sflag:s3] =	ssyncadd.s32 $0xFFFFFE70  }
0x5c2: {  	[hbm4b:s24+s22] =	stream.linear.scatter [tilespmem:s23], [sflag:$0x3], $0x190, $0x38;
	[tilespmem:$0x1F780] =	vst v63  }
0x5c3: {  	_ =	swait.ge [sflag:s3], $0x190  }
0x5c4: {  	[sflag:s3] =	ssyncset.done $0x0  }
0x5c5: {  	[sflag:s3] =	ssyncadd.s32 $0xFFFFFE70  }
0x5c6: {  	[bflag:$0x0] =	sbarrier.arrive $0xFFFF  }
0x5c7: {  	s25 =	rddreg [dreg:$0xe]  }
0x5c8: {  	[tilespmem:s13], [sflag:$0x3] =	stream.linear.gather [hbm4b:s25+s22], $0x3200, $0x38;
	[tilespmem:$0x1F780] =	vst v63  }
0x5c9: {  	_ =	swait.ge [sflag:s3], $0x3200  }
0x5ca: {  	[sflag:s3] =	ssyncset.done $0x0  }
0x5cb: {  	s28 =	simm.s32 $0x1C200;
	s1 =	rddreg [dreg:$0xf];
	[sflag:s3] =	ssyncadd.s32 $0xFFFFCE00  }
0x5cc: {  	[tilespmem:s28], [sflag:$0x1] =	stream.linear.gather [hbm4b:s1+s22], $0x100, $0x38;
	[tilespmem:$0x1F780] =	vst v63  }
0x5cd: {  	s7 =	simm.s32 $0x1C400;
	s29 =	sadd.s32 $0x20, s1  }
0x5ce: {  	[tilespmem:s7], [sflag:$0x1] =	stream.linear.gather [hbm4b:s29+s22], $0x100, $0x38;
	[tilespmem:$0x1F780] =	vst v63  }
0x5cf: {  	s11 =	simm.s32 $0x1C600;
	s7 =	sadd.s32 $0x40, s1  }
0x5d0: {  	[tilespmem:s11], [sflag:$0x1] =	stream.linear.gather [hbm4b:s7+s22], $0x100, $0x38;
	[tilespmem:$0x1F780] =	vst v63  }
0x5d1: {  	s19 =	simm.s32 $0x1C800;
	s18 =	sadd.s32 $0x60, s1  }
0x5d2: {  	[tilespmem:s19], [sflag:$0x1] =	stream.linear.gather [hbm4b:s18+s22], $0x100, $0x38;
	[tilespmem:$0x1F780] =	vst v63  }
0x5d3: {  	s23 =	simm.s32 $0x1CA00;
	s20 =	sadd.s32 $0x80, s1  }
0x5d4: {  	[tilespmem:s23], [sflag:$0x1] =	stream.linear.gather [hbm4b:s20+s22], $0x100, $0x38;
	[tilespmem:$0x1F780] =	vst v63  }
0x5d5: {  	s25 =	simm.s32 $0x1CC00;
	s24 =	sadd.s32 $0xA0, s1  }
0x5d6: {  	[tilespmem:s25], [sflag:$0x1] =	stream.linear.gather [hbm4b:s24+s22], $0x100, $0x38;
	[tilespmem:$0x1F780] =	vst v63  }
0x5d7: {  	s28 =	sadd.s32 $0xC0, s1;
	s29 =	simm.s32 $0x1CE00  }
0x5d8: {  	[tilespmem:s29], [sflag:$0x1] =	stream.linear.gather [hbm4b:s28+s22], $0x100, $0x38;
	[tilespmem:$0x1F780] =	vst v63  }
0x5d9: {  	s7 =	sadd.s32 $0xE0, s1;
	s11 =	simm.s32 $0x1D000  }
0x5da: {  	[tilespmem:s11], [sflag:$0x1] =	stream.linear.gather [hbm4b:s7+s22], $0x100, $0x38;
	[tilespmem:$0x1F780] =	vst v63  }
0x5db: {  	s18 =	sadd.s32 $0x100, s1;
	s19 =	simm.s32 $0x1D200  }
0x5dc: {  	[tilespmem:s19], [sflag:$0x1] =	stream.linear.gather [hbm4b:s18+s22], $0x100, $0x38;
	[tilespmem:$0x1F780] =	vst v63  }
0x5dd: {  	s20 =	sadd.s32 $0x120, s1;
	s23 =	simm.s32 $0x1D400  }
0x5de: {  	[tilespmem:s23], [sflag:$0x1] =	stream.linear.gather [hbm4b:s20+s22], $0x100, $0x38;
	[tilespmem:$0x1F780] =	vst v63  }
0x5df: {  	s24 =	sadd.s32 $0x140, s1;
	s25 =	simm.s32 $0x1D600  }
0x5e0: {  	[tilespmem:s25], [sflag:$0x1] =	stream.linear.gather [hbm4b:s24+s22], $0x100, $0x38;
	[tilespmem:$0x1F780] =	vst v63  }
0x5e1: {  	s28 =	sadd.s32 $0x160, s1;
	s29 =	simm.s32 $0x1D800  }
0x5e2: {  	[tilespmem:s29], [sflag:$0x1] =	stream.linear.gather [hbm4b:s28+s22], $0x100, $0x38;
	[tilespmem:$0x1F780] =	vst v63  }
0x5e3: {  	s11 =	sadd.s32 $0x180, s1;
	s18 =	simm.s32 $0x1DA00  }
0x5e4: {  	[tilespmem:s18], [sflag:$0x1] =	stream.linear.gather [hbm4b:s11+s22], $0x100, $0x38;
	[tilespmem:$0x1F780] =	vst v63  }
0x5e5: {  	s19 =	sadd.s32 $0x1A0, s1;
	s20 =	simm.s32 $0x1DC00  }
0x5e6: {  	[tilespmem:s20], [sflag:$0x1] =	stream.linear.gather [hbm4b:s19+s22], $0x100, $0x38;
	[tilespmem:$0x1F780] =	vst v63  }
0x5e7: {  	s23 =	sadd.s32 $0x1C0, s1;
	s24 =	simm.s32 $0x1DE00  }
0x5e8: {  	[tilespmem:s24], [sflag:$0x1] =	stream.linear.gather [hbm4b:s23+s22], $0x100, $0x38;
	[tilespmem:$0x1F780] =	vst v63  }
.Ltmp17:
0x5e9: {  	_ = 	snop;
	(pc) =	sbr.rel .LBB2_33-.Ltmp17, $4  }
0x5ea: {  	s25 =	sadd.s32 $0x1E0, s1;
	s28 =	simm.s32 $0x1E000  }
0x5eb: {  	[tilespmem:s28], [sflag:$0x1] =	stream.linear.gather [hbm4b:s25+s22], $0x100, $0x38;
	[tilespmem:$0x1F780] =	vst v63  }
0x5ec: {  	s29 =	rddreg [dreg:$0x10]  }
0x5ed: {  	[tilespmem:s5], [sflag:$0x1] =	stream.linear.gather [hbm4b:s29+s22], $0x800, $0x38;
	[tilespmem:$0x1F780] =	vst v63  }
.LBB2_41:
0x5ee: {  	s22 =	sadd.s32 $0x1, s22  }
0x5ef: {  	p0 =	sne.s32 s22, $0x31  }
.Ltmp18:
0x5f0: {  	_ = 	snop;
	(pc) =	sbr.rel @!p0 .LBB2_42-.Ltmp18, $1  }
0x5f1: {  	_ =	sdelay $0x3  }
.LBB2_33:
0x5f2: {  	s25 =	sshll.u32 s22, $0x1  }
0x5f3: {  	p0 =	sge.u32 s25, s14  }
.Ltmp19:
0x5f4: {  	_ = 	snop;
	(pc) =	sbr.rel @p0 .LBB2_37-.Ltmp19, $1  }
0x5f5: {  	_ =	sdelay $0x3  }
0x5f6: {  	s0 =	sor.u32 $0x1, s25  }
0x5f7: {  	p0 =	sge.u32 s0, s14  }
0x5f8: {  	s0 =	sadd.s32 @!p0 s26, s0  }
0x5f9: {  	s1 =	sshll.u32 @!p0 s0, $0x9  }
0x5fa: {  	s7 =	rddreg [dreg:$0x1];
	s1 =	sand.u32 @!p0 $0x1FFFFE00, s1  }
0x5fb: {  	s19 =	simm.s32 @!p0 $0x0;
	s20 =	simm.s32 @!p0 $0x1C300;
	s1 =	sadd.s32 @!p0 s7, s1  }
0x5fc: {  	[tilespmem:s20], [sflag:$0x2] =	stream.linear.gather @!p0 [hbm4b:s1+s19], $0x100, $0x38;
	[tilespmem:$0x1F780] =	vst v63  }
0x5fd: {  	s23 =	simm.s32 @!p0 $0x1C500;
	s20 =	sadd.s32 @!p0 $0x20, s1  }
0x5fe: {  	[tilespmem:s23], [sflag:$0x2] =	stream.linear.gather @!p0 [hbm4b:s20+s19], $0x100, $0x38;
	[tilespmem:$0x1F780] =	vst v63  }
0x5ff: {  	s20 =	sadd.s32 @!p0 $0x40, s1;
	s23 =	simm.s32 @!p0 $0x1C700  }
0x600: {  	[tilespmem:s23], [sflag:$0x2] =	stream.linear.gather @!p0 [hbm4b:s20+s19], $0x100, $0x38;
	[tilespmem:$0x1F780] =	vst v63  }
0x601: {  	s20 =	sadd.s32 @!p0 $0x60, s1;
	s23 =	simm.s32 @!p0 $0x1C900  }
0x602: {  	[tilespmem:s23], [sflag:$0x2] =	stream.linear.gather @!p0 [hbm4b:s20+s19], $0x100, $0x38;
	[tilespmem:$0x1F780] =	vst v63  }
0x603: {  	s20 =	sadd.s32 @!p0 $0x80, s1;
	s23 =	simm.s32 @!p0 $0x1CB00  }
0x604: {  	[tilespmem:s23], [sflag:$0x2] =	stream.linear.gather @!p0 [hbm4b:s20+s19], $0x100, $0x38;
	[tilespmem:$0x1F780] =	vst v63  }
0x605: {  	s20 =	sadd.s32 @!p0 $0xA0, s1;
	s23 =	simm.s32 @!p0 $0x1CD00  }
0x606: {  	[tilespmem:s23], [sflag:$0x2] =	stream.linear.gather @!p0 [hbm4b:s20+s19], $0x100, $0x38;
	[tilespmem:$0x1F780] =	vst v63  }
0x607: {  	s20 =	sadd.s32 @!p0 $0xC0, s1;
	s23 =	simm.s32 @!p0 $0x1CF00  }
0x608: {  	[tilespmem:s23], [sflag:$0x2] =	stream.linear.gather @!p0 [hbm4b:s20+s19], $0x100, $0x38;
	[tilespmem:$0x1F780] =	vst v63  }
0x609: {  	s20 =	sadd.s32 @!p0 $0xE0, s1;
	s23 =	simm.s32 @!p0 $0x1D100  }
0x60a: {  	[tilespmem:s23], [sflag:$0x2] =	stream.linear.gather @!p0 [hbm4b:s20+s19], $0x100, $0x38;
	[tilespmem:$0x1F780] =	vst v63  }
0x60b: {  	s20 =	sadd.s32 @!p0 $0x100, s1;
	s23 =	simm.s32 @!p0 $0x1D300  }
0x60c: {  	[tilespmem:s23], [sflag:$0x2] =	stream.linear.gather @!p0 [hbm4b:s20+s19], $0x100, $0x38;
	[tilespmem:$0x1F780] =	vst v63  }
0x60d: {  	s20 =	sadd.s32 @!p0 $0x120, s1;
	s23 =	simm.s32 @!p0 $0x1D500  }
0x60e: {  	[tilespmem:s23], [sflag:$0x2] =	stream.linear.gather @!p0 [hbm4b:s20+s19], $0x100, $0x38;
	[tilespmem:$0x1F780] =	vst v63  }
0x60f: {  	s20 =	sadd.s32 @!p0 $0x140, s1;
	s23 =	simm.s32 @!p0 $0x1D700  }
0x610: {  	[tilespmem:s23], [sflag:$0x2] =	stream.linear.gather @!p0 [hbm4b:s20+s19], $0x100, $0x38;
	[tilespmem:$0x1F780] =	vst v63  }
0x611: {  	s20 =	sadd.s32 @!p0 $0x160, s1;
	s23 =	simm.s32 @!p0 $0x1D900  }
0x612: {  	[tilespmem:s23], [sflag:$0x2] =	stream.linear.gather @!p0 [hbm4b:s20+s19], $0x100, $0x38;
	[tilespmem:$0x1F780] =	vst v63  }
0x613: {  	s20 =	sadd.s32 @!p0 $0x180, s1;
	s23 =	simm.s32 @!p0 $0x1DB00  }
0x614: {  	[tilespmem:s23], [sflag:$0x2] =	stream.linear.gather @!p0 [hbm4b:s20+s19], $0x100, $0x38;
	[tilespmem:$0x1F780] =	vst v63  }
0x615: {  	s20 =	sadd.s32 @!p0 $0x1A0, s1;
	s23 =	simm.s32 @!p0 $0x1DD00  }
0x616: {  	[tilespmem:s23], [sflag:$0x2] =	stream.linear.gather @!p0 [hbm4b:s20+s19], $0x100, $0x38;
	[tilespmem:$0x1F780] =	vst v63  }
0x617: {  	s20 =	sadd.s32 @!p0 $0x1C0, s1;
	s23 =	simm.s32 @!p0 $0x1DF00  }
0x618: {  	[tilespmem:s23], [sflag:$0x2] =	stream.linear.gather @!p0 [hbm4b:s20+s19], $0x100, $0x38;
	[tilespmem:$0x1F780] =	vst v63  }
0x619: {  	s0 =	sshll.u32 @!p0 s0, $0x8;
	s1 =	sadd.s32 @!p0 $0x1E0, s1;
	s20 =	simm.s32 @!p0 $0x1E100  }
0x61a: {  	[tilespmem:s20], [sflag:$0x2] =	stream.linear.gather @!p0 [hbm4b:s1+s19], $0x100, $0x38;
	[tilespmem:$0x1F780] =	vst v63  }
0x61b: {  	s0 =	sand.u32 @!p0 $0x1FFFFF00, s0;
	s1 =	rddreg [dreg:$0x0]  }
0x61c: {  	s0 =	sadd.s32 @!p0 s1, s0;
	s1 =	simm.s32 @!p0 $0x1EC80  }
0x61d: {  	[tilespmem:s1], [sflag:$0x2] =	stream.linear.gather @!p0 [hbm4b:s0+s19], $0x800, $0x38;
	[tilespmem:$0x1F780] =	vst v63  }
0x61e: {  	_ =	swait.ge [sflag:s16], $0x1000  }
0x61f: {  	[sflag:s16] =	ssyncset.done $0x0  }
0x620: {  	s20 =	simm.s32 $0x0;
	[sflag:s16] =	ssyncadd.s32 $0xFFFFF000  }
0x621: {  	s23 =	sand.u32 $0x40, s20;
	s24 =	sand.u32 $0x1E00, s20;
	_ =	swait.ge [sflag:s16], $0x800  }
0x622: {  	s24 =	sadd.s32 $0x1C200, s24;
	s7 =	sor.u32 $0x30, s23;
	[sflag:s16] =	ssyncset.done $0x0  }
0x623: {  	s0 =	sor.u32 s7, s24;
	[sflag:s16] =	ssyncadd.s32 $0xFFFFF800  }
0x624: {  	v7 =	vld [tilespmem:s0+$0x0]  }
0x625: {  	v13 =	vld [tilespmem:s0+$0x80];
	_ =	sdelay $0x1  }
0x626: {  	s28 =	sor.u32 s23, s24  }
0x627: {  	s11 =	sor.u32 $0x10, s23;
	v8 =	vld [tilespmem:s28+$0x0]  }
0x628: {  	s29 =	sor.u32 s11, s24;
	v4 =	vld [tilespmem:s28+$0x80];
	v10 =	vshrl.u32 v7, $0x3  }
0x629: {  	s18 =	sor.u32 $0x20, s23;
	v5 =	vld [tilespmem:s29+$0x80];
	v11 =	vshrl.u32 v13, $0x3  }
0x62a: {  	s19 =	sor.u32 s18, s24;
	v9 =	vld [tilespmem:s29+$0x0]  }
0x62b: {  	v12 =	vld [tilespmem:s19+$0x0]  }
0x62c: {  	v6 =	vld [tilespmem:s19+$0x80];
	v14 =	vshrl.u32 v8, $0x3  }
0x62d: {  	v15 =	vshrl.u32 v4, $0x3;
	v10 =	vld.idx.msk [tilespmem:v10+s13+$0x0], $0xffff  }
0x62e: {  	v18 =	vshrl.u32 v5, $0x3;
	v11 =	vld.idx.msk [tilespmem:v11+s13+$0x0], $0xffff  }
0x62f: {  	v16 =	vshrl.u32 v9, $0x3  }
0x630: {  	v17 =	vshrl.u32 v12, $0x3;
	v7 =	vshll.u32 v7, $0x2  }
0x631: {  	v19 =	vshll.u32 v13, $0x2;
	v20 =	vshrl.u32 v6, $0x3;
	v7 =	vand.u32 $0x1C, v7;
	v14 =	vld.idx.msk [tilespmem:v14+s13+$0x0], $0xffff  }
0x632: {  	v8 =	vshll.u32 v8, $0x2;
	v19 =	vand.u32 $0x1C, v19;
	v7 =	vshrl.u32 v10, v7;
	v10 =	vld.idx.msk [tilespmem:v15+s13+$0x0], $0xffff  }
0x633: {  	v9 =	vshll.u32 v9, $0x2;
	v18 =	vld.idx.msk [tilespmem:v18+s13+$0x0], $0xffff;
	v11 =	vshrl.u32 v11, v19;
	v7 =	vshll.u32 v7, $0x4  }
0x634: {  	v12 =	vshll.u32 v12, $0x2;
	v15 =	vld.idx.msk [tilespmem:v16+s13+$0x0], $0xffff;
	v11 =	vand.u32 $0xF, v11;
	v7 =	vand.u32 $0xF0, v7  }
0x635: {  	v8 =	vand.u32 $0x1C, v8;
	v16 =	vld.idx.msk [tilespmem:v17+s13+$0x0], $0xffff;
	v11 =	vor.u32 v11, v7;
	v7 =	vshll.u32 v4, $0x2  }
0x636: {  	s1 =	sand.u32 $0x780, s20;
	v9 =	vand.u32 $0x1C, v9;
	v19 =	vld.idx.msk [tilespmem:v20+s13+$0x0], $0xffff;
	v8 =	vshrl.u32 v14, v8;
	v7 =	vand.u32 $0x1C, v7  }
0x637: {  	s1 =	sadd.s32 $0x1E480, s1;
	v17 =	vshll.u32 v5, $0x2;
	v8 =	vshll.u32 v8, $0x4;
	v7 =	vshrl.u32 v10, v7  }
0x638: {  	s23 =	sor.u32 s7, s1;
	v14 =	vshll.u32 v6, $0x2;
	v8 =	vand.u32 $0xF0, v8;
	v7 =	vand.u32 $0xF, v7  }
0x639: {  	v9 =	vshrl.u32 v15, v9;
	v10 =	vand.u32 $0x1C, v14;
	v15 =	vld [tilespmem:s23+$0x0];
	v14 =	vor.u32 v7, v8  }
0x63a: {  	v12 =	vand.u32 $0x1C, v12;
	v17 =	vand.u32 $0x1C, v17;
	v9 =	vshll.u32 v9, $0x4;
	v7 =	vld.idx.msk [tilespmem:v11+s6+$0x0], $0xffff  }
0x63b: {  	s24 =	simm.s32 $0x0;
	v10 =	vshrl.u32 v19, v10;
	v8 =	vshrl.u32 v16, v12;
	v12 =	vshrl.u32 v18, v17  }
0x63c: {  	s0 =	sor.u32 s11, s1;
	v9 =	vand.u32 $0xF0, v9;
	v16 =	vld [tilespmem:s24+$0x1E480];
	v8 =	vshll.u32 v8, $0x4;
	v12 =	vand.u32 $0xF, v12  }
0x63d: {  	v8 =	vand.u32 $0xF0, v8;
	v12 =	vor.u32 v12, v9;
	v9 =	vand.u32 $0xF, v10;
	v10 =	vld [tilespmem:s0+$0x0]  }
0x63e: {  	v18 =	vor.u32 v9, v8;
	v8 =	vld.idx.msk [tilespmem:v14+s6+$0x0], $0xffff  }
0x63f: {  	s1 =	sor.u32 s18, s1;
	v7 =	vmul.f32 v7, v15  }
0x640: {  	v19 =	vld [tilespmem:s1+$0x0]  }
0x641: {  	(erf) = vrcp.f32 v16;
	v17 =	vmul.f32 $-3.200000050e+00, v7  }
0x642: {  	(erf) = vrcp.f32 v10;
	v21 =	vmul.f32 $-9.423000210e-01, v7  }
0x643: {  	v22 =	vmul.f32 v8, v16;
	v8 =	vmul.f32 $1.442695020e+00, v17  }
0x644: {  	v9 =	vld.idx.msk [tilespmem:v12+s6+$0x0], $0xffff;
	v17 =	vmul.f32 $1.442695020e+00, v21;
	v21 =	vmul.f32 $-4.027999940e-01, v7  }
0x645: {  	v20 =	vld.idx.msk [tilespmem:v18+s6+$0x0], $0xffff;
	(erf) = vrcp.f32 v19;
	v7 =	vmul.f32 $-2.016000000e-01, v7  }
0x646: {  	(erf) = vpow2.f32 v8;
	v8 =	vmul.f32 $1.442695020e+00, v21  }
0x647: {  	v7 =	vmul.f32 $1.442695020e+00, v7;
	(erf) = vpow2.f32 v17  }
0x648: {  	v23 =	vmul.f32 $-9.423000210e-01, v22;
	v33 =	vmul.f32 $-4.027999940e-01, v22  }
0x649: {  	v21 =	vld.idx.msk [tilespmem:v11+s4+$0x0], $0xffff;
	v17 =	vmul.f32 v9, v10;
	(erf) = vpow2.f32 v8  }
0x64a: {  	v20 =	vmul.f32 v20, v19;
	v9 =	vmul.f32 $-3.200000050e+00, v22  }
0x64b: {  	v23 =	vmul.f32 $1.442695020e+00, v23;
	(erf) = vpow2.f32 v7  }
0x64c: {  	v24 =	vmul.f32 $-3.200000050e+00, v17;
	v25 =	vmul.f32 $-9.423000210e-01, v17;
	v7 =	vpop (erf)  }
0x64d: {  	v26 =	vmul.f32 $-3.200000050e+00, v20;
	v27 =	vmul.f32 $1.442695020e+00, v9;
	v8 =	vpop (erf)  }
0x64e: {  	v28 =	vmul.f32 $-9.423000210e-01, v20;
	v21 =	vmul.f32 v21, v15;
	v9 =	vpop (erf)  }
0x64f: {  	v61 =	vmul.f32 $-4.027999940e-01, v17;
	v62 =	vmul.f32 $-4.027999940e-01, v20;
	v29 =	vpop (erf)  }
0x650: {  	(erf) = vrcp.f32 v15;
	v30 =	vmul.f32 $2.100000000e+01, v21;
	v31 =	vpop (erf)  }
0x651: {  	v15 =	vmul.f32 $1.817999930e-01, v29;
	v55 =	vmul.f32 $5.098999740e-01, v31  }
0x652: {  	v17 =	vmul.f32 $-2.016000000e-01, v17;
	v56 =	vmul.f32 v21, v21;
	v32 =	vpop (erf)  }
0x653: {  	v30 =	vsub.f32 $4.800000000e+01, v30;
	v57 =	vmul.f32 $2.802000050e-01, v32;
	v15 =	vadd.f32 v55, v15  }
0x654: {  	v20 =	vmul.f32 $-2.016000000e-01, v20;
	v58 =	vmul.f32 v56, v56;
	v59 =	vpop (erf)  }
0x655: {  	v11 =	vld.idx.msk [tilespmem:v11+s2+$0x0], $0xffff;
	v21 =	vmul.f32 v30, v21;
	v60 =	vmul.f32 $2.817000080e-02, v59;
	v15 =	vadd.f32 v15, v57  }
0x656: {  	v24 =	vmul.f32 $1.442695020e+00, v24;
	v25 =	vmul.f32 $1.442695020e+00, v25  }
0x657: {  	v31 =	vmul.f32 v58, v56;
	v21 =	vadd.f32 $-2.800000000e+01, v21;
	v15 =	vadd.f32 v15, v60  }
0x658: {  	v26 =	vmul.f32 $1.442695020e+00, v26;
	v28 =	vmul.f32 $1.442695020e+00, v28  }
0x659: {  	(erf) = vpow2.f32 v27;
	v21 =	vmul.f32 v21, v31  }
0x65a: {  	(erf) = vpow2.f32 v23;
	v11 =	vmul.f32 v15, v11  }
0x65b: {  	v23 =	vmul.f32 $1.442695020e+00, v33;
	(erf) = vpow2.f32 v24;
	v21 =	vadd.f32 $1.000000000e+00, v21;
	v15 =	vpop (erf)  }
0x65c: {  	(erf) = vpow2.f32 v25;
	v11 =	vmul.f32 v11, v15  }
0x65d: {  	v24 =	vmul.f32 $1.442695020e+00, v62;
	(erf) = vpow2.f32 v26;
	v21 =	vmax.f32 v21, $0.0e+00  }
0x65e: {  	(erf) = vpow2.f32 v28;
	v27 =	vmul.f32 v21, v11;
	v11 =	vld.idx.msk [tilespmem:v14+s4+$0x0], $0xffff  }
0x65f: {  	v15 =	vmul.f32 $1.442695020e+00, v61;
	v21 =	vmul.f32 $-2.016000000e-01, v22;
	v22 =	vld.idx.msk [tilespmem:v12+s4+$0x0], $0xffff  }
0x660: {  	v20 =	vmul.f32 $1.442695020e+00, v20;
	(erf) = vpow2.f32 v23;
	v23 =	vld.idx.msk [tilespmem:v18+s4+$0x0], $0xffff  }
0x661: {  	(erf) = vpow2.f32 v15;
	v21 =	vmul.f32 $1.442695020e+00, v21  }
0x662: {  	v15 =	vmul.f32 $1.442695020e+00, v17;
	(erf) = vpow2.f32 v24  }
0x663: {  	v24 =	vpop (erf);
	(erf) = vpow2.f32 v21;
	v17 =	vmul.f32 v11, v16  }
0x664: {  	v26 =	vpop (erf);
	(erf) = vpow2.f32 v15;
	v15 =	vmul.f32 v22, v10  }
0x665: {  	v63 =	vpop (erf);
	v10 =	vld.idx.msk [tilespmem:v14+s2+$0x0], $0xffff;
	v16 =	vmul.f32 v23, v19;
	v14 =	vmul.f32 $1.817999930e-01, v24  }
0x666: {  	v24 =	vmul.f32 $5.098999740e-01, v26;
	(erf) = vpow2.f32 v20;
	v20 =	vpop (erf)  }
0x667: {  	[tilespmem:v13+s9+$0x0] =	vst.idx.add.f32.msk $0xffff, v27;
	v22 =	vmul.f32 $2.100000000e+01, v17;
	v21 =	vpop (erf);
	v19 =	vmul.f32 $2.100000000e+01, v15  }
0x668: {  	v11 =	vld.idx.msk [tilespmem:v12+s2+$0x0], $0xffff;
	v26 =	vmul.f32 $2.100000000e+01, v16;
	v23 =	vmul.f32 $5.098999740e-01, v20;
	v25 =	vpop (erf)  }
0x669: {  	s28 =	simm.s32 $0x0;
	s29 =	simm.s32 $0x100;
	s24 =	simm.s32 $0x40;
	v12 =	vld.idx.msk [tilespmem:v18+s2+$0x0], $0xffff;
	v18 =	vsub.f32 $4.800000000e+01, v22;
	v22 =	vmul.f32 $1.817999930e-01, v63;
	v19 =	vsub.f32 $4.800000000e+01, v19;
	v20 =	vpop (erf)  }
.LBB2_35:
0x66a: {  	s0 =	sand.u32 $0x1E00, s29  }
0x66b: {  	s1 =	sand.u32 $0x40, s24;
	s19 =	sshra.s32 s29, $0x2;
	v21 =	vmul.f32 $1.817999930e-01, v21;
	v31 =	vmul.f32 $5.098999740e-01, v25;
	v26 =	vsub.f32 $4.800000000e+01, v26;
	v27 =	vpop (erf)  }
0x66c: {  	s28 =	sadd.s32 $0x4, s28;
	v24 =	vadd.f32 v24, v14;
	v28 =	vmul.f32 v17, v17;
	v29 =	vmul.f32 v15, v15;
	s18 =	sadd.s32 $0x1C200, s0;
	v13 =	vld [tilespmem:s19+$0x1E480];
	s0 =	sor.u32 $0x30, s1;
	v30 =	vpop (erf)  }
0x66d: {  	s20 =	sor.u32 $0x10, s1;
	p0 =	slt.u32 s28, $0x7C;
	v22 =	vadd.f32 v23, v22;
	v23 =	vmul.f32 v16, v16;
	s19 =	sor.u32 s0, s18;
	v21 =	vadd.f32 v31, v21;
	v25 =	vpop (erf)  }
0x66e: {  	v20 =	vmul.f32 $2.802000050e-01, v20;
	s23 =	sor.u32 $0x20, s1;
	v27 =	vmul.f32 $2.802000050e-01, v27;
	s7 =	sor.u32 s1, s18;
	s11 =	sor.u32 s20, s18;
	v31 =	vld [tilespmem:s19+$0x0];
	v32 =	vpop (erf)  }
0x66f: {  	v18 =	vmul.f32 v18, v17;
	s1 =	sor.u32 s23, s18;
	v17 =	vmul.f32 $2.802000050e-01, v30;
	v14 =	vld [tilespmem:s19+$0x80];
	v30 =	vpop (erf)  }
0x670: {  	v15 =	vmul.f32 v19, v15;
	v20 =	vadd.f32 v24, v20;
	v16 =	vmul.f32 v26, v16;
	v33 =	vld [tilespmem:s7+$0x0]  }
0x671: {  	v26 =	vmul.f32 v28, v28;
	v22 =	vadd.f32 v22, v27;
	v24 =	vld [tilespmem:s11+$0x0];
	(erf) = vrcp.f32 v13  }
0x672: {  	v34 =	vmul.f32 v29, v29;
	v35 =	vmul.f32 v23, v23;
	v21 =	vadd.f32 v21, v17;
	v27 =	vld [tilespmem:s1+$0x0]  }
0x673: {  	v25 =	vmul.f32 $2.817000080e-02, v25;
	v32 =	vmul.f32 $2.817000080e-02, v32;
	v19 =	vld [tilespmem:s7+$0x80];
	v36 =	vshrl.u32 v31, $0x3  }
0x674: {  	v38 =	vadd.f32 $-2.800000000e+01, v18;
	v30 =	vmul.f32 $2.817000080e-02, v30;
	v17 =	vld [tilespmem:s11+$0x80];
	v37 =	vshrl.u32 v14, $0x3  }
0x675: {  	v15 =	vadd.f32 $-2.800000000e+01, v15;
	v39 =	vshrl.u32 v33, $0x3;
	v33 =	vshll.u32 v33, $0x2;
	v18 =	vld [tilespmem:s1+$0x80]  }
0x676: {  	v33 =	vand.u32 $0x1C, v33;
	v40 =	vshrl.u32 v24, $0x3;
	v24 =	vshll.u32 v24, $0x2  }
0x677: {  	v24 =	vand.u32 $0x1C, v24;
	v41 =	vshrl.u32 v27, $0x3;
	v27 =	vshll.u32 v27, $0x2  }
0x678: {  	v42 =	vshrl.u32 v19, $0x3;
	v43 =	vshll.u32 v19, $0x2;
	v27 =	vand.u32 $0x1C, v27;
	v36 =	vld.idx.msk [tilespmem:v36+s13+$0x0], $0xffff  }
0x679: {  	v43 =	vand.u32 $0x1C, v43;
	v44 =	vshrl.u32 v17, $0x3;
	v45 =	vshll.u32 v17, $0x2;
	v37 =	vld.idx.msk [tilespmem:v37+s13+$0x0], $0xffff  }
0x67a: {  	v39 =	vld.idx.msk [tilespmem:v39+s13+$0x0], $0xffff;
	v45 =	vand.u32 $0x1C, v45;
	v46 =	vshrl.u32 v18, $0x3;
	v47 =	vshll.u32 v18, $0x2;
	v48 =	vpop (erf)  }
0x67b: {  	v26 =	vmul.f32 v26, v28;
	v16 =	vadd.f32 $-2.800000000e+01, v16;
	v40 =	vld.idx.msk [tilespmem:v40+s13+$0x0], $0xffff;
	v47 =	vand.u32 $0x1C, v47  }
0x67c: {  	v29 =	vmul.f32 v34, v29;
	v34 =	vmul.f32 v35, v23;
	v31 =	vshll.u32 v31, $0x2;
	v28 =	vld.idx.msk [tilespmem:v41+s13+$0x0], $0xffff  }
0x67d: {  	v20 =	vadd.f32 v20, v25;
	v23 =	vand.u32 $0x1C, v31;
	v31 =	vshll.u32 v14, $0x2;
	v35 =	vld.idx.msk [tilespmem:v42+s13+$0x0], $0xffff  }
0x67e: {  	v22 =	vadd.f32 v22, v32;
	v31 =	vand.u32 $0x1C, v31;
	v23 =	vshrl.u32 v36, v23;
	v25 =	vld.idx.msk [tilespmem:v44+s13+$0x0], $0xffff  }
0x67f: {  	v21 =	vadd.f32 v21, v30;
	v31 =	vshrl.u32 v37, v31;
	v23 =	vshll.u32 v23, $0x4;
	v32 =	vld.idx.msk [tilespmem:v46+s13+$0x0], $0xffff  }
0x680: {  	v30 =	vshrl.u32 v39, v33;
	v31 =	vand.u32 $0xF, v31;
	v23 =	vand.u32 $0xF0, v23  }
0x681: {  	v30 =	vshll.u32 v30, $0x4;
	v24 =	vshrl.u32 v40, v24;
	v23 =	vor.u32 v31, v23  }
0x682: {  	v30 =	vand.u32 $0xF0, v30;
	v24 =	vshll.u32 v24, $0x4;
	v27 =	vshrl.u32 v28, v27  }
0x683: {  	v28 =	vshrl.u32 v35, v43;
	v24 =	vand.u32 $0xF0, v24;
	v27 =	vshll.u32 v27, $0x4  }
0x684: {  	s1 =	sand.u32 $0x780, s24;
	v28 =	vand.u32 $0xF, v28;
	v25 =	vshrl.u32 v25, v45;
	v27 =	vand.u32 $0xF0, v27  }
0x685: {  	s1 =	sadd.s32 $0x1E480, s1;
	v28 =	vor.u32 v28, v30;
	v25 =	vand.u32 $0xF, v25;
	v30 =	vshrl.u32 v32, v47  }
0x686: {  	v26 =	vmul.f32 v38, v26;
	s7 =	sor.u32 s20, s1;
	s11 =	sor.u32 s23, s1;
	s0 =	sor.u32 s0, s1;
	v24 =	vor.u32 v25, v24;
	v25 =	vand.u32 $0xF, v30;
	v30 =	vld.idx.msk [tilespmem:v23+s6+$0x0], $0xffff  }
0x687: {  	v29 =	vmul.f32 v15, v29;
	v31 =	vmul.f32 v16, v34;
	v25 =	vor.u32 v25, v27;
	v27 =	vld [tilespmem:s0+$0x0]  }
0x688: {  	v10 =	vmul.f32 v20, v10;
	v26 =	vadd.f32 $1.000000000e+00, v26;
	v11 =	vmul.f32 v22, v11;
	v15 =	vld [tilespmem:s7+$0x0]  }
0x689: {  	v20 =	vadd.f32 $1.000000000e+00, v29;
	v12 =	vmul.f32 v21, v12;
	v22 =	vadd.f32 $1.000000000e+00, v31;
	v16 =	vld [tilespmem:s11+$0x0]  }
0x68a: {  	v10 =	vmul.f32 v10, v7;
	v21 =	vmax.f32 v26, $0.0e+00;
	v8 =	vmul.f32 v11, v8;
	v7 =	vmovc v48;
	v29 =	vld.idx.msk [tilespmem:v28+s6+$0x0], $0xffff  }
0x68b: {  	v11 =	vmax.f32 v20, $0.0e+00;
	v9 =	vmul.f32 v12, v9;
	v31 =	vmax.f32 v22, $0.0e+00;
	v26 =	vld.idx.msk [tilespmem:v24+s6+$0x0], $0xffff  }
0x68c: {  	v33 =	vmul.f32 v21, v10;
	v32 =	vld.idx.msk [tilespmem:v25+s6+$0x0], $0xffff;
	v30 =	vmul.f32 v30, v27  }
0x68d: {  	v8 =	vmul.f32 v11, v8;
	v21 =	vld.idx.msk [tilespmem:v28+s4+$0x0], $0xffff;
	(erf) = vrcp.f32 v15  }
0x68e: {  	v22 =	vld.idx.msk [tilespmem:v24+s4+$0x0], $0xffff;
	v11 =	vmul.f32 $-3.200000050e+00, v30;
	(erf) = vrcp.f32 v16  }
0x68f: {  	v9 =	vmul.f32 v31, v9;
	v12 =	vmul.f32 $-9.423000210e-01, v30;
	v20 =	vld.idx.msk [tilespmem:v25+s4+$0x0], $0xffff  }
0x690: {  	v10 =	vld.idx.msk [tilespmem:v28+s2+$0x0], $0xffff;
	v28 =	vmul.f32 v29, v13;
	v29 =	vmul.f32 $1.442695020e+00, v11  }
0x691: {  	v31 =	vmul.f32 $-4.027999940e-01, v30;
	v11 =	vld.idx.msk [tilespmem:v24+s2+$0x0], $0xffff;
	v24 =	vmul.f32 $1.442695020e+00, v12  }
0x692: {  	v12 =	vld.idx.msk [tilespmem:v25+s2+$0x0], $0xffff;
	v25 =	vmul.f32 $-2.016000000e-01, v30;
	(erf) = vpow2.f32 v29  }
0x693: {  	v29 =	vmul.f32 $1.442695020e+00, v31;
	(erf) = vpow2.f32 v24;
	[tilespmem:v4+s9+$0x0] =	vst.idx.add.f32.msk $0xffff, v33;
	v4 =	vmov v19  }
0x694: {  	v19 =	vmul.f32 v26, v15;
	v24 =	vmul.f32 v32, v16;
	v26 =	vld.idx.msk [tilespmem:v23+s4+$0x0], $0xffff  }
0x695: {  	v25 =	vmul.f32 $1.442695020e+00, v25;
	(erf) = vpow2.f32 v29;
	[tilespmem:v5+s9+$0x0] =	vst.idx.add.f32.msk $0xffff, v8;
	v5 =	vmov v17  }
0x696: {  	v17 =	vmul.f32 $-3.200000050e+00, v28;
	v29 =	vmul.f32 $-9.423000210e-01, v28;
	v8 =	vpop (erf);
	[tilespmem:v6+s9+$0x0] =	vst.idx.add.f32.msk $0xffff, v9;
	v6 =	vmov v18  }
0x697: {  	v18 =	vmul.f32 $-3.200000050e+00, v19;
	v9 =	vpop (erf);
	(erf) = vpow2.f32 v25  }
0x698: {  	v30 =	vmul.f32 $-3.200000050e+00, v24;
	v25 =	vmul.f32 $-9.423000210e-01, v19  }
0x699: {  	v31 =	vmul.f32 $-9.423000210e-01, v24;
	v17 =	vmul.f32 $1.442695020e+00, v17  }
0x69a: {  	v29 =	vmul.f32 $1.442695020e+00, v29;
	v26 =	vmul.f32 v26, v27  }
0x69b: {  	v18 =	vmul.f32 $1.442695020e+00, v18;
	v25 =	vmul.f32 $1.442695020e+00, v25;
	v32 =	vpop (erf)  }
0x69c: {  	v33 =	vmul.f32 $2.100000000e+01, v26;
	v34 =	vpop (erf);
	(erf) = vrcp.f32 v27  }
0x69d: {  	v27 =	vmul.f32 $1.817999930e-01, v32;
	v32 =	vmul.f32 $5.098999740e-01, v34  }
0x69e: {  	v30 =	vmul.f32 $1.442695020e+00, v30;
	v34 =	vmul.f32 v26, v26;
	v36 =	vsub.f32 $4.800000000e+01, v33;
	v35 =	vpop (erf)  }
0x69f: {  	v31 =	vmul.f32 $1.442695020e+00, v31;
	v23 =	vld.idx.msk [tilespmem:v23+s2+$0x0], $0xffff;
	v27 =	vadd.f32 v32, v27;
	v32 =	vmul.f32 $2.802000050e-01, v35  }
0x6a0: {  	v35 =	vmul.f32 v34, v34;
	v26 =	vmul.f32 v36, v26;
	v33 =	vpop (erf)  }
0x6a1: {  	v36 =	vmul.f32 $-4.027999940e-01, v28;
	v27 =	vadd.f32 v27, v32;
	v32 =	vmul.f32 $2.817000080e-02, v33  }
0x6a2: {  	v33 =	vmul.f32 $-4.027999940e-01, v19;
	v34 =	vmul.f32 v35, v34;
	v26 =	vadd.f32 $-2.800000000e+01, v26  }
0x6a3: {  	v35 =	vmul.f32 $-4.027999940e-01, v24;
	v27 =	vadd.f32 v27, v32;
	(erf) = vpow2.f32 v17  }
0x6a4: {  	v17 =	vmul.f32 v26, v34;
	(erf) = vpow2.f32 v29  }
0x6a5: {  	v23 =	vmul.f32 v27, v23;
	(erf) = vpow2.f32 v18;
	v18 =	vpop (erf)  }
0x6a6: {  	v26 =	vmul.f32 $1.442695020e+00, v36;
	v17 =	vadd.f32 $1.000000000e+00, v17;
	(erf) = vpow2.f32 v25  }
0x6a7: {  	v18 =	vmul.f32 v23, v18;
	(erf) = vpow2.f32 v30  }
0x6a8: {  	v23 =	vmul.f32 $1.442695020e+00, v33;
	v17 =	vmax.f32 v17, $0.0e+00;
	(erf) = vpow2.f32 v31  }
0x6a9: {  	v25 =	vmul.f32 $1.442695020e+00, v35;
	v17 =	vmul.f32 v17, v18  }
0x6aa: {  	v19 =	vmul.f32 $-2.016000000e-01, v19;
	v27 =	vmul.f32 $-2.016000000e-01, v28  }
0x6ab: {  	v24 =	vmul.f32 $-2.016000000e-01, v24;
	[tilespmem:v14+s9+$0x0] =	vst.idx.add.f32.msk $0xffff, v17;
	(erf) = vpow2.f32 v26  }
0x6ac: {  	v14 =	vmul.f32 $1.442695020e+00, v27;
	v18 =	vpop (erf);
	(erf) = vpow2.f32 v23  }
0x6ad: {  	v19 =	vmul.f32 $1.442695020e+00, v19;
	v23 =	vpop (erf);
	(erf) = vpow2.f32 v25  }
0x6ae: {  	v24 =	vmul.f32 $1.442695020e+00, v24;
	(erf) = vpow2.f32 v14;
	v27 =	vpop (erf)  }
0x6af: {  	v17 =	vmul.f32 v21, v13;
	v13 =	vpop (erf);
	(erf) = vpow2.f32 v19  }
.Ltmp20:
0x6b0: {  	v15 =	vmul.f32 v22, v15;
	v21 =	vpop (erf);
	(erf) = vpow2.f32 v24;
	(pc) =	sbr.rel @p0 .LBB2_35-.Ltmp20, $4  }
0x6b1: {  	v16 =	vmul.f32 v20, v16;
	v19 =	vmul.f32 $2.100000000e+01, v17;
	v25 =	vpop (erf)  }
0x6b2: {  	v28 =	vmul.f32 $2.100000000e+01, v15;
	v14 =	vmul.f32 $1.817999930e-01, v18  }
0x6b3: {  	v26 =	vmul.f32 $2.100000000e+01, v16;
	v24 =	vmul.f32 $5.098999740e-01, v23;
	v18 =	vsub.f32 $4.800000000e+01, v19  }
0x6b4: {  	s29 =	sadd.s32 $0x100, s29;
	s24 =	sadd.s32 $0x40, s24;
	v22 =	vmul.f32 $1.817999930e-01, v27;
	v23 =	vmul.f32 $5.098999740e-01, v13;
	v19 =	vsub.f32 $4.800000000e+01, v28;
	v20 =	vpop (erf)  }
0x6b5: {  	v13 =	vmul.f32 $1.817999930e-01, v21  }
0x6b6: {  	v41 =	vmul.f32 $5.098999740e-01, v25;
	v43 =	vmul.f32 v17, v17  }
0x6b7: {  	v42 =	vsub.f32 $4.800000000e+01, v26;
	v44 =	vmul.f32 v15, v15;
	v45 =	vmul.f32 v16, v16  }
0x6b8: {  	v14 =	vadd.f32 v24, v14;
	v27 =	vpop (erf);
	v20 =	vmul.f32 $2.802000050e-01, v20;
	v47 =	vmul.f32 v18, v17  }
0x6b9: {  	v22 =	vadd.f32 v23, v22;
	v28 =	vpop (erf);
	v46 =	vmul.f32 $2.802000050e-01, v27;
	v49 =	vmul.f32 v19, v15  }
0x6ba: {  	v13 =	vadd.f32 v41, v13;
	v48 =	vmul.f32 $2.802000050e-01, v28;
	v51 =	vmul.f32 v42, v16  }
0x6bb: {  	v14 =	vadd.f32 v14, v20;
	v52 =	vmul.f32 v43, v43;
	v54 =	vmul.f32 v44, v44  }
0x6bc: {  	v50 =	vpop (erf);
	v55 =	vmul.f32 v45, v45;
	v17 =	vadd.f32 $-2.800000000e+01, v47;
	v21 =	vadd.f32 v22, v46  }
0x6bd: {  	v53 =	vpop (erf);
	v19 =	vmul.f32 $2.817000080e-02, v50;
	v15 =	vadd.f32 $-2.800000000e+01, v49;
	v13 =	vadd.f32 v13, v48  }
0x6be: {  	v56 =	vpop (erf);
	v22 =	vmul.f32 $2.817000080e-02, v53;
	v20 =	vmul.f32 v52, v43;
	v16 =	vadd.f32 $-2.800000000e+01, v51  }
0x6bf: {  	v57 =	vmul.f32 v54, v44;
	v27 =	vmul.f32 $2.817000080e-02, v56;
	v14 =	vadd.f32 v14, v19  }
0x6c0: {  	v18 =	vmul.f32 v55, v45;
	v58 =	vadd.f32 v21, v22;
	v17 =	vmul.f32 v17, v20  }
0x6c1: {  	v15 =	vmul.f32 v15, v57;
	v13 =	vadd.f32 v13, v27;
	v10 =	vmul.f32 v14, v10  }
0x6c2: {  	v59 =	vmul.f32 v16, v18;
	v60 =	vadd.f32 $1.000000000e+00, v17;
	v11 =	vmul.f32 v58, v11  }
0x6c3: {  	v15 =	vadd.f32 $1.000000000e+00, v15;
	v12 =	vmul.f32 v13, v12;
	v7 =	vmul.f32 v10, v7  }
0x6c4: {  	v61 =	vadd.f32 $1.000000000e+00, v59;
	v62 =	vmax.f32 v60, $0.0e+00;
	v8 =	vmul.f32 v11, v8  }
0x6c5: {  	v63 =	vmax.f32 v15, $0.0e+00;
	v9 =	vmul.f32 v12, v9;
	v7 =	vmul.f32 v62, v7  }
0x6c6: {  	v10 =	vmax.f32 v61, $0.0e+00;
	v8 =	vmul.f32 v63, v8  }
0x6c7: {  	v9 =	vmul.f32 v10, v9;
	[tilespmem:v4+s9+$0x0] =	vst.idx.add.f32.msk $0xffff, v7  }
0x6c8: {  	[tilespmem:v5+s9+$0x0] =	vst.idx.add.f32.msk $0xffff, v8  }
0x6c9: {  	[tilespmem:v6+s9+$0x0] =	vst.idx.add.f32.msk $0xffff, v9  }
.LBB2_37:
0x6ca: {  	p0 =	sge.u32 s25, s31  }
.Ltmp21:
0x6cb: {  	_ = 	snop;
	(pc) =	sbr.rel @p0 .LBB2_41-.Ltmp21, $1  }
0x6cc: {  	_ =	sdelay $0x3  }
0x6cd: {  	s0 =	sadd.s32 $0x2, s25  }
0x6ce: {  	p0 =	sge.u32 s0, s14  }
0x6cf: {  	s0 =	sadd.s32 @!p0 s26, s0  }
0x6d0: {  	s1 =	sshll.u32 @!p0 s0, $0x9  }
0x6d1: {  	s7 =	rddreg [dreg:$0x1];
	s1 =	sand.u32 @!p0 $0x1FFFFE00, s1  }
0x6d2: {  	s11 =	simm.s32 @!p0 $0x1C200;
	s1 =	sadd.s32 @!p0 s7, s1;
	s7 =	simm.s32 @!p0 $0x0  }
0x6d3: {  	[tilespmem:s11], [sflag:$0x1] =	stream.linear.gather @!p0 [hbm4b:s1+s7], $0x100, $0x38;
	[tilespmem:$0x1F780] =	vst v63  }
0x6d4: {  	s18 =	simm.s32 @!p0 $0x1C400;
	s11 =	sadd.s32 @!p0 $0x20, s1  }
0x6d5: {  	[tilespmem:s18], [sflag:$0x1] =	stream.linear.gather @!p0 [hbm4b:s11+s7], $0x100, $0x38;
	[tilespmem:$0x1F780] =	vst v63  }
0x6d6: {  	s11 =	sadd.s32 @!p0 $0x40, s1;
	s18 =	simm.s32 @!p0 $0x1C600  }
0x6d7: {  	[tilespmem:s18], [sflag:$0x1] =	stream.linear.gather @!p0 [hbm4b:s11+s7], $0x100, $0x38;
	[tilespmem:$0x1F780] =	vst v63  }
0x6d8: {  	s11 =	sadd.s32 @!p0 $0x60, s1;
	s18 =	simm.s32 @!p0 $0x1C800  }
0x6d9: {  	[tilespmem:s18], [sflag:$0x1] =	stream.linear.gather @!p0 [hbm4b:s11+s7], $0x100, $0x38;
	[tilespmem:$0x1F780] =	vst v63  }
0x6da: {  	s11 =	sadd.s32 @!p0 $0x80, s1;
	s18 =	simm.s32 @!p0 $0x1CA00  }
0x6db: {  	[tilespmem:s18], [sflag:$0x1] =	stream.linear.gather @!p0 [hbm4b:s11+s7], $0x100, $0x38;
	[tilespmem:$0x1F780] =	vst v63  }
0x6dc: {  	s11 =	sadd.s32 @!p0 $0xA0, s1;
	s18 =	simm.s32 @!p0 $0x1CC00  }
0x6dd: {  	[tilespmem:s18], [sflag:$0x1] =	stream.linear.gather @!p0 [hbm4b:s11+s7], $0x100, $0x38;
	[tilespmem:$0x1F780] =	vst v63  }
0x6de: {  	s11 =	sadd.s32 @!p0 $0xC0, s1;
	s18 =	simm.s32 @!p0 $0x1CE00  }
0x6df: {  	[tilespmem:s18], [sflag:$0x1] =	stream.linear.gather @!p0 [hbm4b:s11+s7], $0x100, $0x38;
	[tilespmem:$0x1F780] =	vst v63  }
0x6e0: {  	s11 =	sadd.s32 @!p0 $0xE0, s1;
	s18 =	simm.s32 @!p0 $0x1D000  }
0x6e1: {  	[tilespmem:s18], [sflag:$0x1] =	stream.linear.gather @!p0 [hbm4b:s11+s7], $0x100, $0x38;
	[tilespmem:$0x1F780] =	vst v63  }
0x6e2: {  	s11 =	sadd.s32 @!p0 $0x100, s1;
	s18 =	simm.s32 @!p0 $0x1D200  }
0x6e3: {  	[tilespmem:s18], [sflag:$0x1] =	stream.linear.gather @!p0 [hbm4b:s11+s7], $0x100, $0x38;
	[tilespmem:$0x1F780] =	vst v63  }
0x6e4: {  	s11 =	sadd.s32 @!p0 $0x120, s1;
	s18 =	simm.s32 @!p0 $0x1D400  }
0x6e5: {  	[tilespmem:s18], [sflag:$0x1] =	stream.linear.gather @!p0 [hbm4b:s11+s7], $0x100, $0x38;
	[tilespmem:$0x1F780] =	vst v63  }
0x6e6: {  	s11 =	sadd.s32 @!p0 $0x140, s1;
	s18 =	simm.s32 @!p0 $0x1D600  }
0x6e7: {  	[tilespmem:s18], [sflag:$0x1] =	stream.linear.gather @!p0 [hbm4b:s11+s7], $0x100, $0x38;
	[tilespmem:$0x1F780] =	vst v63  }
0x6e8: {  	s11 =	sadd.s32 @!p0 $0x160, s1;
	s18 =	simm.s32 @!p0 $0x1D800  }
0x6e9: {  	[tilespmem:s18], [sflag:$0x1] =	stream.linear.gather @!p0 [hbm4b:s11+s7], $0x100, $0x38;
	[tilespmem:$0x1F780] =	vst v63  }
0x6ea: {  	s11 =	sadd.s32 @!p0 $0x180, s1;
	s18 =	simm.s32 @!p0 $0x1DA00  }
0x6eb: {  	[tilespmem:s18], [sflag:$0x1] =	stream.linear.gather @!p0 [hbm4b:s11+s7], $0x100, $0x38;
	[tilespmem:$0x1F780] =	vst v63  }
0x6ec: {  	s11 =	sadd.s32 @!p0 $0x1A0, s1;
	s18 =	simm.s32 @!p0 $0x1DC00  }
0x6ed: {  	[tilespmem:s18], [sflag:$0x1] =	stream.linear.gather @!p0 [hbm4b:s11+s7], $0x100, $0x38;
	[tilespmem:$0x1F780] =	vst v63  }
0x6ee: {  	s11 =	sadd.s32 @!p0 $0x1C0, s1;
	s18 =	simm.s32 @!p0 $0x1DE00  }
0x6ef: {  	[tilespmem:s18], [sflag:$0x1] =	stream.linear.gather @!p0 [hbm4b:s11+s7], $0x100, $0x38;
	[tilespmem:$0x1F780] =	vst v63  }
0x6f0: {  	s0 =	sshll.u32 @!p0 s0, $0x8;
	s1 =	sadd.s32 @!p0 $0x1E0, s1;
	s11 =	simm.s32 @!p0 $0x1E000  }
0x6f1: {  	[tilespmem:s11], [sflag:$0x1] =	stream.linear.gather @!p0 [hbm4b:s1+s7], $0x100, $0x38;
	[tilespmem:$0x1F780] =	vst v63  }
0x6f2: {  	s0 =	sand.u32 @!p0 $0x1FFFFF00, s0;
	s1 =	rddreg [dreg:$0x0]  }
0x6f3: {  	s0 =	sadd.s32 @!p0 s1, s0;
	s1 =	simm.s32 @!p0 $0x1E480  }
0x6f4: {  	[tilespmem:s1], [sflag:$0x1] =	stream.linear.gather @!p0 [hbm4b:s0+s7], $0x800, $0x38;
	[tilespmem:$0x1F780] =	vst v63  }
0x6f5: {  	_ =	swait.ge [sflag:s17], $0x1000  }
0x6f6: {  	p0 =	por $0x0, $0x0;
	s0 =	simm.s32 $0x1;
	[sflag:s17] =	ssyncset.done $0x0  }
0x6f7: {  	s0 =	simm.s32 @!p0 $0x0;
	[sflag:s17] =	ssyncadd.s32 $0xFFFFF000  }
0x6f8: {  	s0 =	sshll.u32 s0, $0x6;
	_ =	swait.ge [sflag:s17], $0x800  }
0x6f9: {  	s0 =	sadd.s32 $0x0, s0;
	[sflag:s17] =	ssyncset.done $0x0  }
0x6fa: {  	s25 =	sor.u32 $0x130, s0;
	[sflag:s17] =	ssyncadd.s32 $0xFFFFF800  }
0x6fb: {  	s7 =	sor.u32 $0x1B0, s0;
	v7 =	vld [tilespmem:s25+$0x1C200]  }
0x6fc: {  	v13 =	vld [tilespmem:s7+$0x1C200];
	_ =	sdelay $0x1  }
0x6fd: {  	s11 =	sor.u32 $0x100, s0  }
0x6fe: {  	s19 =	sor.u32 $0x180, s0;
	v8 =	vld [tilespmem:s11+$0x1C200]  }
0x6ff: {  	s23 =	sor.u32 $0x190, s0;
	v4 =	vld [tilespmem:s19+$0x1C200];
	v10 =	vshrl.u32 v7, $0x3  }
0x700: {  	s18 =	sor.u32 $0x110, s0;
	v5 =	vld [tilespmem:s23+$0x1C200];
	v11 =	vshrl.u32 v13, $0x3  }
0x701: {  	s20 =	sor.u32 $0x120, s0;
	v9 =	vld [tilespmem:s18+$0x1C200]  }
0x702: {  	s0 =	sor.u32 $0x1A0, s0;
	v12 =	vld [tilespmem:s20+$0x1C200]  }
0x703: {  	v6 =	vld [tilespmem:s0+$0x1C200];
	v14 =	vshrl.u32 v8, $0x3  }
0x704: {  	v15 =	vshrl.u32 v4, $0x3;
	v10 =	vld.idx.msk [tilespmem:v10+s13+$0x0], $0xffff  }
0x705: {  	v18 =	vshrl.u32 v5, $0x3;
	v11 =	vld.idx.msk [tilespmem:v11+s13+$0x0], $0xffff  }
0x706: {  	v16 =	vshrl.u32 v9, $0x3  }
0x707: {  	v8 =	vshll.u32 v8, $0x2;
	v17 =	vshrl.u32 v12, $0x3;
	v7 =	vshll.u32 v7, $0x2  }
0x708: {  	v19 =	vshll.u32 v13, $0x2;
	v20 =	vshrl.u32 v6, $0x3;
	v7 =	vand.u32 $0x1C, v7;
	v14 =	vld.idx.msk [tilespmem:v14+s13+$0x0], $0xffff  }
0x709: {  	v9 =	vshll.u32 v9, $0x2;
	v19 =	vand.u32 $0x1C, v19;
	v7 =	vshrl.u32 v10, v7;
	v10 =	vld.idx.msk [tilespmem:v15+s13+$0x0], $0xffff  }
0x70a: {  	v12 =	vshll.u32 v12, $0x2;
	v18 =	vld.idx.msk [tilespmem:v18+s13+$0x0], $0xffff;
	v11 =	vshrl.u32 v11, v19;
	v7 =	vshll.u32 v7, $0x4  }
0x70b: {  	v8 =	vand.u32 $0x1C, v8;
	v15 =	vld.idx.msk [tilespmem:v16+s13+$0x0], $0xffff;
	v11 =	vand.u32 $0xF, v11;
	v7 =	vand.u32 $0xF0, v7  }
0x70c: {  	v9 =	vand.u32 $0x1C, v9;
	v16 =	vld.idx.msk [tilespmem:v17+s13+$0x0], $0xffff;
	v11 =	vor.u32 v11, v7;
	v7 =	vshll.u32 v4, $0x2  }
0x70d: {  	v12 =	vand.u32 $0x1C, v12;
	v19 =	vld.idx.msk [tilespmem:v20+s13+$0x0], $0xffff;
	v8 =	vshrl.u32 v14, v8;
	v7 =	vand.u32 $0x1C, v7  }
0x70e: {  	v17 =	vshll.u32 v5, $0x2;
	v8 =	vshll.u32 v8, $0x4;
	v7 =	vshrl.u32 v10, v7  }
0x70f: {  	s25 =	simm.s32 $0x1ECB0;
	v14 =	vshll.u32 v6, $0x2;
	v8 =	vand.u32 $0xF0, v8;
	v7 =	vand.u32 $0xF, v7  }
0x710: {  	v9 =	vshrl.u32 v15, v9;
	v10 =	vand.u32 $0x1C, v14;
	v15 =	vld [tilespmem:s25+$0x0];
	v14 =	vor.u32 v7, v8  }
0x711: {  	v17 =	vand.u32 $0x1C, v17;
	v8 =	vshrl.u32 v16, v12;
	v16 =	vld [tilespmem:s25+$0xFFFFFFE0]  }
0x712: {  	s28 =	simm.s32 $0x0;
	v9 =	vshll.u32 v9, $0x4;
	v10 =	vshrl.u32 v19, v10;
	v12 =	vshrl.u32 v18, v17;
	v7 =	vld.idx.msk [tilespmem:v11+s6+$0x0], $0xffff  }
0x713: {  	s24 =	sand.u32 $0x7C0, s28;
	v20 =	vld [tilespmem:s25+$0xFFFFFFF0];
	v9 =	vand.u32 $0xF0, v9;
	v8 =	vshll.u32 v8, $0x4;
	v12 =	vand.u32 $0xF, v12  }
0x714: {  	v8 =	vand.u32 $0xF0, v8;
	v12 =	vor.u32 v12, v9;
	v9 =	vand.u32 $0xF, v10;
	v10 =	vld [tilespmem:s24+$0x1EC80]  }
0x715: {  	v21 =	vor.u32 v9, v8;
	v8 =	vld.idx.msk [tilespmem:v14+s6+$0x0], $0xffff;
	_ =	sdelay $0x1  }
0x716: {  	(erf) = vrcp.f32 v16;
	v7 =	vmul.f32 v7, v15  }
0x717: {  	(erf) = vrcp.f32 v20  }
0x718: {  	v17 =	vmul.f32 $-3.200000050e+00, v7;
	v19 =	vmul.f32 $-9.423000210e-01, v7  }
0x719: {  	(erf) = vrcp.f32 v10;
	v22 =	vmul.f32 v8, v10  }
0x71a: {  	v9 =	vld.idx.msk [tilespmem:v12+s6+$0x0], $0xffff;
	v8 =	vmul.f32 $1.442695020e+00, v17;
	v17 =	vmul.f32 $1.442695020e+00, v19  }
0x71b: {  	v18 =	vld.idx.msk [tilespmem:v21+s6+$0x0], $0xffff;
	v19 =	vmul.f32 $-4.027999940e-01, v7;
	v7 =	vmul.f32 $-2.016000000e-01, v7  }
0x71c: {  	(erf) = vpow2.f32 v8  }
0x71d: {  	v8 =	vmul.f32 $1.442695020e+00, v19;
	v7 =	vmul.f32 $1.442695020e+00, v7  }
0x71e: {  	v23 =	vmul.f32 $-9.423000210e-01, v22;
	(erf) = vpow2.f32 v17  }
0x71f: {  	v33 =	vmul.f32 $-4.027999940e-01, v22;
	v17 =	vmul.f32 v9, v16  }
0x720: {  	v19 =	vld.idx.msk [tilespmem:v11+s4+$0x0], $0xffff;
	v18 =	vmul.f32 v18, v20;
	(erf) = vpow2.f32 v8  }
0x721: {  	v9 =	vmul.f32 $-3.200000050e+00, v22;
	v23 =	vmul.f32 $1.442695020e+00, v23  }
0x722: {  	v24 =	vmul.f32 $-3.200000050e+00, v17;
	(erf) = vpow2.f32 v7  }
0x723: {  	v25 =	vmul.f32 $-9.423000210e-01, v17;
	v26 =	vmul.f32 $-3.200000050e+00, v18;
	v7 =	vpop (erf)  }
0x724: {  	v27 =	vmul.f32 $1.442695020e+00, v9;
	v28 =	vmul.f32 $-9.423000210e-01, v18;
	v8 =	vpop (erf)  }
0x725: {  	v62 =	vmul.f32 $-4.027999940e-01, v17;
	v19 =	vmul.f32 v19, v15;
	v9 =	vpop (erf)  }
0x726: {  	v63 =	vmul.f32 $-4.027999940e-01, v18;
	v24 =	vmul.f32 $1.442695020e+00, v24;
	v29 =	vpop (erf)  }
0x727: {  	(erf) = vrcp.f32 v15;
	v30 =	vmul.f32 $2.100000000e+01, v19;
	v31 =	vpop (erf)  }
0x728: {  	v15 =	vmul.f32 $1.817999930e-01, v29;
	v56 =	vmul.f32 $5.098999740e-01, v31  }
0x729: {  	v25 =	vmul.f32 $1.442695020e+00, v25;
	v57 =	vmul.f32 v19, v19;
	v32 =	vpop (erf)  }
0x72a: {  	v30 =	vsub.f32 $4.800000000e+01, v30;
	v58 =	vmul.f32 $2.802000050e-01, v32;
	v15 =	vadd.f32 v56, v15  }
0x72b: {  	v26 =	vmul.f32 $1.442695020e+00, v26;
	v59 =	vmul.f32 v57, v57;
	v60 =	vpop (erf)  }
0x72c: {  	v11 =	vld.idx.msk [tilespmem:v11+s2+$0x0], $0xffff;
	v19 =	vmul.f32 v30, v19;
	v61 =	vmul.f32 $2.817000080e-02, v60;
	v15 =	vadd.f32 v15, v58  }
0x72d: {  	v28 =	vmul.f32 $1.442695020e+00, v28;
	(erf) = vpow2.f32 v27  }
0x72e: {  	v31 =	vmul.f32 v59, v57;
	v19 =	vadd.f32 $-2.800000000e+01, v19;
	v15 =	vadd.f32 v15, v61  }
0x72f: {  	(erf) = vpow2.f32 v23;
	v23 =	vmul.f32 $1.442695020e+00, v33  }
0x730: {  	(erf) = vpow2.f32 v24;
	v19 =	vmul.f32 v19, v31  }
0x731: {  	(erf) = vpow2.f32 v25;
	v11 =	vmul.f32 v15, v11  }
0x732: {  	v24 =	vmul.f32 $1.442695020e+00, v63;
	(erf) = vpow2.f32 v26;
	v19 =	vadd.f32 $1.000000000e+00, v19;
	v15 =	vpop (erf)  }
0x733: {  	(erf) = vpow2.f32 v28;
	v11 =	vmul.f32 v11, v15  }
0x734: {  	(erf) = vpow2.f32 v23;
	v23 =	vld.idx.msk [tilespmem:v21+s4+$0x0], $0xffff;
	v19 =	vmax.f32 v19, $0.0e+00;
	v15 =	vmul.f32 $1.442695020e+00, v62  }
0x735: {  	v25 =	vmul.f32 v19, v11;
	v11 =	vld.idx.msk [tilespmem:v14+s4+$0x0], $0xffff;
	v19 =	vmul.f32 $-2.016000000e-01, v22  }
0x736: {  	v17 =	vmul.f32 $-2.016000000e-01, v17;
	v18 =	vmul.f32 $-2.016000000e-01, v18;
	v22 =	vld.idx.msk [tilespmem:v12+s4+$0x0], $0xffff  }
0x737: {  	(erf) = vpow2.f32 v15;
	v19 =	vmul.f32 $1.442695020e+00, v19  }
0x738: {  	v15 =	vmul.f32 $1.442695020e+00, v17;
	(erf) = vpow2.f32 v24  }
0x739: {  	v26 =	vmul.f32 $1.442695020e+00, v18;
	v24 =	vpop (erf);
	(erf) = vpow2.f32 v19  }
0x73a: {  	v27 =	vpop (erf);
	v17 =	vmul.f32 v11, v10;
	(erf) = vpow2.f32 v15  }
0x73b: {  	v18 =	vpop (erf);
	v10 =	vld.idx.msk [tilespmem:v14+s2+$0x0], $0xffff;
	v15 =	vmul.f32 v22, v16;
	v14 =	vmul.f32 v23, v20  }
0x73c: {  	v11 =	vld.idx.msk [tilespmem:v12+s2+$0x0], $0xffff;
	(erf) = vpow2.f32 v26;
	v19 =	vpop (erf);
	v26 =	vmul.f32 $2.100000000e+01, v17  }
0x73d: {  	v12 =	vld.idx.msk [tilespmem:v21+s2+$0x0], $0xffff;
	v16 =	vmul.f32 $1.817999930e-01, v24;
	v20 =	vmul.f32 $5.098999740e-01, v27;
	v21 =	vpop (erf)  }
0x73e: {  	s29 =	simm.s32 $0x0;
	p0 =	por !p0, !p0;
	s24 =	simm.s32 $0x0;
	[tilespmem:v13+s9+$0x0] =	vst.idx.add.f32.msk $0xffff, v25;
	v23 =	vmul.f32 $2.100000000e+01, v15;
	v24 =	vmul.f32 $2.100000000e+01, v14;
	v22 =	vpop (erf);
	v13 =	vsub.f32 $4.800000000e+01, v26  }
.LBB2_39:
0x73f: {  	s0 =	simm.s32 $0x1  }
0x740: {  	v18 =	vmul.f32 $1.817999930e-01, v18;
	v19 =	vmul.f32 $5.098999740e-01, v19;
	v23 =	vsub.f32 $4.800000000e+01, v23;
	v25 =	vpop (erf);
	s0 =	simm.s32 @!p0 $0x0  }
0x741: {  	s29 =	sadd.s32 $0x4, s29;
	v21 =	vmul.f32 $1.817999930e-01, v21;
	v29 =	vmul.f32 $5.098999740e-01, v22;
	s28 =	sadd.s32 $0x100, s28;
	v24 =	vsub.f32 $4.800000000e+01, v24;
	s0 =	sshll.u32 s0, $0x6;
	v26 =	vpop (erf)  }
0x742: {  	v27 =	vmul.f32 v15, v15;
	p1 =	slt.u32 s29, $0x7C;
	v16 =	vadd.f32 v20, v16;
	v20 =	vmul.f32 v17, v17;
	s0 =	sadd.s32 s0, s28;
	v28 =	vpop (erf)  }
0x743: {  	v18 =	vadd.f32 v19, v18;
	v19 =	vadd.f32 v29, v21;
	v21 =	vmul.f32 v14, v14;
	s1 =	sor.u32 $0x100, s0;
	s7 =	sor.u32 $0x110, s0;
	s11 =	sor.u32 $0x130, s0;
	v22 =	vpop (erf)  }
0x744: {  	v17 =	vmul.f32 v13, v17;
	v15 =	vmul.f32 v23, v15;
	s18 =	sor.u32 $0x180, s0;
	s19 =	sor.u32 $0x120, s0;
	v29 =	vld [tilespmem:s11+$0x1C200];
	s11 =	sor.u32 $0x1B0, s0;
	v23 =	vpop (erf)  }
0x745: {  	v25 =	vmul.f32 $2.802000050e-01, v25;
	v26 =	vmul.f32 $2.802000050e-01, v26;
	s20 =	sor.u32 $0x190, s0;
	s0 =	sor.u32 $0x1A0, s0;
	v13 =	vld [tilespmem:s11+$0x1C200];
	v30 =	vpop (erf)  }
0x746: {  	v32 =	vadd.f32 $-2.800000000e+01, v17;
	v14 =	vmul.f32 v24, v14;
	v17 =	vmul.f32 $2.802000050e-01, v28;
	v31 =	vld [tilespmem:s1+$0x1C200]  }
0x747: {  	v16 =	vadd.f32 v16, v25;
	v25 =	vmul.f32 v20, v20;
	v28 =	vmul.f32 v27, v27;
	v24 =	vld [tilespmem:s7+$0x1C200]  }
0x748: {  	v35 =	vmul.f32 v21, v21;
	v26 =	vadd.f32 v18, v26;
	v34 =	vadd.f32 v19, v17;
	v33 =	vld [tilespmem:s19+$0x1C200]  }
0x749: {  	v22 =	vmul.f32 $2.817000080e-02, v22;
	v23 =	vmul.f32 $2.817000080e-02, v23;
	v19 =	vld [tilespmem:s18+$0x1C200];
	v36 =	vshrl.u32 v29, $0x3  }
0x74a: {  	v15 =	vadd.f32 $-2.800000000e+01, v15;
	v30 =	vmul.f32 $2.817000080e-02, v30;
	v17 =	vld [tilespmem:s20+$0x1C200];
	v37 =	vshrl.u32 v13, $0x3  }
0x74b: {  	v39 =	vadd.f32 $-2.800000000e+01, v14;
	v38 =	vshrl.u32 v31, $0x3;
	v31 =	vshll.u32 v31, $0x2;
	v18 =	vld [tilespmem:s0+$0x1C200]  }
0x74c: {  	v14 =	vand.u32 $0x1C, v31;
	v31 =	vshrl.u32 v24, $0x3;
	v24 =	vshll.u32 v24, $0x2  }
0x74d: {  	v24 =	vand.u32 $0x1C, v24;
	v40 =	vshrl.u32 v33, $0x3;
	v33 =	vshll.u32 v33, $0x2  }
0x74e: {  	v41 =	vshrl.u32 v19, $0x3;
	v42 =	vshll.u32 v19, $0x2;
	v33 =	vand.u32 $0x1C, v33;
	v36 =	vld.idx.msk [tilespmem:v36+s13+$0x0], $0xffff  }
0x74f: {  	v42 =	vand.u32 $0x1C, v42;
	v43 =	vshrl.u32 v17, $0x3;
	v44 =	vshll.u32 v17, $0x2;
	v37 =	vld.idx.msk [tilespmem:v37+s13+$0x0], $0xffff  }
0x750: {  	v38 =	vld.idx.msk [tilespmem:v38+s13+$0x0], $0xffff;
	v44 =	vand.u32 $0x1C, v44;
	v45 =	vshrl.u32 v18, $0x3;
	v46 =	vshll.u32 v18, $0x2  }
0x751: {  	v20 =	vmul.f32 v25, v20;
	v25 =	vmul.f32 v28, v27;
	v31 =	vld.idx.msk [tilespmem:v31+s13+$0x0], $0xffff;
	v46 =	vand.u32 $0x1C, v46  }
0x752: {  	v21 =	vmul.f32 v35, v21;
	v16 =	vadd.f32 v16, v22;
	v28 =	vshll.u32 v29, $0x2;
	v27 =	vld.idx.msk [tilespmem:v40+s13+$0x0], $0xffff  }
0x753: {  	v26 =	vadd.f32 v26, v23;
	v28 =	vand.u32 $0x1C, v28;
	v29 =	vshll.u32 v13, $0x2;
	v22 =	vld.idx.msk [tilespmem:v41+s13+$0x0], $0xffff  }
0x754: {  	v23 =	vand.u32 $0x1C, v29;
	v29 =	vadd.f32 v34, v30;
	v28 =	vshrl.u32 v36, v28;
	v35 =	vld.idx.msk [tilespmem:v43+s13+$0x0], $0xffff  }
0x755: {  	v20 =	vmul.f32 v32, v20;
	v23 =	vshrl.u32 v37, v23;
	v28 =	vshll.u32 v28, $0x4;
	v30 =	vld.idx.msk [tilespmem:v45+s13+$0x0], $0xffff  }
0x756: {  	v14 =	vshrl.u32 v38, v14;
	v23 =	vand.u32 $0xF, v23;
	v28 =	vand.u32 $0xF0, v28  }
0x757: {  	v14 =	vshll.u32 v14, $0x4;
	v24 =	vshrl.u32 v31, v24;
	v23 =	vor.u32 v23, v28  }
0x758: {  	v28 =	vand.u32 $0xF0, v14;
	v14 =	vshll.u32 v24, $0x4;
	v24 =	vshrl.u32 v27, v33  }
0x759: {  	s24 =	sadd.s32 $0x40, s24;
	v22 =	vshrl.u32 v22, v42;
	v27 =	vand.u32 $0xF0, v14;
	v14 =	vshll.u32 v24, $0x4  }
0x75a: {  	s0 =	sand.u32 $0x7C0, s24;
	v22 =	vand.u32 $0xF, v22;
	v24 =	vshrl.u32 v35, v44;
	v31 =	vand.u32 $0xF0, v14  }
0x75b: {  	v28 =	vor.u32 v22, v28;
	v22 =	vand.u32 $0xF, v24;
	v24 =	vshrl.u32 v30, v46;
	v14 =	vld [tilespmem:s0+$0x1EC80]  }
0x75c: {  	s25 =	sadd.s32 $0x40, s25;
	v25 =	vmul.f32 v15, v25;
	v27 =	vor.u32 v22, v27;
	v22 =	vand.u32 $0xF, v24;
	v24 =	vld.idx.msk [tilespmem:v23+s6+$0x0], $0xffff  }
0x75d: {  	v21 =	vmul.f32 v39, v21;
	v10 =	vmul.f32 v16, v10;
	v30 =	vor.u32 v22, v31;
	v31 =	vld [tilespmem:s25+$0x0]  }
0x75e: {  	v20 =	vadd.f32 $1.000000000e+00, v20;
	v11 =	vmul.f32 v26, v11;
	v12 =	vmul.f32 v29, v12;
	v15 =	vld [tilespmem:s25+$0xFFFFFFE0]  }
0x75f: {  	v21 =	vadd.f32 $1.000000000e+00, v21;
	v9 =	vmul.f32 v10, v9;
	v10 =	vadd.f32 $1.000000000e+00, v25;
	v16 =	vld [tilespmem:s25+$0xFFFFFFF0]  }
0x760: {  	v20 =	vmax.f32 v20, $0.0e+00;
	v7 =	vmul.f32 v11, v7;
	v8 =	vmul.f32 v12, v8;
	v25 =	vld.idx.msk [tilespmem:v28+s6+$0x0], $0xffff  }
0x761: {  	v11 =	vmax.f32 v21, $0.0e+00;
	v9 =	vmul.f32 v20, v9;
	v10 =	vmax.f32 v10, $0.0e+00;
	v26 =	vld.idx.msk [tilespmem:v27+s6+$0x0], $0xffff  }
0x762: {  	v7 =	vmul.f32 v10, v7;
	v29 =	vld.idx.msk [tilespmem:v30+s6+$0x0], $0xffff;
	v24 =	vmul.f32 v24, v31  }
0x763: {  	v8 =	vmul.f32 v11, v8;
	v21 =	vld.idx.msk [tilespmem:v28+s4+$0x0], $0xffff;
	(erf) = vrcp.f32 v15  }
0x764: {  	v22 =	vld.idx.msk [tilespmem:v27+s4+$0x0], $0xffff;
	v11 =	vmul.f32 $-3.200000050e+00, v24;
	(erf) = vrcp.f32 v16  }
0x765: {  	v12 =	vmul.f32 $-9.423000210e-01, v24;
	v20 =	vld.idx.msk [tilespmem:v30+s4+$0x0], $0xffff;
	(erf) = vrcp.f32 v14  }
0x766: {  	v25 =	vmul.f32 v25, v14;
	v10 =	vld.idx.msk [tilespmem:v28+s2+$0x0], $0xffff;
	v28 =	vmul.f32 $1.442695020e+00, v11  }
0x767: {  	v32 =	vmul.f32 $-4.027999940e-01, v24;
	v11 =	vld.idx.msk [tilespmem:v27+s2+$0x0], $0xffff;
	v27 =	vmul.f32 $1.442695020e+00, v12  }
0x768: {  	v24 =	vmul.f32 $-2.016000000e-01, v24;
	v12 =	vld.idx.msk [tilespmem:v30+s2+$0x0], $0xffff;
	(erf) = vpow2.f32 v28  }
0x769: {  	v28 =	vmul.f32 $1.442695020e+00, v32;
	(erf) = vpow2.f32 v27;
	[tilespmem:v4+s9+$0x0] =	vst.idx.add.f32.msk $0xffff, v9;
	v4 =	vmov v19  }
0x76a: {  	v19 =	vmul.f32 v26, v15;
	v26 =	vmul.f32 v29, v16;
	v27 =	vld.idx.msk [tilespmem:v23+s4+$0x0], $0xffff  }
0x76b: {  	v30 =	vmul.f32 $1.442695020e+00, v24;
	(erf) = vpow2.f32 v28;
	[tilespmem:v5+s9+$0x0] =	vst.idx.add.f32.msk $0xffff, v7;
	v5 =	vmov v17  }
0x76c: {  	v24 =	vmul.f32 $-9.423000210e-01, v25;
	v17 =	vmul.f32 $-3.200000050e+00, v25;
	v7 =	vpop (erf);
	[tilespmem:v6+s9+$0x0] =	vst.idx.add.f32.msk $0xffff, v8;
	v6 =	vmov v18  }
0x76d: {  	v18 =	vmul.f32 $-3.200000050e+00, v19;
	v8 =	vpop (erf);
	(erf) = vpow2.f32 v30  }
0x76e: {  	v28 =	vmul.f32 $-9.423000210e-01, v19;
	v29 =	vmul.f32 $-3.200000050e+00, v26;
	v9 =	vpop (erf)  }
0x76f: {  	v17 =	vmul.f32 $1.442695020e+00, v17;
	v30 =	vmul.f32 $-9.423000210e-01, v26  }
0x770: {  	v24 =	vmul.f32 $1.442695020e+00, v24;
	v27 =	vmul.f32 v27, v31  }
0x771: {  	v28 =	vmul.f32 $1.442695020e+00, v28;
	v18 =	vmul.f32 $1.442695020e+00, v18;
	v32 =	vpop (erf)  }
0x772: {  	v33 =	vmul.f32 $2.100000000e+01, v27;
	v34 =	vpop (erf);
	(erf) = vrcp.f32 v31  }
0x773: {  	v31 =	vmul.f32 $1.817999930e-01, v32;
	v32 =	vmul.f32 $5.098999740e-01, v34  }
0x774: {  	v29 =	vmul.f32 $1.442695020e+00, v29;
	v34 =	vmul.f32 v27, v27;
	v36 =	vsub.f32 $4.800000000e+01, v33;
	v35 =	vpop (erf)  }
0x775: {  	v30 =	vmul.f32 $1.442695020e+00, v30;
	v23 =	vld.idx.msk [tilespmem:v23+s2+$0x0], $0xffff;
	v31 =	vadd.f32 v32, v31;
	v32 =	vmul.f32 $2.802000050e-01, v35  }
0x776: {  	v35 =	vmul.f32 v34, v34;
	v27 =	vmul.f32 v36, v27;
	v33 =	vpop (erf)  }
0x777: {  	v36 =	vmul.f32 $-4.027999940e-01, v25;
	v31 =	vadd.f32 v31, v32;
	v32 =	vmul.f32 $2.817000080e-02, v33  }
0x778: {  	v33 =	vmul.f32 $-4.027999940e-01, v19;
	v34 =	vmul.f32 v35, v34;
	v27 =	vadd.f32 $-2.800000000e+01, v27  }
0x779: {  	v35 =	vmul.f32 $-4.027999940e-01, v26;
	v31 =	vadd.f32 v31, v32;
	(erf) = vpow2.f32 v17  }
0x77a: {  	v17 =	vmul.f32 v27, v34;
	(erf) = vpow2.f32 v24  }
0x77b: {  	v23 =	vmul.f32 v31, v23;
	(erf) = vpow2.f32 v18;
	v18 =	vpop (erf)  }
0x77c: {  	v24 =	vmul.f32 $1.442695020e+00, v36;
	v17 =	vadd.f32 $1.000000000e+00, v17;
	(erf) = vpow2.f32 v28  }
0x77d: {  	v18 =	vmul.f32 v23, v18;
	(erf) = vpow2.f32 v29  }
0x77e: {  	v23 =	vmul.f32 $1.442695020e+00, v33;
	v17 =	vmax.f32 v17, $0.0e+00;
	(erf) = vpow2.f32 v30  }
0x77f: {  	v27 =	vmul.f32 $1.442695020e+00, v35;
	v17 =	vmul.f32 v17, v18  }
0x780: {  	v19 =	vmul.f32 $-2.016000000e-01, v19;
	v18 =	vmul.f32 $-2.016000000e-01, v25  }
0x781: {  	v25 =	vmul.f32 $-2.016000000e-01, v26;
	[tilespmem:v13+s9+$0x0] =	vst.idx.add.f32.msk $0xffff, v17;
	(erf) = vpow2.f32 v24  }
0x782: {  	v13 =	vmul.f32 $1.442695020e+00, v18;
	v24 =	vpop (erf);
	(erf) = vpow2.f32 v23  }
0x783: {  	v23 =	vmul.f32 $1.442695020e+00, v19;
	v26 =	vpop (erf);
	(erf) = vpow2.f32 v27  }
0x784: {  	v25 =	vmul.f32 $1.442695020e+00, v25;
	(erf) = vpow2.f32 v13;
	v18 =	vpop (erf)  }
.Ltmp22:
0x785: {  	v17 =	vmul.f32 v21, v14;
	v19 =	vpop (erf);
	(erf) = vpow2.f32 v23;
	(pc) =	sbr.rel @p1 .LBB2_39-.Ltmp22, $4  }
0x786: {  	v15 =	vmul.f32 v22, v15;
	v21 =	vpop (erf);
	(erf) = vpow2.f32 v25  }
0x787: {  	v14 =	vmul.f32 v20, v16;
	v13 =	vmul.f32 $2.100000000e+01, v17;
	v22 =	vpop (erf)  }
0x788: {  	v16 =	vmul.f32 $1.817999930e-01, v24;
	v23 =	vmul.f32 $2.100000000e+01, v15  }
0x789: {  	p0 =	por !p0, !p0;
	v24 =	vmul.f32 $2.100000000e+01, v14;
	v20 =	vmul.f32 $5.098999740e-01, v26;
	v13 =	vsub.f32 $4.800000000e+01, v13  }
0x78a: {  	v18 =	vmul.f32 $1.817999930e-01, v18  }
0x78b: {  	v19 =	vmul.f32 $5.098999740e-01, v19;
	v21 =	vmul.f32 $1.817999930e-01, v21  }
0x78c: {  	v23 =	vsub.f32 $4.800000000e+01, v23;
	v22 =	vmul.f32 $5.098999740e-01, v22;
	v47 =	vmul.f32 v17, v17  }
0x78d: {  	v25 =	vpop (erf);
	v26 =	vmul.f32 v15, v15;
	v48 =	vmul.f32 v14, v14;
	v24 =	vsub.f32 $4.800000000e+01, v24  }
0x78e: {  	v16 =	vadd.f32 v20, v16;
	v27 =	vpop (erf);
	v13 =	vmul.f32 v13, v17;
	v51 =	vmul.f32 $2.802000050e-01, v25  }
0x78f: {  	v18 =	vadd.f32 v19, v18;
	v50 =	vmul.f32 v23, v15;
	v52 =	vmul.f32 $2.802000050e-01, v27  }
0x790: {  	v49 =	vpop (erf);
	v21 =	vadd.f32 v22, v21;
	v55 =	vmul.f32 v47, v47;
	v57 =	vmul.f32 v26, v26  }
0x791: {  	v58 =	vmul.f32 v48, v48;
	v13 =	vadd.f32 $-2.800000000e+01, v13;
	v17 =	vmul.f32 $2.802000050e-01, v49;
	v53 =	vpop (erf)  }
0x792: {  	v54 =	vmul.f32 v24, v14;
	v16 =	vadd.f32 v16, v51;
	v59 =	vmul.f32 $2.817000080e-02, v53  }
0x793: {  	v56 =	vpop (erf);
	v18 =	vadd.f32 v18, v52;
	v20 =	vmul.f32 v55, v47;
	v61 =	vmul.f32 v57, v26  }
0x794: {  	v15 =	vadd.f32 $-2.800000000e+01, v50;
	v19 =	vmul.f32 v58, v48;
	v28 =	vpop (erf);
	v24 =	vmul.f32 $2.817000080e-02, v56  }
0x795: {  	v17 =	vadd.f32 v21, v17;
	v60 =	vmul.f32 $2.817000080e-02, v28;
	v16 =	vadd.f32 v16, v59  }
0x796: {  	v14 =	vadd.f32 $-2.800000000e+01, v54;
	v13 =	vmul.f32 v13, v20;
	v18 =	vadd.f32 v18, v24  }
0x797: {  	v15 =	vmul.f32 v15, v61;
	v17 =	vadd.f32 v17, v60;
	v10 =	vmul.f32 v16, v10  }
0x798: {  	v14 =	vmul.f32 v14, v19;
	v13 =	vadd.f32 $1.000000000e+00, v13;
	v11 =	vmul.f32 v18, v11  }
0x799: {  	v62 =	vadd.f32 $1.000000000e+00, v15;
	v12 =	vmul.f32 v17, v12;
	v9 =	vmul.f32 v10, v9  }
0x79a: {  	v14 =	vadd.f32 $1.000000000e+00, v14;
	v13 =	vmax.f32 v13, $0.0e+00;
	v7 =	vmul.f32 v11, v7  }
.Ltmp23:
0x79b: {  	v10 =	vmax.f32 v62, $0.0e+00;
	v8 =	vmul.f32 v12, v8;
	v9 =	vmul.f32 v13, v9;
	(pc) =	sbr.rel .LBB2_41-.Ltmp23, $4  }
0x79c: {  	v63 =	vmax.f32 v14, $0.0e+00;
	v7 =	vmul.f32 v10, v7  }
0x79d: {  	v8 =	vmul.f32 v63, v8;
	[tilespmem:v4+s9+$0x0] =	vst.idx.add.f32.msk $0xffff, v9  }
0x79e: {  	[tilespmem:v5+s9+$0x0] =	vst.idx.add.f32.msk $0xffff, v7  }
0x79f: {  	[tilespmem:v6+s9+$0x0] =	vst.idx.add.f32.msk $0xffff, v8  }
.LBB2_42:
0x7a0: {  	s0 =	simm.s32 $0x0;
	s1 =	rddreg [dreg:$0x16]  }
0x7a1: {  	[hbm4b:s1+s0] =	stream.linear.scatter [tilespmem:s0], [sflag:$0x3], $0x19000, $0x38;
	[tilespmem:$0x1F780] =	vst v63  }
0x7a2: {  	_ =	swait.ge [sflag:s3], $0x19000  }
0x7a3: {  	s29 =	sadd.s32 $0x0, s8;
	[sflag:s3] =	ssyncset.done $0x0  }
0x7a4: {  	s1 =	sand.u32 $0x3FF80, s29;
	s7 =	sand.u32 $0x70, s0;
	[sflag:s3] =	ssyncadd.s32 $0xFFFE7000  }
0x7a5: {  	s0 =	simm.s32 $0x10;
	s1 =	sor.u32 s7, s1;
	[bflag:$0x0] =	sbarrier.arrive $0xFFFF  }
.LBB2_43:
0x7a6: {  	p0 =	sne.s32 s0, $0x18F0;
	[tilespmem:s1+$0x0] =	vst v1;
	s1 =	smov.u32 s0;
	s0 =	sadd.s32 $0x10, s0  }
.Ltmp24:
0x7a7: {  	(pc) =	sbr.rel @p0 .LBB2_43-.Ltmp24, $4  }
0x7a8: {  	_ = 	snop  }
0x7a9: {  	s7 =	sadd.s32 s1, s8  }
0x7aa: {  	s1 =	sand.u32 $0x70, s1;
	s7 =	sand.u32 $0x3FF80, s7  }
0x7ab: {  	s1 =	sor.u32 s1, s7  }
0x7ac: {  	s22 =	simm.s32 $0x0  }
0x7ad: {  	[tilespmem:s1+$0x0] =	vst v1;
	s0 =	rddreg [dreg:$0x17];
	p0 =	por $0x0, $0x0;
	s23 =	simm.s32 $0x0  }
0x7ae: {  	[tilespmem:s5], [sflag:$0x1] =	stream.linear.gather [hbm4b:s0+s22], $0x640, $0x38;
	[tilespmem:$0x1F780] =	vst v63  }
.LBB2_45:
0x7af: {  	s0 =	sshrl.u32 s23, $0x1  }
0x7b0: {  	s20 =	sshll.u32 s23, $0x1;
	s0 =	sadd.s32 s21, s0  }
0x7b1: {  	s1 =	sand.u32 $0x2, s20;
	s0 =	smul.u32 $0x19000, s0  }
0x7b2: {  	s1 =	smul.u32 $0x640, s1  }
0x7b3: {  	s0 =	sadd.s32 s8, s0  }
0x7b4: {  	s0 =	sadd.s32 s0, s1  }
0x7b5: {  	s1 =	simm.s32 $0x1;
	s0 =	sshrl.u32 s0, $0x3  }
0x7b6: {  	s1 =	simm.s32 @!p0 $0x0;
	s0 =	sadd.s32 s15, s0  }
0x7b7: {  	s11 =	simm.s32 $0x1EAC0;
	s7 =	smul.u32 $0xC80, s1;
	s0 =	sadd.s32 $0xC8, s0  }
0x7b8: {  	[tilespmem:s11], [sflag:$0x2] =	stream.linear.gather [hbm4b:s0+s22], $0x640, $0x38;
	[tilespmem:$0x1F780] =	vst v63  }
0x7b9: {  	s24 =	sadd.s32 s7, s8;
	_ =	swait.ge [sflag:s16], $0x640  }
0x7ba: {  	s25 =	simm.s32 $0x1E4A0;
	s7 =	sadd.s32 $0x0, s24;
	[sflag:s16] =	ssyncset.done $0x0  }
0x7bb: {  	s11 =	sand.u32 $0x40, s22;
	s0 =	sand.u32 $0x7FF80, s7;
	[sflag:s16] =	ssyncadd.s32 $0xFFFFF9C0  }
0x7bc: {  	s7 =	sor.u32 s11, s0;
	v4 =	vld [tilespmem:s25+$0xFFFFFFE0]  }
0x7bd: {  	v5 =	vld [tilespmem:s7+$0x0];
	_ =	sdelay $0x4  }
0x7be: {  	s18 =	simm.s32 $0x10;
	v4 =	vadd.f32 v4, v5  }
0x7bf: {  	s11 =	sand.u32 $0x50, s18  }
0x7c0: {  	s19 =	sor.u32 s11, s0;
	[tilespmem:s7+$0x0] =	vst v4  }
0x7c1: {  	v4 =	vld [tilespmem:s19+$0x0]  }
0x7c2: {  	v5 =	vld [tilespmem:s25+$0xFFFFFFF0];
	_ =	sdelay $0x4  }
0x7c3: {  	s18 =	simm.s32 $0x20;
	v4 =	vadd.f32 v5, v4  }
0x7c4: {  	s11 =	sand.u32 $0x60, s18  }
0x7c5: {  	s7 =	sor.u32 s11, s0;
	[tilespmem:s19+$0x0] =	vst v4  }
0x7c6: {  	v4 =	vld [tilespmem:s7+$0x0]  }
0x7c7: {  	v5 =	vld [tilespmem:s25+$0x0];
	_ =	sdelay $0x4  }
0x7c8: {  	s19 =	simm.s32 $0x30;
	v4 =	vadd.f32 v5, v4  }
0x7c9: {  	s18 =	smul.u32 $0x3200, s1;
	s11 =	sand.u32 $0x70, s19  }
0x7ca: {  	s1 =	sor.u32 s11, s0;
	[tilespmem:s7+$0x0] =	vst v4  }
0x7cb: {  	s18 =	sshrl.u32 s18, $0x2;
	s19 =	rddreg [dreg:$0x15];
	v4 =	vld [tilespmem:s1+$0x0]  }
0x7cc: {  	s28 =	simm.s32 $0x0;
	s29 =	simm.s32 $0x0;
	s0 =	sadd.s32 s18, s19;
	v5 =	vld [tilespmem:s25+$0x10]  }
.LBB2_46:
0x7cd: {  	_ =	sdelay $0x2  }
0x7ce: {  	s28 =	sadd.s32 $0x4, s28;
	s29 =	sadd.s32 $0x40, s29;
	s25 =	sadd.s32 $0x40, s25  }
0x7cf: {  	p1 =	slt.u32 s28, $0x60;
	v4 =	vadd.f32 v5, v4  }
0x7d0: {  	s7 =	sadd.s32 s29, s24  }
0x7d1: {  	s11 =	sand.u32 $0x40, s29;
	s7 =	sand.u32 $0x7FF80, s7;
	[tilespmem:s1+$0x0] =	vst v4  }
0x7d2: {  	s1 =	sor.u32 s11, s7;
	v4 =	vld [tilespmem:s25+$0xFFFFFFE0]  }
0x7d3: {  	v5 =	vld [tilespmem:s1+$0x0];
	_ =	sdelay $0x4  }
0x7d4: {  	s11 =	sadd.s32 $0x10, s29;
	v4 =	vadd.f32 v4, v5  }
0x7d5: {  	s11 =	sand.u32 $0x50, s11  }
0x7d6: {  	[tilespmem:s1+$0x0] =	vst v4;
	s1 =	sor.u32 s11, s7  }
0x7d7: {  	v4 =	vld [tilespmem:s1+$0x0]  }
0x7d8: {  	v5 =	vld [tilespmem:s25+$0xFFFFFFF0];
	_ =	sdelay $0x4  }
0x7d9: {  	s11 =	sadd.s32 $0x20, s29;
	v4 =	vadd.f32 v5, v4  }
0x7da: {  	s11 =	sand.u32 $0x60, s11  }
0x7db: {  	[tilespmem:s1+$0x0] =	vst v4;
	s1 =	sor.u32 s11, s7  }
0x7dc: {  	v4 =	vld [tilespmem:s1+$0x0]  }
0x7dd: {  	v5 =	vld [tilespmem:s25+$0x0];
	_ =	sdelay $0x4  }
.Ltmp25:
0x7de: {  	s11 =	sadd.s32 $0x30, s29;
	v4 =	vadd.f32 v5, v4;
	(pc) =	sbr.rel @p1 .LBB2_46-.Ltmp25, $4  }
0x7df: {  	s11 =	sand.u32 $0x70, s11  }
0x7e0: {  	[tilespmem:s1+$0x0] =	vst v4;
	s1 =	sor.u32 s11, s7  }
0x7e1: {  	v4 =	vld [tilespmem:s1+$0x0]  }
0x7e2: {  	v5 =	vld [tilespmem:s25+$0x10]  }
0x7e3: {  	p1 =	seq.s32 s23, $0x1F  }
0x7e4: {  	s7 =	sadd.s32 @!p1 $0x2, s20  }
0x7e5: {  	s11 =	sshrl.u32 @!p1 s7, $0x2;
	s7 =	sand.u32 @!p1 $0x2, s7  }
0x7e6: {  	s11 =	sadd.s32 @!p1 s21, s11;
	s7 =	smul.u32 @!p1 $0x640, s7  }
0x7e7: {  	s11 =	smul.u32 @!p1 $0x19000, s11  }
0x7e8: {  	s7 =	sadd.s32 @!p1 s8, s7  }
0x7e9: {  	v4 =	vadd.f32 v5, v4;
	s7 =	sadd.s32 @!p1 s11, s7  }
0x7ea: {  	s7 =	sshrl.u32 @!p1 s7, $0x3  }
0x7eb: {  	[tilespmem:s1+$0x0] =	vst v4;
	s11 =	simm.s32 @!p1 $0x1E480;
	s1 =	sadd.s32 @!p1 s15, s7;
	s7 =	simm.s32 @!p1 $0x0  }
0x7ec: {  	[tilespmem:s11], [sflag:$0x1] =	stream.linear.gather @!p1 [hbm4b:s1+s7], $0x640, $0x38;
	[tilespmem:$0x1F780] =	vst v63  }
0x7ed: {  	_ =	swait.ge [sflag:s17], $0x640  }
0x7ee: {  	[sflag:s17] =	ssyncset.done $0x0  }
0x7ef: {  	[sflag:s17] =	ssyncadd.s32 $0xFFFFF9C0  }
0x7f0: {  	s20 =	simm.s32 $0x1EAF0;
	v4 =	vld [tilespmem:s0+$0xFFFFFFD0]  }
0x7f1: {  	v5 =	vld [tilespmem:s20+$0xFFFFFFD0];
	_ =	sdelay $0x4  }
0x7f2: {  	v4 =	vadd.f32 v5, v4;
	_ =	sdelay $0x1  }
0x7f3: {  	[tilespmem:s0+$0xFFFFFFD0] =	vst v4;
	v4 =	vld [tilespmem:s0+$0xFFFFFFE0]  }
0x7f4: {  	v5 =	vld [tilespmem:s20+$0xFFFFFFE0];
	_ =	sdelay $0x4  }
0x7f5: {  	v4 =	vadd.f32 v5, v4;
	_ =	sdelay $0x1  }
0x7f6: {  	[tilespmem:s0+$0xFFFFFFE0] =	vst v4;
	v4 =	vld [tilespmem:s0+$0xFFFFFFF0]  }
0x7f7: {  	v5 =	vld [tilespmem:s20+$0xFFFFFFF0];
	_ =	sdelay $0x4  }
0x7f8: {  	v4 =	vadd.f32 v5, v4;
	_ =	sdelay $0x1  }
0x7f9: {  	[tilespmem:s0+$0xFFFFFFF0] =	vst v4;
	v4 =	vld [tilespmem:s0+$0x0]  }
0x7fa: {  	v5 =	vld [tilespmem:s20+$0x0];
	_ =	sdelay $0x4  }
0x7fb: {  	v4 =	vadd.f32 v5, v4  }
0x7fc: {  	s24 =	simm.s32 $0x0;
	s25 =	sadd.s32 $0x40, s0  }
.LBB2_48:
0x7fd: {  	v5 =	vld [tilespmem:s25+$0xFFFFFFD0];
	[tilespmem:s0+$0x0] =	vst v4;
	s20 =	sadd.s32 $0x40, s20;
	s0 =	smov.u32 s25  }
0x7fe: {  	s24 =	sadd.s32 $0x4, s24;
	v4 =	vld [tilespmem:s20+$0xFFFFFFD0]  }
0x7ff: {  	p1 =	slt.u32 s24, $0x60;
	_ =	sdelay $0x3  }
0x800: {  	v4 =	vadd.f32 v4, v5;
	_ =	sdelay $0x1  }
0x801: {  	[tilespmem:s25+$0xFFFFFFD0] =	vst v4;
	v4 =	vld [tilespmem:s25+$0xFFFFFFE0]  }
0x802: {  	v5 =	vld [tilespmem:s20+$0xFFFFFFE0];
	_ =	sdelay $0x4  }
0x803: {  	v4 =	vadd.f32 v5, v4;
	_ =	sdelay $0x1  }
0x804: {  	[tilespmem:s25+$0xFFFFFFE0] =	vst v4;
	v4 =	vld [tilespmem:s25+$0xFFFFFFF0]  }
0x805: {  	v5 =	vld [tilespmem:s20+$0xFFFFFFF0];
	_ =	sdelay $0x4  }
0x806: {  	v4 =	vadd.f32 v5, v4;
	_ =	sdelay $0x1  }
0x807: {  	[tilespmem:s25+$0xFFFFFFF0] =	vst v4;
	v4 =	vld [tilespmem:s25+$0x0]  }
0x808: {  	v5 =	vld [tilespmem:s20+$0x0];
	_ =	sdelay $0x1  }
.Ltmp26:
0x809: {  	(pc) =	sbr.rel @p1 .LBB2_48-.Ltmp26, $3  }
0x80a: {  	_ =	sdelay $0x1  }
0x80b: {  	v4 =	vadd.f32 v5, v4  }
0x80c: {  	s25 =	sadd.s32 $0x40, s25  }
0x80d: {  	s23 =	sadd.s32 $0x1, s23  }
0x80e: {  	p1 =	sne.s32 s23, $0x20  }
.Ltmp27:
0x80f: {  	_ = 	snop;
	(pc) =	sbr.rel @p1 .LBB2_45-.Ltmp27, $2  }
0x810: {  	_ =	sdelay $0x2  }
0x811: {  	[tilespmem:s0+$0x0] =	vst v4;
	p0 =	por !p0, !p0  }
0x812: {  	s0 =	rddreg [dreg:$0x11]  }
0x813: {  	[hbm4b:s0+s9] =	stream.linear.scatter [tilespmem:s8], [sflag:$0x3], $0x1900, $0x38;
	[tilespmem:$0x1F780] =	vst v63  }
0x814: {  	_ =	swait.ge [sflag:s3], $0x1900  }
0x815: {  	s1 =	rddreg [dreg:$0x18]  }
0x816: {  	s29 =	rddreg [dreg:$0x12];
	s1 =	sadd.s32 $0x1, s1  }
0x817: {  	p0 =	sne.s32 s1, s29  }
.Ltmp28:
0x818: {  	_ = 	snop;
	(pc) =	sbr.rel @p0 .LBB2_1-.Ltmp28, $3  }
0x819: {  	_ =	sdelay $0x1  }
0x81a: {  	[sflag:s3] =	ssyncset.done $0x0  }
0x81b: {  	[sflag:s3] =	ssyncadd.s32 $0xFFFFE700  }
0x81c: {  	_ =	sfence.sel $0x180000  }
0x81d: {  	[bflag:$0x0] =	sbarrier.arrive $0xFFFF  }
0x81e: {  	_ =	strace $0x90000047  }
0x81f: {  	s0 =	stileid.u32;
	[bflag:$0x2] =	sbarrier.arrive $0xFFFF  }
0x820: {  	p0 =	sne.s32 s0, $0x0;
	s0 =	rddreg [dreg:$0x8]  }
0x821: {  	s0 =	sadd.s32 @!p0 $0x100000, s0  }
0x822: {  	[sflag:s0] =	ssyncadd.tile.s32 @!p0 $0x1;
	_ =	shalt  }
.Lfunc_end2:
_tile_overlayer_lowered:
.L_overlay_start_2:
0x823: {  	(tag) =	ssettag $0x2  }
0x824: {  	s0 =	rddreg [dreg:$0x0];
	s2 =	stileid.u32  }
0x825: {  	s1 =	rddreg [dreg:$0x1];
	p0 =	sne.s32 s2, $0x0  }
0x826: {  	s3 =	rddreg [dreg:$0x2];
	[bflag:$0x3] =	sbarrier.arrive $0xFFFF;
	s2 =	simm.s32 @!p0 $0x1C03  }
0x827: {  	[timem:s3], [sflag:s2] =	dma.local @!p0 [hbm:s0], s1  }
0x828: {  	s0 =	simm.s32 @!p0 $0x3  }
0x829: {  	_ =	swait.ge @!p0 [sflag:s0], s1  }
0x82a: {  	s1 =	ssub.s32 @!p0 $0x0, s1;
	[sflag:s0] =	ssyncset.done @!p0 $0x0  }
0x82b: {  	[sflag:s0] =	ssyncadd.s32 @!p0 s1  }
0x82c: {  	[bflag:$0x3] =	sbarrier.arrive $0xFFFF  }
0x82d: {  	_ =	shalt  }

</sc_bundles>
